<compile_context>
chip_gen: v7x
topology: tpu7x:2x2x1
jax: 0.10.2.dev20260603
libtpu: 0.0.44.dev20260713+nightly
codegen_flags: <defaults>
</compile_context>

<pallas_src>
import jax
import jax.numpy as jnp
from jax import lax
from jax.experimental import pallas as pl
from jax.experimental.pallas import tpu as pltpu
from jax.experimental.pallas import tpu_sc as plsc

N = 10000
NP = 10240
E = 160000
NC = 2
NS = 16
NW = NC * NS
EPW = 5120
CH = 128
NCHUNK = EPW // CH
RPT = NP // NS
ZCP = RPT // CH


def _sc_mesh():
    return plsc.VectorSubcoreMesh(
        core_axis_name="c", subcore_axis_name="s", num_cores=NC, num_subcores=NS
    )


def _make_deg():
    def body(dst_hbm, ones_hbm, zeros_hbm, degp_hbm, idx_v, ones_v, zb_v, acc):
        c = lax.axis_index("c")
        s = lax.axis_index("s")
        wid = c * NS + s
        pltpu.sync_copy(dst_hbm.at[wid], idx_v)
        pltpu.sync_copy(ones_hbm, ones_v)
        pltpu.sync_copy(zeros_hbm, zb_v)

        row0 = s * RPT
        for k in range(ZCP):
            pltpu.sync_copy(zb_v, acc.at[pl.ds(row0 + k * CH, CH)])
        plsc.subcore_barrier()

        def _scatter(j, _):
            pltpu.sync_copy(ones_v, acc.at[idx_v.at[j]], add=True)
            return _

        lax.fori_loop(0, NCHUNK, _scatter, None)
        plsc.subcore_barrier()

        for k in range(ZCP):
            pltpu.sync_copy(acc.at[pl.ds(row0 + k * CH, CH)], zb_v)
            pltpu.sync_copy(zb_v, degp_hbm.at[c, pl.ds(row0 + k * CH, CH)])

    return pl.kernel(
        body,
        out_type=jax.ShapeDtypeStruct((NC, NP, 16), jnp.float32),
        mesh=_sc_mesh(),
        compiler_params=pltpu.CompilerParams(use_tc_tiling_on_sc=False),
        scratch_types=[
            pltpu.VMEM((NCHUNK, CH), jnp.int32),
            pltpu.VMEM((CH, 16), jnp.float32),
            pltpu.VMEM((CH, 16), jnp.float32),
            pltpu.VMEM_SHARED((NP, 16), jnp.float32),
        ],
    )


def _make_spmm(D):
    NB = 4

    def body(u_hbm, src_hbm, dst_hbm, zeros_hbm, out_hbm,
             sidx, didx, bufs, zb, acc, gsems):
        c = lax.axis_index("c")
        s = lax.axis_index("s")
        wid = c * NS + s
        pltpu.sync_copy(src_hbm.at[wid], sidx)
        pltpu.sync_copy(dst_hbm.at[wid], didx)
        pltpu.sync_copy(zeros_hbm, zb)

        row0 = s * RPT
        for k in range(ZCP):
            pltpu.sync_copy(zb, acc.at[pl.ds(row0 + k * CH, CH)])
        plsc.subcore_barrier()

        for b in range(NB):
            pltpu.async_copy(u_hbm.at[sidx.at[b]], bufs.at[b], gsems[b])

        def step(j, _):
            for b in range(NB):
                cj = NB * j + b
                pltpu.make_async_copy(
                    u_hbm.at[sidx.at[cj]], bufs.at[b], gsems[b]).wait()
                pltpu.sync_copy(bufs.at[b], acc.at[didx.at[cj]], add=True)
                pltpu.async_copy(
                    u_hbm.at[sidx.at[cj + NB]], bufs.at[b], gsems[b])
            return _

        lax.fori_loop(0, NCHUNK // NB - 1, step, None)
        for b in range(NB):
            cj = NCHUNK - NB + b
            pltpu.make_async_copy(
                u_hbm.at[sidx.at[cj]], bufs.at[b], gsems[b]).wait()
            pltpu.sync_copy(bufs.at[b], acc.at[didx.at[cj]], add=True)
        plsc.subcore_barrier()

        for k in range(ZCP):
            pltpu.sync_copy(acc.at[pl.ds(row0 + k * CH, CH)], zb)
            pltpu.sync_copy(zb, out_hbm.at[c, pl.ds(row0 + k * CH, CH)])

    return pl.kernel(
        body,
        out_type=jax.ShapeDtypeStruct((NC, NP, D), jnp.float32),
        mesh=_sc_mesh(),
        compiler_params=pltpu.CompilerParams(use_tc_tiling_on_sc=False),
        scratch_types=[
            pltpu.VMEM((NCHUNK, CH), jnp.int32),
            pltpu.VMEM((NCHUNK, CH), jnp.int32),
            pltpu.VMEM((NB, CH, D), jnp.float32),
            pltpu.VMEM((CH, D), jnp.float32),
            pltpu.VMEM_SHARED((NP, D), jnp.float32),
            [pltpu.SemaphoreType.DMA] * NB,
        ],
    )


MB = 1280
GRID = NP // MB


def _tc1_body(degp, x, w1, u1, dv16):
    deg = degp[0] + degp[1] + 1.0
    dinv = lax.rsqrt(deg)
    dv16[...] = dinv
    d1 = dinv[:, 0:1]
    u1[...] = jnp.dot(x[...], w1[...], preferred_element_type=jnp.float32) * d1


def _tc3_body(dv16, sp, u, w, b, outa, outb):
    i = pl.program_id(0)
    d1 = dv16[:, 0:1]
    t = d1 * (sp[0] + sp[1] + u[...])
    h = jnp.dot(t, w[...], preferred_element_type=jnp.float32) + b[...]
    h = jnp.maximum(h, 0.0)
    rows = i * MB + lax.broadcasted_iota(jnp.int32, (MB, 1), 0)
    u3 = jnp.where(rows < N, d1 * h, 0.0)
    outa[...] = u3[:, :64]
    outb[...] = u3[:, 64:]


def _tc2_body(dv16, sp, u, b, out):
    i = pl.program_id(0)
    d1 = dv16[:, 0:1]
    t = d1 * (sp[0] + sp[1] + u[...]) + b[...]
    h = jnp.maximum(t, 0.0)
    rows = i * MB + lax.broadcasted_iota(jnp.int32, (MB, 1), 0)
    out[...] = jnp.where(rows < N, d1 * h, 0.0)


def _tc4_body(dv16, spa, spb, ua, ub, wa, wb, b, out):
    bf16 = jnp.bfloat16
    d1 = dv16[:, 0:1]
    ta = (d1 * (spa[0] + spa[1] + ua[...])).astype(bf16)
    tb = (d1 * (spb[0] + spb[1] + ub[...])).astype(bf16)
    out[...] = (jnp.dot(ta, wa[...].astype(bf16),
                        preferred_element_type=jnp.float32)
                + jnp.dot(tb, wb[...].astype(bf16),
                          preferred_element_type=jnp.float32)
                + b[...])


def _row_spec(D):
    return pl.BlockSpec((MB, D), lambda i: (i, 0))


def _pair_spec(D):
    return pl.BlockSpec((NC, MB, D), lambda i: (0, i, 0))


def _full_spec(shape):
    return pl.BlockSpec(shape, lambda i: tuple(0 for _ in shape))


def kernel(x, edge_index, W1, b1, W2, b2, W3, b3):
    f32 = jnp.float32
    src = edge_index[0]
    dst = edge_index[1]
    pad = jnp.full((NW * EPW - E,), N, dtype=jnp.int32)
    src3 = jnp.concatenate([src, pad]).reshape(NW, NCHUNK, CH)
    dst3 = jnp.concatenate([dst, pad]).reshape(NW, NCHUNK, CH)
    x_pad = jnp.zeros((NP, 128), f32).at[:N].set(x)

    ones16 = jnp.ones((CH, 16), f32)
    zeros16 = jnp.zeros((CH, 16), f32)
    zeros64 = jnp.zeros((CH, 64), f32)

    degp = _make_deg()(dst3, ones16, zeros16)

    u1, dv16 = pl.pallas_call(
        _tc1_body,
        grid=(GRID,),
        in_specs=[_pair_spec(16), _row_spec(128), _full_spec((128, 64))],
        out_specs=[_row_spec(64), _row_spec(16)],
        out_shape=[
            jax.ShapeDtypeStruct((NP, 64), f32),
            jax.ShapeDtypeStruct((NP, 16), f32),
        ],
    )(degp, x_pad, W1)

    spmm64 = _make_spmm(64)

    s1 = spmm64(u1, src3, dst3, zeros64)
    u2 = pl.pallas_call(
        _tc2_body,
        grid=(GRID,),
        in_specs=[_row_spec(16), _pair_spec(64), _row_spec(64),
                  _full_spec((1, 64))],
        out_specs=_row_spec(64),
        out_shape=jax.ShapeDtypeStruct((NP, 64), f32),
    )(dv16, s1, u1, b1.reshape(1, 64))

    s2 = spmm64(u2, src3, dst3, zeros64)
    u3a, u3b = pl.pallas_call(
        _tc3_body,
        grid=(GRID,),
        in_specs=[_row_spec(16), _pair_spec(64), _row_spec(64),
                  _full_spec((64, 128)), _full_spec((1, 128))],
        out_specs=[_row_spec(64), _row_spec(64)],
        out_shape=[jax.ShapeDtypeStruct((NP, 64), f32),
                   jax.ShapeDtypeStruct((NP, 64), f32)],
    )(dv16, s2, u2, W2, b2.reshape(1, 128))

    s3a = spmm64(u3a, src3, dst3, zeros64)
    s3b = spmm64(u3b, src3, dst3, zeros64)
    out = pl.pallas_call(
        _tc4_body,
        grid=(GRID,),
        in_specs=[_row_spec(16), _pair_spec(64), _pair_spec(64),
                  _row_spec(64), _row_spec(64),
                  _full_spec((64, 1024)), _full_spec((64, 1024)),
                  _full_spec((1, 1024))],
        out_specs=_row_spec(1024),
        out_shape=jax.ShapeDtypeStruct((N, 1024), f32),
    )(dv16, s3a, s3b, u3a, u3b, W3[:64], W3[64:], b3.reshape(1, 1024))

    return out.reshape(N, 32, 32)

# --- scband reference (transcript-rebuilt; emitter-appended) ---
"""Pipeline reference for scband-gcnmodel-62156766707922 (READ-ONLY COPY).

The authoritative reference and input builder live on the scoring server;
editing this copy changes nothing except your own understanding.
"""

import jax, jax.numpy as jnp
import numpy as np

N = 10000
NUM_NODES = 32
E = 160000
IN = 128


def _glorot(key, shape):
    lim = float(np.sqrt(6.0 / (shape[0] + shape[1])))
    return jax.random.uniform(key, shape, minval=-lim, maxval=lim, dtype=jnp.float32)


def setup_inputs(seed: int = 0) -> dict:
    key = jax.random.key(seed)
    ks = jax.random.split(key, 8)
    x = jax.random.normal(ks[0], (N, IN), dtype=jnp.float32)
    edge_index = jax.random.randint(ks[1], (2, E), 0, N, dtype=jnp.int32)
    W1 = _glorot(ks[2], (IN, 64))
    b1 = jnp.zeros((64,), dtype=jnp.float32)
    W2 = _glorot(ks[3], (64, 128))
    b2 = jnp.zeros((128,), dtype=jnp.float32)
    W3 = _glorot(ks[4], (128, NUM_NODES * NUM_NODES))
    b3 = jnp.zeros((NUM_NODES * NUM_NODES,), dtype=jnp.float32)
    return {"x": x, "edge_index": edge_index, "W1": W1, "b1": b1, "W2": W2, "b2": b2, "W3": W3, "b3": b3}


def _gcn_conv(x, src, dst, norm, W, b, n):
    h = x @ W
    msg = h[src] * norm[:, None]
    out = jax.ops.segment_sum(msg, dst, num_segments=n)
    return out + b


def reference(x, edge_index, W1, b1, W2, b2, W3, b3):
    n = x.shape[0]
    loop = jnp.arange(n, dtype=edge_index.dtype)
    src = jnp.concatenate([edge_index[0], loop])
    dst = jnp.concatenate([edge_index[1], loop])
    deg = jax.ops.segment_sum(jnp.ones_like(src, dtype=x.dtype), dst, num_segments=n)
    dinv = jnp.where(deg > 0, 1.0 / jnp.sqrt(deg), 0.0)
    norm = dinv[src] * dinv[dst]
    h = _gcn_conv(x, src, dst, norm, W1, b1, n)
    h = jax.nn.relu(h)
    h = _gcn_conv(h, src, dst, norm, W2, b2, n)
    h = jax.nn.relu(h)
    h = _gcn_conv(h, src, dst, norm, W3, b3, n)
    adj_pred = h.reshape(-1, NUM_NODES, NUM_NODES)
    return adj_pred

if __name__ == "__main__":
    import jax
    _d = setup_inputs()
    print(jax.jit(kernel)(*tuple(_d.values())))

</pallas_src>

<mosaic_0001>
#map = affine_map<(d0, d1) -> (0, 0)>
#map1 = affine_map<(d0, d1) -> (0, 0, 0)>
module attributes {stable_mosaic.version = 14 : i64} {
  func.func @body(%arg0: i32, %arg1: i32, %arg2: memref<10240x64xf32, #tpu.memory_space<hbm>>, %arg3: memref<32x40x128xi32, #tpu.memory_space<hbm>>, %arg4: memref<32x40x128xi32, #tpu.memory_space<hbm>>, %arg5: memref<128x64xf32, #tpu.memory_space<hbm>>, %arg6: memref<2x10240x64xf32, #tpu.memory_space<hbm>>, %arg7: memref<40x128xi32, #tpu.memory_space<vmem>>, %arg8: memref<40x128xi32, #tpu.memory_space<vmem>>, %arg9: memref<4x128x64xf32, #tpu.memory_space<vmem>>, %arg10: memref<128x64xf32, #tpu.memory_space<vmem>>, %arg11: memref<10240x64xf32, #tpu.memory_space<vmem_shared>>, %arg12: memref<!tpu.dma_semaphore, #tpu.memory_space<semaphore_mem>>, %arg13: memref<!tpu.dma_semaphore, #tpu.memory_space<semaphore_mem>>, %arg14: memref<!tpu.dma_semaphore, #tpu.memory_space<semaphore_mem>>, %arg15: memref<!tpu.dma_semaphore, #tpu.memory_space<semaphore_mem>>) attributes {dimension_semantics = [#tpu.dimension_semantics<core_parallel>, #tpu.dimension_semantics<subcore_parallel>], iteration_bounds = array<i64: 2, 16>, scalar_prefetch = 0 : i64, scratch_operands = 9 : i64, tpu.core_type = #tpu.core_type<sc_vector_subcore>, window_params = [{transform_indices = #map}, {transform_indices = #map1}, {transform_indices = #map1}, {transform_indices = #map}, {transform_indices = #map1}]} {
    %mul3A = arith.constant 16 : i32
    %mul3A_0 = arith.muli %arg0, %mul3A : i32
    %add3A = arith.addi %mul3A_0, %arg1 : i32
    "tpu.region"() ({
      %run_scoped3A_139 = tpu.sem_alloc : memref<!tpu.dma_semaphore, #tpu.memory_space<semaphore_mem>>
      %dma_start3A_140 = arith.constant 0 : i32
      %dma_start3A_141 = arith.constant 0 : i32
      %dma_start3A_142 = tpu.memref_slice %arg3[%add3A, %dma_start3A_140, %dma_start3A_141] : memref<32x40x128xi32, #tpu.memory_space<hbm>> -> memref<1x40x128xi32, #tpu.memory_space<hbm>>
      %dma_start3A_143 = tpu.memref_squeeze %dma_start3A_142 : memref<1x40x128xi32, #tpu.memory_space<hbm>> -> memref<40x128xi32, #tpu.memory_space<hbm>>
      %dma_start3A_144 = arith.constant 0 : i32
      %dma_start3A_145 = arith.constant 0 : i32
      %dma_start3A_146 = tpu.memref_slice %arg3[%add3A, %dma_start3A_144, %dma_start3A_145] : memref<32x40x128xi32, #tpu.memory_space<hbm>> -> memref<1x40x128xi32, #tpu.memory_space<hbm>>
      %dma_start3A_147 = tpu.memref_squeeze %dma_start3A_146 : memref<1x40x128xi32, #tpu.memory_space<hbm>> -> memref<40x128xi32, #tpu.memory_space<hbm>>
      tpu.enqueue_dma source(%dma_start3A_147 : memref<40x128xi32, #tpu.memory_space<hbm>>) target(%arg7 : memref<40x128xi32, #tpu.memory_space<vmem>>) target_semaphore(%run_scoped3A_139 : memref<!tpu.dma_semaphore, #tpu.memory_space<semaphore_mem>>)
      %dma_wait3A_148 = arith.constant 0 : i32
      %dma_wait3A_149 = arith.constant 0 : i32
      %dma_wait3A_150 = tpu.memref_slice %arg3[%add3A, %dma_wait3A_148, %dma_wait3A_149] : memref<32x40x128xi32, #tpu.memory_space<hbm>> -> memref<1x40x128xi32, #tpu.memory_space<hbm>>
      %dma_wait3A_151 = tpu.memref_squeeze %dma_wait3A_150 : memref<1x40x128xi32, #tpu.memory_space<hbm>> -> memref<40x128xi32, #tpu.memory_space<hbm>>
      %dma_wait3A_152 = arith.constant 0 : i32
      %dma_wait3A_153 = arith.constant 0 : i32
      %dma_wait3A_154 = tpu.memref_slice %arg3[%add3A, %dma_wait3A_152, %dma_wait3A_153] : memref<32x40x128xi32, #tpu.memory_space<hbm>> -> memref<1x40x128xi32, #tpu.memory_space<hbm>>
      %dma_wait3A_155 = tpu.memref_squeeze %dma_wait3A_154 : memref<1x40x128xi32, #tpu.memory_space<hbm>> -> memref<40x128xi32, #tpu.memory_space<hbm>>
      tpu.wait_dma2 semaphore(%run_scoped3A_139 : memref<!tpu.dma_semaphore, #tpu.memory_space<semaphore_mem>>) src(%dma_wait3A_155 : memref<40x128xi32, #tpu.memory_space<hbm>>) dst(%arg7 : memref<40x128xi32, #tpu.memory_space<vmem>>)
      tpu.yield
    }) : () -> ()
    "tpu.region"() ({
      %run_scoped3A_139 = tpu.sem_alloc : memref<!tpu.dma_semaphore, #tpu.memory_space<semaphore_mem>>
      %dma_start3A_140 = arith.constant 0 : i32
      %dma_start3A_141 = arith.constant 0 : i32
      %dma_start3A_142 = tpu.memref_slice %arg4[%add3A, %dma_start3A_140, %dma_start3A_141] : memref<32x40x128xi32, #tpu.memory_space<hbm>> -> memref<1x40x128xi32, #tpu.memory_space<hbm>>
      %dma_start3A_143 = tpu.memref_squeeze %dma_start3A_142 : memref<1x40x128xi32, #tpu.memory_space<hbm>> -> memref<40x128xi32, #tpu.memory_space<hbm>>
      %dma_start3A_144 = arith.constant 0 : i32
      %dma_start3A_145 = arith.constant 0 : i32
      %dma_start3A_146 = tpu.memref_slice %arg4[%add3A, %dma_start3A_144, %dma_start3A_145] : memref<32x40x128xi32, #tpu.memory_space<hbm>> -> memref<1x40x128xi32, #tpu.memory_space<hbm>>
      %dma_start3A_147 = tpu.memref_squeeze %dma_start3A_146 : memref<1x40x128xi32, #tpu.memory_space<hbm>> -> memref<40x128xi32, #tpu.memory_space<hbm>>
      tpu.enqueue_dma source(%dma_start3A_147 : memref<40x128xi32, #tpu.memory_space<hbm>>) target(%arg8 : memref<40x128xi32, #tpu.memory_space<vmem>>) target_semaphore(%run_scoped3A_139 : memref<!tpu.dma_semaphore, #tpu.memory_space<semaphore_mem>>)
      %dma_wait3A_148 = arith.constant 0 : i32
      %dma_wait3A_149 = arith.constant 0 : i32
      %dma_wait3A_150 = tpu.memref_slice %arg4[%add3A, %dma_wait3A_148, %dma_wait3A_149] : memref<32x40x128xi32, #tpu.memory_space<hbm>> -> memref<1x40x128xi32, #tpu.memory_space<hbm>>
      %dma_wait3A_151 = tpu.memref_squeeze %dma_wait3A_150 : memref<1x40x128xi32, #tpu.memory_space<hbm>> -> memref<40x128xi32, #tpu.memory_space<hbm>>
      %dma_wait3A_152 = arith.constant 0 : i32
      %dma_wait3A_153 = arith.constant 0 : i32
      %dma_wait3A_154 = tpu.memref_slice %arg4[%add3A, %dma_wait3A_152, %dma_wait3A_153] : memref<32x40x128xi32, #tpu.memory_space<hbm>> -> memref<1x40x128xi32, #tpu.memory_space<hbm>>
      %dma_wait3A_155 = tpu.memref_squeeze %dma_wait3A_154 : memref<1x40x128xi32, #tpu.memory_space<hbm>> -> memref<40x128xi32, #tpu.memory_space<hbm>>
      tpu.wait_dma2 semaphore(%run_scoped3A_139 : memref<!tpu.dma_semaphore, #tpu.memory_space<semaphore_mem>>) src(%dma_wait3A_155 : memref<40x128xi32, #tpu.memory_space<hbm>>) dst(%arg8 : memref<40x128xi32, #tpu.memory_space<vmem>>)
      tpu.yield
    }) : () -> ()
    "tpu.region"() ({
      %run_scoped3A_139 = tpu.sem_alloc : memref<!tpu.dma_semaphore, #tpu.memory_space<semaphore_mem>>
      tpu.enqueue_dma source(%arg5 : memref<128x64xf32, #tpu.memory_space<hbm>>) target(%arg10 : memref<128x64xf32, #tpu.memory_space<vmem>>) target_semaphore(%run_scoped3A_139 : memref<!tpu.dma_semaphore, #tpu.memory_space<semaphore_mem>>)
      tpu.wait_dma2 semaphore(%run_scoped3A_139 : memref<!tpu.dma_semaphore, #tpu.memory_space<semaphore_mem>>) src(%arg5 : memref<128x64xf32, #tpu.memory_space<hbm>>) dst(%arg10 : memref<128x64xf32, #tpu.memory_space<vmem>>)
      tpu.yield
    }) : () -> ()
    %mul3A_1 = arith.constant 640 : i32
    %mul3A_2 = arith.muli %arg1, %mul3A_1 : i32
    %add3A_3 = arith.constant 0 : i32
    %add3A_4 = arith.addi %mul3A_2, %add3A_3 : i32
    "tpu.region"() ({
      %run_scoped3A_139 = tpu.sem_alloc : memref<!tpu.dma_semaphore, #tpu.memory_space<semaphore_mem>>
      %dma_start3A_140 = arith.constant 0 : i32
      %dma_start3A_141 = tpu.memref_slice %arg11[%add3A_4, %dma_start3A_140] : memref<10240x64xf32, #tpu.memory_space<vmem_shared>> -> memref<128x64xf32, #tpu.memory_space<vmem_shared>>
      %dma_start3A_142 = arith.constant 0 : i32
      %dma_start3A_143 = tpu.memref_slice %arg11[%add3A_4, %dma_start3A_142] : memref<10240x64xf32, #tpu.memory_space<vmem_shared>> -> memref<128x64xf32, #tpu.memory_space<vmem_shared>>
      tpu.enqueue_dma source(%arg10 : memref<128x64xf32, #tpu.memory_space<vmem>>) target(%dma_start3A_143 : memref<128x64xf32, #tpu.memory_space<vmem_shared>>) target_semaphore(%run_scoped3A_139 : memref<!tpu.dma_semaphore, #tpu.memory_space<semaphore_mem>>)
      %dma_wait3A_144 = arith.constant 0 : i32
      %dma_wait3A_145 = tpu.memref_slice %arg11[%add3A_4, %dma_wait3A_144] : memref<10240x64xf32, #tpu.memory_space<vmem_shared>> -> memref<128x64xf32, #tpu.memory_space<vmem_shared>>
      %dma_wait3A_146 = arith.constant 0 : i32
      %dma_wait3A_147 = tpu.memref_slice %arg11[%add3A_4, %dma_wait3A_146] : memref<10240x64xf32, #tpu.memory_space<vmem_shared>> -> memref<128x64xf32, #tpu.memory_space<vmem_shared>>
      tpu.wait_dma2 semaphore(%run_scoped3A_139 : memref<!tpu.dma_semaphore, #tpu.memory_space<semaphore_mem>>) src(%arg10 : memref<128x64xf32, #tpu.memory_space<vmem>>) dst(%dma_wait3A_147 : memref<128x64xf32, #tpu.memory_space<vmem_shared>>)
      tpu.yield
    }) : () -> ()
    %add3A_5 = arith.constant 128 : i32
    %add3A_6 = arith.addi %mul3A_2, %add3A_5 : i32
    "tpu.region"() ({
      %run_scoped3A_139 = tpu.sem_alloc : memref<!tpu.dma_semaphore, #tpu.memory_space<semaphore_mem>>
      %dma_start3A_140 = arith.constant 0 : i32
      %dma_start3A_141 = tpu.memref_slice %arg11[%add3A_6, %dma_start3A_140] : memref<10240x64xf32, #tpu.memory_space<vmem_shared>> -> memref<128x64xf32, #tpu.memory_space<vmem_shared>>
      %dma_start3A_142 = arith.constant 0 : i32
      %dma_start3A_143 = tpu.memref_slice %arg11[%add3A_6, %dma_start3A_142] : memref<10240x64xf32, #tpu.memory_space<vmem_shared>> -> memref<128x64xf32, #tpu.memory_space<vmem_shared>>
      tpu.enqueue_dma source(%arg10 : memref<128x64xf32, #tpu.memory_space<vmem>>) target(%dma_start3A_143 : memref<128x64xf32, #tpu.memory_space<vmem_shared>>) target_semaphore(%run_scoped3A_139 : memref<!tpu.dma_semaphore, #tpu.memory_space<semaphore_mem>>)
      %dma_wait3A_144 = arith.constant 0 : i32
      %dma_wait3A_145 = tpu.memref_slice %arg11[%add3A_6, %dma_wait3A_144] : memref<10240x64xf32, #tpu.memory_space<vmem_shared>> -> memref<128x64xf32, #tpu.memory_space<vmem_shared>>
      %dma_wait3A_146 = arith.constant 0 : i32
      %dma_wait3A_147 = tpu.memref_slice %arg11[%add3A_6, %dma_wait3A_146] : memref<10240x64xf32, #tpu.memory_space<vmem_shared>> -> memref<128x64xf32, #tpu.memory_space<vmem_shared>>
      tpu.wait_dma2 semaphore(%run_scoped3A_139 : memref<!tpu.dma_semaphore, #tpu.memory_space<semaphore_mem>>) src(%arg10 : memref<128x64xf32, #tpu.memory_space<vmem>>) dst(%dma_wait3A_147 : memref<128x64xf32, #tpu.memory_space<vmem_shared>>)
      tpu.yield
    }) : () -> ()
    %add3A_7 = arith.constant 256 : i32
    %add3A_8 = arith.addi %mul3A_2, %add3A_7 : i32
    "tpu.region"() ({
      %run_scoped3A_139 = tpu.sem_alloc : memref<!tpu.dma_semaphore, #tpu.memory_space<semaphore_mem>>
      %dma_start3A_140 = arith.constant 0 : i32
      %dma_start3A_141 = tpu.memref_slice %arg11[%add3A_8, %dma_start3A_140] : memref<10240x64xf32, #tpu.memory_space<vmem_shared>> -> memref<128x64xf32, #tpu.memory_space<vmem_shared>>
      %dma_start3A_142 = arith.constant 0 : i32
      %dma_start3A_143 = tpu.memref_slice %arg11[%add3A_8, %dma_start3A_142] : memref<10240x64xf32, #tpu.memory_space<vmem_shared>> -> memref<128x64xf32, #tpu.memory_space<vmem_shared>>
      tpu.enqueue_dma source(%arg10 : memref<128x64xf32, #tpu.memory_space<vmem>>) target(%dma_start3A_143 : memref<128x64xf32, #tpu.memory_space<vmem_shared>>) target_semaphore(%run_scoped3A_139 : memref<!tpu.dma_semaphore, #tpu.memory_space<semaphore_mem>>)
      %dma_wait3A_144 = arith.constant 0 : i32
      %dma_wait3A_145 = tpu.memref_slice %arg11[%add3A_8, %dma_wait3A_144] : memref<10240x64xf32, #tpu.memory_space<vmem_shared>> -> memref<128x64xf32, #tpu.memory_space<vmem_shared>>
      %dma_wait3A_146 = arith.constant 0 : i32
      %dma_wait3A_147 = tpu.memref_slice %arg11[%add3A_8, %dma_wait3A_146] : memref<10240x64xf32, #tpu.memory_space<vmem_shared>> -> memref<128x64xf32, #tpu.memory_space<vmem_shared>>
      tpu.wait_dma2 semaphore(%run_scoped3A_139 : memref<!tpu.dma_semaphore, #tpu.memory_space<semaphore_mem>>) src(%arg10 : memref<128x64xf32, #tpu.memory_space<vmem>>) dst(%dma_wait3A_147 : memref<128x64xf32, #tpu.memory_space<vmem_shared>>)
      tpu.yield
    }) : () -> ()
    %add3A_9 = arith.constant 384 : i32
    %add3A_10 = arith.addi %mul3A_2, %add3A_9 : i32
    "tpu.region"() ({
      %run_scoped3A_139 = tpu.sem_alloc : memref<!tpu.dma_semaphore, #tpu.memory_space<semaphore_mem>>
      %dma_start3A_140 = arith.constant 0 : i32
      %dma_start3A_141 = tpu.memref_slice %arg11[%add3A_10, %dma_start3A_140] : memref<10240x64xf32, #tpu.memory_space<vmem_shared>> -> memref<128x64xf32, #tpu.memory_space<vmem_shared>>
      %dma_start3A_142 = arith.constant 0 : i32
      %dma_start3A_143 = tpu.memref_slice %arg11[%add3A_10, %dma_start3A_142] : memref<10240x64xf32, #tpu.memory_space<vmem_shared>> -> memref<128x64xf32, #tpu.memory_space<vmem_shared>>
      tpu.enqueue_dma source(%arg10 : memref<128x64xf32, #tpu.memory_space<vmem>>) target(%dma_start3A_143 : memref<128x64xf32, #tpu.memory_space<vmem_shared>>) target_semaphore(%run_scoped3A_139 : memref<!tpu.dma_semaphore, #tpu.memory_space<semaphore_mem>>)
      %dma_wait3A_144 = arith.constant 0 : i32
      %dma_wait3A_145 = tpu.memref_slice %arg11[%add3A_10, %dma_wait3A_144] : memref<10240x64xf32, #tpu.memory_space<vmem_shared>> -> memref<128x64xf32, #tpu.memory_space<vmem_shared>>
      %dma_wait3A_146 = arith.constant 0 : i32
      %dma_wait3A_147 = tpu.memref_slice %arg11[%add3A_10, %dma_wait3A_146] : memref<10240x64xf32, #tpu.memory_space<vmem_shared>> -> memref<128x64xf32, #tpu.memory_space<vmem_shared>>
      tpu.wait_dma2 semaphore(%run_scoped3A_139 : memref<!tpu.dma_semaphore, #tpu.memory_space<semaphore_mem>>) src(%arg10 : memref<128x64xf32, #tpu.memory_space<vmem>>) dst(%dma_wait3A_147 : memref<128x64xf32, #tpu.memory_space<vmem_shared>>)
      tpu.yield
    }) : () -> ()
    %add3A_11 = arith.constant 512 : i32
    %add3A_12 = arith.addi %mul3A_2, %add3A_11 : i32
    "tpu.region"() ({
      %run_scoped3A_139 = tpu.sem_alloc : memref<!tpu.dma_semaphore, #tpu.memory_space<semaphore_mem>>
      %dma_start3A_140 = arith.constant 0 : i32
      %dma_start3A_141 = tpu.memref_slice %arg11[%add3A_12, %dma_start3A_140] : memref<10240x64xf32, #tpu.memory_space<vmem_shared>> -> memref<128x64xf32, #tpu.memory_space<vmem_shared>>
      %dma_start3A_142 = arith.constant 0 : i32
      %dma_start3A_143 = tpu.memref_slice %arg11[%add3A_12, %dma_start3A_142] : memref<10240x64xf32, #tpu.memory_space<vmem_shared>> -> memref<128x64xf32, #tpu.memory_space<vmem_shared>>
      tpu.enqueue_dma source(%arg10 : memref<128x64xf32, #tpu.memory_space<vmem>>) target(%dma_start3A_143 : memref<128x64xf32, #tpu.memory_space<vmem_shared>>) target_semaphore(%run_scoped3A_139 : memref<!tpu.dma_semaphore, #tpu.memory_space<semaphore_mem>>)
      %dma_wait3A_144 = arith.constant 0 : i32
      %dma_wait3A_145 = tpu.memref_slice %arg11[%add3A_12, %dma_wait3A_144] : memref<10240x64xf32, #tpu.memory_space<vmem_shared>> -> memref<128x64xf32, #tpu.memory_space<vmem_shared>>
      %dma_wait3A_146 = arith.constant 0 : i32
      %dma_wait3A_147 = tpu.memref_slice %arg11[%add3A_12, %dma_wait3A_146] : memref<10240x64xf32, #tpu.memory_space<vmem_shared>> -> memref<128x64xf32, #tpu.memory_space<vmem_shared>>
      tpu.wait_dma2 semaphore(%run_scoped3A_139 : memref<!tpu.dma_semaphore, #tpu.memory_space<semaphore_mem>>) src(%arg10 : memref<128x64xf32, #tpu.memory_space<vmem>>) dst(%dma_wait3A_147 : memref<128x64xf32, #tpu.memory_space<vmem_shared>>)
      tpu.yield
    }) : () -> ()
    %barrier3A = arith.constant 0 : index
    tpu.barrier barrier_id(%barrier3A)
    %dma_start3A = arith.constant 0 : i32
    %dma_start3A_13 = arith.constant 0 : i32
    %dma_start3A_14 = arith.constant 0 : i32
    %dma_start3A_15 = arith.constant 0 : i32
    %dma_start3A_16 = tpu.memref_slice %arg9[%dma_start3A_13, %dma_start3A_14, %dma_start3A_15] : memref<4x128x64xf32, #tpu.memory_space<vmem>> -> memref<1x128x64xf32, #tpu.memory_space<vmem>>
    %dma_start3A_17 = tpu.memref_squeeze %dma_start3A_16 : memref<1x128x64xf32, #tpu.memory_space<vmem>> -> memref<128x64xf32, #tpu.memory_space<vmem>>
    %dma_start3A_18 = arith.constant 0 : i32
    %dma_start3A_19 = tpu.memref_slice %arg7[%dma_start3A, %dma_start3A_18] : memref<40x128xi32, #tpu.memory_space<vmem>> -> memref<1x128xi32, #tpu.memory_space<vmem>>
    %dma_start3A_20 = tpu.memref_squeeze %dma_start3A_19 : memref<1x128xi32, #tpu.memory_space<vmem>> -> memref<128xi32, #tpu.memory_space<vmem>>
    %dma_start3A_21 = arith.constant 0 : i32
    %dma_start3A_22 = arith.constant 0 : i32
    %dma_start3A_23 = tpu.memref_slice %arg2[%dma_start3A_21, %dma_start3A_22] : memref<10240x64xf32, #tpu.memory_space<hbm>> -> memref<10240x64xf32, #tpu.memory_space<hbm>>
    tpu.enqueue_indirect_dma source(%dma_start3A_23 : memref<10240x64xf32, #tpu.memory_space<hbm>>) target(%dma_start3A_17 : memref<128x64xf32, #tpu.memory_space<vmem>>) offsets(%dma_start3A_20 : memref<128xi32, #tpu.memory_space<vmem>>) semaphore(%arg12 : memref<!tpu.dma_semaphore, #tpu.memory_space<semaphore_mem>>)
    %dma_start3A_24 = arith.constant 1 : i32
    %dma_start3A_25 = arith.constant 1 : i32
    %dma_start3A_26 = arith.constant 0 : i32
    %dma_start3A_27 = arith.constant 0 : i32
    %dma_start3A_28 = tpu.memref_slice %arg9[%dma_start3A_25, %dma_start3A_26, %dma_start3A_27] : memref<4x128x64xf32, #tpu.memory_space<vmem>> -> memref<1x128x64xf32, #tpu.memory_space<vmem>>
    %dma_start3A_29 = tpu.memref_squeeze %dma_start3A_28 : memref<1x128x64xf32, #tpu.memory_space<vmem>> -> memref<128x64xf32, #tpu.memory_space<vmem>>
    %dma_start3A_30 = arith.constant 0 : i32
    %dma_start3A_31 = tpu.memref_slice %arg7[%dma_start3A_24, %dma_start3A_30] : memref<40x128xi32, #tpu.memory_space<vmem>> -> memref<1x128xi32, #tpu.memory_space<vmem>>
    %dma_start3A_32 = tpu.memref_squeeze %dma_start3A_31 : memref<1x128xi32, #tpu.memory_space<vmem>> -> memref<128xi32, #tpu.memory_space<vmem>>
    %dma_start3A_33 = arith.constant 0 : i32
    %dma_start3A_34 = arith.constant 0 : i32
    %dma_start3A_35 = tpu.memref_slice %arg2[%dma_start3A_33, %dma_start3A_34] : memref<10240x64xf32, #tpu.memory_space<hbm>> -> memref<10240x64xf32, #tpu.memory_space<hbm>>
    tpu.enqueue_indirect_dma source(%dma_start3A_35 : memref<10240x64xf32, #tpu.memory_space<hbm>>) target(%dma_start3A_29 : memref<128x64xf32, #tpu.memory_space<vmem>>) offsets(%dma_start3A_32 : memref<128xi32, #tpu.memory_space<vmem>>) semaphore(%arg13 : memref<!tpu.dma_semaphore, #tpu.memory_space<semaphore_mem>>)
    %dma_start3A_36 = arith.constant 2 : i32
    %dma_start3A_37 = arith.constant 2 : i32
    %dma_start3A_38 = arith.constant 0 : i32
    %dma_start3A_39 = arith.constant 0 : i32
    %dma_start3A_40 = tpu.memref_slice %arg9[%dma_start3A_37, %dma_start3A_38, %dma_start3A_39] : memref<4x128x64xf32, #tpu.memory_space<vmem>> -> memref<1x128x64xf32, #tpu.memory_space<vmem>>
    %dma_start3A_41 = tpu.memref_squeeze %dma_start3A_40 : memref<1x128x64xf32, #tpu.memory_space<vmem>> -> memref<128x64xf32, #tpu.memory_space<vmem>>
    %dma_start3A_42 = arith.constant 0 : i32
    %dma_start3A_43 = tpu.memref_slice %arg7[%dma_start3A_36, %dma_start3A_42] : memref<40x128xi32, #tpu.memory_space<vmem>> -> memref<1x128xi32, #tpu.memory_space<vmem>>
    %dma_start3A_44 = tpu.memref_squeeze %dma_start3A_43 : memref<1x128xi32, #tpu.memory_space<vmem>> -> memref<128xi32, #tpu.memory_space<vmem>>
    %dma_start3A_45 = arith.constant 0 : i32
    %dma_start3A_46 = arith.constant 0 : i32
    %dma_start3A_47 = tpu.memref_slice %arg2[%dma_start3A_45, %dma_start3A_46] : memref<10240x64xf32, #tpu.memory_space<hbm>> -> memref<10240x64xf32, #tpu.memory_space<hbm>>
    tpu.enqueue_indirect_dma source(%dma_start3A_47 : memref<10240x64xf32, #tpu.memory_space<hbm>>) target(%dma_start3A_41 : memref<128x64xf32, #tpu.memory_space<vmem>>) offsets(%dma_start3A_44 : memref<128xi32, #tpu.memory_space<vmem>>) semaphore(%arg14 : memref<!tpu.dma_semaphore, #tpu.memory_space<semaphore_mem>>)
    %dma_start3A_48 = arith.constant 3 : i32
    %dma_start3A_49 = arith.constant 3 : i32
    %dma_start3A_50 = arith.constant 0 : i32
    %dma_start3A_51 = arith.constant 0 : i32
    %dma_start3A_52 = tpu.memref_slice %arg9[%dma_start3A_49, %dma_start3A_50, %dma_start3A_51] : memref<4x128x64xf32, #tpu.memory_space<vmem>> -> memref<1x128x64xf32, #tpu.memory_space<vmem>>
    %dma_start3A_53 = tpu.memref_squeeze %dma_start3A_52 : memref<1x128x64xf32, #tpu.memory_space<vmem>> -> memref<128x64xf32, #tpu.memory_space<vmem>>
    %dma_start3A_54 = arith.constant 0 : i32
    %dma_start3A_55 = tpu.memref_slice %arg7[%dma_start3A_48, %dma_start3A_54] : memref<40x128xi32, #tpu.memory_space<vmem>> -> memref<1x128xi32, #tpu.memory_space<vmem>>
    %dma_start3A_56 = tpu.memref_squeeze %dma_start3A_55 : memref<1x128xi32, #tpu.memory_space<vmem>> -> memref<128xi32, #tpu.memory_space<vmem>>
    %dma_start3A_57 = arith.constant 0 : i32
    %dma_start3A_58 = arith.constant 0 : i32
    %dma_start3A_59 = tpu.memref_slice %arg2[%dma_start3A_57, %dma_start3A_58] : memref<10240x64xf32, #tpu.memory_space<hbm>> -> memref<10240x64xf32, #tpu.memory_space<hbm>>
    tpu.enqueue_indirect_dma source(%dma_start3A_59 : memref<10240x64xf32, #tpu.memory_space<hbm>>) target(%dma_start3A_53 : memref<128x64xf32, #tpu.memory_space<vmem>>) offsets(%dma_start3A_56 : memref<128xi32, #tpu.memory_space<vmem>>) semaphore(%arg15 : memref<!tpu.dma_semaphore, #tpu.memory_space<semaphore_mem>>)
    %scan3A = arith.constant 0 : i32
    %scan3A_60 = arith.constant 9 : i32
    %scan3A_61 = arith.addi %scan3A, %scan3A_60 : i32
    %scan3A_62 = arith.constant 1 : i32
    scf.for %scan3A_139 = %scan3A to %scan3A_61 step %scan3A_62  : i32 {
      %mul3A_140 = arith.constant 4 : i32
      %mul3A_141 = arith.muli %mul3A_140, %scan3A_139 : i32
      %add3A_142 = arith.constant 0 : i32
      %add3A_143 = arith.addi %mul3A_141, %add3A_142 : i32
      %dma_wait3A_144 = arith.constant 0 : i32
      %dma_wait3A_145 = arith.constant 0 : i32
      %dma_wait3A_146 = arith.constant 0 : i32
      %dma_wait3A_147 = tpu.memref_slice %arg9[%dma_wait3A_144, %dma_wait3A_145, %dma_wait3A_146] : memref<4x128x64xf32, #tpu.memory_space<vmem>> -> memref<1x128x64xf32, #tpu.memory_space<vmem>>
      %dma_wait3A_148 = tpu.memref_squeeze %dma_wait3A_147 : memref<1x128x64xf32, #tpu.memory_space<vmem>> -> memref<128x64xf32, #tpu.memory_space<vmem>>
      %dma_wait3A_149 = arith.constant 0 : i32
      %dma_wait3A_150 = tpu.memref_slice %arg7[%add3A_143, %dma_wait3A_149] : memref<40x128xi32, #tpu.memory_space<vmem>> -> memref<1x128xi32, #tpu.memory_space<vmem>>
      %dma_wait3A_151 = tpu.memref_squeeze %dma_wait3A_150 : memref<1x128xi32, #tpu.memory_space<vmem>> -> memref<128xi32, #tpu.memory_space<vmem>>
      %dma_wait3A_152 = arith.constant 0 : i32
      %dma_wait3A_153 = arith.constant 0 : i32
      %dma_wait3A_154 = tpu.memref_slice %arg2[%dma_wait3A_152, %dma_wait3A_153] : memref<10240x64xf32, #tpu.memory_space<hbm>> -> memref<10240x64xf32, #tpu.memory_space<hbm>>
      tpu.wait_indirect_dma semaphore(%arg12 : memref<!tpu.dma_semaphore, #tpu.memory_space<semaphore_mem>>) src(%dma_wait3A_154 : memref<10240x64xf32, #tpu.memory_space<hbm>>) dst(%dma_wait3A_148 : memref<128x64xf32, #tpu.memory_space<vmem>>)
      %run_scoped3A_155 = arith.constant 0 : i32
      "tpu.region"() ({
        %run_scoped3A_256 = tpu.sem_alloc : memref<!tpu.dma_semaphore, #tpu.memory_space<semaphore_mem>>
        %dma_start3A_257 = arith.constant 0 : i32
        %dma_start3A_258 = arith.constant 0 : i32
        %dma_start3A_259 = tpu.memref_slice %arg9[%run_scoped3A_155, %dma_start3A_257, %dma_start3A_258] : memref<4x128x64xf32, #tpu.memory_space<vmem>> -> memref<1x128x64xf32, #tpu.memory_space<vmem>>
        %dma_start3A_260 = tpu.memref_squeeze %dma_start3A_259 : memref<1x128x64xf32, #tpu.memory_space<vmem>> -> memref<128x64xf32, #tpu.memory_space<vmem>>
        %dma_start3A_261 = arith.constant 0 : i32
        %dma_start3A_262 = tpu.memref_slice %arg8[%add3A_143, %dma_start3A_261] : memref<40x128xi32, #tpu.memory_space<vmem>> -> memref<1x128xi32, #tpu.memory_space<vmem>>
        %dma_start3A_263 = tpu.memref_squeeze %dma_start3A_262 : memref<1x128xi32, #tpu.memory_space<vmem>> -> memref<128xi32, #tpu.memory_space<vmem>>
        %dma_start3A_264 = arith.constant 0 : i32
        %dma_start3A_265 = arith.constant 0 : i32
        %dma_start3A_266 = tpu.memref_slice %arg11[%dma_start3A_264, %dma_start3A_265] : memref<10240x64xf32, #tpu.memory_space<vmem_shared>> -> memref<10240x64xf32, #tpu.memory_space<vmem_shared>>
        tpu.enqueue_indirect_dma source(%dma_start3A_260 : memref<128x64xf32, #tpu.memory_space<vmem>>) target(%dma_start3A_266 : memref<10240x64xf32, #tpu.memory_space<vmem_shared>>) offsets(%dma_start3A_263 : memref<128xi32, #tpu.memory_space<vmem>>) semaphore(%run_scoped3A_256 : memref<!tpu.dma_semaphore, #tpu.memory_space<semaphore_mem>>) {add = true}
        %dma_wait3A_267 = arith.constant 0 : i32
        %dma_wait3A_268 = arith.constant 0 : i32
        %dma_wait3A_269 = tpu.memref_slice %arg9[%run_scoped3A_155, %dma_wait3A_267, %dma_wait3A_268] : memref<4x128x64xf32, #tpu.memory_space<vmem>> -> memref<1x128x64xf32, #tpu.memory_space<vmem>>
        %dma_wait3A_270 = tpu.memref_squeeze %dma_wait3A_269 : memref<1x128x64xf32, #tpu.memory_space<vmem>> -> memref<128x64xf32, #tpu.memory_space<vmem>>
        %dma_wait3A_271 = arith.constant 0 : i32
        %dma_wait3A_272 = tpu.memref_slice %arg8[%add3A_143, %dma_wait3A_271] : memref<40x128xi32, #tpu.memory_space<vmem>> -> memref<1x128xi32, #tpu.memory_space<vmem>>
        %dma_wait3A_273 = tpu.memref_squeeze %dma_wait3A_272 : memref<1x128xi32, #tpu.memory_space<vmem>> -> memref<128xi32, #tpu.memory_space<vmem>>
        %dma_wait3A_274 = arith.constant 0 : i32
        %dma_wait3A_275 = arith.constant 0 : i32
        %dma_wait3A_276 = tpu.memref_slice %arg11[%dma_wait3A_274, %dma_wait3A_275] : memref<10240x64xf32, #tpu.memory_space<vmem_shared>> -> memref<10240x64xf32, #tpu.memory_space<vmem_shared>>
        tpu.wait_indirect_dma semaphore(%run_scoped3A_256 : memref<!tpu.dma_semaphore, #tpu.memory_space<semaphore_mem>>) src(%dma_wait3A_270 : memref<128x64xf32, #tpu.memory_space<vmem>>) dst(%dma_wait3A_276 : memref<10240x64xf32, #tpu.memory_space<vmem_shared>>)
        tpu.yield
      }) : () -> ()
      %add3A_156 = arith.constant 4 : i32
      %add3A_157 = arith.addi %add3A_143, %add3A_156 : i32
      %dma_start3A_158 = arith.constant 0 : i32
      %dma_start3A_159 = arith.constant 0 : i32
      %dma_start3A_160 = arith.constant 0 : i32
      %dma_start3A_161 = tpu.memref_slice %arg9[%dma_start3A_158, %dma_start3A_159, %dma_start3A_160] : memref<4x128x64xf32, #tpu.memory_space<vmem>> -> memref<1x128x64xf32, #tpu.memory_space<vmem>>
      %dma_start3A_162 = tpu.memref_squeeze %dma_start3A_161 : memref<1x128x64xf32, #tpu.memory_space<vmem>> -> memref<128x64xf32, #tpu.memory_space<vmem>>
      %dma_start3A_163 = arith.constant 0 : i32
      %dma_start3A_164 = tpu.memref_slice %arg7[%add3A_157, %dma_start3A_163] : memref<40x128xi32, #tpu.memory_space<vmem>> -> memref<1x128xi32, #tpu.memory_space<vmem>>
      %dma_start3A_165 = tpu.memref_squeeze %dma_start3A_164 : memref<1x128xi32, #tpu.memory_space<vmem>> -> memref<128xi32, #tpu.memory_space<vmem>>
      %dma_start3A_166 = arith.constant 0 : i32
      %dma_start3A_167 = arith.constant 0 : i32
      %dma_start3A_168 = tpu.memref_slice %arg2[%dma_start3A_166, %dma_start3A_167] : memref<10240x64xf32, #tpu.memory_space<hbm>> -> memref<10240x64xf32, #tpu.memory_space<hbm>>
      tpu.enqueue_indirect_dma source(%dma_start3A_168 : memref<10240x64xf32, #tpu.memory_space<hbm>>) target(%dma_start3A_162 : memref<128x64xf32, #tpu.memory_space<vmem>>) offsets(%dma_start3A_165 : memref<128xi32, #tpu.memory_space<vmem>>) semaphore(%arg12 : memref<!tpu.dma_semaphore, #tpu.memory_space<semaphore_mem>>)
      %mul3A_169 = arith.constant 4 : i32
      %mul3A_170 = arith.muli %mul3A_169, %scan3A_139 : i32
      %add3A_171 = arith.constant 1 : i32
      %add3A_172 = arith.addi %mul3A_170, %add3A_171 : i32
      %dma_wait3A_173 = arith.constant 1 : i32
      %dma_wait3A_174 = arith.constant 0 : i32
      %dma_wait3A_175 = arith.constant 0 : i32
      %dma_wait3A_176 = tpu.memref_slice %arg9[%dma_wait3A_173, %dma_wait3A_174, %dma_wait3A_175] : memref<4x128x64xf32, #tpu.memory_space<vmem>> -> memref<1x128x64xf32, #tpu.memory_space<vmem>>
      %dma_wait3A_177 = tpu.memref_squeeze %dma_wait3A_176 : memref<1x128x64xf32, #tpu.memory_space<vmem>> -> memref<128x64xf32, #tpu.memory_space<vmem>>
      %dma_wait3A_178 = arith.constant 0 : i32
      %dma_wait3A_179 = tpu.memref_slice %arg7[%add3A_172, %dma_wait3A_178] : memref<40x128xi32, #tpu.memory_space<vmem>> -> memref<1x128xi32, #tpu.memory_space<vmem>>
      %dma_wait3A_180 = tpu.memref_squeeze %dma_wait3A_179 : memref<1x128xi32, #tpu.memory_space<vmem>> -> memref<128xi32, #tpu.memory_space<vmem>>
      %dma_wait3A_181 = arith.constant 0 : i32
      %dma_wait3A_182 = arith.constant 0 : i32
      %dma_wait3A_183 = tpu.memref_slice %arg2[%dma_wait3A_181, %dma_wait3A_182] : memref<10240x64xf32, #tpu.memory_space<hbm>> -> memref<10240x64xf32, #tpu.memory_space<hbm>>
      tpu.wait_indirect_dma semaphore(%arg13 : memref<!tpu.dma_semaphore, #tpu.memory_space<semaphore_mem>>) src(%dma_wait3A_183 : memref<10240x64xf32, #tpu.memory_space<hbm>>) dst(%dma_wait3A_177 : memref<128x64xf32, #tpu.memory_space<vmem>>)
      %run_scoped3A_184 = arith.constant 1 : i32
      "tpu.region"() ({
        %run_scoped3A_256 = tpu.sem_alloc : memref<!tpu.dma_semaphore, #tpu.memory_space<semaphore_mem>>
        %dma_start3A_257 = arith.constant 0 : i32
        %dma_start3A_258 = arith.constant 0 : i32
        %dma_start3A_259 = tpu.memref_slice %arg9[%run_scoped3A_184, %dma_start3A_257, %dma_start3A_258] : memref<4x128x64xf32, #tpu.memory_space<vmem>> -> memref<1x128x64xf32, #tpu.memory_space<vmem>>
        %dma_start3A_260 = tpu.memref_squeeze %dma_start3A_259 : memref<1x128x64xf32, #tpu.memory_space<vmem>> -> memref<128x64xf32, #tpu.memory_space<vmem>>
        %dma_start3A_261 = arith.constant 0 : i32
        %dma_start3A_262 = tpu.memref_slice %arg8[%add3A_172, %dma_start3A_261] : memref<40x128xi32, #tpu.memory_space<vmem>> -> memref<1x128xi32, #tpu.memory_space<vmem>>
        %dma_start3A_263 = tpu.memref_squeeze %dma_start3A_262 : memref<1x128xi32, #tpu.memory_space<vmem>> -> memref<128xi32, #tpu.memory_space<vmem>>
        %dma_start3A_264 = arith.constant 0 : i32
        %dma_start3A_265 = arith.constant 0 : i32
        %dma_start3A_266 = tpu.memref_slice %arg11[%dma_start3A_264, %dma_start3A_265] : memref<10240x64xf32, #tpu.memory_space<vmem_shared>> -> memref<10240x64xf32, #tpu.memory_space<vmem_shared>>
        tpu.enqueue_indirect_dma source(%dma_start3A_260 : memref<128x64xf32, #tpu.memory_space<vmem>>) target(%dma_start3A_266 : memref<10240x64xf32, #tpu.memory_space<vmem_shared>>) offsets(%dma_start3A_263 : memref<128xi32, #tpu.memory_space<vmem>>) semaphore(%run_scoped3A_256 : memref<!tpu.dma_semaphore, #tpu.memory_space<semaphore_mem>>) {add = true}
        %dma_wait3A_267 = arith.constant 0 : i32
        %dma_wait3A_268 = arith.constant 0 : i32
        %dma_wait3A_269 = tpu.memref_slice %arg9[%run_scoped3A_184, %dma_wait3A_267, %dma_wait3A_268] : memref<4x128x64xf32, #tpu.memory_space<vmem>> -> memref<1x128x64xf32, #tpu.memory_space<vmem>>
        %dma_wait3A_270 = tpu.memref_squeeze %dma_wait3A_269 : memref<1x128x64xf32, #tpu.memory_space<vmem>> -> memref<128x64xf32, #tpu.memory_space<vmem>>
        %dma_wait3A_271 = arith.constant 0 : i32
        %dma_wait3A_272 = tpu.memref_slice %arg8[%add3A_172, %dma_wait3A_271] : memref<40x128xi32, #tpu.memory_space<vmem>> -> memref<1x128xi32, #tpu.memory_space<vmem>>
        %dma_wait3A_273 = tpu.memref_squeeze %dma_wait3A_272 : memref<1x128xi32, #tpu.memory_space<vmem>> -> memref<128xi32, #tpu.memory_space<vmem>>
        %dma_wait3A_274 = arith.constant 0 : i32
        %dma_wait3A_275 = arith.constant 0 : i32
        %dma_wait3A_276 = tpu.memref_slice %arg11[%dma_wait3A_274, %dma_wait3A_275] : memref<10240x64xf32, #tpu.memory_space<vmem_shared>> -> memref<10240x64xf32, #tpu.memory_space<vmem_shared>>
        tpu.wait_indirect_dma semaphore(%run_scoped3A_256 : memref<!tpu.dma_semaphore, #tpu.memory_space<semaphore_mem>>) src(%dma_wait3A_270 : memref<128x64xf32, #tpu.memory_space<vmem>>) dst(%dma_wait3A_276 : memref<10240x64xf32, #tpu.memory_space<vmem_shared>>)
        tpu.yield
      }) : () -> ()
      %add3A_185 = arith.constant 4 : i32
      %add3A_186 = arith.addi %add3A_172, %add3A_185 : i32
      %dma_start3A_187 = arith.constant 1 : i32
      %dma_start3A_188 = arith.constant 0 : i32
      %dma_start3A_189 = arith.constant 0 : i32
      %dma_start3A_190 = tpu.memref_slice %arg9[%dma_start3A_187, %dma_start3A_188, %dma_start3A_189] : memref<4x128x64xf32, #tpu.memory_space<vmem>> -> memref<1x128x64xf32, #tpu.memory_space<vmem>>
      %dma_start3A_191 = tpu.memref_squeeze %dma_start3A_190 : memref<1x128x64xf32, #tpu.memory_space<vmem>> -> memref<128x64xf32, #tpu.memory_space<vmem>>
      %dma_start3A_192 = arith.constant 0 : i32
      %dma_start3A_193 = tpu.memref_slice %arg7[%add3A_186, %dma_start3A_192] : memref<40x128xi32, #tpu.memory_space<vmem>> -> memref<1x128xi32, #tpu.memory_space<vmem>>
      %dma_start3A_194 = tpu.memref_squeeze %dma_start3A_193 : memref<1x128xi32, #tpu.memory_space<vmem>> -> memref<128xi32, #tpu.memory_space<vmem>>
      %dma_start3A_195 = arith.constant 0 : i32
      %dma_start3A_196 = arith.constant 0 : i32
      %dma_start3A_197 = tpu.memref_slice %arg2[%dma_start3A_195, %dma_start3A_196] : memref<10240x64xf32, #tpu.memory_space<hbm>> -> memref<10240x64xf32, #tpu.memory_space<hbm>>
      tpu.enqueue_indirect_dma source(%dma_start3A_197 : memref<10240x64xf32, #tpu.memory_space<hbm>>) target(%dma_start3A_191 : memref<128x64xf32, #tpu.memory_space<vmem>>) offsets(%dma_start3A_194 : memref<128xi32, #tpu.memory_space<vmem>>) semaphore(%arg13 : memref<!tpu.dma_semaphore, #tpu.memory_space<semaphore_mem>>)
      %mul3A_198 = arith.constant 4 : i32
      %mul3A_199 = arith.muli %mul3A_198, %scan3A_139 : i32
      %add3A_200 = arith.constant 2 : i32
      %add3A_201 = arith.addi %mul3A_199, %add3A_200 : i32
      %dma_wait3A_202 = arith.constant 2 : i32
      %dma_wait3A_203 = arith.constant 0 : i32
      %dma_wait3A_204 = arith.constant 0 : i32
      %dma_wait3A_205 = tpu.memref_slice %arg9[%dma_wait3A_202, %dma_wait3A_203, %dma_wait3A_204] : memref<4x128x64xf32, #tpu.memory_space<vmem>> -> memref<1x128x64xf32, #tpu.memory_space<vmem>>
      %dma_wait3A_206 = tpu.memref_squeeze %dma_wait3A_205 : memref<1x128x64xf32, #tpu.memory_space<vmem>> -> memref<128x64xf32, #tpu.memory_space<vmem>>
      %dma_wait3A_207 = arith.constant 0 : i32
      %dma_wait3A_208 = tpu.memref_slice %arg7[%add3A_201, %dma_wait3A_207] : memref<40x128xi32, #tpu.memory_space<vmem>> -> memref<1x128xi32, #tpu.memory_space<vmem>>
      %dma_wait3A_209 = tpu.memref_squeeze %dma_wait3A_208 : memref<1x128xi32, #tpu.memory_space<vmem>> -> memref<128xi32, #tpu.memory_space<vmem>>
      %dma_wait3A_210 = arith.constant 0 : i32
      %dma_wait3A_211 = arith.constant 0 : i32
      %dma_wait3A_212 = tpu.memref_slice %arg2[%dma_wait3A_210, %dma_wait3A_211] : memref<10240x64xf32, #tpu.memory_space<hbm>> -> memref<10240x64xf32, #tpu.memory_space<hbm>>
      tpu.wait_indirect_dma semaphore(%arg14 : memref<!tpu.dma_semaphore, #tpu.memory_space<semaphore_mem>>) src(%dma_wait3A_212 : memref<10240x64xf32, #tpu.memory_space<hbm>>) dst(%dma_wait3A_206 : memref<128x64xf32, #tpu.memory_space<vmem>>)
      %run_scoped3A_213 = arith.constant 2 : i32
      "tpu.region"() ({
        %run_scoped3A_256 = tpu.sem_alloc : memref<!tpu.dma_semaphore, #tpu.memory_space<semaphore_mem>>
        %dma_start3A_257 = arith.constant 0 : i32
        %dma_start3A_258 = arith.constant 0 : i32
        %dma_start3A_259 = tpu.memref_slice %arg9[%run_scoped3A_213, %dma_start3A_257, %dma_start3A_258] : memref<4x128x64xf32, #tpu.memory_space<vmem>> -> memref<1x128x64xf32, #tpu.memory_space<vmem>>
        %dma_start3A_260 = tpu.memref_squeeze %dma_start3A_259 : memref<1x128x64xf32, #tpu.memory_space<vmem>> -> memref<128x64xf32, #tpu.memory_space<vmem>>
        %dma_start3A_261 = arith.constant 0 : i32
        %dma_start3A_262 = tpu.memref_slice %arg8[%add3A_201, %dma_start3A_261] : memref<40x128xi32, #tpu.memory_space<vmem>> -> memref<1x128xi32, #tpu.memory_space<vmem>>
        %dma_start3A_263 = tpu.memref_squeeze %dma_start3A_262 : memref<1x128xi32, #tpu.memory_space<vmem>> -> memref<128xi32, #tpu.memory_space<vmem>>
        %dma_start3A_264 = arith.constant 0 : i32
        %dma_start3A_265 = arith.constant 0 : i32
        %dma_start3A_266 = tpu.memref_slice %arg11[%dma_start3A_264, %dma_start3A_265] : memref<10240x64xf32, #tpu.memory_space<vmem_shared>> -> memref<10240x64xf32, #tpu.memory_space<vmem_shared>>
        tpu.enqueue_indirect_dma source(%dma_start3A_260 : memref<128x64xf32, #tpu.memory_space<vmem>>) target(%dma_start3A_266 : memref<10240x64xf32, #tpu.memory_space<vmem_shared>>) offsets(%dma_start3A_263 : memref<128xi32, #tpu.memory_space<vmem>>) semaphore(%run_scoped3A_256 : memref<!tpu.dma_semaphore, #tpu.memory_space<semaphore_mem>>) {add = true}
        %dma_wait3A_267 = arith.constant 0 : i32
        %dma_wait3A_268 = arith.constant 0 : i32
        %dma_wait3A_269 = tpu.memref_slice %arg9[%run_scoped3A_213, %dma_wait3A_267, %dma_wait3A_268] : memref<4x128x64xf32, #tpu.memory_space<vmem>> -> memref<1x128x64xf32, #tpu.memory_space<vmem>>
        %dma_wait3A_270 = tpu.memref_squeeze %dma_wait3A_269 : memref<1x128x64xf32, #tpu.memory_space<vmem>> -> memref<128x64xf32, #tpu.memory_space<vmem>>
        %dma_wait3A_271 = arith.constant 0 : i32
        %dma_wait3A_272 = tpu.memref_slice %arg8[%add3A_201, %dma_wait3A_271] : memref<40x128xi32, #tpu.memory_space<vmem>> -> memref<1x128xi32, #tpu.memory_space<vmem>>
        %dma_wait3A_273 = tpu.memref_squeeze %dma_wait3A_272 : memref<1x128xi32, #tpu.memory_space<vmem>> -> memref<128xi32, #tpu.memory_space<vmem>>
        %dma_wait3A_274 = arith.constant 0 : i32
        %dma_wait3A_275 = arith.constant 0 : i32
        %dma_wait3A_276 = tpu.memref_slice %arg11[%dma_wait3A_274, %dma_wait3A_275] : memref<10240x64xf32, #tpu.memory_space<vmem_shared>> -> memref<10240x64xf32, #tpu.memory_space<vmem_shared>>
        tpu.wait_indirect_dma semaphore(%run_scoped3A_256 : memref<!tpu.dma_semaphore, #tpu.memory_space<semaphore_mem>>) src(%dma_wait3A_270 : memref<128x64xf32, #tpu.memory_space<vmem>>) dst(%dma_wait3A_276 : memref<10240x64xf32, #tpu.memory_space<vmem_shared>>)
        tpu.yield
      }) : () -> ()
      %add3A_214 = arith.constant 4 : i32
      %add3A_215 = arith.addi %add3A_201, %add3A_214 : i32
      %dma_start3A_216 = arith.constant 2 : i32
      %dma_start3A_217 = arith.constant 0 : i32
      %dma_start3A_218 = arith.constant 0 : i32
      %dma_start3A_219 = tpu.memref_slice %arg9[%dma_start3A_216, %dma_start3A_217, %dma_start3A_218] : memref<4x128x64xf32, #tpu.memory_space<vmem>> -> memref<1x128x64xf32, #tpu.memory_space<vmem>>
      %dma_start3A_220 = tpu.memref_squeeze %dma_start3A_219 : memref<1x128x64xf32, #tpu.memory_space<vmem>> -> memref<128x64xf32, #tpu.memory_space<vmem>>
      %dma_start3A_221 = arith.constant 0 : i32
      %dma_start3A_222 = tpu.memref_slice %arg7[%add3A_215, %dma_start3A_221] : memref<40x128xi32, #tpu.memory_space<vmem>> -> memref<1x128xi32, #tpu.memory_space<vmem>>
      %dma_start3A_223 = tpu.memref_squeeze %dma_start3A_222 : memref<1x128xi32, #tpu.memory_space<vmem>> -> memref<128xi32, #tpu.memory_space<vmem>>
      %dma_start3A_224 = arith.constant 0 : i32
      %dma_start3A_225 = arith.constant 0 : i32
      %dma_start3A_226 = tpu.memref_slice %arg2[%dma_start3A_224, %dma_start3A_225] : memref<10240x64xf32, #tpu.memory_space<hbm>> -> memref<10240x64xf32, #tpu.memory_space<hbm>>
      tpu.enqueue_indirect_dma source(%dma_start3A_226 : memref<10240x64xf32, #tpu.memory_space<hbm>>) target(%dma_start3A_220 : memref<128x64xf32, #tpu.memory_space<vmem>>) offsets(%dma_start3A_223 : memref<128xi32, #tpu.memory_space<vmem>>) semaphore(%arg14 : memref<!tpu.dma_semaphore, #tpu.memory_space<semaphore_mem>>)
      %mul3A_227 = arith.constant 4 : i32
      %mul3A_228 = arith.muli %mul3A_227, %scan3A_139 : i32
      %add3A_229 = arith.constant 3 : i32
      %add3A_230 = arith.addi %mul3A_228, %add3A_229 : i32
      %dma_wait3A_231 = arith.constant 3 : i32
      %dma_wait3A_232 = arith.constant 0 : i32
      %dma_wait3A_233 = arith.constant 0 : i32
      %dma_wait3A_234 = tpu.memref_slice %arg9[%dma_wait3A_231, %dma_wait3A_232, %dma_wait3A_233] : memref<4x128x64xf32, #tpu.memory_space<vmem>> -> memref<1x128x64xf32, #tpu.memory_space<vmem>>
      %dma_wait3A_235 = tpu.memref_squeeze %dma_wait3A_234 : memref<1x128x64xf32, #tpu.memory_space<vmem>> -> memref<128x64xf32, #tpu.memory_space<vmem>>
      %dma_wait3A_236 = arith.constant 0 : i32
      %dma_wait3A_237 = tpu.memref_slice %arg7[%add3A_230, %dma_wait3A_236] : memref<40x128xi32, #tpu.memory_space<vmem>> -> memref<1x128xi32, #tpu.memory_space<vmem>>
      %dma_wait3A_238 = tpu.memref_squeeze %dma_wait3A_237 : memref<1x128xi32, #tpu.memory_space<vmem>> -> memref<128xi32, #tpu.memory_space<vmem>>
      %dma_wait3A_239 = arith.constant 0 : i32
      %dma_wait3A_240 = arith.constant 0 : i32
      %dma_wait3A_241 = tpu.memref_slice %arg2[%dma_wait3A_239, %dma_wait3A_240] : memref<10240x64xf32, #tpu.memory_space<hbm>> -> memref<10240x64xf32, #tpu.memory_space<hbm>>
      tpu.wait_indirect_dma semaphore(%arg15 : memref<!tpu.dma_semaphore, #tpu.memory_space<semaphore_mem>>) src(%dma_wait3A_241 : memref<10240x64xf32, #tpu.memory_space<hbm>>) dst(%dma_wait3A_235 : memref<128x64xf32, #tpu.memory_space<vmem>>)
      %run_scoped3A_242 = arith.constant 3 : i32
      "tpu.region"() ({
        %run_scoped3A_256 = tpu.sem_alloc : memref<!tpu.dma_semaphore, #tpu.memory_space<semaphore_mem>>
        %dma_start3A_257 = arith.constant 0 : i32
        %dma_start3A_258 = arith.constant 0 : i32
        %dma_start3A_259 = tpu.memref_slice %arg9[%run_scoped3A_242, %dma_start3A_257, %dma_start3A_258] : memref<4x128x64xf32, #tpu.memory_space<vmem>> -> memref<1x128x64xf32, #tpu.memory_space<vmem>>
        %dma_start3A_260 = tpu.memref_squeeze %dma_start3A_259 : memref<1x128x64xf32, #tpu.memory_space<vmem>> -> memref<128x64xf32, #tpu.memory_space<vmem>>
        %dma_start3A_261 = arith.constant 0 : i32
        %dma_start3A_262 = tpu.memref_slice %arg8[%add3A_230, %dma_start3A_261] : memref<40x128xi32, #tpu.memory_space<vmem>> -> memref<1x128xi32, #tpu.memory_space<vmem>>
        %dma_start3A_263 = tpu.memref_squeeze %dma_start3A_262 : memref<1x128xi32, #tpu.memory_space<vmem>> -> memref<128xi32, #tpu.memory_space<vmem>>
        %dma_start3A_264 = arith.constant 0 : i32
        %dma_start3A_265 = arith.constant 0 : i32
        %dma_start3A_266 = tpu.memref_slice %arg11[%dma_start3A_264, %dma_start3A_265] : memref<10240x64xf32, #tpu.memory_space<vmem_shared>> -> memref<10240x64xf32, #tpu.memory_space<vmem_shared>>
        tpu.enqueue_indirect_dma source(%dma_start3A_260 : memref<128x64xf32, #tpu.memory_space<vmem>>) target(%dma_start3A_266 : memref<10240x64xf32, #tpu.memory_space<vmem_shared>>) offsets(%dma_start3A_263 : memref<128xi32, #tpu.memory_space<vmem>>) semaphore(%run_scoped3A_256 : memref<!tpu.dma_semaphore, #tpu.memory_space<semaphore_mem>>) {add = true}
        %dma_wait3A_267 = arith.constant 0 : i32
        %dma_wait3A_268 = arith.constant 0 : i32
        %dma_wait3A_269 = tpu.memref_slice %arg9[%run_scoped3A_242, %dma_wait3A_267, %dma_wait3A_268] : memref<4x128x64xf32, #tpu.memory_space<vmem>> -> memref<1x128x64xf32, #tpu.memory_space<vmem>>
        %dma_wait3A_270 = tpu.memref_squeeze %dma_wait3A_269 : memref<1x128x64xf32, #tpu.memory_space<vmem>> -> memref<128x64xf32, #tpu.memory_space<vmem>>
        %dma_wait3A_271 = arith.constant 0 : i32
        %dma_wait3A_272 = tpu.memref_slice %arg8[%add3A_230, %dma_wait3A_271] : memref<40x128xi32, #tpu.memory_space<vmem>> -> memref<1x128xi32, #tpu.memory_space<vmem>>
        %dma_wait3A_273 = tpu.memref_squeeze %dma_wait3A_272 : memref<1x128xi32, #tpu.memory_space<vmem>> -> memref<128xi32, #tpu.memory_space<vmem>>
        %dma_wait3A_274 = arith.constant 0 : i32
        %dma_wait3A_275 = arith.constant 0 : i32
        %dma_wait3A_276 = tpu.memref_slice %arg11[%dma_wait3A_274, %dma_wait3A_275] : memref<10240x64xf32, #tpu.memory_space<vmem_shared>> -> memref<10240x64xf32, #tpu.memory_space<vmem_shared>>
        tpu.wait_indirect_dma semaphore(%run_scoped3A_256 : memref<!tpu.dma_semaphore, #tpu.memory_space<semaphore_mem>>) src(%dma_wait3A_270 : memref<128x64xf32, #tpu.memory_space<vmem>>) dst(%dma_wait3A_276 : memref<10240x64xf32, #tpu.memory_space<vmem_shared>>)
        tpu.yield
      }) : () -> ()
      %add3A_243 = arith.constant 4 : i32
      %add3A_244 = arith.addi %add3A_230, %add3A_243 : i32
      %dma_start3A_245 = arith.constant 3 : i32
      %dma_start3A_246 = arith.constant 0 : i32
      %dma_start3A_247 = arith.constant 0 : i32
      %dma_start3A_248 = tpu.memref_slice %arg9[%dma_start3A_245, %dma_start3A_246, %dma_start3A_247] : memref<4x128x64xf32, #tpu.memory_space<vmem>> -> memref<1x128x64xf32, #tpu.memory_space<vmem>>
      %dma_start3A_249 = tpu.memref_squeeze %dma_start3A_248 : memref<1x128x64xf32, #tpu.memory_space<vmem>> -> memref<128x64xf32, #tpu.memory_space<vmem>>
      %dma_start3A_250 = arith.constant 0 : i32
      %dma_start3A_251 = tpu.memref_slice %arg7[%add3A_244, %dma_start3A_250] : memref<40x128xi32, #tpu.memory_space<vmem>> -> memref<1x128xi32, #tpu.memory_space<vmem>>
      %dma_start3A_252 = tpu.memref_squeeze %dma_start3A_251 : memref<1x128xi32, #tpu.memory_space<vmem>> -> memref<128xi32, #tpu.memory_space<vmem>>
      %dma_start3A_253 = arith.constant 0 : i32
      %dma_start3A_254 = arith.constant 0 : i32
      %dma_start3A_255 = tpu.memref_slice %arg2[%dma_start3A_253, %dma_start3A_254] : memref<10240x64xf32, #tpu.memory_space<hbm>> -> memref<10240x64xf32, #tpu.memory_space<hbm>>
      tpu.enqueue_indirect_dma source(%dma_start3A_255 : memref<10240x64xf32, #tpu.memory_space<hbm>>) target(%dma_start3A_249 : memref<128x64xf32, #tpu.memory_space<vmem>>) offsets(%dma_start3A_252 : memref<128xi32, #tpu.memory_space<vmem>>) semaphore(%arg15 : memref<!tpu.dma_semaphore, #tpu.memory_space<semaphore_mem>>)
    }
    %scan3A_63 = arith.constant 9 : i32
    %dma_wait3A = arith.constant 36 : i32
    %dma_wait3A_64 = arith.constant 0 : i32
    %dma_wait3A_65 = arith.constant 0 : i32
    %dma_wait3A_66 = arith.constant 0 : i32
    %dma_wait3A_67 = tpu.memref_slice %arg9[%dma_wait3A_64, %dma_wait3A_65, %dma_wait3A_66] : memref<4x128x64xf32, #tpu.memory_space<vmem>> -> memref<1x128x64xf32, #tpu.memory_space<vmem>>
    %dma_wait3A_68 = tpu.memref_squeeze %dma_wait3A_67 : memref<1x128x64xf32, #tpu.memory_space<vmem>> -> memref<128x64xf32, #tpu.memory_space<vmem>>
    %dma_wait3A_69 = arith.constant 0 : i32
    %dma_wait3A_70 = tpu.memref_slice %arg7[%dma_wait3A, %dma_wait3A_69] : memref<40x128xi32, #tpu.memory_space<vmem>> -> memref<1x128xi32, #tpu.memory_space<vmem>>
    %dma_wait3A_71 = tpu.memref_squeeze %dma_wait3A_70 : memref<1x128xi32, #tpu.memory_space<vmem>> -> memref<128xi32, #tpu.memory_space<vmem>>
    %dma_wait3A_72 = arith.constant 0 : i32
    %dma_wait3A_73 = arith.constant 0 : i32
    %dma_wait3A_74 = tpu.memref_slice %arg2[%dma_wait3A_72, %dma_wait3A_73] : memref<10240x64xf32, #tpu.memory_space<hbm>> -> memref<10240x64xf32, #tpu.memory_space<hbm>>
    tpu.wait_indirect_dma semaphore(%arg12 : memref<!tpu.dma_semaphore, #tpu.memory_space<semaphore_mem>>) src(%dma_wait3A_74 : memref<10240x64xf32, #tpu.memory_space<hbm>>) dst(%dma_wait3A_68 : memref<128x64xf32, #tpu.memory_space<vmem>>)
    %run_scoped3A = arith.constant 0 : i32
    %run_scoped3A_75 = arith.constant 36 : i32
    "tpu.region"() ({
      %run_scoped3A_139 = tpu.sem_alloc : memref<!tpu.dma_semaphore, #tpu.memory_space<semaphore_mem>>
      %dma_start3A_140 = arith.constant 0 : i32
      %dma_start3A_141 = arith.constant 0 : i32
      %dma_start3A_142 = tpu.memref_slice %arg9[%run_scoped3A, %dma_start3A_140, %dma_start3A_141] : memref<4x128x64xf32, #tpu.memory_space<vmem>> -> memref<1x128x64xf32, #tpu.memory_space<vmem>>
      %dma_start3A_143 = tpu.memref_squeeze %dma_start3A_142 : memref<1x128x64xf32, #tpu.memory_space<vmem>> -> memref<128x64xf32, #tpu.memory_space<vmem>>
      %dma_start3A_144 = arith.constant 0 : i32
      %dma_start3A_145 = tpu.memref_slice %arg8[%run_scoped3A_75, %dma_start3A_144] : memref<40x128xi32, #tpu.memory_space<vmem>> -> memref<1x128xi32, #tpu.memory_space<vmem>>
      %dma_start3A_146 = tpu.memref_squeeze %dma_start3A_145 : memref<1x128xi32, #tpu.memory_space<vmem>> -> memref<128xi32, #tpu.memory_space<vmem>>
      %dma_start3A_147 = arith.constant 0 : i32
      %dma_start3A_148 = arith.constant 0 : i32
      %dma_start3A_149 = tpu.memref_slice %arg11[%dma_start3A_147, %dma_start3A_148] : memref<10240x64xf32, #tpu.memory_space<vmem_shared>> -> memref<10240x64xf32, #tpu.memory_space<vmem_shared>>
      tpu.enqueue_indirect_dma source(%dma_start3A_143 : memref<128x64xf32, #tpu.memory_space<vmem>>) target(%dma_start3A_149 : memref<10240x64xf32, #tpu.memory_space<vmem_shared>>) offsets(%dma_start3A_146 : memref<128xi32, #tpu.memory_space<vmem>>) semaphore(%run_scoped3A_139 : memref<!tpu.dma_semaphore, #tpu.memory_space<semaphore_mem>>) {add = true}
      %dma_wait3A_150 = arith.constant 0 : i32
      %dma_wait3A_151 = arith.constant 0 : i32
      %dma_wait3A_152 = tpu.memref_slice %arg9[%run_scoped3A, %dma_wait3A_150, %dma_wait3A_151] : memref<4x128x64xf32, #tpu.memory_space<vmem>> -> memref<1x128x64xf32, #tpu.memory_space<vmem>>
      %dma_wait3A_153 = tpu.memref_squeeze %dma_wait3A_152 : memref<1x128x64xf32, #tpu.memory_space<vmem>> -> memref<128x64xf32, #tpu.memory_space<vmem>>
      %dma_wait3A_154 = arith.constant 0 : i32
      %dma_wait3A_155 = tpu.memref_slice %arg8[%run_scoped3A_75, %dma_wait3A_154] : memref<40x128xi32, #tpu.memory_space<vmem>> -> memref<1x128xi32, #tpu.memory_space<vmem>>
      %dma_wait3A_156 = tpu.memref_squeeze %dma_wait3A_155 : memref<1x128xi32, #tpu.memory_space<vmem>> -> memref<128xi32, #tpu.memory_space<vmem>>
      %dma_wait3A_157 = arith.constant 0 : i32
      %dma_wait3A_158 = arith.constant 0 : i32
      %dma_wait3A_159 = tpu.memref_slice %arg11[%dma_wait3A_157, %dma_wait3A_158] : memref<10240x64xf32, #tpu.memory_space<vmem_shared>> -> memref<10240x64xf32, #tpu.memory_space<vmem_shared>>
      tpu.wait_indirect_dma semaphore(%run_scoped3A_139 : memref<!tpu.dma_semaphore, #tpu.memory_space<semaphore_mem>>) src(%dma_wait3A_153 : memref<128x64xf32, #tpu.memory_space<vmem>>) dst(%dma_wait3A_159 : memref<10240x64xf32, #tpu.memory_space<vmem_shared>>)
      tpu.yield
    }) : () -> ()
    %dma_wait3A_76 = arith.constant 37 : i32
    %dma_wait3A_77 = arith.constant 1 : i32
    %dma_wait3A_78 = arith.constant 0 : i32
    %dma_wait3A_79 = arith.constant 0 : i32
    %dma_wait3A_80 = tpu.memref_slice %arg9[%dma_wait3A_77, %dma_wait3A_78, %dma_wait3A_79] : memref<4x128x64xf32, #tpu.memory_space<vmem>> -> memref<1x128x64xf32, #tpu.memory_space<vmem>>
    %dma_wait3A_81 = tpu.memref_squeeze %dma_wait3A_80 : memref<1x128x64xf32, #tpu.memory_space<vmem>> -> memref<128x64xf32, #tpu.memory_space<vmem>>
    %dma_wait3A_82 = arith.constant 0 : i32
    %dma_wait3A_83 = tpu.memref_slice %arg7[%dma_wait3A_76, %dma_wait3A_82] : memref<40x128xi32, #tpu.memory_space<vmem>> -> memref<1x128xi32, #tpu.memory_space<vmem>>
    %dma_wait3A_84 = tpu.memref_squeeze %dma_wait3A_83 : memref<1x128xi32, #tpu.memory_space<vmem>> -> memref<128xi32, #tpu.memory_space<vmem>>
    %dma_wait3A_85 = arith.constant 0 : i32
    %dma_wait3A_86 = arith.constant 0 : i32
    %dma_wait3A_87 = tpu.memref_slice %arg2[%dma_wait3A_85, %dma_wait3A_86] : memref<10240x64xf32, #tpu.memory_space<hbm>> -> memref<10240x64xf32, #tpu.memory_space<hbm>>
    tpu.wait_indirect_dma semaphore(%arg13 : memref<!tpu.dma_semaphore, #tpu.memory_space<semaphore_mem>>) src(%dma_wait3A_87 : memref<10240x64xf32, #tpu.memory_space<hbm>>) dst(%dma_wait3A_81 : memref<128x64xf32, #tpu.memory_space<vmem>>)
    %run_scoped3A_88 = arith.constant 1 : i32
    %run_scoped3A_89 = arith.constant 37 : i32
    "tpu.region"() ({
      %run_scoped3A_139 = tpu.sem_alloc : memref<!tpu.dma_semaphore, #tpu.memory_space<semaphore_mem>>
      %dma_start3A_140 = arith.constant 0 : i32
      %dma_start3A_141 = arith.constant 0 : i32
      %dma_start3A_142 = tpu.memref_slice %arg9[%run_scoped3A_88, %dma_start3A_140, %dma_start3A_141] : memref<4x128x64xf32, #tpu.memory_space<vmem>> -> memref<1x128x64xf32, #tpu.memory_space<vmem>>
      %dma_start3A_143 = tpu.memref_squeeze %dma_start3A_142 : memref<1x128x64xf32, #tpu.memory_space<vmem>> -> memref<128x64xf32, #tpu.memory_space<vmem>>
      %dma_start3A_144 = arith.constant 0 : i32
      %dma_start3A_145 = tpu.memref_slice %arg8[%run_scoped3A_89, %dma_start3A_144] : memref<40x128xi32, #tpu.memory_space<vmem>> -> memref<1x128xi32, #tpu.memory_space<vmem>>
      %dma_start3A_146 = tpu.memref_squeeze %dma_start3A_145 : memref<1x128xi32, #tpu.memory_space<vmem>> -> memref<128xi32, #tpu.memory_space<vmem>>
      %dma_start3A_147 = arith.constant 0 : i32
      %dma_start3A_148 = arith.constant 0 : i32
      %dma_start3A_149 = tpu.memref_slice %arg11[%dma_start3A_147, %dma_start3A_148] : memref<10240x64xf32, #tpu.memory_space<vmem_shared>> -> memref<10240x64xf32, #tpu.memory_space<vmem_shared>>
      tpu.enqueue_indirect_dma source(%dma_start3A_143 : memref<128x64xf32, #tpu.memory_space<vmem>>) target(%dma_start3A_149 : memref<10240x64xf32, #tpu.memory_space<vmem_shared>>) offsets(%dma_start3A_146 : memref<128xi32, #tpu.memory_space<vmem>>) semaphore(%run_scoped3A_139 : memref<!tpu.dma_semaphore, #tpu.memory_space<semaphore_mem>>) {add = true}
      %dma_wait3A_150 = arith.constant 0 : i32
      %dma_wait3A_151 = arith.constant 0 : i32
      %dma_wait3A_152 = tpu.memref_slice %arg9[%run_scoped3A_88, %dma_wait3A_150, %dma_wait3A_151] : memref<4x128x64xf32, #tpu.memory_space<vmem>> -> memref<1x128x64xf32, #tpu.memory_space<vmem>>
      %dma_wait3A_153 = tpu.memref_squeeze %dma_wait3A_152 : memref<1x128x64xf32, #tpu.memory_space<vmem>> -> memref<128x64xf32, #tpu.memory_space<vmem>>
      %dma_wait3A_154 = arith.constant 0 : i32
      %dma_wait3A_155 = tpu.memref_slice %arg8[%run_scoped3A_89, %dma_wait3A_154] : memref<40x128xi32, #tpu.memory_space<vmem>> -> memref<1x128xi32, #tpu.memory_space<vmem>>
      %dma_wait3A_156 = tpu.memref_squeeze %dma_wait3A_155 : memref<1x128xi32, #tpu.memory_space<vmem>> -> memref<128xi32, #tpu.memory_space<vmem>>
      %dma_wait3A_157 = arith.constant 0 : i32
      %dma_wait3A_158 = arith.constant 0 : i32
      %dma_wait3A_159 = tpu.memref_slice %arg11[%dma_wait3A_157, %dma_wait3A_158] : memref<10240x64xf32, #tpu.memory_space<vmem_shared>> -> memref<10240x64xf32, #tpu.memory_space<vmem_shared>>
      tpu.wait_indirect_dma semaphore(%run_scoped3A_139 : memref<!tpu.dma_semaphore, #tpu.memory_space<semaphore_mem>>) src(%dma_wait3A_153 : memref<128x64xf32, #tpu.memory_space<vmem>>) dst(%dma_wait3A_159 : memref<10240x64xf32, #tpu.memory_space<vmem_shared>>)
      tpu.yield
    }) : () -> ()
    %dma_wait3A_90 = arith.constant 38 : i32
    %dma_wait3A_91 = arith.constant 2 : i32
    %dma_wait3A_92 = arith.constant 0 : i32
    %dma_wait3A_93 = arith.constant 0 : i32
    %dma_wait3A_94 = tpu.memref_slice %arg9[%dma_wait3A_91, %dma_wait3A_92, %dma_wait3A_93] : memref<4x128x64xf32, #tpu.memory_space<vmem>> -> memref<1x128x64xf32, #tpu.memory_space<vmem>>
    %dma_wait3A_95 = tpu.memref_squeeze %dma_wait3A_94 : memref<1x128x64xf32, #tpu.memory_space<vmem>> -> memref<128x64xf32, #tpu.memory_space<vmem>>
    %dma_wait3A_96 = arith.constant 0 : i32
    %dma_wait3A_97 = tpu.memref_slice %arg7[%dma_wait3A_90, %dma_wait3A_96] : memref<40x128xi32, #tpu.memory_space<vmem>> -> memref<1x128xi32, #tpu.memory_space<vmem>>
    %dma_wait3A_98 = tpu.memref_squeeze %dma_wait3A_97 : memref<1x128xi32, #tpu.memory_space<vmem>> -> memref<128xi32, #tpu.memory_space<vmem>>
    %dma_wait3A_99 = arith.constant 0 : i32
    %dma_wait3A_100 = arith.constant 0 : i32
    %dma_wait3A_101 = tpu.memref_slice %arg2[%dma_wait3A_99, %dma_wait3A_100] : memref<10240x64xf32, #tpu.memory_space<hbm>> -> memref<10240x64xf32, #tpu.memory_space<hbm>>
    tpu.wait_indirect_dma semaphore(%arg14 : memref<!tpu.dma_semaphore, #tpu.memory_space<semaphore_mem>>) src(%dma_wait3A_101 : memref<10240x64xf32, #tpu.memory_space<hbm>>) dst(%dma_wait3A_95 : memref<128x64xf32, #tpu.memory_space<vmem>>)
    %run_scoped3A_102 = arith.constant 2 : i32
    %run_scoped3A_103 = arith.constant 38 : i32
    "tpu.region"() ({
      %run_scoped3A_139 = tpu.sem_alloc : memref<!tpu.dma_semaphore, #tpu.memory_space<semaphore_mem>>
      %dma_start3A_140 = arith.constant 0 : i32
      %dma_start3A_141 = arith.constant 0 : i32
      %dma_start3A_142 = tpu.memref_slice %arg9[%run_scoped3A_102, %dma_start3A_140, %dma_start3A_141] : memref<4x128x64xf32, #tpu.memory_space<vmem>> -> memref<1x128x64xf32, #tpu.memory_space<vmem>>
      %dma_start3A_143 = tpu.memref_squeeze %dma_start3A_142 : memref<1x128x64xf32, #tpu.memory_space<vmem>> -> memref<128x64xf32, #tpu.memory_space<vmem>>
      %dma_start3A_144 = arith.constant 0 : i32
      %dma_start3A_145 = tpu.memref_slice %arg8[%run_scoped3A_103, %dma_start3A_144] : memref<40x128xi32, #tpu.memory_space<vmem>> -> memref<1x128xi32, #tpu.memory_space<vmem>>
      %dma_start3A_146 = tpu.memref_squeeze %dma_start3A_145 : memref<1x128xi32, #tpu.memory_space<vmem>> -> memref<128xi32, #tpu.memory_space<vmem>>
      %dma_start3A_147 = arith.constant 0 : i32
      %dma_start3A_148 = arith.constant 0 : i32
      %dma_start3A_149 = tpu.memref_slice %arg11[%dma_start3A_147, %dma_start3A_148] : memref<10240x64xf32, #tpu.memory_space<vmem_shared>> -> memref<10240x64xf32, #tpu.memory_space<vmem_shared>>
      tpu.enqueue_indirect_dma source(%dma_start3A_143 : memref<128x64xf32, #tpu.memory_space<vmem>>) target(%dma_start3A_149 : memref<10240x64xf32, #tpu.memory_space<vmem_shared>>) offsets(%dma_start3A_146 : memref<128xi32, #tpu.memory_space<vmem>>) semaphore(%run_scoped3A_139 : memref<!tpu.dma_semaphore, #tpu.memory_space<semaphore_mem>>) {add = true}
      %dma_wait3A_150 = arith.constant 0 : i32
      %dma_wait3A_151 = arith.constant 0 : i32
      %dma_wait3A_152 = tpu.memref_slice %arg9[%run_scoped3A_102, %dma_wait3A_150, %dma_wait3A_151] : memref<4x128x64xf32, #tpu.memory_space<vmem>> -> memref<1x128x64xf32, #tpu.memory_space<vmem>>
      %dma_wait3A_153 = tpu.memref_squeeze %dma_wait3A_152 : memref<1x128x64xf32, #tpu.memory_space<vmem>> -> memref<128x64xf32, #tpu.memory_space<vmem>>
      %dma_wait3A_154 = arith.constant 0 : i32
      %dma_wait3A_155 = tpu.memref_slice %arg8[%run_scoped3A_103, %dma_wait3A_154] : memref<40x128xi32, #tpu.memory_space<vmem>> -> memref<1x128xi32, #tpu.memory_space<vmem>>
      %dma_wait3A_156 = tpu.memref_squeeze %dma_wait3A_155 : memref<1x128xi32, #tpu.memory_space<vmem>> -> memref<128xi32, #tpu.memory_space<vmem>>
      %dma_wait3A_157 = arith.constant 0 : i32
      %dma_wait3A_158 = arith.constant 0 : i32
      %dma_wait3A_159 = tpu.memref_slice %arg11[%dma_wait3A_157, %dma_wait3A_158] : memref<10240x64xf32, #tpu.memory_space<vmem_shared>> -> memref<10240x64xf32, #tpu.memory_space<vmem_shared>>
      tpu.wait_indirect_dma semaphore(%run_scoped3A_139 : memref<!tpu.dma_semaphore, #tpu.memory_space<semaphore_mem>>) src(%dma_wait3A_153 : memref<128x64xf32, #tpu.memory_space<vmem>>) dst(%dma_wait3A_159 : memref<10240x64xf32, #tpu.memory_space<vmem_shared>>)
      tpu.yield
    }) : () -> ()
    %dma_wait3A_104 = arith.constant 39 : i32
    %dma_wait3A_105 = arith.constant 3 : i32
    %dma_wait3A_106 = arith.constant 0 : i32
    %dma_wait3A_107 = arith.constant 0 : i32
    %dma_wait3A_108 = tpu.memref_slice %arg9[%dma_wait3A_105, %dma_wait3A_106, %dma_wait3A_107] : memref<4x128x64xf32, #tpu.memory_space<vmem>> -> memref<1x128x64xf32, #tpu.memory_space<vmem>>
    %dma_wait3A_109 = tpu.memref_squeeze %dma_wait3A_108 : memref<1x128x64xf32, #tpu.memory_space<vmem>> -> memref<128x64xf32, #tpu.memory_space<vmem>>
    %dma_wait3A_110 = arith.constant 0 : i32
    %dma_wait3A_111 = tpu.memref_slice %arg7[%dma_wait3A_104, %dma_wait3A_110] : memref<40x128xi32, #tpu.memory_space<vmem>> -> memref<1x128xi32, #tpu.memory_space<vmem>>
    %dma_wait3A_112 = tpu.memref_squeeze %dma_wait3A_111 : memref<1x128xi32, #tpu.memory_space<vmem>> -> memref<128xi32, #tpu.memory_space<vmem>>
    %dma_wait3A_113 = arith.constant 0 : i32
    %dma_wait3A_114 = arith.constant 0 : i32
    %dma_wait3A_115 = tpu.memref_slice %arg2[%dma_wait3A_113, %dma_wait3A_114] : memref<10240x64xf32, #tpu.memory_space<hbm>> -> memref<10240x64xf32, #tpu.memory_space<hbm>>
    tpu.wait_indirect_dma semaphore(%arg15 : memref<!tpu.dma_semaphore, #tpu.memory_space<semaphore_mem>>) src(%dma_wait3A_115 : memref<10240x64xf32, #tpu.memory_space<hbm>>) dst(%dma_wait3A_109 : memref<128x64xf32, #tpu.memory_space<vmem>>)
    %run_scoped3A_116 = arith.constant 3 : i32
    %run_scoped3A_117 = arith.constant 39 : i32
    "tpu.region"() ({
      %run_scoped3A_139 = tpu.sem_alloc : memref<!tpu.dma_semaphore, #tpu.memory_space<semaphore_mem>>
      %dma_start3A_140 = arith.constant 0 : i32
      %dma_start3A_141 = arith.constant 0 : i32
      %dma_start3A_142 = tpu.memref_slice %arg9[%run_scoped3A_116, %dma_start3A_140, %dma_start3A_141] : memref<4x128x64xf32, #tpu.memory_space<vmem>> -> memref<1x128x64xf32, #tpu.memory_space<vmem>>
      %dma_start3A_143 = tpu.memref_squeeze %dma_start3A_142 : memref<1x128x64xf32, #tpu.memory_space<vmem>> -> memref<128x64xf32, #tpu.memory_space<vmem>>
      %dma_start3A_144 = arith.constant 0 : i32
      %dma_start3A_145 = tpu.memref_slice %arg8[%run_scoped3A_117, %dma_start3A_144] : memref<40x128xi32, #tpu.memory_space<vmem>> -> memref<1x128xi32, #tpu.memory_space<vmem>>
      %dma_start3A_146 = tpu.memref_squeeze %dma_start3A_145 : memref<1x128xi32, #tpu.memory_space<vmem>> -> memref<128xi32, #tpu.memory_space<vmem>>
      %dma_start3A_147 = arith.constant 0 : i32
      %dma_start3A_148 = arith.constant 0 : i32
      %dma_start3A_149 = tpu.memref_slice %arg11[%dma_start3A_147, %dma_start3A_148] : memref<10240x64xf32, #tpu.memory_space<vmem_shared>> -> memref<10240x64xf32, #tpu.memory_space<vmem_shared>>
      tpu.enqueue_indirect_dma source(%dma_start3A_143 : memref<128x64xf32, #tpu.memory_space<vmem>>) target(%dma_start3A_149 : memref<10240x64xf32, #tpu.memory_space<vmem_shared>>) offsets(%dma_start3A_146 : memref<128xi32, #tpu.memory_space<vmem>>) semaphore(%run_scoped3A_139 : memref<!tpu.dma_semaphore, #tpu.memory_space<semaphore_mem>>) {add = true}
      %dma_wait3A_150 = arith.constant 0 : i32
      %dma_wait3A_151 = arith.constant 0 : i32
      %dma_wait3A_152 = tpu.memref_slice %arg9[%run_scoped3A_116, %dma_wait3A_150, %dma_wait3A_151] : memref<4x128x64xf32, #tpu.memory_space<vmem>> -> memref<1x128x64xf32, #tpu.memory_space<vmem>>
      %dma_wait3A_153 = tpu.memref_squeeze %dma_wait3A_152 : memref<1x128x64xf32, #tpu.memory_space<vmem>> -> memref<128x64xf32, #tpu.memory_space<vmem>>
      %dma_wait3A_154 = arith.constant 0 : i32
      %dma_wait3A_155 = tpu.memref_slice %arg8[%run_scoped3A_117, %dma_wait3A_154] : memref<40x128xi32, #tpu.memory_space<vmem>> -> memref<1x128xi32, #tpu.memory_space<vmem>>
      %dma_wait3A_156 = tpu.memref_squeeze %dma_wait3A_155 : memref<1x128xi32, #tpu.memory_space<vmem>> -> memref<128xi32, #tpu.memory_space<vmem>>
      %dma_wait3A_157 = arith.constant 0 : i32
      %dma_wait3A_158 = arith.constant 0 : i32
      %dma_wait3A_159 = tpu.memref_slice %arg11[%dma_wait3A_157, %dma_wait3A_158] : memref<10240x64xf32, #tpu.memory_space<vmem_shared>> -> memref<10240x64xf32, #tpu.memory_space<vmem_shared>>
      tpu.wait_indirect_dma semaphore(%run_scoped3A_139 : memref<!tpu.dma_semaphore, #tpu.memory_space<semaphore_mem>>) src(%dma_wait3A_153 : memref<128x64xf32, #tpu.memory_space<vmem>>) dst(%dma_wait3A_159 : memref<10240x64xf32, #tpu.memory_space<vmem_shared>>)
      tpu.yield
    }) : () -> ()
    %barrier3A_118 = arith.constant 0 : index
    tpu.barrier barrier_id(%barrier3A_118)
    %add3A_119 = arith.constant 0 : i32
    %add3A_120 = arith.addi %mul3A_2, %add3A_119 : i32
    "tpu.region"() ({
      %run_scoped3A_139 = tpu.sem_alloc : memref<!tpu.dma_semaphore, #tpu.memory_space<semaphore_mem>>
      %dma_start3A_140 = arith.constant 0 : i32
      %dma_start3A_141 = tpu.memref_slice %arg11[%add3A_120, %dma_start3A_140] : memref<10240x64xf32, #tpu.memory_space<vmem_shared>> -> memref<128x64xf32, #tpu.memory_space<vmem_shared>>
      %dma_start3A_142 = arith.constant 0 : i32
      %dma_start3A_143 = tpu.memref_slice %arg11[%add3A_120, %dma_start3A_142] : memref<10240x64xf32, #tpu.memory_space<vmem_shared>> -> memref<128x64xf32, #tpu.memory_space<vmem_shared>>
      tpu.enqueue_dma source(%dma_start3A_143 : memref<128x64xf32, #tpu.memory_space<vmem_shared>>) target(%arg10 : memref<128x64xf32, #tpu.memory_space<vmem>>) target_semaphore(%run_scoped3A_139 : memref<!tpu.dma_semaphore, #tpu.memory_space<semaphore_mem>>)
      %dma_wait3A_144 = arith.constant 0 : i32
      %dma_wait3A_145 = tpu.memref_slice %arg11[%add3A_120, %dma_wait3A_144] : memref<10240x64xf32, #tpu.memory_space<vmem_shared>> -> memref<128x64xf32, #tpu.memory_space<vmem_shared>>
      %dma_wait3A_146 = arith.constant 0 : i32
      %dma_wait3A_147 = tpu.memref_slice %arg11[%add3A_120, %dma_wait3A_146] : memref<10240x64xf32, #tpu.memory_space<vmem_shared>> -> memref<128x64xf32, #tpu.memory_space<vmem_shared>>
      tpu.wait_dma2 semaphore(%run_scoped3A_139 : memref<!tpu.dma_semaphore, #tpu.memory_space<semaphore_mem>>) src(%dma_wait3A_147 : memref<128x64xf32, #tpu.memory_space<vmem_shared>>) dst(%arg10 : memref<128x64xf32, #tpu.memory_space<vmem>>)
      tpu.yield
    }) : () -> ()
    %add3A_121 = arith.constant 0 : i32
    %add3A_122 = arith.addi %mul3A_2, %add3A_121 : i32
    "tpu.region"() ({
      %run_scoped3A_139 = tpu.sem_alloc : memref<!tpu.dma_semaphore, #tpu.memory_space<semaphore_mem>>
      %dma_start3A_140 = arith.constant 0 : i32
      %dma_start3A_141 = tpu.memref_slice %arg6[%arg0, %add3A_122, %dma_start3A_140] : memref<2x10240x64xf32, #tpu.memory_space<hbm>> -> memref<1x128x64xf32, #tpu.memory_space<hbm>>
      %dma_start3A_142 = tpu.memref_squeeze %dma_start3A_141 : memref<1x128x64xf32, #tpu.memory_space<hbm>> -> memref<128x64xf32, #tpu.memory_space<hbm>>
      %dma_start3A_143 = arith.constant 0 : i32
      %dma_start3A_144 = tpu.memref_slice %arg6[%arg0, %add3A_122, %dma_start3A_143] : memref<2x10240x64xf32, #tpu.memory_space<hbm>> -> memref<1x128x64xf32, #tpu.memory_space<hbm>>
      %dma_start3A_145 = tpu.memref_squeeze %dma_start3A_144 : memref<1x128x64xf32, #tpu.memory_space<hbm>> -> memref<128x64xf32, #tpu.memory_space<hbm>>
      tpu.enqueue_dma source(%arg10 : memref<128x64xf32, #tpu.memory_space<vmem>>) target(%dma_start3A_145 : memref<128x64xf32, #tpu.memory_space<hbm>>) target_semaphore(%run_scoped3A_139 : memref<!tpu.dma_semaphore, #tpu.memory_space<semaphore_mem>>)
      %dma_wait3A_146 = arith.constant 0 : i32
      %dma_wait3A_147 = tpu.memref_slice %arg6[%arg0, %add3A_122, %dma_wait3A_146] : memref<2x10240x64xf32, #tpu.memory_space<hbm>> -> memref<1x128x64xf32, #tpu.memory_space<hbm>>
      %dma_wait3A_148 = tpu.memref_squeeze %dma_wait3A_147 : memref<1x128x64xf32, #tpu.memory_space<hbm>> -> memref<128x64xf32, #tpu.memory_space<hbm>>
      %dma_wait3A_149 = arith.constant 0 : i32
      %dma_wait3A_150 = tpu.memref_slice %arg6[%arg0, %add3A_122, %dma_wait3A_149] : memref<2x10240x64xf32, #tpu.memory_space<hbm>> -> memref<1x128x64xf32, #tpu.memory_space<hbm>>
      %dma_wait3A_151 = tpu.memref_squeeze %dma_wait3A_150 : memref<1x128x64xf32, #tpu.memory_space<hbm>> -> memref<128x64xf32, #tpu.memory_space<hbm>>
      tpu.wait_dma2 semaphore(%run_scoped3A_139 : memref<!tpu.dma_semaphore, #tpu.memory_space<semaphore_mem>>) src(%arg10 : memref<128x64xf32, #tpu.memory_space<vmem>>) dst(%dma_wait3A_151 : memref<128x64xf32, #tpu.memory_space<hbm>>)
      tpu.yield
    }) : () -> ()
    %add3A_123 = arith.constant 128 : i32
    %add3A_124 = arith.addi %mul3A_2, %add3A_123 : i32
    "tpu.region"() ({
      %run_scoped3A_139 = tpu.sem_alloc : memref<!tpu.dma_semaphore, #tpu.memory_space<semaphore_mem>>
      %dma_start3A_140 = arith.constant 0 : i32
      %dma_start3A_141 = tpu.memref_slice %arg11[%add3A_124, %dma_start3A_140] : memref<10240x64xf32, #tpu.memory_space<vmem_shared>> -> memref<128x64xf32, #tpu.memory_space<vmem_shared>>
      %dma_start3A_142 = arith.constant 0 : i32
      %dma_start3A_143 = tpu.memref_slice %arg11[%add3A_124, %dma_start3A_142] : memref<10240x64xf32, #tpu.memory_space<vmem_shared>> -> memref<128x64xf32, #tpu.memory_space<vmem_shared>>
      tpu.enqueue_dma source(%dma_start3A_143 : memref<128x64xf32, #tpu.memory_space<vmem_shared>>) target(%arg10 : memref<128x64xf32, #tpu.memory_space<vmem>>) target_semaphore(%run_scoped3A_139 : memref<!tpu.dma_semaphore, #tpu.memory_space<semaphore_mem>>)
      %dma_wait3A_144 = arith.constant 0 : i32
      %dma_wait3A_145 = tpu.memref_slice %arg11[%add3A_124, %dma_wait3A_144] : memref<10240x64xf32, #tpu.memory_space<vmem_shared>> -> memref<128x64xf32, #tpu.memory_space<vmem_shared>>
      %dma_wait3A_146 = arith.constant 0 : i32
      %dma_wait3A_147 = tpu.memref_slice %arg11[%add3A_124, %dma_wait3A_146] : memref<10240x64xf32, #tpu.memory_space<vmem_shared>> -> memref<128x64xf32, #tpu.memory_space<vmem_shared>>
      tpu.wait_dma2 semaphore(%run_scoped3A_139 : memref<!tpu.dma_semaphore, #tpu.memory_space<semaphore_mem>>) src(%dma_wait3A_147 : memref<128x64xf32, #tpu.memory_space<vmem_shared>>) dst(%arg10 : memref<128x64xf32, #tpu.memory_space<vmem>>)
      tpu.yield
    }) : () -> ()
    %add3A_125 = arith.constant 128 : i32
    %add3A_126 = arith.addi %mul3A_2, %add3A_125 : i32
    "tpu.region"() ({
      %run_scoped3A_139 = tpu.sem_alloc : memref<!tpu.dma_semaphore, #tpu.memory_space<semaphore_mem>>
      %dma_start3A_140 = arith.constant 0 : i32
      %dma_start3A_141 = tpu.memref_slice %arg6[%arg0, %add3A_126, %dma_start3A_140] : memref<2x10240x64xf32, #tpu.memory_space<hbm>> -> memref<1x128x64xf32, #tpu.memory_space<hbm>>
      %dma_start3A_142 = tpu.memref_squeeze %dma_start3A_141 : memref<1x128x64xf32, #tpu.memory_space<hbm>> -> memref<128x64xf32, #tpu.memory_space<hbm>>
      %dma_start3A_143 = arith.constant 0 : i32
      %dma_start3A_144 = tpu.memref_slice %arg6[%arg0, %add3A_126, %dma_start3A_143] : memref<2x10240x64xf32, #tpu.memory_space<hbm>> -> memref<1x128x64xf32, #tpu.memory_space<hbm>>
      %dma_start3A_145 = tpu.memref_squeeze %dma_start3A_144 : memref<1x128x64xf32, #tpu.memory_space<hbm>> -> memref<128x64xf32, #tpu.memory_space<hbm>>
      tpu.enqueue_dma source(%arg10 : memref<128x64xf32, #tpu.memory_space<vmem>>) target(%dma_start3A_145 : memref<128x64xf32, #tpu.memory_space<hbm>>) target_semaphore(%run_scoped3A_139 : memref<!tpu.dma_semaphore, #tpu.memory_space<semaphore_mem>>)
      %dma_wait3A_146 = arith.constant 0 : i32
      %dma_wait3A_147 = tpu.memref_slice %arg6[%arg0, %add3A_126, %dma_wait3A_146] : memref<2x10240x64xf32, #tpu.memory_space<hbm>> -> memref<1x128x64xf32, #tpu.memory_space<hbm>>
      %dma_wait3A_148 = tpu.memref_squeeze %dma_wait3A_147 : memref<1x128x64xf32, #tpu.memory_space<hbm>> -> memref<128x64xf32, #tpu.memory_space<hbm>>
      %dma_wait3A_149 = arith.constant 0 : i32
      %dma_wait3A_150 = tpu.memref_slice %arg6[%arg0, %add3A_126, %dma_wait3A_149] : memref<2x10240x64xf32, #tpu.memory_space<hbm>> -> memref<1x128x64xf32, #tpu.memory_space<hbm>>
      %dma_wait3A_151 = tpu.memref_squeeze %dma_wait3A_150 : memref<1x128x64xf32, #tpu.memory_space<hbm>> -> memref<128x64xf32, #tpu.memory_space<hbm>>
      tpu.wait_dma2 semaphore(%run_scoped3A_139 : memref<!tpu.dma_semaphore, #tpu.memory_space<semaphore_mem>>) src(%arg10 : memref<128x64xf32, #tpu.memory_space<vmem>>) dst(%dma_wait3A_151 : memref<128x64xf32, #tpu.memory_space<hbm>>)
      tpu.yield
    }) : () -> ()
    %add3A_127 = arith.constant 256 : i32
    %add3A_128 = arith.addi %mul3A_2, %add3A_127 : i32
    "tpu.region"() ({
      %run_scoped3A_139 = tpu.sem_alloc : memref<!tpu.dma_semaphore, #tpu.memory_space<semaphore_mem>>
      %dma_start3A_140 = arith.constant 0 : i32
      %dma_start3A_141 = tpu.memref_slice %arg11[%add3A_128, %dma_start3A_140] : memref<10240x64xf32, #tpu.memory_space<vmem_shared>> -> memref<128x64xf32, #tpu.memory_space<vmem_shared>>
      %dma_start3A_142 = arith.constant 0 : i32
      %dma_start3A_143 = tpu.memref_slice %arg11[%add3A_128, %dma_start3A_142] : memref<10240x64xf32, #tpu.memory_space<vmem_shared>> -> memref<128x64xf32, #tpu.memory_space<vmem_shared>>
      tpu.enqueue_dma source(%dma_start3A_143 : memref<128x64xf32, #tpu.memory_space<vmem_shared>>) target(%arg10 : memref<128x64xf32, #tpu.memory_space<vmem>>) target_semaphore(%run_scoped3A_139 : memref<!tpu.dma_semaphore, #tpu.memory_space<semaphore_mem>>)
      %dma_wait3A_144 = arith.constant 0 : i32
      %dma_wait3A_145 = tpu.memref_slice %arg11[%add3A_128, %dma_wait3A_144] : memref<10240x64xf32, #tpu.memory_space<vmem_shared>> -> memref<128x64xf32, #tpu.memory_space<vmem_shared>>
      %dma_wait3A_146 = arith.constant 0 : i32
      %dma_wait3A_147 = tpu.memref_slice %arg11[%add3A_128, %dma_wait3A_146] : memref<10240x64xf32, #tpu.memory_space<vmem_shared>> -> memref<128x64xf32, #tpu.memory_space<vmem_shared>>
      tpu.wait_dma2 semaphore(%run_scoped3A_139 : memref<!tpu.dma_semaphore, #tpu.memory_space<semaphore_mem>>) src(%dma_wait3A_147 : memref<128x64xf32, #tpu.memory_space<vmem_shared>>) dst(%arg10 : memref<128x64xf32, #tpu.memory_space<vmem>>)
      tpu.yield
    }) : () -> ()
    %add3A_129 = arith.constant 256 : i32
    %add3A_130 = arith.addi %mul3A_2, %add3A_129 : i32
    "tpu.region"() ({
      %run_scoped3A_139 = tpu.sem_alloc : memref<!tpu.dma_semaphore, #tpu.memory_space<semaphore_mem>>
      %dma_start3A_140 = arith.constant 0 : i32
      %dma_start3A_141 = tpu.memref_slice %arg6[%arg0, %add3A_130, %dma_start3A_140] : memref<2x10240x64xf32, #tpu.memory_space<hbm>> -> memref<1x128x64xf32, #tpu.memory_space<hbm>>
      %dma_start3A_142 = tpu.memref_squeeze %dma_start3A_141 : memref<1x128x64xf32, #tpu.memory_space<hbm>> -> memref<128x64xf32, #tpu.memory_space<hbm>>
      %dma_start3A_143 = arith.constant 0 : i32
      %dma_start3A_144 = tpu.memref_slice %arg6[%arg0, %add3A_130, %dma_start3A_143] : memref<2x10240x64xf32, #tpu.memory_space<hbm>> -> memref<1x128x64xf32, #tpu.memory_space<hbm>>
      %dma_start3A_145 = tpu.memref_squeeze %dma_start3A_144 : memref<1x128x64xf32, #tpu.memory_space<hbm>> -> memref<128x64xf32, #tpu.memory_space<hbm>>
      tpu.enqueue_dma source(%arg10 : memref<128x64xf32, #tpu.memory_space<vmem>>) target(%dma_start3A_145 : memref<128x64xf32, #tpu.memory_space<hbm>>) target_semaphore(%run_scoped3A_139 : memref<!tpu.dma_semaphore, #tpu.memory_space<semaphore_mem>>)
      %dma_wait3A_146 = arith.constant 0 : i32
      %dma_wait3A_147 = tpu.memref_slice %arg6[%arg0, %add3A_130, %dma_wait3A_146] : memref<2x10240x64xf32, #tpu.memory_space<hbm>> -> memref<1x128x64xf32, #tpu.memory_space<hbm>>
      %dma_wait3A_148 = tpu.memref_squeeze %dma_wait3A_147 : memref<1x128x64xf32, #tpu.memory_space<hbm>> -> memref<128x64xf32, #tpu.memory_space<hbm>>
      %dma_wait3A_149 = arith.constant 0 : i32
      %dma_wait3A_150 = tpu.memref_slice %arg6[%arg0, %add3A_130, %dma_wait3A_149] : memref<2x10240x64xf32, #tpu.memory_space<hbm>> -> memref<1x128x64xf32, #tpu.memory_space<hbm>>
      %dma_wait3A_151 = tpu.memref_squeeze %dma_wait3A_150 : memref<1x128x64xf32, #tpu.memory_space<hbm>> -> memref<128x64xf32, #tpu.memory_space<hbm>>
      tpu.wait_dma2 semaphore(%run_scoped3A_139 : memref<!tpu.dma_semaphore, #tpu.memory_space<semaphore_mem>>) src(%arg10 : memref<128x64xf32, #tpu.memory_space<vmem>>) dst(%dma_wait3A_151 : memref<128x64xf32, #tpu.memory_space<hbm>>)
      tpu.yield
    }) : () -> ()
    %add3A_131 = arith.constant 384 : i32
    %add3A_132 = arith.addi %mul3A_2, %add3A_131 : i32
    "tpu.region"() ({
      %run_scoped3A_139 = tpu.sem_alloc : memref<!tpu.dma_semaphore, #tpu.memory_space<semaphore_mem>>
      %dma_start3A_140 = arith.constant 0 : i32
      %dma_start3A_141 = tpu.memref_slice %arg11[%add3A_132, %dma_start3A_140] : memref<10240x64xf32, #tpu.memory_space<vmem_shared>> -> memref<128x64xf32, #tpu.memory_space<vmem_shared>>
      %dma_start3A_142 = arith.constant 0 : i32
      %dma_start3A_143 = tpu.memref_slice %arg11[%add3A_132, %dma_start3A_142] : memref<10240x64xf32, #tpu.memory_space<vmem_shared>> -> memref<128x64xf32, #tpu.memory_space<vmem_shared>>
      tpu.enqueue_dma source(%dma_start3A_143 : memref<128x64xf32, #tpu.memory_space<vmem_shared>>) target(%arg10 : memref<128x64xf32, #tpu.memory_space<vmem>>) target_semaphore(%run_scoped3A_139 : memref<!tpu.dma_semaphore, #tpu.memory_space<semaphore_mem>>)
      %dma_wait3A_144 = arith.constant 0 : i32
      %dma_wait3A_145 = tpu.memref_slice %arg11[%add3A_132, %dma_wait3A_144] : memref<10240x64xf32, #tpu.memory_space<vmem_shared>> -> memref<128x64xf32, #tpu.memory_space<vmem_shared>>
      %dma_wait3A_146 = arith.constant 0 : i32
      %dma_wait3A_147 = tpu.memref_slice %arg11[%add3A_132, %dma_wait3A_146] : memref<10240x64xf32, #tpu.memory_space<vmem_shared>> -> memref<128x64xf32, #tpu.memory_space<vmem_shared>>
      tpu.wait_dma2 semaphore(%run_scoped3A_139 : memref<!tpu.dma_semaphore, #tpu.memory_space<semaphore_mem>>) src(%dma_wait3A_147 : memref<128x64xf32, #tpu.memory_space<vmem_shared>>) dst(%arg10 : memref<128x64xf32, #tpu.memory_space<vmem>>)
      tpu.yield
    }) : () -> ()
    %add3A_133 = arith.constant 384 : i32
    %add3A_134 = arith.addi %mul3A_2, %add3A_133 : i32
    "tpu.region"() ({
      %run_scoped3A_139 = tpu.sem_alloc : memref<!tpu.dma_semaphore, #tpu.memory_space<semaphore_mem>>
      %dma_start3A_140 = arith.constant 0 : i32
      %dma_start3A_141 = tpu.memref_slice %arg6[%arg0, %add3A_134, %dma_start3A_140] : memref<2x10240x64xf32, #tpu.memory_space<hbm>> -> memref<1x128x64xf32, #tpu.memory_space<hbm>>
      %dma_start3A_142 = tpu.memref_squeeze %dma_start3A_141 : memref<1x128x64xf32, #tpu.memory_space<hbm>> -> memref<128x64xf32, #tpu.memory_space<hbm>>
      %dma_start3A_143 = arith.constant 0 : i32
      %dma_start3A_144 = tpu.memref_slice %arg6[%arg0, %add3A_134, %dma_start3A_143] : memref<2x10240x64xf32, #tpu.memory_space<hbm>> -> memref<1x128x64xf32, #tpu.memory_space<hbm>>
      %dma_start3A_145 = tpu.memref_squeeze %dma_start3A_144 : memref<1x128x64xf32, #tpu.memory_space<hbm>> -> memref<128x64xf32, #tpu.memory_space<hbm>>
      tpu.enqueue_dma source(%arg10 : memref<128x64xf32, #tpu.memory_space<vmem>>) target(%dma_start3A_145 : memref<128x64xf32, #tpu.memory_space<hbm>>) target_semaphore(%run_scoped3A_139 : memref<!tpu.dma_semaphore, #tpu.memory_space<semaphore_mem>>)
      %dma_wait3A_146 = arith.constant 0 : i32
      %dma_wait3A_147 = tpu.memref_slice %arg6[%arg0, %add3A_134, %dma_wait3A_146] : memref<2x10240x64xf32, #tpu.memory_space<hbm>> -> memref<1x128x64xf32, #tpu.memory_space<hbm>>
      %dma_wait3A_148 = tpu.memref_squeeze %dma_wait3A_147 : memref<1x128x64xf32, #tpu.memory_space<hbm>> -> memref<128x64xf32, #tpu.memory_space<hbm>>
      %dma_wait3A_149 = arith.constant 0 : i32
      %dma_wait3A_150 = tpu.memref_slice %arg6[%arg0, %add3A_134, %dma_wait3A_149] : memref<2x10240x64xf32, #tpu.memory_space<hbm>> -> memref<1x128x64xf32, #tpu.memory_space<hbm>>
      %dma_wait3A_151 = tpu.memref_squeeze %dma_wait3A_150 : memref<1x128x64xf32, #tpu.memory_space<hbm>> -> memref<128x64xf32, #tpu.memory_space<hbm>>
      tpu.wait_dma2 semaphore(%run_scoped3A_139 : memref<!tpu.dma_semaphore, #tpu.memory_space<semaphore_mem>>) src(%arg10 : memref<128x64xf32, #tpu.memory_space<vmem>>) dst(%dma_wait3A_151 : memref<128x64xf32, #tpu.memory_space<hbm>>)
      tpu.yield
    }) : () -> ()
    %add3A_135 = arith.constant 512 : i32
    %add3A_136 = arith.addi %mul3A_2, %add3A_135 : i32
    "tpu.region"() ({
      %run_scoped3A_139 = tpu.sem_alloc : memref<!tpu.dma_semaphore, #tpu.memory_space<semaphore_mem>>
      %dma_start3A_140 = arith.constant 0 : i32
      %dma_start3A_141 = tpu.memref_slice %arg11[%add3A_136, %dma_start3A_140] : memref<10240x64xf32, #tpu.memory_space<vmem_shared>> -> memref<128x64xf32, #tpu.memory_space<vmem_shared>>
      %dma_start3A_142 = arith.constant 0 : i32
      %dma_start3A_143 = tpu.memref_slice %arg11[%add3A_136, %dma_start3A_142] : memref<10240x64xf32, #tpu.memory_space<vmem_shared>> -> memref<128x64xf32, #tpu.memory_space<vmem_shared>>
      tpu.enqueue_dma source(%dma_start3A_143 : memref<128x64xf32, #tpu.memory_space<vmem_shared>>) target(%arg10 : memref<128x64xf32, #tpu.memory_space<vmem>>) target_semaphore(%run_scoped3A_139 : memref<!tpu.dma_semaphore, #tpu.memory_space<semaphore_mem>>)
      %dma_wait3A_144 = arith.constant 0 : i32
      %dma_wait3A_145 = tpu.memref_slice %arg11[%add3A_136, %dma_wait3A_144] : memref<10240x64xf32, #tpu.memory_space<vmem_shared>> -> memref<128x64xf32, #tpu.memory_space<vmem_shared>>
      %dma_wait3A_146 = arith.constant 0 : i32
      %dma_wait3A_147 = tpu.memref_slice %arg11[%add3A_136, %dma_wait3A_146] : memref<10240x64xf32, #tpu.memory_space<vmem_shared>> -> memref<128x64xf32, #tpu.memory_space<vmem_shared>>
      tpu.wait_dma2 semaphore(%run_scoped3A_139 : memref<!tpu.dma_semaphore, #tpu.memory_space<semaphore_mem>>) src(%dma_wait3A_147 : memref<128x64xf32, #tpu.memory_space<vmem_shared>>) dst(%arg10 : memref<128x64xf32, #tpu.memory_space<vmem>>)
      tpu.yield
    }) : () -> ()
    %add3A_137 = arith.constant 512 : i32
    %add3A_138 = arith.addi %mul3A_2, %add3A_137 : i32
    "tpu.region"() ({
      %run_scoped3A_139 = tpu.sem_alloc : memref<!tpu.dma_semaphore, #tpu.memory_space<semaphore_mem>>
      %dma_start3A_140 = arith.constant 0 : i32
      %dma_start3A_141 = tpu.memref_slice %arg6[%arg0, %add3A_138, %dma_start3A_140] : memref<2x10240x64xf32, #tpu.memory_space<hbm>> -> memref<1x128x64xf32, #tpu.memory_space<hbm>>
      %dma_start3A_142 = tpu.memref_squeeze %dma_start3A_141 : memref<1x128x64xf32, #tpu.memory_space<hbm>> -> memref<128x64xf32, #tpu.memory_space<hbm>>
      %dma_start3A_143 = arith.constant 0 : i32
      %dma_start3A_144 = tpu.memref_slice %arg6[%arg0, %add3A_138, %dma_start3A_143] : memref<2x10240x64xf32, #tpu.memory_space<hbm>> -> memref<1x128x64xf32, #tpu.memory_space<hbm>>
      %dma_start3A_145 = tpu.memref_squeeze %dma_start3A_144 : memref<1x128x64xf32, #tpu.memory_space<hbm>> -> memref<128x64xf32, #tpu.memory_space<hbm>>
      tpu.enqueue_dma source(%arg10 : memref<128x64xf32, #tpu.memory_space<vmem>>) target(%dma_start3A_145 : memref<128x64xf32, #tpu.memory_space<hbm>>) target_semaphore(%run_scoped3A_139 : memref<!tpu.dma_semaphore, #tpu.memory_space<semaphore_mem>>)
      %dma_wait3A_146 = arith.constant 0 : i32
      %dma_wait3A_147 = tpu.memref_slice %arg6[%arg0, %add3A_138, %dma_wait3A_146] : memref<2x10240x64xf32, #tpu.memory_space<hbm>> -> memref<1x128x64xf32, #tpu.memory_space<hbm>>
      %dma_wait3A_148 = tpu.memref_squeeze %dma_wait3A_147 : memref<1x128x64xf32, #tpu.memory_space<hbm>> -> memref<128x64xf32, #tpu.memory_space<hbm>>
      %dma_wait3A_149 = arith.constant 0 : i32
      %dma_wait3A_150 = tpu.memref_slice %arg6[%arg0, %add3A_138, %dma_wait3A_149] : memref<2x10240x64xf32, #tpu.memory_space<hbm>> -> memref<1x128x64xf32, #tpu.memory_space<hbm>>
      %dma_wait3A_151 = tpu.memref_squeeze %dma_wait3A_150 : memref<1x128x64xf32, #tpu.memory_space<hbm>> -> memref<128x64xf32, #tpu.memory_space<hbm>>
      tpu.wait_dma2 semaphore(%run_scoped3A_139 : memref<!tpu.dma_semaphore, #tpu.memory_space<semaphore_mem>>) src(%arg10 : memref<128x64xf32, #tpu.memory_space<vmem>>) dst(%dma_wait3A_151 : memref<128x64xf32, #tpu.memory_space<hbm>>)
      tpu.yield
    }) : () -> ()
    return
  }
}

#map = affine_map<(d0, d1) -> (0, 0, 0)>
#map1 = affine_map<(d0, d1) -> (0, 0)>
module attributes {stable_mosaic.version = 14 : i64} {
  func.func @body(%arg0: i32, %arg1: i32, %arg2: memref<32x40x128xi32, #tpu.memory_space<hbm>>, %arg3: memref<128x16xf32, #tpu.memory_space<hbm>>, %arg4: memref<128x16xf32, #tpu.memory_space<hbm>>, %arg5: memref<2x10240x16xf32, #tpu.memory_space<hbm>>, %arg6: memref<40x128xi32, #tpu.memory_space<vmem>>, %arg7: memref<128x16xf32, #tpu.memory_space<vmem>>, %arg8: memref<128x16xf32, #tpu.memory_space<vmem>>, %arg9: memref<10240x16xf32, #tpu.memory_space<vmem_shared>>) attributes {dimension_semantics = [#tpu.dimension_semantics<core_parallel>, #tpu.dimension_semantics<subcore_parallel>], iteration_bounds = array<i64: 2, 16>, scalar_prefetch = 0 : i64, scratch_operands = 4 : i64, tpu.core_type = #tpu.core_type<sc_vector_subcore>, window_params = [{transform_indices = #map}, {transform_indices = #map1}, {transform_indices = #map1}, {transform_indices = #map}]} {
    %mul3A = arith.constant 16 : i32
    %mul3A_0 = arith.muli %arg0, %mul3A : i32
    %add3A = arith.addi %mul3A_0, %arg1 : i32
    "tpu.region"() ({
      %run_scoped3A = tpu.sem_alloc : memref<!tpu.dma_semaphore, #tpu.memory_space<semaphore_mem>>
      %dma_start3A = arith.constant 0 : i32
      %dma_start3A_38 = arith.constant 0 : i32
      %dma_start3A_39 = tpu.memref_slice %arg2[%add3A, %dma_start3A, %dma_start3A_38] : memref<32x40x128xi32, #tpu.memory_space<hbm>> -> memref<1x40x128xi32, #tpu.memory_space<hbm>>
      %dma_start3A_40 = tpu.memref_squeeze %dma_start3A_39 : memref<1x40x128xi32, #tpu.memory_space<hbm>> -> memref<40x128xi32, #tpu.memory_space<hbm>>
      %dma_start3A_41 = arith.constant 0 : i32
      %dma_start3A_42 = arith.constant 0 : i32
      %dma_start3A_43 = tpu.memref_slice %arg2[%add3A, %dma_start3A_41, %dma_start3A_42] : memref<32x40x128xi32, #tpu.memory_space<hbm>> -> memref<1x40x128xi32, #tpu.memory_space<hbm>>
      %dma_start3A_44 = tpu.memref_squeeze %dma_start3A_43 : memref<1x40x128xi32, #tpu.memory_space<hbm>> -> memref<40x128xi32, #tpu.memory_space<hbm>>
      tpu.enqueue_dma source(%dma_start3A_44 : memref<40x128xi32, #tpu.memory_space<hbm>>) target(%arg6 : memref<40x128xi32, #tpu.memory_space<vmem>>) target_semaphore(%run_scoped3A : memref<!tpu.dma_semaphore, #tpu.memory_space<semaphore_mem>>)
      %dma_wait3A = arith.constant 0 : i32
      %dma_wait3A_45 = arith.constant 0 : i32
      %dma_wait3A_46 = tpu.memref_slice %arg2[%add3A, %dma_wait3A, %dma_wait3A_45] : memref<32x40x128xi32, #tpu.memory_space<hbm>> -> memref<1x40x128xi32, #tpu.memory_space<hbm>>
      %dma_wait3A_47 = tpu.memref_squeeze %dma_wait3A_46 : memref<1x40x128xi32, #tpu.memory_space<hbm>> -> memref<40x128xi32, #tpu.memory_space<hbm>>
      %dma_wait3A_48 = arith.constant 0 : i32
      %dma_wait3A_49 = arith.constant 0 : i32
      %dma_wait3A_50 = tpu.memref_slice %arg2[%add3A, %dma_wait3A_48, %dma_wait3A_49] : memref<32x40x128xi32, #tpu.memory_space<hbm>> -> memref<1x40x128xi32, #tpu.memory_space<hbm>>
      %dma_wait3A_51 = tpu.memref_squeeze %dma_wait3A_50 : memref<1x40x128xi32, #tpu.memory_space<hbm>> -> memref<40x128xi32, #tpu.memory_space<hbm>>
      tpu.wait_dma2 semaphore(%run_scoped3A : memref<!tpu.dma_semaphore, #tpu.memory_space<semaphore_mem>>) src(%dma_wait3A_51 : memref<40x128xi32, #tpu.memory_space<hbm>>) dst(%arg6 : memref<40x128xi32, #tpu.memory_space<vmem>>)
      tpu.yield
    }) : () -> ()
    "tpu.region"() ({
      %run_scoped3A = tpu.sem_alloc : memref<!tpu.dma_semaphore, #tpu.memory_space<semaphore_mem>>
      tpu.enqueue_dma source(%arg3 : memref<128x16xf32, #tpu.memory_space<hbm>>) target(%arg7 : memref<128x16xf32, #tpu.memory_space<vmem>>) target_semaphore(%run_scoped3A : memref<!tpu.dma_semaphore, #tpu.memory_space<semaphore_mem>>)
      tpu.wait_dma2 semaphore(%run_scoped3A : memref<!tpu.dma_semaphore, #tpu.memory_space<semaphore_mem>>) src(%arg3 : memref<128x16xf32, #tpu.memory_space<hbm>>) dst(%arg7 : memref<128x16xf32, #tpu.memory_space<vmem>>)
      tpu.yield
    }) : () -> ()
    "tpu.region"() ({
      %run_scoped3A = tpu.sem_alloc : memref<!tpu.dma_semaphore, #tpu.memory_space<semaphore_mem>>
      tpu.enqueue_dma source(%arg4 : memref<128x16xf32, #tpu.memory_space<hbm>>) target(%arg8 : memref<128x16xf32, #tpu.memory_space<vmem>>) target_semaphore(%run_scoped3A : memref<!tpu.dma_semaphore, #tpu.memory_space<semaphore_mem>>)
      tpu.wait_dma2 semaphore(%run_scoped3A : memref<!tpu.dma_semaphore, #tpu.memory_space<semaphore_mem>>) src(%arg4 : memref<128x16xf32, #tpu.memory_space<hbm>>) dst(%arg8 : memref<128x16xf32, #tpu.memory_space<vmem>>)
      tpu.yield
    }) : () -> ()
    %mul3A_1 = arith.constant 640 : i32
    %mul3A_2 = arith.muli %arg1, %mul3A_1 : i32
    %add3A_3 = arith.constant 0 : i32
    %add3A_4 = arith.addi %mul3A_2, %add3A_3 : i32
    "tpu.region"() ({
      %run_scoped3A = tpu.sem_alloc : memref<!tpu.dma_semaphore, #tpu.memory_space<semaphore_mem>>
      %dma_start3A = arith.constant 0 : i32
      %dma_start3A_38 = tpu.memref_slice %arg9[%add3A_4, %dma_start3A] : memref<10240x16xf32, #tpu.memory_space<vmem_shared>> -> memref<128x16xf32, #tpu.memory_space<vmem_shared>>
      %dma_start3A_39 = arith.constant 0 : i32
      %dma_start3A_40 = tpu.memref_slice %arg9[%add3A_4, %dma_start3A_39] : memref<10240x16xf32, #tpu.memory_space<vmem_shared>> -> memref<128x16xf32, #tpu.memory_space<vmem_shared>>
      tpu.enqueue_dma source(%arg8 : memref<128x16xf32, #tpu.memory_space<vmem>>) target(%dma_start3A_40 : memref<128x16xf32, #tpu.memory_space<vmem_shared>>) target_semaphore(%run_scoped3A : memref<!tpu.dma_semaphore, #tpu.memory_space<semaphore_mem>>)
      %dma_wait3A = arith.constant 0 : i32
      %dma_wait3A_41 = tpu.memref_slice %arg9[%add3A_4, %dma_wait3A] : memref<10240x16xf32, #tpu.memory_space<vmem_shared>> -> memref<128x16xf32, #tpu.memory_space<vmem_shared>>
      %dma_wait3A_42 = arith.constant 0 : i32
      %dma_wait3A_43 = tpu.memref_slice %arg9[%add3A_4, %dma_wait3A_42] : memref<10240x16xf32, #tpu.memory_space<vmem_shared>> -> memref<128x16xf32, #tpu.memory_space<vmem_shared>>
      tpu.wait_dma2 semaphore(%run_scoped3A : memref<!tpu.dma_semaphore, #tpu.memory_space<semaphore_mem>>) src(%arg8 : memref<128x16xf32, #tpu.memory_space<vmem>>) dst(%dma_wait3A_43 : memref<128x16xf32, #tpu.memory_space<vmem_shared>>)
      tpu.yield
    }) : () -> ()
    %add3A_5 = arith.constant 128 : i32
    %add3A_6 = arith.addi %mul3A_2, %add3A_5 : i32
    "tpu.region"() ({
      %run_scoped3A = tpu.sem_alloc : memref<!tpu.dma_semaphore, #tpu.memory_space<semaphore_mem>>
      %dma_start3A = arith.constant 0 : i32
      %dma_start3A_38 = tpu.memref_slice %arg9[%add3A_6, %dma_start3A] : memref<10240x16xf32, #tpu.memory_space<vmem_shared>> -> memref<128x16xf32, #tpu.memory_space<vmem_shared>>
      %dma_start3A_39 = arith.constant 0 : i32
      %dma_start3A_40 = tpu.memref_slice %arg9[%add3A_6, %dma_start3A_39] : memref<10240x16xf32, #tpu.memory_space<vmem_shared>> -> memref<128x16xf32, #tpu.memory_space<vmem_shared>>
      tpu.enqueue_dma source(%arg8 : memref<128x16xf32, #tpu.memory_space<vmem>>) target(%dma_start3A_40 : memref<128x16xf32, #tpu.memory_space<vmem_shared>>) target_semaphore(%run_scoped3A : memref<!tpu.dma_semaphore, #tpu.memory_space<semaphore_mem>>)
      %dma_wait3A = arith.constant 0 : i32
      %dma_wait3A_41 = tpu.memref_slice %arg9[%add3A_6, %dma_wait3A] : memref<10240x16xf32, #tpu.memory_space<vmem_shared>> -> memref<128x16xf32, #tpu.memory_space<vmem_shared>>
      %dma_wait3A_42 = arith.constant 0 : i32
      %dma_wait3A_43 = tpu.memref_slice %arg9[%add3A_6, %dma_wait3A_42] : memref<10240x16xf32, #tpu.memory_space<vmem_shared>> -> memref<128x16xf32, #tpu.memory_space<vmem_shared>>
      tpu.wait_dma2 semaphore(%run_scoped3A : memref<!tpu.dma_semaphore, #tpu.memory_space<semaphore_mem>>) src(%arg8 : memref<128x16xf32, #tpu.memory_space<vmem>>) dst(%dma_wait3A_43 : memref<128x16xf32, #tpu.memory_space<vmem_shared>>)
      tpu.yield
    }) : () -> ()
    %add3A_7 = arith.constant 256 : i32
    %add3A_8 = arith.addi %mul3A_2, %add3A_7 : i32
    "tpu.region"() ({
      %run_scoped3A = tpu.sem_alloc : memref<!tpu.dma_semaphore, #tpu.memory_space<semaphore_mem>>
      %dma_start3A = arith.constant 0 : i32
      %dma_start3A_38 = tpu.memref_slice %arg9[%add3A_8, %dma_start3A] : memref<10240x16xf32, #tpu.memory_space<vmem_shared>> -> memref<128x16xf32, #tpu.memory_space<vmem_shared>>
      %dma_start3A_39 = arith.constant 0 : i32
      %dma_start3A_40 = tpu.memref_slice %arg9[%add3A_8, %dma_start3A_39] : memref<10240x16xf32, #tpu.memory_space<vmem_shared>> -> memref<128x16xf32, #tpu.memory_space<vmem_shared>>
      tpu.enqueue_dma source(%arg8 : memref<128x16xf32, #tpu.memory_space<vmem>>) target(%dma_start3A_40 : memref<128x16xf32, #tpu.memory_space<vmem_shared>>) target_semaphore(%run_scoped3A : memref<!tpu.dma_semaphore, #tpu.memory_space<semaphore_mem>>)
      %dma_wait3A = arith.constant 0 : i32
      %dma_wait3A_41 = tpu.memref_slice %arg9[%add3A_8, %dma_wait3A] : memref<10240x16xf32, #tpu.memory_space<vmem_shared>> -> memref<128x16xf32, #tpu.memory_space<vmem_shared>>
      %dma_wait3A_42 = arith.constant 0 : i32
      %dma_wait3A_43 = tpu.memref_slice %arg9[%add3A_8, %dma_wait3A_42] : memref<10240x16xf32, #tpu.memory_space<vmem_shared>> -> memref<128x16xf32, #tpu.memory_space<vmem_shared>>
      tpu.wait_dma2 semaphore(%run_scoped3A : memref<!tpu.dma_semaphore, #tpu.memory_space<semaphore_mem>>) src(%arg8 : memref<128x16xf32, #tpu.memory_space<vmem>>) dst(%dma_wait3A_43 : memref<128x16xf32, #tpu.memory_space<vmem_shared>>)
      tpu.yield
    }) : () -> ()
    %add3A_9 = arith.constant 384 : i32
    %add3A_10 = arith.addi %mul3A_2, %add3A_9 : i32
    "tpu.region"() ({
      %run_scoped3A = tpu.sem_alloc : memref<!tpu.dma_semaphore, #tpu.memory_space<semaphore_mem>>
      %dma_start3A = arith.constant 0 : i32
      %dma_start3A_38 = tpu.memref_slice %arg9[%add3A_10, %dma_start3A] : memref<10240x16xf32, #tpu.memory_space<vmem_shared>> -> memref<128x16xf32, #tpu.memory_space<vmem_shared>>
      %dma_start3A_39 = arith.constant 0 : i32
      %dma_start3A_40 = tpu.memref_slice %arg9[%add3A_10, %dma_start3A_39] : memref<10240x16xf32, #tpu.memory_space<vmem_shared>> -> memref<128x16xf32, #tpu.memory_space<vmem_shared>>
      tpu.enqueue_dma source(%arg8 : memref<128x16xf32, #tpu.memory_space<vmem>>) target(%dma_start3A_40 : memref<128x16xf32, #tpu.memory_space<vmem_shared>>) target_semaphore(%run_scoped3A : memref<!tpu.dma_semaphore, #tpu.memory_space<semaphore_mem>>)
      %dma_wait3A = arith.constant 0 : i32
      %dma_wait3A_41 = tpu.memref_slice %arg9[%add3A_10, %dma_wait3A] : memref<10240x16xf32, #tpu.memory_space<vmem_shared>> -> memref<128x16xf32, #tpu.memory_space<vmem_shared>>
      %dma_wait3A_42 = arith.constant 0 : i32
      %dma_wait3A_43 = tpu.memref_slice %arg9[%add3A_10, %dma_wait3A_42] : memref<10240x16xf32, #tpu.memory_space<vmem_shared>> -> memref<128x16xf32, #tpu.memory_space<vmem_shared>>
      tpu.wait_dma2 semaphore(%run_scoped3A : memref<!tpu.dma_semaphore, #tpu.memory_space<semaphore_mem>>) src(%arg8 : memref<128x16xf32, #tpu.memory_space<vmem>>) dst(%dma_wait3A_43 : memref<128x16xf32, #tpu.memory_space<vmem_shared>>)
      tpu.yield
    }) : () -> ()
    %add3A_11 = arith.constant 512 : i32
    %add3A_12 = arith.addi %mul3A_2, %add3A_11 : i32
    "tpu.region"() ({
      %run_scoped3A = tpu.sem_alloc : memref<!tpu.dma_semaphore, #tpu.memory_space<semaphore_mem>>
      %dma_start3A = arith.constant 0 : i32
      %dma_start3A_38 = tpu.memref_slice %arg9[%add3A_12, %dma_start3A] : memref<10240x16xf32, #tpu.memory_space<vmem_shared>> -> memref<128x16xf32, #tpu.memory_space<vmem_shared>>
      %dma_start3A_39 = arith.constant 0 : i32
      %dma_start3A_40 = tpu.memref_slice %arg9[%add3A_12, %dma_start3A_39] : memref<10240x16xf32, #tpu.memory_space<vmem_shared>> -> memref<128x16xf32, #tpu.memory_space<vmem_shared>>
      tpu.enqueue_dma source(%arg8 : memref<128x16xf32, #tpu.memory_space<vmem>>) target(%dma_start3A_40 : memref<128x16xf32, #tpu.memory_space<vmem_shared>>) target_semaphore(%run_scoped3A : memref<!tpu.dma_semaphore, #tpu.memory_space<semaphore_mem>>)
      %dma_wait3A = arith.constant 0 : i32
      %dma_wait3A_41 = tpu.memref_slice %arg9[%add3A_12, %dma_wait3A] : memref<10240x16xf32, #tpu.memory_space<vmem_shared>> -> memref<128x16xf32, #tpu.memory_space<vmem_shared>>
      %dma_wait3A_42 = arith.constant 0 : i32
      %dma_wait3A_43 = tpu.memref_slice %arg9[%add3A_12, %dma_wait3A_42] : memref<10240x16xf32, #tpu.memory_space<vmem_shared>> -> memref<128x16xf32, #tpu.memory_space<vmem_shared>>
      tpu.wait_dma2 semaphore(%run_scoped3A : memref<!tpu.dma_semaphore, #tpu.memory_space<semaphore_mem>>) src(%arg8 : memref<128x16xf32, #tpu.memory_space<vmem>>) dst(%dma_wait3A_43 : memref<128x16xf32, #tpu.memory_space<vmem_shared>>)
      tpu.yield
    }) : () -> ()
    %barrier3A = arith.constant 0 : index
    tpu.barrier barrier_id(%barrier3A)
    %scan3A = arith.constant 0 : i32
    %scan3A_13 = arith.constant 40 : i32
    %scan3A_14 = arith.addi %scan3A, %scan3A_13 : i32
    %scan3A_15 = arith.constant 1 : i32
    scf.for %scan3A_38 = %scan3A to %scan3A_14 step %scan3A_15  : i32 {
      "tpu.region"() ({
        %run_scoped3A = tpu.sem_alloc : memref<!tpu.dma_semaphore, #tpu.memory_space<semaphore_mem>>
        %dma_start3A = arith.constant 0 : i32
        %dma_start3A_39 = tpu.memref_slice %arg6[%scan3A_38, %dma_start3A] : memref<40x128xi32, #tpu.memory_space<vmem>> -> memref<1x128xi32, #tpu.memory_space<vmem>>
        %dma_start3A_40 = tpu.memref_squeeze %dma_start3A_39 : memref<1x128xi32, #tpu.memory_space<vmem>> -> memref<128xi32, #tpu.memory_space<vmem>>
        %dma_start3A_41 = arith.constant 0 : i32
        %dma_start3A_42 = arith.constant 0 : i32
        %dma_start3A_43 = tpu.memref_slice %arg9[%dma_start3A_41, %dma_start3A_42] : memref<10240x16xf32, #tpu.memory_space<vmem_shared>> -> memref<10240x16xf32, #tpu.memory_space<vmem_shared>>
        tpu.enqueue_indirect_dma source(%arg7 : memref<128x16xf32, #tpu.memory_space<vmem>>) target(%dma_start3A_43 : memref<10240x16xf32, #tpu.memory_space<vmem_shared>>) offsets(%dma_start3A_40 : memref<128xi32, #tpu.memory_space<vmem>>) semaphore(%run_scoped3A : memref<!tpu.dma_semaphore, #tpu.memory_space<semaphore_mem>>) {add = true}
        %dma_wait3A = arith.constant 0 : i32
        %dma_wait3A_44 = tpu.memref_slice %arg6[%scan3A_38, %dma_wait3A] : memref<40x128xi32, #tpu.memory_space<vmem>> -> memref<1x128xi32, #tpu.memory_space<vmem>>
        %dma_wait3A_45 = tpu.memref_squeeze %dma_wait3A_44 : memref<1x128xi32, #tpu.memory_space<vmem>> -> memref<128xi32, #tpu.memory_space<vmem>>
        %dma_wait3A_46 = arith.constant 0 : i32
        %dma_wait3A_47 = arith.constant 0 : i32
        %dma_wait3A_48 = tpu.memref_slice %arg9[%dma_wait3A_46, %dma_wait3A_47] : memref<10240x16xf32, #tpu.memory_space<vmem_shared>> -> memref<10240x16xf32, #tpu.memory_space<vmem_shared>>
        tpu.wait_indirect_dma semaphore(%run_scoped3A : memref<!tpu.dma_semaphore, #tpu.memory_space<semaphore_mem>>) src(%arg7 : memref<128x16xf32, #tpu.memory_space<vmem>>) dst(%dma_wait3A_48 : memref<10240x16xf32, #tpu.memory_space<vmem_shared>>)
        tpu.yield
      }) : () -> ()
    }
    %scan3A_16 = arith.constant 40 : i32
    %barrier3A_17 = arith.constant 0 : index
    tpu.barrier barrier_id(%barrier3A_17)
    %add3A_18 = arith.constant 0 : i32
    %add3A_19 = arith.addi %mul3A_2, %add3A_18 : i32
    "tpu.region"() ({
      %run_scoped3A = tpu.sem_alloc : memref<!tpu.dma_semaphore, #tpu.memory_space<semaphore_mem>>
      %dma_start3A = arith.constant 0 : i32
      %dma_start3A_38 = tpu.memref_slice %arg9[%add3A_19, %dma_start3A] : memref<10240x16xf32, #tpu.memory_space<vmem_shared>> -> memref<128x16xf32, #tpu.memory_space<vmem_shared>>
      %dma_start3A_39 = arith.constant 0 : i32
      %dma_start3A_40 = tpu.memref_slice %arg9[%add3A_19, %dma_start3A_39] : memref<10240x16xf32, #tpu.memory_space<vmem_shared>> -> memref<128x16xf32, #tpu.memory_space<vmem_shared>>
      tpu.enqueue_dma source(%dma_start3A_40 : memref<128x16xf32, #tpu.memory_space<vmem_shared>>) target(%arg8 : memref<128x16xf32, #tpu.memory_space<vmem>>) target_semaphore(%run_scoped3A : memref<!tpu.dma_semaphore, #tpu.memory_space<semaphore_mem>>)
      %dma_wait3A = arith.constant 0 : i32
      %dma_wait3A_41 = tpu.memref_slice %arg9[%add3A_19, %dma_wait3A] : memref<10240x16xf32, #tpu.memory_space<vmem_shared>> -> memref<128x16xf32, #tpu.memory_space<vmem_shared>>
      %dma_wait3A_42 = arith.constant 0 : i32
      %dma_wait3A_43 = tpu.memref_slice %arg9[%add3A_19, %dma_wait3A_42] : memref<10240x16xf32, #tpu.memory_space<vmem_shared>> -> memref<128x16xf32, #tpu.memory_space<vmem_shared>>
      tpu.wait_dma2 semaphore(%run_scoped3A : memref<!tpu.dma_semaphore, #tpu.memory_space<semaphore_mem>>) src(%dma_wait3A_43 : memref<128x16xf32, #tpu.memory_space<vmem_shared>>) dst(%arg8 : memref<128x16xf32, #tpu.memory_space<vmem>>)
      tpu.yield
    }) : () -> ()
    %add3A_20 = arith.constant 0 : i32
    %add3A_21 = arith.addi %mul3A_2, %add3A_20 : i32
    "tpu.region"() ({
      %run_scoped3A = tpu.sem_alloc : memref<!tpu.dma_semaphore, #tpu.memory_space<semaphore_mem>>
      %dma_start3A = arith.constant 0 : i32
      %dma_start3A_38 = tpu.memref_slice %arg5[%arg0, %add3A_21, %dma_start3A] : memref<2x10240x16xf32, #tpu.memory_space<hbm>> -> memref<1x128x16xf32, #tpu.memory_space<hbm>>
      %dma_start3A_39 = tpu.memref_squeeze %dma_start3A_38 : memref<1x128x16xf32, #tpu.memory_space<hbm>> -> memref<128x16xf32, #tpu.memory_space<hbm>>
      %dma_start3A_40 = arith.constant 0 : i32
      %dma_start3A_41 = tpu.memref_slice %arg5[%arg0, %add3A_21, %dma_start3A_40] : memref<2x10240x16xf32, #tpu.memory_space<hbm>> -> memref<1x128x16xf32, #tpu.memory_space<hbm>>
      %dma_start3A_42 = tpu.memref_squeeze %dma_start3A_41 : memref<1x128x16xf32, #tpu.memory_space<hbm>> -> memref<128x16xf32, #tpu.memory_space<hbm>>
      tpu.enqueue_dma source(%arg8 : memref<128x16xf32, #tpu.memory_space<vmem>>) target(%dma_start3A_42 : memref<128x16xf32, #tpu.memory_space<hbm>>) target_semaphore(%run_scoped3A : memref<!tpu.dma_semaphore, #tpu.memory_space<semaphore_mem>>)
      %dma_wait3A = arith.constant 0 : i32
      %dma_wait3A_43 = tpu.memref_slice %arg5[%arg0, %add3A_21, %dma_wait3A] : memref<2x10240x16xf32, #tpu.memory_space<hbm>> -> memref<1x128x16xf32, #tpu.memory_space<hbm>>
      %dma_wait3A_44 = tpu.memref_squeeze %dma_wait3A_43 : memref<1x128x16xf32, #tpu.memory_space<hbm>> -> memref<128x16xf32, #tpu.memory_space<hbm>>
      %dma_wait3A_45 = arith.constant 0 : i32
      %dma_wait3A_46 = tpu.memref_slice %arg5[%arg0, %add3A_21, %dma_wait3A_45] : memref<2x10240x16xf32, #tpu.memory_space<hbm>> -> memref<1x128x16xf32, #tpu.memory_space<hbm>>
      %dma_wait3A_47 = tpu.memref_squeeze %dma_wait3A_46 : memref<1x128x16xf32, #tpu.memory_space<hbm>> -> memref<128x16xf32, #tpu.memory_space<hbm>>
      tpu.wait_dma2 semaphore(%run_scoped3A : memref<!tpu.dma_semaphore, #tpu.memory_space<semaphore_mem>>) src(%arg8 : memref<128x16xf32, #tpu.memory_space<vmem>>) dst(%dma_wait3A_47 : memref<128x16xf32, #tpu.memory_space<hbm>>)
      tpu.yield
    }) : () -> ()
    %add3A_22 = arith.constant 128 : i32
    %add3A_23 = arith.addi %mul3A_2, %add3A_22 : i32
    "tpu.region"() ({
      %run_scoped3A = tpu.sem_alloc : memref<!tpu.dma_semaphore, #tpu.memory_space<semaphore_mem>>
      %dma_start3A = arith.constant 0 : i32
      %dma_start3A_38 = tpu.memref_slice %arg9[%add3A_23, %dma_start3A] : memref<10240x16xf32, #tpu.memory_space<vmem_shared>> -> memref<128x16xf32, #tpu.memory_space<vmem_shared>>
      %dma_start3A_39 = arith.constant 0 : i32
      %dma_start3A_40 = tpu.memref_slice %arg9[%add3A_23, %dma_start3A_39] : memref<10240x16xf32, #tpu.memory_space<vmem_shared>> -> memref<128x16xf32, #tpu.memory_space<vmem_shared>>
      tpu.enqueue_dma source(%dma_start3A_40 : memref<128x16xf32, #tpu.memory_space<vmem_shared>>) target(%arg8 : memref<128x16xf32, #tpu.memory_space<vmem>>) target_semaphore(%run_scoped3A : memref<!tpu.dma_semaphore, #tpu.memory_space<semaphore_mem>>)
      %dma_wait3A = arith.constant 0 : i32
      %dma_wait3A_41 = tpu.memref_slice %arg9[%add3A_23, %dma_wait3A] : memref<10240x16xf32, #tpu.memory_space<vmem_shared>> -> memref<128x16xf32, #tpu.memory_space<vmem_shared>>
      %dma_wait3A_42 = arith.constant 0 : i32
      %dma_wait3A_43 = tpu.memref_slice %arg9[%add3A_23, %dma_wait3A_42] : memref<10240x16xf32, #tpu.memory_space<vmem_shared>> -> memref<128x16xf32, #tpu.memory_space<vmem_shared>>
      tpu.wait_dma2 semaphore(%run_scoped3A : memref<!tpu.dma_semaphore, #tpu.memory_space<semaphore_mem>>) src(%dma_wait3A_43 : memref<128x16xf32, #tpu.memory_space<vmem_shared>>) dst(%arg8 : memref<128x16xf32, #tpu.memory_space<vmem>>)
      tpu.yield
    }) : () -> ()
    %add3A_24 = arith.constant 128 : i32
    %add3A_25 = arith.addi %mul3A_2, %add3A_24 : i32
    "tpu.region"() ({
      %run_scoped3A = tpu.sem_alloc : memref<!tpu.dma_semaphore, #tpu.memory_space<semaphore_mem>>
      %dma_start3A = arith.constant 0 : i32
      %dma_start3A_38 = tpu.memref_slice %arg5[%arg0, %add3A_25, %dma_start3A] : memref<2x10240x16xf32, #tpu.memory_space<hbm>> -> memref<1x128x16xf32, #tpu.memory_space<hbm>>
      %dma_start3A_39 = tpu.memref_squeeze %dma_start3A_38 : memref<1x128x16xf32, #tpu.memory_space<hbm>> -> memref<128x16xf32, #tpu.memory_space<hbm>>
      %dma_start3A_40 = arith.constant 0 : i32
      %dma_start3A_41 = tpu.memref_slice %arg5[%arg0, %add3A_25, %dma_start3A_40] : memref<2x10240x16xf32, #tpu.memory_space<hbm>> -> memref<1x128x16xf32, #tpu.memory_space<hbm>>
      %dma_start3A_42 = tpu.memref_squeeze %dma_start3A_41 : memref<1x128x16xf32, #tpu.memory_space<hbm>> -> memref<128x16xf32, #tpu.memory_space<hbm>>
      tpu.enqueue_dma source(%arg8 : memref<128x16xf32, #tpu.memory_space<vmem>>) target(%dma_start3A_42 : memref<128x16xf32, #tpu.memory_space<hbm>>) target_semaphore(%run_scoped3A : memref<!tpu.dma_semaphore, #tpu.memory_space<semaphore_mem>>)
      %dma_wait3A = arith.constant 0 : i32
      %dma_wait3A_43 = tpu.memref_slice %arg5[%arg0, %add3A_25, %dma_wait3A] : memref<2x10240x16xf32, #tpu.memory_space<hbm>> -> memref<1x128x16xf32, #tpu.memory_space<hbm>>
      %dma_wait3A_44 = tpu.memref_squeeze %dma_wait3A_43 : memref<1x128x16xf32, #tpu.memory_space<hbm>> -> memref<128x16xf32, #tpu.memory_space<hbm>>
      %dma_wait3A_45 = arith.constant 0 : i32
      %dma_wait3A_46 = tpu.memref_slice %arg5[%arg0, %add3A_25, %dma_wait3A_45] : memref<2x10240x16xf32, #tpu.memory_space<hbm>> -> memref<1x128x16xf32, #tpu.memory_space<hbm>>
      %dma_wait3A_47 = tpu.memref_squeeze %dma_wait3A_46 : memref<1x128x16xf32, #tpu.memory_space<hbm>> -> memref<128x16xf32, #tpu.memory_space<hbm>>
      tpu.wait_dma2 semaphore(%run_scoped3A : memref<!tpu.dma_semaphore, #tpu.memory_space<semaphore_mem>>) src(%arg8 : memref<128x16xf32, #tpu.memory_space<vmem>>) dst(%dma_wait3A_47 : memref<128x16xf32, #tpu.memory_space<hbm>>)
      tpu.yield
    }) : () -> ()
    %add3A_26 = arith.constant 256 : i32
    %add3A_27 = arith.addi %mul3A_2, %add3A_26 : i32
    "tpu.region"() ({
      %run_scoped3A = tpu.sem_alloc : memref<!tpu.dma_semaphore, #tpu.memory_space<semaphore_mem>>
      %dma_start3A = arith.constant 0 : i32
      %dma_start3A_38 = tpu.memref_slice %arg9[%add3A_27, %dma_start3A] : memref<10240x16xf32, #tpu.memory_space<vmem_shared>> -> memref<128x16xf32, #tpu.memory_space<vmem_shared>>
      %dma_start3A_39 = arith.constant 0 : i32
      %dma_start3A_40 = tpu.memref_slice %arg9[%add3A_27, %dma_start3A_39] : memref<10240x16xf32, #tpu.memory_space<vmem_shared>> -> memref<128x16xf32, #tpu.memory_space<vmem_shared>>
      tpu.enqueue_dma source(%dma_start3A_40 : memref<128x16xf32, #tpu.memory_space<vmem_shared>>) target(%arg8 : memref<128x16xf32, #tpu.memory_space<vmem>>) target_semaphore(%run_scoped3A : memref<!tpu.dma_semaphore, #tpu.memory_space<semaphore_mem>>)
      %dma_wait3A = arith.constant 0 : i32
      %dma_wait3A_41 = tpu.memref_slice %arg9[%add3A_27, %dma_wait3A] : memref<10240x16xf32, #tpu.memory_space<vmem_shared>> -> memref<128x16xf32, #tpu.memory_space<vmem_shared>>
      %dma_wait3A_42 = arith.constant 0 : i32
      %dma_wait3A_43 = tpu.memref_slice %arg9[%add3A_27, %dma_wait3A_42] : memref<10240x16xf32, #tpu.memory_space<vmem_shared>> -> memref<128x16xf32, #tpu.memory_space<vmem_shared>>
      tpu.wait_dma2 semaphore(%run_scoped3A : memref<!tpu.dma_semaphore, #tpu.memory_space<semaphore_mem>>) src(%dma_wait3A_43 : memref<128x16xf32, #tpu.memory_space<vmem_shared>>) dst(%arg8 : memref<128x16xf32, #tpu.memory_space<vmem>>)
      tpu.yield
    }) : () -> ()
    %add3A_28 = arith.constant 256 : i32
    %add3A_29 = arith.addi %mul3A_2, %add3A_28 : i32
    "tpu.region"() ({
      %run_scoped3A = tpu.sem_alloc : memref<!tpu.dma_semaphore, #tpu.memory_space<semaphore_mem>>
      %dma_start3A = arith.constant 0 : i32
      %dma_start3A_38 = tpu.memref_slice %arg5[%arg0, %add3A_29, %dma_start3A] : memref<2x10240x16xf32, #tpu.memory_space<hbm>> -> memref<1x128x16xf32, #tpu.memory_space<hbm>>
      %dma_start3A_39 = tpu.memref_squeeze %dma_start3A_38 : memref<1x128x16xf32, #tpu.memory_space<hbm>> -> memref<128x16xf32, #tpu.memory_space<hbm>>
      %dma_start3A_40 = arith.constant 0 : i32
      %dma_start3A_41 = tpu.memref_slice %arg5[%arg0, %add3A_29, %dma_start3A_40] : memref<2x10240x16xf32, #tpu.memory_space<hbm>> -> memref<1x128x16xf32, #tpu.memory_space<hbm>>
      %dma_start3A_42 = tpu.memref_squeeze %dma_start3A_41 : memref<1x128x16xf32, #tpu.memory_space<hbm>> -> memref<128x16xf32, #tpu.memory_space<hbm>>
      tpu.enqueue_dma source(%arg8 : memref<128x16xf32, #tpu.memory_space<vmem>>) target(%dma_start3A_42 : memref<128x16xf32, #tpu.memory_space<hbm>>) target_semaphore(%run_scoped3A : memref<!tpu.dma_semaphore, #tpu.memory_space<semaphore_mem>>)
      %dma_wait3A = arith.constant 0 : i32
      %dma_wait3A_43 = tpu.memref_slice %arg5[%arg0, %add3A_29, %dma_wait3A] : memref<2x10240x16xf32, #tpu.memory_space<hbm>> -> memref<1x128x16xf32, #tpu.memory_space<hbm>>
      %dma_wait3A_44 = tpu.memref_squeeze %dma_wait3A_43 : memref<1x128x16xf32, #tpu.memory_space<hbm>> -> memref<128x16xf32, #tpu.memory_space<hbm>>
      %dma_wait3A_45 = arith.constant 0 : i32
      %dma_wait3A_46 = tpu.memref_slice %arg5[%arg0, %add3A_29, %dma_wait3A_45] : memref<2x10240x16xf32, #tpu.memory_space<hbm>> -> memref<1x128x16xf32, #tpu.memory_space<hbm>>
      %dma_wait3A_47 = tpu.memref_squeeze %dma_wait3A_46 : memref<1x128x16xf32, #tpu.memory_space<hbm>> -> memref<128x16xf32, #tpu.memory_space<hbm>>
      tpu.wait_dma2 semaphore(%run_scoped3A : memref<!tpu.dma_semaphore, #tpu.memory_space<semaphore_mem>>) src(%arg8 : memref<128x16xf32, #tpu.memory_space<vmem>>) dst(%dma_wait3A_47 : memref<128x16xf32, #tpu.memory_space<hbm>>)
      tpu.yield
    }) : () -> ()
    %add3A_30 = arith.constant 384 : i32
    %add3A_31 = arith.addi %mul3A_2, %add3A_30 : i32
    "tpu.region"() ({
      %run_scoped3A = tpu.sem_alloc : memref<!tpu.dma_semaphore, #tpu.memory_space<semaphore_mem>>
      %dma_start3A = arith.constant 0 : i32
      %dma_start3A_38 = tpu.memref_slice %arg9[%add3A_31, %dma_start3A] : memref<10240x16xf32, #tpu.memory_space<vmem_shared>> -> memref<128x16xf32, #tpu.memory_space<vmem_shared>>
      %dma_start3A_39 = arith.constant 0 : i32
      %dma_start3A_40 = tpu.memref_slice %arg9[%add3A_31, %dma_start3A_39] : memref<10240x16xf32, #tpu.memory_space<vmem_shared>> -> memref<128x16xf32, #tpu.memory_space<vmem_shared>>
      tpu.enqueue_dma source(%dma_start3A_40 : memref<128x16xf32, #tpu.memory_space<vmem_shared>>) target(%arg8 : memref<128x16xf32, #tpu.memory_space<vmem>>) target_semaphore(%run_scoped3A : memref<!tpu.dma_semaphore, #tpu.memory_space<semaphore_mem>>)
      %dma_wait3A = arith.constant 0 : i32
      %dma_wait3A_41 = tpu.memref_slice %arg9[%add3A_31, %dma_wait3A] : memref<10240x16xf32, #tpu.memory_space<vmem_shared>> -> memref<128x16xf32, #tpu.memory_space<vmem_shared>>
      %dma_wait3A_42 = arith.constant 0 : i32
      %dma_wait3A_43 = tpu.memref_slice %arg9[%add3A_31, %dma_wait3A_42] : memref<10240x16xf32, #tpu.memory_space<vmem_shared>> -> memref<128x16xf32, #tpu.memory_space<vmem_shared>>
      tpu.wait_dma2 semaphore(%run_scoped3A : memref<!tpu.dma_semaphore, #tpu.memory_space<semaphore_mem>>) src(%dma_wait3A_43 : memref<128x16xf32, #tpu.memory_space<vmem_shared>>) dst(%arg8 : memref<128x16xf32, #tpu.memory_space<vmem>>)
      tpu.yield
    }) : () -> ()
    %add3A_32 = arith.constant 384 : i32
    %add3A_33 = arith.addi %mul3A_2, %add3A_32 : i32
    "tpu.region"() ({
      %run_scoped3A = tpu.sem_alloc : memref<!tpu.dma_semaphore, #tpu.memory_space<semaphore_mem>>
      %dma_start3A = arith.constant 0 : i32
      %dma_start3A_38 = tpu.memref_slice %arg5[%arg0, %add3A_33, %dma_start3A] : memref<2x10240x16xf32, #tpu.memory_space<hbm>> -> memref<1x128x16xf32, #tpu.memory_space<hbm>>
      %dma_start3A_39 = tpu.memref_squeeze %dma_start3A_38 : memref<1x128x16xf32, #tpu.memory_space<hbm>> -> memref<128x16xf32, #tpu.memory_space<hbm>>
      %dma_start3A_40 = arith.constant 0 : i32
      %dma_start3A_41 = tpu.memref_slice %arg5[%arg0, %add3A_33, %dma_start3A_40] : memref<2x10240x16xf32, #tpu.memory_space<hbm>> -> memref<1x128x16xf32, #tpu.memory_space<hbm>>
      %dma_start3A_42 = tpu.memref_squeeze %dma_start3A_41 : memref<1x128x16xf32, #tpu.memory_space<hbm>> -> memref<128x16xf32, #tpu.memory_space<hbm>>
      tpu.enqueue_dma source(%arg8 : memref<128x16xf32, #tpu.memory_space<vmem>>) target(%dma_start3A_42 : memref<128x16xf32, #tpu.memory_space<hbm>>) target_semaphore(%run_scoped3A : memref<!tpu.dma_semaphore, #tpu.memory_space<semaphore_mem>>)
      %dma_wait3A = arith.constant 0 : i32
      %dma_wait3A_43 = tpu.memref_slice %arg5[%arg0, %add3A_33, %dma_wait3A] : memref<2x10240x16xf32, #tpu.memory_space<hbm>> -> memref<1x128x16xf32, #tpu.memory_space<hbm>>
      %dma_wait3A_44 = tpu.memref_squeeze %dma_wait3A_43 : memref<1x128x16xf32, #tpu.memory_space<hbm>> -> memref<128x16xf32, #tpu.memory_space<hbm>>
      %dma_wait3A_45 = arith.constant 0 : i32
      %dma_wait3A_46 = tpu.memref_slice %arg5[%arg0, %add3A_33, %dma_wait3A_45] : memref<2x10240x16xf32, #tpu.memory_space<hbm>> -> memref<1x128x16xf32, #tpu.memory_space<hbm>>
      %dma_wait3A_47 = tpu.memref_squeeze %dma_wait3A_46 : memref<1x128x16xf32, #tpu.memory_space<hbm>> -> memref<128x16xf32, #tpu.memory_space<hbm>>
      tpu.wait_dma2 semaphore(%run_scoped3A : memref<!tpu.dma_semaphore, #tpu.memory_space<semaphore_mem>>) src(%arg8 : memref<128x16xf32, #tpu.memory_space<vmem>>) dst(%dma_wait3A_47 : memref<128x16xf32, #tpu.memory_space<hbm>>)
      tpu.yield
    }) : () -> ()
    %add3A_34 = arith.constant 512 : i32
    %add3A_35 = arith.addi %mul3A_2, %add3A_34 : i32
    "tpu.region"() ({
      %run_scoped3A = tpu.sem_alloc : memref<!tpu.dma_semaphore, #tpu.memory_space<semaphore_mem>>
      %dma_start3A = arith.constant 0 : i32
      %dma_start3A_38 = tpu.memref_slice %arg9[%add3A_35, %dma_start3A] : memref<10240x16xf32, #tpu.memory_space<vmem_shared>> -> memref<128x16xf32, #tpu.memory_space<vmem_shared>>
      %dma_start3A_39 = arith.constant 0 : i32
      %dma_start3A_40 = tpu.memref_slice %arg9[%add3A_35, %dma_start3A_39] : memref<10240x16xf32, #tpu.memory_space<vmem_shared>> -> memref<128x16xf32, #tpu.memory_space<vmem_shared>>
      tpu.enqueue_dma source(%dma_start3A_40 : memref<128x16xf32, #tpu.memory_space<vmem_shared>>) target(%arg8 : memref<128x16xf32, #tpu.memory_space<vmem>>) target_semaphore(%run_scoped3A : memref<!tpu.dma_semaphore, #tpu.memory_space<semaphore_mem>>)
      %dma_wait3A = arith.constant 0 : i32
      %dma_wait3A_41 = tpu.memref_slice %arg9[%add3A_35, %dma_wait3A] : memref<10240x16xf32, #tpu.memory_space<vmem_shared>> -> memref<128x16xf32, #tpu.memory_space<vmem_shared>>
      %dma_wait3A_42 = arith.constant 0 : i32
      %dma_wait3A_43 = tpu.memref_slice %arg9[%add3A_35, %dma_wait3A_42] : memref<10240x16xf32, #tpu.memory_space<vmem_shared>> -> memref<128x16xf32, #tpu.memory_space<vmem_shared>>
      tpu.wait_dma2 semaphore(%run_scoped3A : memref<!tpu.dma_semaphore, #tpu.memory_space<semaphore_mem>>) src(%dma_wait3A_43 : memref<128x16xf32, #tpu.memory_space<vmem_shared>>) dst(%arg8 : memref<128x16xf32, #tpu.memory_space<vmem>>)
      tpu.yield
    }) : () -> ()
    %add3A_36 = arith.constant 512 : i32
    %add3A_37 = arith.addi %mul3A_2, %add3A_36 : i32
    "tpu.region"() ({
      %run_scoped3A = tpu.sem_alloc : memref<!tpu.dma_semaphore, #tpu.memory_space<semaphore_mem>>
      %dma_start3A = arith.constant 0 : i32
      %dma_start3A_38 = tpu.memref_slice %arg5[%arg0, %add3A_37, %dma_start3A] : memref<2x10240x16xf32, #tpu.memory_space<hbm>> -> memref<1x128x16xf32, #tpu.memory_space<hbm>>
      %dma_start3A_39 = tpu.memref_squeeze %dma_start3A_38 : memref<1x128x16xf32, #tpu.memory_space<hbm>> -> memref<128x16xf32, #tpu.memory_space<hbm>>
      %dma_start3A_40 = arith.constant 0 : i32
      %dma_start3A_41 = tpu.memref_slice %arg5[%arg0, %add3A_37, %dma_start3A_40] : memref<2x10240x16xf32, #tpu.memory_space<hbm>> -> memref<1x128x16xf32, #tpu.memory_space<hbm>>
      %dma_start3A_42 = tpu.memref_squeeze %dma_start3A_41 : memref<1x128x16xf32, #tpu.memory_space<hbm>> -> memref<128x16xf32, #tpu.memory_space<hbm>>
      tpu.enqueue_dma source(%arg8 : memref<128x16xf32, #tpu.memory_space<vmem>>) target(%dma_start3A_42 : memref<128x16xf32, #tpu.memory_space<hbm>>) target_semaphore(%run_scoped3A : memref<!tpu.dma_semaphore, #tpu.memory_space<semaphore_mem>>)
      %dma_wait3A = arith.constant 0 : i32
      %dma_wait3A_43 = tpu.memref_slice %arg5[%arg0, %add3A_37, %dma_wait3A] : memref<2x10240x16xf32, #tpu.memory_space<hbm>> -> memref<1x128x16xf32, #tpu.memory_space<hbm>>
      %dma_wait3A_44 = tpu.memref_squeeze %dma_wait3A_43 : memref<1x128x16xf32, #tpu.memory_space<hbm>> -> memref<128x16xf32, #tpu.memory_space<hbm>>
      %dma_wait3A_45 = arith.constant 0 : i32
      %dma_wait3A_46 = tpu.memref_slice %arg5[%arg0, %add3A_37, %dma_wait3A_45] : memref<2x10240x16xf32, #tpu.memory_space<hbm>> -> memref<1x128x16xf32, #tpu.memory_space<hbm>>
      %dma_wait3A_47 = tpu.memref_squeeze %dma_wait3A_46 : memref<1x128x16xf32, #tpu.memory_space<hbm>> -> memref<128x16xf32, #tpu.memory_space<hbm>>
      tpu.wait_dma2 semaphore(%run_scoped3A : memref<!tpu.dma_semaphore, #tpu.memory_space<semaphore_mem>>) src(%arg8 : memref<128x16xf32, #tpu.memory_space<vmem>>) dst(%dma_wait3A_47 : memref<128x16xf32, #tpu.memory_space<hbm>>)
      tpu.yield
    }) : () -> ()
    return
  }
}

#map = affine_map<(d0, d1) -> (0, 0)>
#map1 = affine_map<(d0, d1) -> (0, 0, 0)>
module attributes {stable_mosaic.version = 14 : i64} {
  func.func @body(%arg0: i32, %arg1: i32, %arg2: memref<10240x64xf32, #tpu.memory_space<hbm>>, %arg3: memref<32x40x128xi32, #tpu.memory_space<hbm>>, %arg4: memref<32x40x128xi32, #tpu.memory_space<hbm>>, %arg5: memref<128x64xf32, #tpu.memory_space<hbm>>, %arg6: memref<2x10240x64xf32, #tpu.memory_space<hbm>>, %arg7: memref<40x128xi32, #tpu.memory_space<vmem>>, %arg8: memref<40x128xi32, #tpu.memory_space<vmem>>, %arg9: memref<4x128x64xf32, #tpu.memory_space<vmem>>, %arg10: memref<128x64xf32, #tpu.memory_space<vmem>>, %arg11: memref<10240x64xf32, #tpu.memory_space<vmem_shared>>, %arg12: memref<!tpu.dma_semaphore, #tpu.memory_space<semaphore_mem>>, %arg13: memref<!tpu.dma_semaphore, #tpu.memory_space<semaphore_mem>>, %arg14: memref<!tpu.dma_semaphore, #tpu.memory_space<semaphore_mem>>, %arg15: memref<!tpu.dma_semaphore, #tpu.memory_space<semaphore_mem>>) attributes {dimension_semantics = [#tpu.dimension_semantics<core_parallel>, #tpu.dimension_semantics<subcore_parallel>], iteration_bounds = array<i64: 2, 16>, scalar_prefetch = 0 : i64, scratch_operands = 9 : i64, tpu.core_type = #tpu.core_type<sc_vector_subcore>, window_params = [{transform_indices = #map}, {transform_indices = #map1}, {transform_indices = #map1}, {transform_indices = #map}, {transform_indices = #map1}]} {
    %mul3A = arith.constant 16 : i32
    %mul3A_0 = arith.muli %arg0, %mul3A : i32
    %add3A = arith.addi %mul3A_0, %arg1 : i32
    "tpu.region"() ({
      %run_scoped3A_139 = tpu.sem_alloc : memref<!tpu.dma_semaphore, #tpu.memory_space<semaphore_mem>>
      %dma_start3A_140 = arith.constant 0 : i32
      %dma_start3A_141 = arith.constant 0 : i32
      %dma_start3A_142 = tpu.memref_slice %arg3[%add3A, %dma_start3A_140, %dma_start3A_141] : memref<32x40x128xi32, #tpu.memory_space<hbm>> -> memref<1x40x128xi32, #tpu.memory_space<hbm>>
      %dma_start3A_143 = tpu.memref_squeeze %dma_start3A_142 : memref<1x40x128xi32, #tpu.memory_space<hbm>> -> memref<40x128xi32, #tpu.memory_space<hbm>>
      %dma_start3A_144 = arith.constant 0 : i32
      %dma_start3A_145 = arith.constant 0 : i32
      %dma_start3A_146 = tpu.memref_slice %arg3[%add3A, %dma_start3A_144, %dma_start3A_145] : memref<32x40x128xi32, #tpu.memory_space<hbm>> -> memref<1x40x128xi32, #tpu.memory_space<hbm>>
      %dma_start3A_147 = tpu.memref_squeeze %dma_start3A_146 : memref<1x40x128xi32, #tpu.memory_space<hbm>> -> memref<40x128xi32, #tpu.memory_space<hbm>>
      tpu.enqueue_dma source(%dma_start3A_147 : memref<40x128xi32, #tpu.memory_space<hbm>>) target(%arg7 : memref<40x128xi32, #tpu.memory_space<vmem>>) target_semaphore(%run_scoped3A_139 : memref<!tpu.dma_semaphore, #tpu.memory_space<semaphore_mem>>)
      %dma_wait3A_148 = arith.constant 0 : i32
      %dma_wait3A_149 = arith.constant 0 : i32
      %dma_wait3A_150 = tpu.memref_slice %arg3[%add3A, %dma_wait3A_148, %dma_wait3A_149] : memref<32x40x128xi32, #tpu.memory_space<hbm>> -> memref<1x40x128xi32, #tpu.memory_space<hbm>>
      %dma_wait3A_151 = tpu.memref_squeeze %dma_wait3A_150 : memref<1x40x128xi32, #tpu.memory_space<hbm>> -> memref<40x128xi32, #tpu.memory_space<hbm>>
      %dma_wait3A_152 = arith.constant 0 : i32
      %dma_wait3A_153 = arith.constant 0 : i32
      %dma_wait3A_154 = tpu.memref_slice %arg3[%add3A, %dma_wait3A_152, %dma_wait3A_153] : memref<32x40x128xi32, #tpu.memory_space<hbm>> -> memref<1x40x128xi32, #tpu.memory_space<hbm>>
      %dma_wait3A_155 = tpu.memref_squeeze %dma_wait3A_154 : memref<1x40x128xi32, #tpu.memory_space<hbm>> -> memref<40x128xi32, #tpu.memory_space<hbm>>
      tpu.wait_dma2 semaphore(%run_scoped3A_139 : memref<!tpu.dma_semaphore, #tpu.memory_space<semaphore_mem>>) src(%dma_wait3A_155 : memref<40x128xi32, #tpu.memory_space<hbm>>) dst(%arg7 : memref<40x128xi32, #tpu.memory_space<vmem>>)
      tpu.yield
    }) : () -> ()
    "tpu.region"() ({
      %run_scoped3A_139 = tpu.sem_alloc : memref<!tpu.dma_semaphore, #tpu.memory_space<semaphore_mem>>
      %dma_start3A_140 = arith.constant 0 : i32
      %dma_start3A_141 = arith.constant 0 : i32
      %dma_start3A_142 = tpu.memref_slice %arg4[%add3A, %dma_start3A_140, %dma_start3A_141] : memref<32x40x128xi32, #tpu.memory_space<hbm>> -> memref<1x40x128xi32, #tpu.memory_space<hbm>>
      %dma_start3A_143 = tpu.memref_squeeze %dma_start3A_142 : memref<1x40x128xi32, #tpu.memory_space<hbm>> -> memref<40x128xi32, #tpu.memory_space<hbm>>
      %dma_start3A_144 = arith.constant 0 : i32
      %dma_start3A_145 = arith.constant 0 : i32
      %dma_start3A_146 = tpu.memref_slice %arg4[%add3A, %dma_start3A_144, %dma_start3A_145] : memref<32x40x128xi32, #tpu.memory_space<hbm>> -> memref<1x40x128xi32, #tpu.memory_space<hbm>>
      %dma_start3A_147 = tpu.memref_squeeze %dma_start3A_146 : memref<1x40x128xi32, #tpu.memory_space<hbm>> -> memref<40x128xi32, #tpu.memory_space<hbm>>
      tpu.enqueue_dma source(%dma_start3A_147 : memref<40x128xi32, #tpu.memory_space<hbm>>) target(%arg8 : memref<40x128xi32, #tpu.memory_space<vmem>>) target_semaphore(%run_scoped3A_139 : memref<!tpu.dma_semaphore, #tpu.memory_space<semaphore_mem>>)
      %dma_wait3A_148 = arith.constant 0 : i32
      %dma_wait3A_149 = arith.constant 0 : i32
      %dma_wait3A_150 = tpu.memref_slice %arg4[%add3A, %dma_wait3A_148, %dma_wait3A_149] : memref<32x40x128xi32, #tpu.memory_space<hbm>> -> memref<1x40x128xi32, #tpu.memory_space<hbm>>
      %dma_wait3A_151 = tpu.memref_squeeze %dma_wait3A_150 : memref<1x40x128xi32, #tpu.memory_space<hbm>> -> memref<40x128xi32, #tpu.memory_space<hbm>>
      %dma_wait3A_152 = arith.constant 0 : i32
      %dma_wait3A_153 = arith.constant 0 : i32
      %dma_wait3A_154 = tpu.memref_slice %arg4[%add3A, %dma_wait3A_152, %dma_wait3A_153] : memref<32x40x128xi32, #tpu.memory_space<hbm>> -> memref<1x40x128xi32, #tpu.memory_space<hbm>>
      %dma_wait3A_155 = tpu.memref_squeeze %dma_wait3A_154 : memref<1x40x128xi32, #tpu.memory_space<hbm>> -> memref<40x128xi32, #tpu.memory_space<hbm>>
      tpu.wait_dma2 semaphore(%run_scoped3A_139 : memref<!tpu.dma_semaphore, #tpu.memory_space<semaphore_mem>>) src(%dma_wait3A_155 : memref<40x128xi32, #tpu.memory_space<hbm>>) dst(%arg8 : memref<40x128xi32, #tpu.memory_space<vmem>>)
      tpu.yield
    }) : () -> ()
    "tpu.region"() ({
      %run_scoped3A_139 = tpu.sem_alloc : memref<!tpu.dma_semaphore, #tpu.memory_space<semaphore_mem>>
      tpu.enqueue_dma source(%arg5 : memref<128x64xf32, #tpu.memory_space<hbm>>) target(%arg10 : memref<128x64xf32, #tpu.memory_space<vmem>>) target_semaphore(%run_scoped3A_139 : memref<!tpu.dma_semaphore, #tpu.memory_space<semaphore_mem>>)
      tpu.wait_dma2 semaphore(%run_scoped3A_139 : memref<!tpu.dma_semaphore, #tpu.memory_space<semaphore_mem>>) src(%arg5 : memref<128x64xf32, #tpu.memory_space<hbm>>) dst(%arg10 : memref<128x64xf32, #tpu.memory_space<vmem>>)
      tpu.yield
    }) : () -> ()
    %mul3A_1 = arith.constant 640 : i32
    %mul3A_2 = arith.muli %arg1, %mul3A_1 : i32
    %add3A_3 = arith.constant 0 : i32
    %add3A_4 = arith.addi %mul3A_2, %add3A_3 : i32
    "tpu.region"() ({
      %run_scoped3A_139 = tpu.sem_alloc : memref<!tpu.dma_semaphore, #tpu.memory_space<semaphore_mem>>
      %dma_start3A_140 = arith.constant 0 : i32
      %dma_start3A_141 = tpu.memref_slice %arg11[%add3A_4, %dma_start3A_140] : memref<10240x64xf32, #tpu.memory_space<vmem_shared>> -> memref<128x64xf32, #tpu.memory_space<vmem_shared>>
      %dma_start3A_142 = arith.constant 0 : i32
      %dma_start3A_143 = tpu.memref_slice %arg11[%add3A_4, %dma_start3A_142] : memref<10240x64xf32, #tpu.memory_space<vmem_shared>> -> memref<128x64xf32, #tpu.memory_space<vmem_shared>>
      tpu.enqueue_dma source(%arg10 : memref<128x64xf32, #tpu.memory_space<vmem>>) target(%dma_start3A_143 : memref<128x64xf32, #tpu.memory_space<vmem_shared>>) target_semaphore(%run_scoped3A_139 : memref<!tpu.dma_semaphore, #tpu.memory_space<semaphore_mem>>)
      %dma_wait3A_144 = arith.constant 0 : i32
      %dma_wait3A_145 = tpu.memref_slice %arg11[%add3A_4, %dma_wait3A_144] : memref<10240x64xf32, #tpu.memory_space<vmem_shared>> -> memref<128x64xf32, #tpu.memory_space<vmem_shared>>
      %dma_wait3A_146 = arith.constant 0 : i32
      %dma_wait3A_147 = tpu.memref_slice %arg11[%add3A_4, %dma_wait3A_146] : memref<10240x64xf32, #tpu.memory_space<vmem_shared>> -> memref<128x64xf32, #tpu.memory_space<vmem_shared>>
      tpu.wait_dma2 semaphore(%run_scoped3A_139 : memref<!tpu.dma_semaphore, #tpu.memory_space<semaphore_mem>>) src(%arg10 : memref<128x64xf32, #tpu.memory_space<vmem>>) dst(%dma_wait3A_147 : memref<128x64xf32, #tpu.memory_space<vmem_shared>>)
      tpu.yield
    }) : () -> ()
    %add3A_5 = arith.constant 128 : i32
    %add3A_6 = arith.addi %mul3A_2, %add3A_5 : i32
    "tpu.region"() ({
      %run_scoped3A_139 = tpu.sem_alloc : memref<!tpu.dma_semaphore, #tpu.memory_space<semaphore_mem>>
      %dma_start3A_140 = arith.constant 0 : i32
      %dma_start3A_141 = tpu.memref_slice %arg11[%add3A_6, %dma_start3A_140] : memref<10240x64xf32, #tpu.memory_space<vmem_shared>> -> memref<128x64xf32, #tpu.memory_space<vmem_shared>>
      %dma_start3A_142 = arith.constant 0 : i32
      %dma_start3A_143 = tpu.memref_slice %arg11[%add3A_6, %dma_start3A_142] : memref<10240x64xf32, #tpu.memory_space<vmem_shared>> -> memref<128x64xf32, #tpu.memory_space<vmem_shared>>
      tpu.enqueue_dma source(%arg10 : memref<128x64xf32, #tpu.memory_space<vmem>>) target(%dma_start3A_143 : memref<128x64xf32, #tpu.memory_space<vmem_shared>>) target_semaphore(%run_scoped3A_139 : memref<!tpu.dma_semaphore, #tpu.memory_space<semaphore_mem>>)
      %dma_wait3A_144 = arith.constant 0 : i32
      %dma_wait3A_145 = tpu.memref_slice %arg11[%add3A_6, %dma_wait3A_144] : memref<10240x64xf32, #tpu.memory_space<vmem_shared>> -> memref<128x64xf32, #tpu.memory_space<vmem_shared>>
      %dma_wait3A_146 = arith.constant 0 : i32
      %dma_wait3A_147 = tpu.memref_slice %arg11[%add3A_6, %dma_wait3A_146] : memref<10240x64xf32, #tpu.memory_space<vmem_shared>> -> memref<128x64xf32, #tpu.memory_space<vmem_shared>>
      tpu.wait_dma2 semaphore(%run_scoped3A_139 : memref<!tpu.dma_semaphore, #tpu.memory_space<semaphore_mem>>) src(%arg10 : memref<128x64xf32, #tpu.memory_space<vmem>>) dst(%dma_wait3A_147 : memref<128x64xf32, #tpu.memory_space<vmem_shared>>)
      tpu.yield
    }) : () -> ()
    %add3A_7 = arith.constant 256 : i32
    %add3A_8 = arith.addi %mul3A_2, %add3A_7 : i32
    "tpu.region"() ({
      %run_scoped3A_139 = tpu.sem_alloc : memref<!tpu.dma_semaphore, #tpu.memory_space<semaphore_mem>>
      %dma_start3A_140 = arith.constant 0 : i32
      %dma_start3A_141 = tpu.memref_slice %arg11[%add3A_8, %dma_start3A_140] : memref<10240x64xf32, #tpu.memory_space<vmem_shared>> -> memref<128x64xf32, #tpu.memory_space<vmem_shared>>
      %dma_start3A_142 = arith.constant 0 : i32
      %dma_start3A_143 = tpu.memref_slice %arg11[%add3A_8, %dma_start3A_142] : memref<10240x64xf32, #tpu.memory_space<vmem_shared>> -> memref<128x64xf32, #tpu.memory_space<vmem_shared>>
      tpu.enqueue_dma source(%arg10 : memref<128x64xf32, #tpu.memory_space<vmem>>) target(%dma_start3A_143 : memref<128x64xf32, #tpu.memory_space<vmem_shared>>) target_semaphore(%run_scoped3A_139 : memref<!tpu.dma_semaphore, #tpu.memory_space<semaphore_mem>>)
      %dma_wait3A_144 = arith.constant 0 : i32
      %dma_wait3A_145 = tpu.memref_slice %arg11[%add3A_8, %dma_wait3A_144] : memref<10240x64xf32, #tpu.memory_space<vmem_shared>> -> memref<128x64xf32, #tpu.memory_space<vmem_shared>>
      %dma_wait3A_146 = arith.constant 0 : i32
      %dma_wait3A_147 = tpu.memref_slice %arg11[%add3A_8, %dma_wait3A_146] : memref<10240x64xf32, #tpu.memory_space<vmem_shared>> -> memref<128x64xf32, #tpu.memory_space<vmem_shared>>
      tpu.wait_dma2 semaphore(%run_scoped3A_139 : memref<!tpu.dma_semaphore, #tpu.memory_space<semaphore_mem>>) src(%arg10 : memref<128x64xf32, #tpu.memory_space<vmem>>) dst(%dma_wait3A_147 : memref<128x64xf32, #tpu.memory_space<vmem_shared>>)
      tpu.yield
    }) : () -> ()
    %add3A_9 = arith.constant 384 : i32
    %add3A_10 = arith.addi %mul3A_2, %add3A_9 : i32
    "tpu.region"() ({
      %run_scoped3A_139 = tpu.sem_alloc : memref<!tpu.dma_semaphore, #tpu.memory_space<semaphore_mem>>
      %dma_start3A_140 = arith.constant 0 : i32
      %dma_start3A_141 = tpu.memref_slice %arg11[%add3A_10, %dma_start3A_140] : memref<10240x64xf32, #tpu.memory_space<vmem_shared>> -> memref<128x64xf32, #tpu.memory_space<vmem_shared>>
      %dma_start3A_142 = arith.constant 0 : i32
      %dma_start3A_143 = tpu.memref_slice %arg11[%add3A_10, %dma_start3A_142] : memref<10240x64xf32, #tpu.memory_space<vmem_shared>> -> memref<128x64xf32, #tpu.memory_space<vmem_shared>>
      tpu.enqueue_dma source(%arg10 : memref<128x64xf32, #tpu.memory_space<vmem>>) target(%dma_start3A_143 : memref<128x64xf32, #tpu.memory_space<vmem_shared>>) target_semaphore(%run_scoped3A_139 : memref<!tpu.dma_semaphore, #tpu.memory_space<semaphore_mem>>)
      %dma_wait3A_144 = arith.constant 0 : i32
      %dma_wait3A_145 = tpu.memref_slice %arg11[%add3A_10, %dma_wait3A_144] : memref<10240x64xf32, #tpu.memory_space<vmem_shared>> -> memref<128x64xf32, #tpu.memory_space<vmem_shared>>
      %dma_wait3A_146 = arith.constant 0 : i32
      %dma_wait3A_147 = tpu.memref_slice %arg11[%add3A_10, %dma_wait3A_146] : memref<10240x64xf32, #tpu.memory_space<vmem_shared>> -> memref<128x64xf32, #tpu.memory_space<vmem_shared>>
      tpu.wait_dma2 semaphore(%run_scoped3A_139 : memref<!tpu.dma_semaphore, #tpu.memory_space<semaphore_mem>>) src(%arg10 : memref<128x64xf32, #tpu.memory_space<vmem>>) dst(%dma_wait3A_147 : memref<128x64xf32, #tpu.memory_space<vmem_shared>>)
      tpu.yield
    }) : () -> ()
    %add3A_11 = arith.constant 512 : i32
    %add3A_12 = arith.addi %mul3A_2, %add3A_11 : i32
    "tpu.region"() ({
      %run_scoped3A_139 = tpu.sem_alloc : memref<!tpu.dma_semaphore, #tpu.memory_space<semaphore_mem>>
      %dma_start3A_140 = arith.constant 0 : i32
      %dma_start3A_141 = tpu.memref_slice %arg11[%add3A_12, %dma_start3A_140] : memref<10240x64xf32, #tpu.memory_space<vmem_shared>> -> memref<128x64xf32, #tpu.memory_space<vmem_shared>>
      %dma_start3A_142 = arith.constant 0 : i32
      %dma_start3A_143 = tpu.memref_slice %arg11[%add3A_12, %dma_start3A_142] : memref<10240x64xf32, #tpu.memory_space<vmem_shared>> -> memref<128x64xf32, #tpu.memory_space<vmem_shared>>
      tpu.enqueue_dma source(%arg10 : memref<128x64xf32, #tpu.memory_space<vmem>>) target(%dma_start3A_143 : memref<128x64xf32, #tpu.memory_space<vmem_shared>>) target_semaphore(%run_scoped3A_139 : memref<!tpu.dma_semaphore, #tpu.memory_space<semaphore_mem>>)
      %dma_wait3A_144 = arith.constant 0 : i32
      %dma_wait3A_145 = tpu.memref_slice %arg11[%add3A_12, %dma_wait3A_144] : memref<10240x64xf32, #tpu.memory_space<vmem_shared>> -> memref<128x64xf32, #tpu.memory_space<vmem_shared>>
      %dma_wait3A_146 = arith.constant 0 : i32
      %dma_wait3A_147 = tpu.memref_slice %arg11[%add3A_12, %dma_wait3A_146] : memref<10240x64xf32, #tpu.memory_space<vmem_shared>> -> memref<128x64xf32, #tpu.memory_space<vmem_shared>>
      tpu.wait_dma2 semaphore(%run_scoped3A_139 : memref<!tpu.dma_semaphore, #tpu.memory_space<semaphore_mem>>) src(%arg10 : memref<128x64xf32, #tpu.memory_space<vmem>>) dst(%dma_wait3A_147 : memref<128x64xf32, #tpu.memory_space<vmem_shared>>)
      tpu.yield
    }) : () -> ()
    %barrier3A = arith.constant 0 : index
    tpu.barrier barrier_id(%barrier3A)
    %dma_start3A = arith.constant 0 : i32
    %dma_start3A_13 = arith.constant 0 : i32
    %dma_start3A_14 = arith.constant 0 : i32
    %dma_start3A_15 = arith.constant 0 : i32
    %dma_start3A_16 = tpu.memref_slice %arg9[%dma_start3A_13, %dma_start3A_14, %dma_start3A_15] : memref<4x128x64xf32, #tpu.memory_space<vmem>> -> memref<1x128x64xf32, #tpu.memory_space<vmem>>
    %dma_start3A_17 = tpu.memref_squeeze %dma_start3A_16 : memref<1x128x64xf32, #tpu.memory_space<vmem>> -> memref<128x64xf32, #tpu.memory_space<vmem>>
    %dma_start3A_18 = arith.constant 0 : i32
    %dma_start3A_19 = tpu.memref_slice %arg7[%dma_start3A, %dma_start3A_18] : memref<40x128xi32, #tpu.memory_space<vmem>> -> memref<1x128xi32, #tpu.memory_space<vmem>>
    %dma_start3A_20 = tpu.memref_squeeze %dma_start3A_19 : memref<1x128xi32, #tpu.memory_space<vmem>> -> memref<128xi32, #tpu.memory_space<vmem>>
    %dma_start3A_21 = arith.constant 0 : i32
    %dma_start3A_22 = arith.constant 0 : i32
    %dma_start3A_23 = tpu.memref_slice %arg2[%dma_start3A_21, %dma_start3A_22] : memref<10240x64xf32, #tpu.memory_space<hbm>> -> memref<10240x64xf32, #tpu.memory_space<hbm>>
    tpu.enqueue_indirect_dma source(%dma_start3A_23 : memref<10240x64xf32, #tpu.memory_space<hbm>>) target(%dma_start3A_17 : memref<128x64xf32, #tpu.memory_space<vmem>>) offsets(%dma_start3A_20 : memref<128xi32, #tpu.memory_space<vmem>>) semaphore(%arg12 : memref<!tpu.dma_semaphore, #tpu.memory_space<semaphore_mem>>)
    %dma_start3A_24 = arith.constant 1 : i32
    %dma_start3A_25 = arith.constant 1 : i32
    %dma_start3A_26 = arith.constant 0 : i32
    %dma_start3A_27 = arith.constant 0 : i32
    %dma_start3A_28 = tpu.memref_slice %arg9[%dma_start3A_25, %dma_start3A_26, %dma_start3A_27] : memref<4x128x64xf32, #tpu.memory_space<vmem>> -> memref<1x128x64xf32, #tpu.memory_space<vmem>>
    %dma_start3A_29 = tpu.memref_squeeze %dma_start3A_28 : memref<1x128x64xf32, #tpu.memory_space<vmem>> -> memref<128x64xf32, #tpu.memory_space<vmem>>
    %dma_start3A_30 = arith.constant 0 : i32
    %dma_start3A_31 = tpu.memref_slice %arg7[%dma_start3A_24, %dma_start3A_30] : memref<40x128xi32, #tpu.memory_space<vmem>> -> memref<1x128xi32, #tpu.memory_space<vmem>>
    %dma_start3A_32 = tpu.memref_squeeze %dma_start3A_31 : memref<1x128xi32, #tpu.memory_space<vmem>> -> memref<128xi32, #tpu.memory_space<vmem>>
    %dma_start3A_33 = arith.constant 0 : i32
    %dma_start3A_34 = arith.constant 0 : i32
    %dma_start3A_35 = tpu.memref_slice %arg2[%dma_start3A_33, %dma_start3A_34] : memref<10240x64xf32, #tpu.memory_space<hbm>> -> memref<10240x64xf32, #tpu.memory_space<hbm>>
    tpu.enqueue_indirect_dma source(%dma_start3A_35 : memref<10240x64xf32, #tpu.memory_space<hbm>>) target(%dma_start3A_29 : memref<128x64xf32, #tpu.memory_space<vmem>>) offsets(%dma_start3A_32 : memref<128xi32, #tpu.memory_space<vmem>>) semaphore(%arg13 : memref<!tpu.dma_semaphore, #tpu.memory_space<semaphore_mem>>)
    %dma_start3A_36 = arith.constant 2 : i32
    %dma_start3A_37 = arith.constant 2 : i32
    %dma_start3A_38 = arith.constant 0 : i32
    %dma_start3A_39 = arith.constant 0 : i32
    %dma_start3A_40 = tpu.memref_slice %arg9[%dma_start3A_37, %dma_start3A_38, %dma_start3A_39] : memref<4x128x64xf32, #tpu.memory_space<vmem>> -> memref<1x128x64xf32, #tpu.memory_space<vmem>>
    %dma_start3A_41 = tpu.memref_squeeze %dma_start3A_40 : memref<1x128x64xf32, #tpu.memory_space<vmem>> -> memref<128x64xf32, #tpu.memory_space<vmem>>
    %dma_start3A_42 = arith.constant 0 : i32
    %dma_start3A_43 = tpu.memref_slice %arg7[%dma_start3A_36, %dma_start3A_42] : memref<40x128xi32, #tpu.memory_space<vmem>> -> memref<1x128xi32, #tpu.memory_space<vmem>>
    %dma_start3A_44 = tpu.memref_squeeze %dma_start3A_43 : memref<1x128xi32, #tpu.memory_space<vmem>> -> memref<128xi32, #tpu.memory_space<vmem>>
    %dma_start3A_45 = arith.constant 0 : i32
    %dma_start3A_46 = arith.constant 0 : i32
    %dma_start3A_47 = tpu.memref_slice %arg2[%dma_start3A_45, %dma_start3A_46] : memref<10240x64xf32, #tpu.memory_space<hbm>> -> memref<10240x64xf32, #tpu.memory_space<hbm>>
    tpu.enqueue_indirect_dma source(%dma_start3A_47 : memref<10240x64xf32, #tpu.memory_space<hbm>>) target(%dma_start3A_41 : memref<128x64xf32, #tpu.memory_space<vmem>>) offsets(%dma_start3A_44 : memref<128xi32, #tpu.memory_space<vmem>>) semaphore(%arg14 : memref<!tpu.dma_semaphore, #tpu.memory_space<semaphore_mem>>)
    %dma_start3A_48 = arith.constant 3 : i32
    %dma_start3A_49 = arith.constant 3 : i32
    %dma_start3A_50 = arith.constant 0 : i32
    %dma_start3A_51 = arith.constant 0 : i32
    %dma_start3A_52 = tpu.memref_slice %arg9[%dma_start3A_49, %dma_start3A_50, %dma_start3A_51] : memref<4x128x64xf32, #tpu.memory_space<vmem>> -> memref<1x128x64xf32, #tpu.memory_space<vmem>>
    %dma_start3A_53 = tpu.memref_squeeze %dma_start3A_52 : memref<1x128x64xf32, #tpu.memory_space<vmem>> -> memref<128x64xf32, #tpu.memory_space<vmem>>
    %dma_start3A_54 = arith.constant 0 : i32
    %dma_start3A_55 = tpu.memref_slice %arg7[%dma_start3A_48, %dma_start3A_54] : memref<40x128xi32, #tpu.memory_space<vmem>> -> memref<1x128xi32, #tpu.memory_space<vmem>>
    %dma_start3A_56 = tpu.memref_squeeze %dma_start3A_55 : memref<1x128xi32, #tpu.memory_space<vmem>> -> memref<128xi32, #tpu.memory_space<vmem>>
    %dma_start3A_57 = arith.constant 0 : i32
    %dma_start3A_58 = arith.constant 0 : i32
    %dma_start3A_59 = tpu.memref_slice %arg2[%dma_start3A_57, %dma_start3A_58] : memref<10240x64xf32, #tpu.memory_space<hbm>> -> memref<10240x64xf32, #tpu.memory_space<hbm>>
    tpu.enqueue_indirect_dma source(%dma_start3A_59 : memref<10240x64xf32, #tpu.memory_space<hbm>>) target(%dma_start3A_53 : memref<128x64xf32, #tpu.memory_space<vmem>>) offsets(%dma_start3A_56 : memref<128xi32, #tpu.memory_space<vmem>>) semaphore(%arg15 : memref<!tpu.dma_semaphore, #tpu.memory_space<semaphore_mem>>)
    %scan3A = arith.constant 0 : i32
    %scan3A_60 = arith.constant 9 : i32
    %scan3A_61 = arith.addi %scan3A, %scan3A_60 : i32
    %scan3A_62 = arith.constant 1 : i32
    scf.for %scan3A_139 = %scan3A to %scan3A_61 step %scan3A_62  : i32 {
      %mul3A_140 = arith.constant 4 : i32
      %mul3A_141 = arith.muli %mul3A_140, %scan3A_139 : i32
      %add3A_142 = arith.constant 0 : i32
      %add3A_143 = arith.addi %mul3A_141, %add3A_142 : i32
      %dma_wait3A_144 = arith.constant 0 : i32
      %dma_wait3A_145 = arith.constant 0 : i32
      %dma_wait3A_146 = arith.constant 0 : i32
      %dma_wait3A_147 = tpu.memref_slice %arg9[%dma_wait3A_144, %dma_wait3A_145, %dma_wait3A_146] : memref<4x128x64xf32, #tpu.memory_space<vmem>> -> memref<1x128x64xf32, #tpu.memory_space<vmem>>
      %dma_wait3A_148 = tpu.memref_squeeze %dma_wait3A_147 : memref<1x128x64xf32, #tpu.memory_space<vmem>> -> memref<128x64xf32, #tpu.memory_space<vmem>>
      %dma_wait3A_149 = arith.constant 0 : i32
      %dma_wait3A_150 = tpu.memref_slice %arg7[%add3A_143, %dma_wait3A_149] : memref<40x128xi32, #tpu.memory_space<vmem>> -> memref<1x128xi32, #tpu.memory_space<vmem>>
      %dma_wait3A_151 = tpu.memref_squeeze %dma_wait3A_150 : memref<1x128xi32, #tpu.memory_space<vmem>> -> memref<128xi32, #tpu.memory_space<vmem>>
      %dma_wait3A_152 = arith.constant 0 : i32
      %dma_wait3A_153 = arith.constant 0 : i32
      %dma_wait3A_154 = tpu.memref_slice %arg2[%dma_wait3A_152, %dma_wait3A_153] : memref<10240x64xf32, #tpu.memory_space<hbm>> -> memref<10240x64xf32, #tpu.memory_space<hbm>>
      tpu.wait_indirect_dma semaphore(%arg12 : memref<!tpu.dma_semaphore, #tpu.memory_space<semaphore_mem>>) src(%dma_wait3A_154 : memref<10240x64xf32, #tpu.memory_space<hbm>>) dst(%dma_wait3A_148 : memref<128x64xf32, #tpu.memory_space<vmem>>)
      %run_scoped3A_155 = arith.constant 0 : i32
      "tpu.region"() ({
        %run_scoped3A_256 = tpu.sem_alloc : memref<!tpu.dma_semaphore, #tpu.memory_space<semaphore_mem>>
        %dma_start3A_257 = arith.constant 0 : i32
        %dma_start3A_258 = arith.constant 0 : i32
        %dma_start3A_259 = tpu.memref_slice %arg9[%run_scoped3A_155, %dma_start3A_257, %dma_start3A_258] : memref<4x128x64xf32, #tpu.memory_space<vmem>> -> memref<1x128x64xf32, #tpu.memory_space<vmem>>
        %dma_start3A_260 = tpu.memref_squeeze %dma_start3A_259 : memref<1x128x64xf32, #tpu.memory_space<vmem>> -> memref<128x64xf32, #tpu.memory_space<vmem>>
        %dma_start3A_261 = arith.constant 0 : i32
        %dma_start3A_262 = tpu.memref_slice %arg8[%add3A_143, %dma_start3A_261] : memref<40x128xi32, #tpu.memory_space<vmem>> -> memref<1x128xi32, #tpu.memory_space<vmem>>
        %dma_start3A_263 = tpu.memref_squeeze %dma_start3A_262 : memref<1x128xi32, #tpu.memory_space<vmem>> -> memref<128xi32, #tpu.memory_space<vmem>>
        %dma_start3A_264 = arith.constant 0 : i32
        %dma_start3A_265 = arith.constant 0 : i32
        %dma_start3A_266 = tpu.memref_slice %arg11[%dma_start3A_264, %dma_start3A_265] : memref<10240x64xf32, #tpu.memory_space<vmem_shared>> -> memref<10240x64xf32, #tpu.memory_space<vmem_shared>>
        tpu.enqueue_indirect_dma source(%dma_start3A_260 : memref<128x64xf32, #tpu.memory_space<vmem>>) target(%dma_start3A_266 : memref<10240x64xf32, #tpu.memory_space<vmem_shared>>) offsets(%dma_start3A_263 : memref<128xi32, #tpu.memory_space<vmem>>) semaphore(%run_scoped3A_256 : memref<!tpu.dma_semaphore, #tpu.memory_space<semaphore_mem>>) {add = true}
        %dma_wait3A_267 = arith.constant 0 : i32
        %dma_wait3A_268 = arith.constant 0 : i32
        %dma_wait3A_269 = tpu.memref_slice %arg9[%run_scoped3A_155, %dma_wait3A_267, %dma_wait3A_268] : memref<4x128x64xf32, #tpu.memory_space<vmem>> -> memref<1x128x64xf32, #tpu.memory_space<vmem>>
        %dma_wait3A_270 = tpu.memref_squeeze %dma_wait3A_269 : memref<1x128x64xf32, #tpu.memory_space<vmem>> -> memref<128x64xf32, #tpu.memory_space<vmem>>
        %dma_wait3A_271 = arith.constant 0 : i32
        %dma_wait3A_272 = tpu.memref_slice %arg8[%add3A_143, %dma_wait3A_271] : memref<40x128xi32, #tpu.memory_space<vmem>> -> memref<1x128xi32, #tpu.memory_space<vmem>>
        %dma_wait3A_273 = tpu.memref_squeeze %dma_wait3A_272 : memref<1x128xi32, #tpu.memory_space<vmem>> -> memref<128xi32, #tpu.memory_space<vmem>>
        %dma_wait3A_274 = arith.constant 0 : i32
        %dma_wait3A_275 = arith.constant 0 : i32
        %dma_wait3A_276 = tpu.memref_slice %arg11[%dma_wait3A_274, %dma_wait3A_275] : memref<10240x64xf32, #tpu.memory_space<vmem_shared>> -> memref<10240x64xf32, #tpu.memory_space<vmem_shared>>
        tpu.wait_indirect_dma semaphore(%run_scoped3A_256 : memref<!tpu.dma_semaphore, #tpu.memory_space<semaphore_mem>>) src(%dma_wait3A_270 : memref<128x64xf32, #tpu.memory_space<vmem>>) dst(%dma_wait3A_276 : memref<10240x64xf32, #tpu.memory_space<vmem_shared>>)
        tpu.yield
      }) : () -> ()
      %add3A_156 = arith.constant 4 : i32
      %add3A_157 = arith.addi %add3A_143, %add3A_156 : i32
      %dma_start3A_158 = arith.constant 0 : i32
      %dma_start3A_159 = arith.constant 0 : i32
      %dma_start3A_160 = arith.constant 0 : i32
      %dma_start3A_161 = tpu.memref_slice %arg9[%dma_start3A_158, %dma_start3A_159, %dma_start3A_160] : memref<4x128x64xf32, #tpu.memory_space<vmem>> -> memref<1x128x64xf32, #tpu.memory_space<vmem>>
      %dma_start3A_162 = tpu.memref_squeeze %dma_start3A_161 : memref<1x128x64xf32, #tpu.memory_space<vmem>> -> memref<128x64xf32, #tpu.memory_space<vmem>>
      %dma_start3A_163 = arith.constant 0 : i32
      %dma_start3A_164 = tpu.memref_slice %arg7[%add3A_157, %dma_start3A_163] : memref<40x128xi32, #tpu.memory_space<vmem>> -> memref<1x128xi32, #tpu.memory_space<vmem>>
      %dma_start3A_165 = tpu.memref_squeeze %dma_start3A_164 : memref<1x128xi32, #tpu.memory_space<vmem>> -> memref<128xi32, #tpu.memory_space<vmem>>
      %dma_start3A_166 = arith.constant 0 : i32
      %dma_start3A_167 = arith.constant 0 : i32
      %dma_start3A_168 = tpu.memref_slice %arg2[%dma_start3A_166, %dma_start3A_167] : memref<10240x64xf32, #tpu.memory_space<hbm>> -> memref<10240x64xf32, #tpu.memory_space<hbm>>
      tpu.enqueue_indirect_dma source(%dma_start3A_168 : memref<10240x64xf32, #tpu.memory_space<hbm>>) target(%dma_start3A_162 : memref<128x64xf32, #tpu.memory_space<vmem>>) offsets(%dma_start3A_165 : memref<128xi32, #tpu.memory_space<vmem>>) semaphore(%arg12 : memref<!tpu.dma_semaphore, #tpu.memory_space<semaphore_mem>>)
      %mul3A_169 = arith.constant 4 : i32
      %mul3A_170 = arith.muli %mul3A_169, %scan3A_139 : i32
      %add3A_171 = arith.constant 1 : i32
      %add3A_172 = arith.addi %mul3A_170, %add3A_171 : i32
      %dma_wait3A_173 = arith.constant 1 : i32
      %dma_wait3A_174 = arith.constant 0 : i32
      %dma_wait3A_175 = arith.constant 0 : i32
      %dma_wait3A_176 = tpu.memref_slice %arg9[%dma_wait3A_173, %dma_wait3A_174, %dma_wait3A_175] : memref<4x128x64xf32, #tpu.memory_space<vmem>> -> memref<1x128x64xf32, #tpu.memory_space<vmem>>
      %dma_wait3A_177 = tpu.memref_squeeze %dma_wait3A_176 : memref<1x128x64xf32, #tpu.memory_space<vmem>> -> memref<128x64xf32, #tpu.memory_space<vmem>>
      %dma_wait3A_178 = arith.constant 0 : i32
      %dma_wait3A_179 = tpu.memref_slice %arg7[%add3A_172, %dma_wait3A_178] : memref<40x128xi32, #tpu.memory_space<vmem>> -> memref<1x128xi32, #tpu.memory_space<vmem>>
      %dma_wait3A_180 = tpu.memref_squeeze %dma_wait3A_179 : memref<1x128xi32, #tpu.memory_space<vmem>> -> memref<128xi32, #tpu.memory_space<vmem>>
      %dma_wait3A_181 = arith.constant 0 : i32
      %dma_wait3A_182 = arith.constant 0 : i32
      %dma_wait3A_183 = tpu.memref_slice %arg2[%dma_wait3A_181, %dma_wait3A_182] : memref<10240x64xf32, #tpu.memory_space<hbm>> -> memref<10240x64xf32, #tpu.memory_space<hbm>>
      tpu.wait_indirect_dma semaphore(%arg13 : memref<!tpu.dma_semaphore, #tpu.memory_space<semaphore_mem>>) src(%dma_wait3A_183 : memref<10240x64xf32, #tpu.memory_space<hbm>>) dst(%dma_wait3A_177 : memref<128x64xf32, #tpu.memory_space<vmem>>)
      %run_scoped3A_184 = arith.constant 1 : i32
      "tpu.region"() ({
        %run_scoped3A_256 = tpu.sem_alloc : memref<!tpu.dma_semaphore, #tpu.memory_space<semaphore_mem>>
        %dma_start3A_257 = arith.constant 0 : i32
        %dma_start3A_258 = arith.constant 0 : i32
        %dma_start3A_259 = tpu.memref_slice %arg9[%run_scoped3A_184, %dma_start3A_257, %dma_start3A_258] : memref<4x128x64xf32, #tpu.memory_space<vmem>> -> memref<1x128x64xf32, #tpu.memory_space<vmem>>
        %dma_start3A_260 = tpu.memref_squeeze %dma_start3A_259 : memref<1x128x64xf32, #tpu.memory_space<vmem>> -> memref<128x64xf32, #tpu.memory_space<vmem>>
        %dma_start3A_261 = arith.constant 0 : i32
        %dma_start3A_262 = tpu.memref_slice %arg8[%add3A_172, %dma_start3A_261] : memref<40x128xi32, #tpu.memory_space<vmem>> -> memref<1x128xi32, #tpu.memory_space<vmem>>
        %dma_start3A_263 = tpu.memref_squeeze %dma_start3A_262 : memref<1x128xi32, #tpu.memory_space<vmem>> -> memref<128xi32, #tpu.memory_space<vmem>>
        %dma_start3A_264 = arith.constant 0 : i32
        %dma_start3A_265 = arith.constant 0 : i32
        %dma_start3A_266 = tpu.memref_slice %arg11[%dma_start3A_264, %dma_start3A_265] : memref<10240x64xf32, #tpu.memory_space<vmem_shared>> -> memref<10240x64xf32, #tpu.memory_space<vmem_shared>>
        tpu.enqueue_indirect_dma source(%dma_start3A_260 : memref<128x64xf32, #tpu.memory_space<vmem>>) target(%dma_start3A_266 : memref<10240x64xf32, #tpu.memory_space<vmem_shared>>) offsets(%dma_start3A_263 : memref<128xi32, #tpu.memory_space<vmem>>) semaphore(%run_scoped3A_256 : memref<!tpu.dma_semaphore, #tpu.memory_space<semaphore_mem>>) {add = true}
        %dma_wait3A_267 = arith.constant 0 : i32
        %dma_wait3A_268 = arith.constant 0 : i32
        %dma_wait3A_269 = tpu.memref_slice %arg9[%run_scoped3A_184, %dma_wait3A_267, %dma_wait3A_268] : memref<4x128x64xf32, #tpu.memory_space<vmem>> -> memref<1x128x64xf32, #tpu.memory_space<vmem>>
        %dma_wait3A_270 = tpu.memref_squeeze %dma_wait3A_269 : memref<1x128x64xf32, #tpu.memory_space<vmem>> -> memref<128x64xf32, #tpu.memory_space<vmem>>
        %dma_wait3A_271 = arith.constant 0 : i32
        %dma_wait3A_272 = tpu.memref_slice %arg8[%add3A_172, %dma_wait3A_271] : memref<40x128xi32, #tpu.memory_space<vmem>> -> memref<1x128xi32, #tpu.memory_space<vmem>>
        %dma_wait3A_273 = tpu.memref_squeeze %dma_wait3A_272 : memref<1x128xi32, #tpu.memory_space<vmem>> -> memref<128xi32, #tpu.memory_space<vmem>>
        %dma_wait3A_274 = arith.constant 0 : i32
        %dma_wait3A_275 = arith.constant 0 : i32
        %dma_wait3A_276 = tpu.memref_slice %arg11[%dma_wait3A_274, %dma_wait3A_275] : memref<10240x64xf32, #tpu.memory_space<vmem_shared>> -> memref<10240x64xf32, #tpu.memory_space<vmem_shared>>
        tpu.wait_indirect_dma semaphore(%run_scoped3A_256 : memref<!tpu.dma_semaphore, #tpu.memory_space<semaphore_mem>>) src(%dma_wait3A_270 : memref<128x64xf32, #tpu.memory_space<vmem>>) dst(%dma_wait3A_276 : memref<10240x64xf32, #tpu.memory_space<vmem_shared>>)
        tpu.yield
      }) : () -> ()
      %add3A_185 = arith.constant 4 : i32
      %add3A_186 = arith.addi %add3A_172, %add3A_185 : i32
      %dma_start3A_187 = arith.constant 1 : i32
      %dma_start3A_188 = arith.constant 0 : i32
      %dma_start3A_189 = arith.constant 0 : i32
      %dma_start3A_190 = tpu.memref_slice %arg9[%dma_start3A_187, %dma_start3A_188, %dma_start3A_189] : memref<4x128x64xf32, #tpu.memory_space<vmem>> -> memref<1x128x64xf32, #tpu.memory_space<vmem>>
      %dma_start3A_191 = tpu.memref_squeeze %dma_start3A_190 : memref<1x128x64xf32, #tpu.memory_space<vmem>> -> memref<128x64xf32, #tpu.memory_space<vmem>>
      %dma_start3A_192 = arith.constant 0 : i32
      %dma_start3A_193 = tpu.memref_slice %arg7[%add3A_186, %dma_start3A_192] : memref<40x128xi32, #tpu.memory_space<vmem>> -> memref<1x128xi32, #tpu.memory_space<vmem>>
      %dma_start3A_194 = tpu.memref_squeeze %dma_start3A_193 : memref<1x128xi32, #tpu.memory_space<vmem>> -> memref<128xi32, #tpu.memory_space<vmem>>
      %dma_start3A_195 = arith.constant 0 : i32
      %dma_start3A_196 = arith.constant 0 : i32
      %dma_start3A_197 = tpu.memref_slice %arg2[%dma_start3A_195, %dma_start3A_196] : memref<10240x64xf32, #tpu.memory_space<hbm>> -> memref<10240x64xf32, #tpu.memory_space<hbm>>
      tpu.enqueue_indirect_dma source(%dma_start3A_197 : memref<10240x64xf32, #tpu.memory_space<hbm>>) target(%dma_start3A_191 : memref<128x64xf32, #tpu.memory_space<vmem>>) offsets(%dma_start3A_194 : memref<128xi32, #tpu.memory_space<vmem>>) semaphore(%arg13 : memref<!tpu.dma_semaphore, #tpu.memory_space<semaphore_mem>>)
      %mul3A_198 = arith.constant 4 : i32
      %mul3A_199 = arith.muli %mul3A_198, %scan3A_139 : i32
      %add3A_200 = arith.constant 2 : i32
      %add3A_201 = arith.addi %mul3A_199, %add3A_200 : i32
      %dma_wait3A_202 = arith.constant 2 : i32
      %dma_wait3A_203 = arith.constant 0 : i32
      %dma_wait3A_204 = arith.constant 0 : i32
      %dma_wait3A_205 = tpu.memref_slice %arg9[%dma_wait3A_202, %dma_wait3A_203, %dma_wait3A_204] : memref<4x128x64xf32, #tpu.memory_space<vmem>> -> memref<1x128x64xf32, #tpu.memory_space<vmem>>
      %dma_wait3A_206 = tpu.memref_squeeze %dma_wait3A_205 : memref<1x128x64xf32, #tpu.memory_space<vmem>> -> memref<128x64xf32, #tpu.memory_space<vmem>>
      %dma_wait3A_207 = arith.constant 0 : i32
      %dma_wait3A_208 = tpu.memref_slice %arg7[%add3A_201, %dma_wait3A_207] : memref<40x128xi32, #tpu.memory_space<vmem>> -> memref<1x128xi32, #tpu.memory_space<vmem>>
      %dma_wait3A_209 = tpu.memref_squeeze %dma_wait3A_208 : memref<1x128xi32, #tpu.memory_space<vmem>> -> memref<128xi32, #tpu.memory_space<vmem>>
      %dma_wait3A_210 = arith.constant 0 : i32
      %dma_wait3A_211 = arith.constant 0 : i32
      %dma_wait3A_212 = tpu.memref_slice %arg2[%dma_wait3A_210, %dma_wait3A_211] : memref<10240x64xf32, #tpu.memory_space<hbm>> -> memref<10240x64xf32, #tpu.memory_space<hbm>>
      tpu.wait_indirect_dma semaphore(%arg14 : memref<!tpu.dma_semaphore, #tpu.memory_space<semaphore_mem>>) src(%dma_wait3A_212 : memref<10240x64xf32, #tpu.memory_space<hbm>>) dst(%dma_wait3A_206 : memref<128x64xf32, #tpu.memory_space<vmem>>)
      %run_scoped3A_213 = arith.constant 2 : i32
      "tpu.region"() ({
        %run_scoped3A_256 = tpu.sem_alloc : memref<!tpu.dma_semaphore, #tpu.memory_space<semaphore_mem>>
        %dma_start3A_257 = arith.constant 0 : i32
        %dma_start3A_258 = arith.constant 0 : i32
        %dma_start3A_259 = tpu.memref_slice %arg9[%run_scoped3A_213, %dma_start3A_257, %dma_start3A_258] : memref<4x128x64xf32, #tpu.memory_space<vmem>> -> memref<1x128x64xf32, #tpu.memory_space<vmem>>
        %dma_start3A_260 = tpu.memref_squeeze %dma_start3A_259 : memref<1x128x64xf32, #tpu.memory_space<vmem>> -> memref<128x64xf32, #tpu.memory_space<vmem>>
        %dma_start3A_261 = arith.constant 0 : i32
        %dma_start3A_262 = tpu.memref_slice %arg8[%add3A_201, %dma_start3A_261] : memref<40x128xi32, #tpu.memory_space<vmem>> -> memref<1x128xi32, #tpu.memory_space<vmem>>
        %dma_start3A_263 = tpu.memref_squeeze %dma_start3A_262 : memref<1x128xi32, #tpu.memory_space<vmem>> -> memref<128xi32, #tpu.memory_space<vmem>>
        %dma_start3A_264 = arith.constant 0 : i32
        %dma_start3A_265 = arith.constant 0 : i32
        %dma_start3A_266 = tpu.memref_slice %arg11[%dma_start3A_264, %dma_start3A_265] : memref<10240x64xf32, #tpu.memory_space<vmem_shared>> -> memref<10240x64xf32, #tpu.memory_space<vmem_shared>>
        tpu.enqueue_indirect_dma source(%dma_start3A_260 : memref<128x64xf32, #tpu.memory_space<vmem>>) target(%dma_start3A_266 : memref<10240x64xf32, #tpu.memory_space<vmem_shared>>) offsets(%dma_start3A_263 : memref<128xi32, #tpu.memory_space<vmem>>) semaphore(%run_scoped3A_256 : memref<!tpu.dma_semaphore, #tpu.memory_space<semaphore_mem>>) {add = true}
        %dma_wait3A_267 = arith.constant 0 : i32
        %dma_wait3A_268 = arith.constant 0 : i32
        %dma_wait3A_269 = tpu.memref_slice %arg9[%run_scoped3A_213, %dma_wait3A_267, %dma_wait3A_268] : memref<4x128x64xf32, #tpu.memory_space<vmem>> -> memref<1x128x64xf32, #tpu.memory_space<vmem>>
        %dma_wait3A_270 = tpu.memref_squeeze %dma_wait3A_269 : memref<1x128x64xf32, #tpu.memory_space<vmem>> -> memref<128x64xf32, #tpu.memory_space<vmem>>
        %dma_wait3A_271 = arith.constant 0 : i32
        %dma_wait3A_272 = tpu.memref_slice %arg8[%add3A_201, %dma_wait3A_271] : memref<40x128xi32, #tpu.memory_space<vmem>> -> memref<1x128xi32, #tpu.memory_space<vmem>>
        %dma_wait3A_273 = tpu.memref_squeeze %dma_wait3A_272 : memref<1x128xi32, #tpu.memory_space<vmem>> -> memref<128xi32, #tpu.memory_space<vmem>>
        %dma_wait3A_274 = arith.constant 0 : i32
        %dma_wait3A_275 = arith.constant 0 : i32
        %dma_wait3A_276 = tpu.memref_slice %arg11[%dma_wait3A_274, %dma_wait3A_275] : memref<10240x64xf32, #tpu.memory_space<vmem_shared>> -> memref<10240x64xf32, #tpu.memory_space<vmem_shared>>
        tpu.wait_indirect_dma semaphore(%run_scoped3A_256 : memref<!tpu.dma_semaphore, #tpu.memory_space<semaphore_mem>>) src(%dma_wait3A_270 : memref<128x64xf32, #tpu.memory_space<vmem>>) dst(%dma_wait3A_276 : memref<10240x64xf32, #tpu.memory_space<vmem_shared>>)
        tpu.yield
      }) : () -> ()
      %add3A_214 = arith.constant 4 : i32
      %add3A_215 = arith.addi %add3A_201, %add3A_214 : i32
      %dma_start3A_216 = arith.constant 2 : i32
      %dma_start3A_217 = arith.constant 0 : i32
      %dma_start3A_218 = arith.constant 0 : i32
      %dma_start3A_219 = tpu.memref_slice %arg9[%dma_start3A_216, %dma_start3A_217, %dma_start3A_218] : memref<4x128x64xf32, #tpu.memory_space<vmem>> -> memref<1x128x64xf32, #tpu.memory_space<vmem>>
      %dma_start3A_220 = tpu.memref_squeeze %dma_start3A_219 : memref<1x128x64xf32, #tpu.memory_space<vmem>> -> memref<128x64xf32, #tpu.memory_space<vmem>>
      %dma_start3A_221 = arith.constant 0 : i32
      %dma_start3A_222 = tpu.memref_slice %arg7[%add3A_215, %dma_start3A_221] : memref<40x128xi32, #tpu.memory_space<vmem>> -> memref<1x128xi32, #tpu.memory_space<vmem>>
      %dma_start3A_223 = tpu.memref_squeeze %dma_start3A_222 : memref<1x128xi32, #tpu.memory_space<vmem>> -> memref<128xi32, #tpu.memory_space<vmem>>
      %dma_start3A_224 = arith.constant 0 : i32
      %dma_start3A_225 = arith.constant 0 : i32
      %dma_start3A_226 = tpu.memref_slice %arg2[%dma_start3A_224, %dma_start3A_225] : memref<10240x64xf32, #tpu.memory_space<hbm>> -> memref<10240x64xf32, #tpu.memory_space<hbm>>
      tpu.enqueue_indirect_dma source(%dma_start3A_226 : memref<10240x64xf32, #tpu.memory_space<hbm>>) target(%dma_start3A_220 : memref<128x64xf32, #tpu.memory_space<vmem>>) offsets(%dma_start3A_223 : memref<128xi32, #tpu.memory_space<vmem>>) semaphore(%arg14 : memref<!tpu.dma_semaphore, #tpu.memory_space<semaphore_mem>>)
      %mul3A_227 = arith.constant 4 : i32
      %mul3A_228 = arith.muli %mul3A_227, %scan3A_139 : i32
      %add3A_229 = arith.constant 3 : i32
      %add3A_230 = arith.addi %mul3A_228, %add3A_229 : i32
      %dma_wait3A_231 = arith.constant 3 : i32
      %dma_wait3A_232 = arith.constant 0 : i32
      %dma_wait3A_233 = arith.constant 0 : i32
      %dma_wait3A_234 = tpu.memref_slice %arg9[%dma_wait3A_231, %dma_wait3A_232, %dma_wait3A_233] : memref<4x128x64xf32, #tpu.memory_space<vmem>> -> memref<1x128x64xf32, #tpu.memory_space<vmem>>
      %dma_wait3A_235 = tpu.memref_squeeze %dma_wait3A_234 : memref<1x128x64xf32, #tpu.memory_space<vmem>> -> memref<128x64xf32, #tpu.memory_space<vmem>>
      %dma_wait3A_236 = arith.constant 0 : i32
      %dma_wait3A_237 = tpu.memref_slice %arg7[%add3A_230, %dma_wait3A_236] : memref<40x128xi32, #tpu.memory_space<vmem>> -> memref<1x128xi32, #tpu.memory_space<vmem>>
      %dma_wait3A_238 = tpu.memref_squeeze %dma_wait3A_237 : memref<1x128xi32, #tpu.memory_space<vmem>> -> memref<128xi32, #tpu.memory_space<vmem>>
      %dma_wait3A_239 = arith.constant 0 : i32
      %dma_wait3A_240 = arith.constant 0 : i32
      %dma_wait3A_241 = tpu.memref_slice %arg2[%dma_wait3A_239, %dma_wait3A_240] : memref<10240x64xf32, #tpu.memory_space<hbm>> -> memref<10240x64xf32, #tpu.memory_space<hbm>>
      tpu.wait_indirect_dma semaphore(%arg15 : memref<!tpu.dma_semaphore, #tpu.memory_space<semaphore_mem>>) src(%dma_wait3A_241 : memref<10240x64xf32, #tpu.memory_space<hbm>>) dst(%dma_wait3A_235 : memref<128x64xf32, #tpu.memory_space<vmem>>)
      %run_scoped3A_242 = arith.constant 3 : i32
      "tpu.region"() ({
        %run_scoped3A_256 = tpu.sem_alloc : memref<!tpu.dma_semaphore, #tpu.memory_space<semaphore_mem>>
        %dma_start3A_257 = arith.constant 0 : i32
        %dma_start3A_258 = arith.constant 0 : i32
        %dma_start3A_259 = tpu.memref_slice %arg9[%run_scoped3A_242, %dma_start3A_257, %dma_start3A_258] : memref<4x128x64xf32, #tpu.memory_space<vmem>> -> memref<1x128x64xf32, #tpu.memory_space<vmem>>
        %dma_start3A_260 = tpu.memref_squeeze %dma_start3A_259 : memref<1x128x64xf32, #tpu.memory_space<vmem>> -> memref<128x64xf32, #tpu.memory_space<vmem>>
        %dma_start3A_261 = arith.constant 0 : i32
        %dma_start3A_262 = tpu.memref_slice %arg8[%add3A_230, %dma_start3A_261] : memref<40x128xi32, #tpu.memory_space<vmem>> -> memref<1x128xi32, #tpu.memory_space<vmem>>
        %dma_start3A_263 = tpu.memref_squeeze %dma_start3A_262 : memref<1x128xi32, #tpu.memory_space<vmem>> -> memref<128xi32, #tpu.memory_space<vmem>>
        %dma_start3A_264 = arith.constant 0 : i32
        %dma_start3A_265 = arith.constant 0 : i32
        %dma_start3A_266 = tpu.memref_slice %arg11[%dma_start3A_264, %dma_start3A_265] : memref<10240x64xf32, #tpu.memory_space<vmem_shared>> -> memref<10240x64xf32, #tpu.memory_space<vmem_shared>>
        tpu.enqueue_indirect_dma source(%dma_start3A_260 : memref<128x64xf32, #tpu.memory_space<vmem>>) target(%dma_start3A_266 : memref<10240x64xf32, #tpu.memory_space<vmem_shared>>) offsets(%dma_start3A_263 : memref<128xi32, #tpu.memory_space<vmem>>) semaphore(%run_scoped3A_256 : memref<!tpu.dma_semaphore, #tpu.memory_space<semaphore_mem>>) {add = true}
        %dma_wait3A_267 = arith.constant 0 : i32
        %dma_wait3A_268 = arith.constant 0 : i32
        %dma_wait3A_269 = tpu.memref_slice %arg9[%run_scoped3A_242, %dma_wait3A_267, %dma_wait3A_268] : memref<4x128x64xf32, #tpu.memory_space<vmem>> -> memref<1x128x64xf32, #tpu.memory_space<vmem>>
        %dma_wait3A_270 = tpu.memref_squeeze %dma_wait3A_269 : memref<1x128x64xf32, #tpu.memory_space<vmem>> -> memref<128x64xf32, #tpu.memory_space<vmem>>
        %dma_wait3A_271 = arith.constant 0 : i32
        %dma_wait3A_272 = tpu.memref_slice %arg8[%add3A_230, %dma_wait3A_271] : memref<40x128xi32, #tpu.memory_space<vmem>> -> memref<1x128xi32, #tpu.memory_space<vmem>>
        %dma_wait3A_273 = tpu.memref_squeeze %dma_wait3A_272 : memref<1x128xi32, #tpu.memory_space<vmem>> -> memref<128xi32, #tpu.memory_space<vmem>>
        %dma_wait3A_274 = arith.constant 0 : i32
        %dma_wait3A_275 = arith.constant 0 : i32
        %dma_wait3A_276 = tpu.memref_slice %arg11[%dma_wait3A_274, %dma_wait3A_275] : memref<10240x64xf32, #tpu.memory_space<vmem_shared>> -> memref<10240x64xf32, #tpu.memory_space<vmem_shared>>
        tpu.wait_indirect_dma semaphore(%run_scoped3A_256 : memref<!tpu.dma_semaphore, #tpu.memory_space<semaphore_mem>>) src(%dma_wait3A_270 : memref<128x64xf32, #tpu.memory_space<vmem>>) dst(%dma_wait3A_276 : memref<10240x64xf32, #tpu.memory_space<vmem_shared>>)
        tpu.yield
      }) : () -> ()
      %add3A_243 = arith.constant 4 : i32
      %add3A_244 = arith.addi %add3A_230, %add3A_243 : i32
      %dma_start3A_245 = arith.constant 3 : i32
      %dma_start3A_246 = arith.constant 0 : i32
      %dma_start3A_247 = arith.constant 0 : i32
      %dma_start3A_248 = tpu.memref_slice %arg9[%dma_start3A_245, %dma_start3A_246, %dma_start3A_247] : memref<4x128x64xf32, #tpu.memory_space<vmem>> -> memref<1x128x64xf32, #tpu.memory_space<vmem>>
      %dma_start3A_249 = tpu.memref_squeeze %dma_start3A_248 : memref<1x128x64xf32, #tpu.memory_space<vmem>> -> memref<128x64xf32, #tpu.memory_space<vmem>>
      %dma_start3A_250 = arith.constant 0 : i32
      %dma_start3A_251 = tpu.memref_slice %arg7[%add3A_244, %dma_start3A_250] : memref<40x128xi32, #tpu.memory_space<vmem>> -> memref<1x128xi32, #tpu.memory_space<vmem>>
      %dma_start3A_252 = tpu.memref_squeeze %dma_start3A_251 : memref<1x128xi32, #tpu.memory_space<vmem>> -> memref<128xi32, #tpu.memory_space<vmem>>
      %dma_start3A_253 = arith.constant 0 : i32
      %dma_start3A_254 = arith.constant 0 : i32
      %dma_start3A_255 = tpu.memref_slice %arg2[%dma_start3A_253, %dma_start3A_254] : memref<10240x64xf32, #tpu.memory_space<hbm>> -> memref<10240x64xf32, #tpu.memory_space<hbm>>
      tpu.enqueue_indirect_dma source(%dma_start3A_255 : memref<10240x64xf32, #tpu.memory_space<hbm>>) target(%dma_start3A_249 : memref<128x64xf32, #tpu.memory_space<vmem>>) offsets(%dma_start3A_252 : memref<128xi32, #tpu.memory_space<vmem>>) semaphore(%arg15 : memref<!tpu.dma_semaphore, #tpu.memory_space<semaphore_mem>>)
    }
    %scan3A_63 = arith.constant 9 : i32
    %dma_wait3A = arith.constant 36 : i32
    %dma_wait3A_64 = arith.constant 0 : i32
    %dma_wait3A_65 = arith.constant 0 : i32
    %dma_wait3A_66 = arith.constant 0 : i32
    %dma_wait3A_67 = tpu.memref_slice %arg9[%dma_wait3A_64, %dma_wait3A_65, %dma_wait3A_66] : memref<4x128x64xf32, #tpu.memory_space<vmem>> -> memref<1x128x64xf32, #tpu.memory_space<vmem>>
    %dma_wait3A_68 = tpu.memref_squeeze %dma_wait3A_67 : memref<1x128x64xf32, #tpu.memory_space<vmem>> -> memref<128x64xf32, #tpu.memory_space<vmem>>
    %dma_wait3A_69 = arith.constant 0 : i32
    %dma_wait3A_70 = tpu.memref_slice %arg7[%dma_wait3A, %dma_wait3A_69] : memref<40x128xi32, #tpu.memory_space<vmem>> -> memref<1x128xi32, #tpu.memory_space<vmem>>
    %dma_wait3A_71 = tpu.memref_squeeze %dma_wait3A_70 : memref<1x128xi32, #tpu.memory_space<vmem>> -> memref<128xi32, #tpu.memory_space<vmem>>
    %dma_wait3A_72 = arith.constant 0 : i32
    %dma_wait3A_73 = arith.constant 0 : i32
    %dma_wait3A_74 = tpu.memref_slice %arg2[%dma_wait3A_72, %dma_wait3A_73] : memref<10240x64xf32, #tpu.memory_space<hbm>> -> memref<10240x64xf32, #tpu.memory_space<hbm>>
    tpu.wait_indirect_dma semaphore(%arg12 : memref<!tpu.dma_semaphore, #tpu.memory_space<semaphore_mem>>) src(%dma_wait3A_74 : memref<10240x64xf32, #tpu.memory_space<hbm>>) dst(%dma_wait3A_68 : memref<128x64xf32, #tpu.memory_space<vmem>>)
    %run_scoped3A = arith.constant 0 : i32
    %run_scoped3A_75 = arith.constant 36 : i32
    "tpu.region"() ({
      %run_scoped3A_139 = tpu.sem_alloc : memref<!tpu.dma_semaphore, #tpu.memory_space<semaphore_mem>>
      %dma_start3A_140 = arith.constant 0 : i32
      %dma_start3A_141 = arith.constant 0 : i32
      %dma_start3A_142 = tpu.memref_slice %arg9[%run_scoped3A, %dma_start3A_140, %dma_start3A_141] : memref<4x128x64xf32, #tpu.memory_space<vmem>> -> memref<1x128x64xf32, #tpu.memory_space<vmem>>
      %dma_start3A_143 = tpu.memref_squeeze %dma_start3A_142 : memref<1x128x64xf32, #tpu.memory_space<vmem>> -> memref<128x64xf32, #tpu.memory_space<vmem>>
      %dma_start3A_144 = arith.constant 0 : i32
      %dma_start3A_145 = tpu.memref_slice %arg8[%run_scoped3A_75, %dma_start3A_144] : memref<40x128xi32, #tpu.memory_space<vmem>> -> memref<1x128xi32, #tpu.memory_space<vmem>>
      %dma_start3A_146 = tpu.memref_squeeze %dma_start3A_145 : memref<1x128xi32, #tpu.memory_space<vmem>> -> memref<128xi32, #tpu.memory_space<vmem>>
      %dma_start3A_147 = arith.constant 0 : i32
      %dma_start3A_148 = arith.constant 0 : i32
      %dma_start3A_149 = tpu.memref_slice %arg11[%dma_start3A_147, %dma_start3A_148] : memref<10240x64xf32, #tpu.memory_space<vmem_shared>> -> memref<10240x64xf32, #tpu.memory_space<vmem_shared>>
      tpu.enqueue_indirect_dma source(%dma_start3A_143 : memref<128x64xf32, #tpu.memory_space<vmem>>) target(%dma_start3A_149 : memref<10240x64xf32, #tpu.memory_space<vmem_shared>>) offsets(%dma_start3A_146 : memref<128xi32, #tpu.memory_space<vmem>>) semaphore(%run_scoped3A_139 : memref<!tpu.dma_semaphore, #tpu.memory_space<semaphore_mem>>) {add = true}
      %dma_wait3A_150 = arith.constant 0 : i32
      %dma_wait3A_151 = arith.constant 0 : i32
      %dma_wait3A_152 = tpu.memref_slice %arg9[%run_scoped3A, %dma_wait3A_150, %dma_wait3A_151] : memref<4x128x64xf32, #tpu.memory_space<vmem>> -> memref<1x128x64xf32, #tpu.memory_space<vmem>>
      %dma_wait3A_153 = tpu.memref_squeeze %dma_wait3A_152 : memref<1x128x64xf32, #tpu.memory_space<vmem>> -> memref<128x64xf32, #tpu.memory_space<vmem>>
      %dma_wait3A_154 = arith.constant 0 : i32
      %dma_wait3A_155 = tpu.memref_slice %arg8[%run_scoped3A_75, %dma_wait3A_154] : memref<40x128xi32, #tpu.memory_space<vmem>> -> memref<1x128xi32, #tpu.memory_space<vmem>>
      %dma_wait3A_156 = tpu.memref_squeeze %dma_wait3A_155 : memref<1x128xi32, #tpu.memory_space<vmem>> -> memref<128xi32, #tpu.memory_space<vmem>>
      %dma_wait3A_157 = arith.constant 0 : i32
      %dma_wait3A_158 = arith.constant 0 : i32
      %dma_wait3A_159 = tpu.memref_slice %arg11[%dma_wait3A_157, %dma_wait3A_158] : memref<10240x64xf32, #tpu.memory_space<vmem_shared>> -> memref<10240x64xf32, #tpu.memory_space<vmem_shared>>
      tpu.wait_indirect_dma semaphore(%run_scoped3A_139 : memref<!tpu.dma_semaphore, #tpu.memory_space<semaphore_mem>>) src(%dma_wait3A_153 : memref<128x64xf32, #tpu.memory_space<vmem>>) dst(%dma_wait3A_159 : memref<10240x64xf32, #tpu.memory_space<vmem_shared>>)
      tpu.yield
    }) : () -> ()
    %dma_wait3A_76 = arith.constant 37 : i32
    %dma_wait3A_77 = arith.constant 1 : i32
    %dma_wait3A_78 = arith.constant 0 : i32
    %dma_wait3A_79 = arith.constant 0 : i32
    %dma_wait3A_80 = tpu.memref_slice %arg9[%dma_wait3A_77, %dma_wait3A_78, %dma_wait3A_79] : memref<4x128x64xf32, #tpu.memory_space<vmem>> -> memref<1x128x64xf32, #tpu.memory_space<vmem>>
    %dma_wait3A_81 = tpu.memref_squeeze %dma_wait3A_80 : memref<1x128x64xf32, #tpu.memory_space<vmem>> -> memref<128x64xf32, #tpu.memory_space<vmem>>
    %dma_wait3A_82 = arith.constant 0 : i32
    %dma_wait3A_83 = tpu.memref_slice %arg7[%dma_wait3A_76, %dma_wait3A_82] : memref<40x128xi32, #tpu.memory_space<vmem>> -> memref<1x128xi32, #tpu.memory_space<vmem>>
    %dma_wait3A_84 = tpu.memref_squeeze %dma_wait3A_83 : memref<1x128xi32, #tpu.memory_space<vmem>> -> memref<128xi32, #tpu.memory_space<vmem>>
    %dma_wait3A_85 = arith.constant 0 : i32
    %dma_wait3A_86 = arith.constant 0 : i32
    %dma_wait3A_87 = tpu.memref_slice %arg2[%dma_wait3A_85, %dma_wait3A_86] : memref<10240x64xf32, #tpu.memory_space<hbm>> -> memref<10240x64xf32, #tpu.memory_space<hbm>>
    tpu.wait_indirect_dma semaphore(%arg13 : memref<!tpu.dma_semaphore, #tpu.memory_space<semaphore_mem>>) src(%dma_wait3A_87 : memref<10240x64xf32, #tpu.memory_space<hbm>>) dst(%dma_wait3A_81 : memref<128x64xf32, #tpu.memory_space<vmem>>)
    %run_scoped3A_88 = arith.constant 1 : i32
    %run_scoped3A_89 = arith.constant 37 : i32
    "tpu.region"() ({
      %run_scoped3A_139 = tpu.sem_alloc : memref<!tpu.dma_semaphore, #tpu.memory_space<semaphore_mem>>
      %dma_start3A_140 = arith.constant 0 : i32
      %dma_start3A_141 = arith.constant 0 : i32
      %dma_start3A_142 = tpu.memref_slice %arg9[%run_scoped3A_88, %dma_start3A_140, %dma_start3A_141] : memref<4x128x64xf32, #tpu.memory_space<vmem>> -> memref<1x128x64xf32, #tpu.memory_space<vmem>>
      %dma_start3A_143 = tpu.memref_squeeze %dma_start3A_142 : memref<1x128x64xf32, #tpu.memory_space<vmem>> -> memref<128x64xf32, #tpu.memory_space<vmem>>
      %dma_start3A_144 = arith.constant 0 : i32
      %dma_start3A_145 = tpu.memref_slice %arg8[%run_scoped3A_89, %dma_start3A_144] : memref<40x128xi32, #tpu.memory_space<vmem>> -> memref<1x128xi32, #tpu.memory_space<vmem>>
      %dma_start3A_146 = tpu.memref_squeeze %dma_start3A_145 : memref<1x128xi32, #tpu.memory_space<vmem>> -> memref<128xi32, #tpu.memory_space<vmem>>
      %dma_start3A_147 = arith.constant 0 : i32
      %dma_start3A_148 = arith.constant 0 : i32
      %dma_start3A_149 = tpu.memref_slice %arg11[%dma_start3A_147, %dma_start3A_148] : memref<10240x64xf32, #tpu.memory_space<vmem_shared>> -> memref<10240x64xf32, #tpu.memory_space<vmem_shared>>
      tpu.enqueue_indirect_dma source(%dma_start3A_143 : memref<128x64xf32, #tpu.memory_space<vmem>>) target(%dma_start3A_149 : memref<10240x64xf32, #tpu.memory_space<vmem_shared>>) offsets(%dma_start3A_146 : memref<128xi32, #tpu.memory_space<vmem>>) semaphore(%run_scoped3A_139 : memref<!tpu.dma_semaphore, #tpu.memory_space<semaphore_mem>>) {add = true}
      %dma_wait3A_150 = arith.constant 0 : i32
      %dma_wait3A_151 = arith.constant 0 : i32
      %dma_wait3A_152 = tpu.memref_slice %arg9[%run_scoped3A_88, %dma_wait3A_150, %dma_wait3A_151] : memref<4x128x64xf32, #tpu.memory_space<vmem>> -> memref<1x128x64xf32, #tpu.memory_space<vmem>>
      %dma_wait3A_153 = tpu.memref_squeeze %dma_wait3A_152 : memref<1x128x64xf32, #tpu.memory_space<vmem>> -> memref<128x64xf32, #tpu.memory_space<vmem>>
      %dma_wait3A_154 = arith.constant 0 : i32
      %dma_wait3A_155 = tpu.memref_slice %arg8[%run_scoped3A_89, %dma_wait3A_154] : memref<40x128xi32, #tpu.memory_space<vmem>> -> memref<1x128xi32, #tpu.memory_space<vmem>>
      %dma_wait3A_156 = tpu.memref_squeeze %dma_wait3A_155 : memref<1x128xi32, #tpu.memory_space<vmem>> -> memref<128xi32, #tpu.memory_space<vmem>>
      %dma_wait3A_157 = arith.constant 0 : i32
      %dma_wait3A_158 = arith.constant 0 : i32
      %dma_wait3A_159 = tpu.memref_slice %arg11[%dma_wait3A_157, %dma_wait3A_158] : memref<10240x64xf32, #tpu.memory_space<vmem_shared>> -> memref<10240x64xf32, #tpu.memory_space<vmem_shared>>
      tpu.wait_indirect_dma semaphore(%run_scoped3A_139 : memref<!tpu.dma_semaphore, #tpu.memory_space<semaphore_mem>>) src(%dma_wait3A_153 : memref<128x64xf32, #tpu.memory_space<vmem>>) dst(%dma_wait3A_159 : memref<10240x64xf32, #tpu.memory_space<vmem_shared>>)
      tpu.yield
    }) : () -> ()
    %dma_wait3A_90 = arith.constant 38 : i32
    %dma_wait3A_91 = arith.constant 2 : i32
    %dma_wait3A_92 = arith.constant 0 : i32
    %dma_wait3A_93 = arith.constant 0 : i32
    %dma_wait3A_94 = tpu.memref_slice %arg9[%dma_wait3A_91, %dma_wait3A_92, %dma_wait3A_93] : memref<4x128x64xf32, #tpu.memory_space<vmem>> -> memref<1x128x64xf32, #tpu.memory_space<vmem>>
    %dma_wait3A_95 = tpu.memref_squeeze %dma_wait3A_94 : memref<1x128x64xf32, #tpu.memory_space<vmem>> -> memref<128x64xf32, #tpu.memory_space<vmem>>
    %dma_wait3A_96 = arith.constant 0 : i32
    %dma_wait3A_97 = tpu.memref_slice %arg7[%dma_wait3A_90, %dma_wait3A_96] : memref<40x128xi32, #tpu.memory_space<vmem>> -> memref<1x128xi32, #tpu.memory_space<vmem>>
    %dma_wait3A_98 = tpu.memref_squeeze %dma_wait3A_97 : memref<1x128xi32, #tpu.memory_space<vmem>> -> memref<128xi32, #tpu.memory_space<vmem>>
    %dma_wait3A_99 = arith.constant 0 : i32
    %dma_wait3A_100 = arith.constant 0 : i32
    %dma_wait3A_101 = tpu.memref_slice %arg2[%dma_wait3A_99, %dma_wait3A_100] : memref<10240x64xf32, #tpu.memory_space<hbm>> -> memref<10240x64xf32, #tpu.memory_space<hbm>>
    tpu.wait_indirect_dma semaphore(%arg14 : memref<!tpu.dma_semaphore, #tpu.memory_space<semaphore_mem>>) src(%dma_wait3A_101 : memref<10240x64xf32, #tpu.memory_space<hbm>>) dst(%dma_wait3A_95 : memref<128x64xf32, #tpu.memory_space<vmem>>)
    %run_scoped3A_102 = arith.constant 2 : i32
    %run_scoped3A_103 = arith.constant 38 : i32
    "tpu.region"() ({
      %run_scoped3A_139 = tpu.sem_alloc : memref<!tpu.dma_semaphore, #tpu.memory_space<semaphore_mem>>
      %dma_start3A_140 = arith.constant 0 : i32
      %dma_start3A_141 = arith.constant 0 : i32
      %dma_start3A_142 = tpu.memref_slice %arg9[%run_scoped3A_102, %dma_start3A_140, %dma_start3A_141] : memref<4x128x64xf32, #tpu.memory_space<vmem>> -> memref<1x128x64xf32, #tpu.memory_space<vmem>>
      %dma_start3A_143 = tpu.memref_squeeze %dma_start3A_142 : memref<1x128x64xf32, #tpu.memory_space<vmem>> -> memref<128x64xf32, #tpu.memory_space<vmem>>
      %dma_start3A_144 = arith.constant 0 : i32
      %dma_start3A_145 = tpu.memref_slice %arg8[%run_scoped3A_103, %dma_start3A_144] : memref<40x128xi32, #tpu.memory_space<vmem>> -> memref<1x128xi32, #tpu.memory_space<vmem>>
      %dma_start3A_146 = tpu.memref_squeeze %dma_start3A_145 : memref<1x128xi32, #tpu.memory_space<vmem>> -> memref<128xi32, #tpu.memory_space<vmem>>
      %dma_start3A_147 = arith.constant 0 : i32
      %dma_start3A_148 = arith.constant 0 : i32
      %dma_start3A_149 = tpu.memref_slice %arg11[%dma_start3A_147, %dma_start3A_148] : memref<10240x64xf32, #tpu.memory_space<vmem_shared>> -> memref<10240x64xf32, #tpu.memory_space<vmem_shared>>
      tpu.enqueue_indirect_dma source(%dma_start3A_143 : memref<128x64xf32, #tpu.memory_space<vmem>>) target(%dma_start3A_149 : memref<10240x64xf32, #tpu.memory_space<vmem_shared>>) offsets(%dma_start3A_146 : memref<128xi32, #tpu.memory_space<vmem>>) semaphore(%run_scoped3A_139 : memref<!tpu.dma_semaphore, #tpu.memory_space<semaphore_mem>>) {add = true}
      %dma_wait3A_150 = arith.constant 0 : i32
      %dma_wait3A_151 = arith.constant 0 : i32
      %dma_wait3A_152 = tpu.memref_slice %arg9[%run_scoped3A_102, %dma_wait3A_150, %dma_wait3A_151] : memref<4x128x64xf32, #tpu.memory_space<vmem>> -> memref<1x128x64xf32, #tpu.memory_space<vmem>>
      %dma_wait3A_153 = tpu.memref_squeeze %dma_wait3A_152 : memref<1x128x64xf32, #tpu.memory_space<vmem>> -> memref<128x64xf32, #tpu.memory_space<vmem>>
      %dma_wait3A_154 = arith.constant 0 : i32
      %dma_wait3A_155 = tpu.memref_slice %arg8[%run_scoped3A_103, %dma_wait3A_154] : memref<40x128xi32, #tpu.memory_space<vmem>> -> memref<1x128xi32, #tpu.memory_space<vmem>>
      %dma_wait3A_156 = tpu.memref_squeeze %dma_wait3A_155 : memref<1x128xi32, #tpu.memory_space<vmem>> -> memref<128xi32, #tpu.memory_space<vmem>>
      %dma_wait3A_157 = arith.constant 0 : i32
      %dma_wait3A_158 = arith.constant 0 : i32
      %dma_wait3A_159 = tpu.memref_slice %arg11[%dma_wait3A_157, %dma_wait3A_158] : memref<10240x64xf32, #tpu.memory_space<vmem_shared>> -> memref<10240x64xf32, #tpu.memory_space<vmem_shared>>
      tpu.wait_indirect_dma semaphore(%run_scoped3A_139 : memref<!tpu.dma_semaphore, #tpu.memory_space<semaphore_mem>>) src(%dma_wait3A_153 : memref<128x64xf32, #tpu.memory_space<vmem>>) dst(%dma_wait3A_159 : memref<10240x64xf32, #tpu.memory_space<vmem_shared>>)
      tpu.yield
    }) : () -> ()
    %dma_wait3A_104 = arith.constant 39 : i32
    %dma_wait3A_105 = arith.constant 3 : i32
    %dma_wait3A_106 = arith.constant 0 : i32
    %dma_wait3A_107 = arith.constant 0 : i32
    %dma_wait3A_108 = tpu.memref_slice %arg9[%dma_wait3A_105, %dma_wait3A_106, %dma_wait3A_107] : memref<4x128x64xf32, #tpu.memory_space<vmem>> -> memref<1x128x64xf32, #tpu.memory_space<vmem>>
    %dma_wait3A_109 = tpu.memref_squeeze %dma_wait3A_108 : memref<1x128x64xf32, #tpu.memory_space<vmem>> -> memref<128x64xf32, #tpu.memory_space<vmem>>
    %dma_wait3A_110 = arith.constant 0 : i32
    %dma_wait3A_111 = tpu.memref_slice %arg7[%dma_wait3A_104, %dma_wait3A_110] : memref<40x128xi32, #tpu.memory_space<vmem>> -> memref<1x128xi32, #tpu.memory_space<vmem>>
    %dma_wait3A_112 = tpu.memref_squeeze %dma_wait3A_111 : memref<1x128xi32, #tpu.memory_space<vmem>> -> memref<128xi32, #tpu.memory_space<vmem>>
    %dma_wait3A_113 = arith.constant 0 : i32
    %dma_wait3A_114 = arith.constant 0 : i32
    %dma_wait3A_115 = tpu.memref_slice %arg2[%dma_wait3A_113, %dma_wait3A_114] : memref<10240x64xf32, #tpu.memory_space<hbm>> -> memref<10240x64xf32, #tpu.memory_space<hbm>>
    tpu.wait_indirect_dma semaphore(%arg15 : memref<!tpu.dma_semaphore, #tpu.memory_space<semaphore_mem>>) src(%dma_wait3A_115 : memref<10240x64xf32, #tpu.memory_space<hbm>>) dst(%dma_wait3A_109 : memref<128x64xf32, #tpu.memory_space<vmem>>)
    %run_scoped3A_116 = arith.constant 3 : i32
    %run_scoped3A_117 = arith.constant 39 : i32
    "tpu.region"() ({
      %run_scoped3A_139 = tpu.sem_alloc : memref<!tpu.dma_semaphore, #tpu.memory_space<semaphore_mem>>
      %dma_start3A_140 = arith.constant 0 : i32
      %dma_start3A_141 = arith.constant 0 : i32
      %dma_start3A_142 = tpu.memref_slice %arg9[%run_scoped3A_116, %dma_start3A_140, %dma_start3A_141] : memref<4x128x64xf32, #tpu.memory_space<vmem>> -> memref<1x128x64xf32, #tpu.memory_space<vmem>>
      %dma_start3A_143 = tpu.memref_squeeze %dma_start3A_142 : memref<1x128x64xf32, #tpu.memory_space<vmem>> -> memref<128x64xf32, #tpu.memory_space<vmem>>
      %dma_start3A_144 = arith.constant 0 : i32
      %dma_start3A_145 = tpu.memref_slice %arg8[%run_scoped3A_117, %dma_start3A_144] : memref<40x128xi32, #tpu.memory_space<vmem>> -> memref<1x128xi32, #tpu.memory_space<vmem>>
      %dma_start3A_146 = tpu.memref_squeeze %dma_start3A_145 : memref<1x128xi32, #tpu.memory_space<vmem>> -> memref<128xi32, #tpu.memory_space<vmem>>
      %dma_start3A_147 = arith.constant 0 : i32
      %dma_start3A_148 = arith.constant 0 : i32
      %dma_start3A_149 = tpu.memref_slice %arg11[%dma_start3A_147, %dma_start3A_148] : memref<10240x64xf32, #tpu.memory_space<vmem_shared>> -> memref<10240x64xf32, #tpu.memory_space<vmem_shared>>
      tpu.enqueue_indirect_dma source(%dma_start3A_143 : memref<128x64xf32, #tpu.memory_space<vmem>>) target(%dma_start3A_149 : memref<10240x64xf32, #tpu.memory_space<vmem_shared>>) offsets(%dma_start3A_146 : memref<128xi32, #tpu.memory_space<vmem>>) semaphore(%run_scoped3A_139 : memref<!tpu.dma_semaphore, #tpu.memory_space<semaphore_mem>>) {add = true}
      %dma_wait3A_150 = arith.constant 0 : i32
      %dma_wait3A_151 = arith.constant 0 : i32
      %dma_wait3A_152 = tpu.memref_slice %arg9[%run_scoped3A_116, %dma_wait3A_150, %dma_wait3A_151] : memref<4x128x64xf32, #tpu.memory_space<vmem>> -> memref<1x128x64xf32, #tpu.memory_space<vmem>>
      %dma_wait3A_153 = tpu.memref_squeeze %dma_wait3A_152 : memref<1x128x64xf32, #tpu.memory_space<vmem>> -> memref<128x64xf32, #tpu.memory_space<vmem>>
      %dma_wait3A_154 = arith.constant 0 : i32
      %dma_wait3A_155 = tpu.memref_slice %arg8[%run_scoped3A_117, %dma_wait3A_154] : memref<40x128xi32, #tpu.memory_space<vmem>> -> memref<1x128xi32, #tpu.memory_space<vmem>>
      %dma_wait3A_156 = tpu.memref_squeeze %dma_wait3A_155 : memref<1x128xi32, #tpu.memory_space<vmem>> -> memref<128xi32, #tpu.memory_space<vmem>>
      %dma_wait3A_157 = arith.constant 0 : i32
      %dma_wait3A_158 = arith.constant 0 : i32
      %dma_wait3A_159 = tpu.memref_slice %arg11[%dma_wait3A_157, %dma_wait3A_158] : memref<10240x64xf32, #tpu.memory_space<vmem_shared>> -> memref<10240x64xf32, #tpu.memory_space<vmem_shared>>
      tpu.wait_indirect_dma semaphore(%run_scoped3A_139 : memref<!tpu.dma_semaphore, #tpu.memory_space<semaphore_mem>>) src(%dma_wait3A_153 : memref<128x64xf32, #tpu.memory_space<vmem>>) dst(%dma_wait3A_159 : memref<10240x64xf32, #tpu.memory_space<vmem_shared>>)
      tpu.yield
    }) : () -> ()
    %barrier3A_118 = arith.constant 0 : index
    tpu.barrier barrier_id(%barrier3A_118)
    %add3A_119 = arith.constant 0 : i32
    %add3A_120 = arith.addi %mul3A_2, %add3A_119 : i32
    "tpu.region"() ({
      %run_scoped3A_139 = tpu.sem_alloc : memref<!tpu.dma_semaphore, #tpu.memory_space<semaphore_mem>>
      %dma_start3A_140 = arith.constant 0 : i32
      %dma_start3A_141 = tpu.memref_slice %arg11[%add3A_120, %dma_start3A_140] : memref<10240x64xf32, #tpu.memory_space<vmem_shared>> -> memref<128x64xf32, #tpu.memory_space<vmem_shared>>
      %dma_start3A_142 = arith.constant 0 : i32
      %dma_start3A_143 = tpu.memref_slice %arg11[%add3A_120, %dma_start3A_142] : memref<10240x64xf32, #tpu.memory_space<vmem_shared>> -> memref<128x64xf32, #tpu.memory_space<vmem_shared>>
      tpu.enqueue_dma source(%dma_start3A_143 : memref<128x64xf32, #tpu.memory_space<vmem_shared>>) target(%arg10 : memref<128x64xf32, #tpu.memory_space<vmem>>) target_semaphore(%run_scoped3A_139 : memref<!tpu.dma_semaphore, #tpu.memory_space<semaphore_mem>>)
      %dma_wait3A_144 = arith.constant 0 : i32
      %dma_wait3A_145 = tpu.memref_slice %arg11[%add3A_120, %dma_wait3A_144] : memref<10240x64xf32, #tpu.memory_space<vmem_shared>> -> memref<128x64xf32, #tpu.memory_space<vmem_shared>>
      %dma_wait3A_146 = arith.constant 0 : i32
      %dma_wait3A_147 = tpu.memref_slice %arg11[%add3A_120, %dma_wait3A_146] : memref<10240x64xf32, #tpu.memory_space<vmem_shared>> -> memref<128x64xf32, #tpu.memory_space<vmem_shared>>
      tpu.wait_dma2 semaphore(%run_scoped3A_139 : memref<!tpu.dma_semaphore, #tpu.memory_space<semaphore_mem>>) src(%dma_wait3A_147 : memref<128x64xf32, #tpu.memory_space<vmem_shared>>) dst(%arg10 : memref<128x64xf32, #tpu.memory_space<vmem>>)
      tpu.yield
    }) : () -> ()
    %add3A_121 = arith.constant 0 : i32
    %add3A_122 = arith.addi %mul3A_2, %add3A_121 : i32
    "tpu.region"() ({
      %run_scoped3A_139 = tpu.sem_alloc : memref<!tpu.dma_semaphore, #tpu.memory_space<semaphore_mem>>
      %dma_start3A_140 = arith.constant 0 : i32
      %dma_start3A_141 = tpu.memref_slice %arg6[%arg0, %add3A_122, %dma_start3A_140] : memref<2x10240x64xf32, #tpu.memory_space<hbm>> -> memref<1x128x64xf32, #tpu.memory_space<hbm>>
      %dma_start3A_142 = tpu.memref_squeeze %dma_start3A_141 : memref<1x128x64xf32, #tpu.memory_space<hbm>> -> memref<128x64xf32, #tpu.memory_space<hbm>>
      %dma_start3A_143 = arith.constant 0 : i32
      %dma_start3A_144 = tpu.memref_slice %arg6[%arg0, %add3A_122, %dma_start3A_143] : memref<2x10240x64xf32, #tpu.memory_space<hbm>> -> memref<1x128x64xf32, #tpu.memory_space<hbm>>
      %dma_start3A_145 = tpu.memref_squeeze %dma_start3A_144 : memref<1x128x64xf32, #tpu.memory_space<hbm>> -> memref<128x64xf32, #tpu.memory_space<hbm>>
      tpu.enqueue_dma source(%arg10 : memref<128x64xf32, #tpu.memory_space<vmem>>) target(%dma_start3A_145 : memref<128x64xf32, #tpu.memory_space<hbm>>) target_semaphore(%run_scoped3A_139 : memref<!tpu.dma_semaphore, #tpu.memory_space<semaphore_mem>>)
      %dma_wait3A_146 = arith.constant 0 : i32
      %dma_wait3A_147 = tpu.memref_slice %arg6[%arg0, %add3A_122, %dma_wait3A_146] : memref<2x10240x64xf32, #tpu.memory_space<hbm>> -> memref<1x128x64xf32, #tpu.memory_space<hbm>>
      %dma_wait3A_148 = tpu.memref_squeeze %dma_wait3A_147 : memref<1x128x64xf32, #tpu.memory_space<hbm>> -> memref<128x64xf32, #tpu.memory_space<hbm>>
      %dma_wait3A_149 = arith.constant 0 : i32
      %dma_wait3A_150 = tpu.memref_slice %arg6[%arg0, %add3A_122, %dma_wait3A_149] : memref<2x10240x64xf32, #tpu.memory_space<hbm>> -> memref<1x128x64xf32, #tpu.memory_space<hbm>>
      %dma_wait3A_151 = tpu.memref_squeeze %dma_wait3A_150 : memref<1x128x64xf32, #tpu.memory_space<hbm>> -> memref<128x64xf32, #tpu.memory_space<hbm>>
      tpu.wait_dma2 semaphore(%run_scoped3A_139 : memref<!tpu.dma_semaphore, #tpu.memory_space<semaphore_mem>>) src(%arg10 : memref<128x64xf32, #tpu.memory_space<vmem>>) dst(%dma_wait3A_151 : memref<128x64xf32, #tpu.memory_space<hbm>>)
      tpu.yield
    }) : () -> ()
    %add3A_123 = arith.constant 128 : i32
    %add3A_124 = arith.addi %mul3A_2, %add3A_123 : i32
    "tpu.region"() ({
      %run_scoped3A_139 = tpu.sem_alloc : memref<!tpu.dma_semaphore, #tpu.memory_space<semaphore_mem>>
      %dma_start3A_140 = arith.constant 0 : i32
      %dma_start3A_141 = tpu.memref_slice %arg11[%add3A_124, %dma_start3A_140] : memref<10240x64xf32, #tpu.memory_space<vmem_shared>> -> memref<128x64xf32, #tpu.memory_space<vmem_shared>>
      %dma_start3A_142 = arith.constant 0 : i32
      %dma_start3A_143 = tpu.memref_slice %arg11[%add3A_124, %dma_start3A_142] : memref<10240x64xf32, #tpu.memory_space<vmem_shared>> -> memref<128x64xf32, #tpu.memory_space<vmem_shared>>
      tpu.enqueue_dma source(%dma_start3A_143 : memref<128x64xf32, #tpu.memory_space<vmem_shared>>) target(%arg10 : memref<128x64xf32, #tpu.memory_space<vmem>>) target_semaphore(%run_scoped3A_139 : memref<!tpu.dma_semaphore, #tpu.memory_space<semaphore_mem>>)
      %dma_wait3A_144 = arith.constant 0 : i32
      %dma_wait3A_145 = tpu.memref_slice %arg11[%add3A_124, %dma_wait3A_144] : memref<10240x64xf32, #tpu.memory_space<vmem_shared>> -> memref<128x64xf32, #tpu.memory_space<vmem_shared>>
      %dma_wait3A_146 = arith.constant 0 : i32
      %dma_wait3A_147 = tpu.memref_slice %arg11[%add3A_124, %dma_wait3A_146] : memref<10240x64xf32, #tpu.memory_space<vmem_shared>> -> memref<128x64xf32, #tpu.memory_space<vmem_shared>>
      tpu.wait_dma2 semaphore(%run_scoped3A_139 : memref<!tpu.dma_semaphore, #tpu.memory_space<semaphore_mem>>) src(%dma_wait3A_147 : memref<128x64xf32, #tpu.memory_space<vmem_shared>>) dst(%arg10 : memref<128x64xf32, #tpu.memory_space<vmem>>)
      tpu.yield
    }) : () -> ()
    %add3A_125 = arith.constant 128 : i32
    %add3A_126 = arith.addi %mul3A_2, %add3A_125 : i32
    "tpu.region"() ({
      %run_scoped3A_139 = tpu.sem_alloc : memref<!tpu.dma_semaphore, #tpu.memory_space<semaphore_mem>>
      %dma_start3A_140 = arith.constant 0 : i32
      %dma_start3A_141 = tpu.memref_slice %arg6[%arg0, %add3A_126, %dma_start3A_140] : memref<2x10240x64xf32, #tpu.memory_space<hbm>> -> memref<1x128x64xf32, #tpu.memory_space<hbm>>
      %dma_start3A_142 = tpu.memref_squeeze %dma_start3A_141 : memref<1x128x64xf32, #tpu.memory_space<hbm>> -> memref<128x64xf32, #tpu.memory_space<hbm>>
      %dma_start3A_143 = arith.constant 0 : i32
      %dma_start3A_144 = tpu.memref_slice %arg6[%arg0, %add3A_126, %dma_start3A_143] : memref<2x10240x64xf32, #tpu.memory_space<hbm>> -> memref<1x128x64xf32, #tpu.memory_space<hbm>>
      %dma_start3A_145 = tpu.memref_squeeze %dma_start3A_144 : memref<1x128x64xf32, #tpu.memory_space<hbm>> -> memref<128x64xf32, #tpu.memory_space<hbm>>
      tpu.enqueue_dma source(%arg10 : memref<128x64xf32, #tpu.memory_space<vmem>>) target(%dma_start3A_145 : memref<128x64xf32, #tpu.memory_space<hbm>>) target_semaphore(%run_scoped3A_139 : memref<!tpu.dma_semaphore, #tpu.memory_space<semaphore_mem>>)
      %dma_wait3A_146 = arith.constant 0 : i32
      %dma_wait3A_147 = tpu.memref_slice %arg6[%arg0, %add3A_126, %dma_wait3A_146] : memref<2x10240x64xf32, #tpu.memory_space<hbm>> -> memref<1x128x64xf32, #tpu.memory_space<hbm>>
      %dma_wait3A_148 = tpu.memref_squeeze %dma_wait3A_147 : memref<1x128x64xf32, #tpu.memory_space<hbm>> -> memref<128x64xf32, #tpu.memory_space<hbm>>
      %dma_wait3A_149 = arith.constant 0 : i32
      %dma_wait3A_150 = tpu.memref_slice %arg6[%arg0, %add3A_126, %dma_wait3A_149] : memref<2x10240x64xf32, #tpu.memory_space<hbm>> -> memref<1x128x64xf32, #tpu.memory_space<hbm>>
      %dma_wait3A_151 = tpu.memref_squeeze %dma_wait3A_150 : memref<1x128x64xf32, #tpu.memory_space<hbm>> -> memref<128x64xf32, #tpu.memory_space<hbm>>
      tpu.wait_dma2 semaphore(%run_scoped3A_139 : memref<!tpu.dma_semaphore, #tpu.memory_space<semaphore_mem>>) src(%arg10 : memref<128x64xf32, #tpu.memory_space<vmem>>) dst(%dma_wait3A_151 : memref<128x64xf32, #tpu.memory_space<hbm>>)
      tpu.yield
    }) : () -> ()
    %add3A_127 = arith.constant 256 : i32
    %add3A_128 = arith.addi %mul3A_2, %add3A_127 : i32
    "tpu.region"() ({
      %run_scoped3A_139 = tpu.sem_alloc : memref<!tpu.dma_semaphore, #tpu.memory_space<semaphore_mem>>
      %dma_start3A_140 = arith.constant 0 : i32
      %dma_start3A_141 = tpu.memref_slice %arg11[%add3A_128, %dma_start3A_140] : memref<10240x64xf32, #tpu.memory_space<vmem_shared>> -> memref<128x64xf32, #tpu.memory_space<vmem_shared>>
      %dma_start3A_142 = arith.constant 0 : i32
      %dma_start3A_143 = tpu.memref_slice %arg11[%add3A_128, %dma_start3A_142] : memref<10240x64xf32, #tpu.memory_space<vmem_shared>> -> memref<128x64xf32, #tpu.memory_space<vmem_shared>>
      tpu.enqueue_dma source(%dma_start3A_143 : memref<128x64xf32, #tpu.memory_space<vmem_shared>>) target(%arg10 : memref<128x64xf32, #tpu.memory_space<vmem>>) target_semaphore(%run_scoped3A_139 : memref<!tpu.dma_semaphore, #tpu.memory_space<semaphore_mem>>)
      %dma_wait3A_144 = arith.constant 0 : i32
      %dma_wait3A_145 = tpu.memref_slice %arg11[%add3A_128, %dma_wait3A_144] : memref<10240x64xf32, #tpu.memory_space<vmem_shared>> -> memref<128x64xf32, #tpu.memory_space<vmem_shared>>
      %dma_wait3A_146 = arith.constant 0 : i32
      %dma_wait3A_147 = tpu.memref_slice %arg11[%add3A_128, %dma_wait3A_146] : memref<10240x64xf32, #tpu.memory_space<vmem_shared>> -> memref<128x64xf32, #tpu.memory_space<vmem_shared>>
      tpu.wait_dma2 semaphore(%run_scoped3A_139 : memref<!tpu.dma_semaphore, #tpu.memory_space<semaphore_mem>>) src(%dma_wait3A_147 : memref<128x64xf32, #tpu.memory_space<vmem_shared>>) dst(%arg10 : memref<128x64xf32, #tpu.memory_space<vmem>>)
      tpu.yield
    }) : () -> ()
    %add3A_129 = arith.constant 256 : i32
    %add3A_130 = arith.addi %mul3A_2, %add3A_129 : i32
    "tpu.region"() ({
      %run_scoped3A_139 = tpu.sem_alloc : memref<!tpu.dma_semaphore, #tpu.memory_space<semaphore_mem>>
      %dma_start3A_140 = arith.constant 0 : i32
      %dma_start3A_141 = tpu.memref_slice %arg6[%arg0, %add3A_130, %dma_start3A_140] : memref<2x10240x64xf32, #tpu.memory_space<hbm>> -> memref<1x128x64xf32, #tpu.memory_space<hbm>>
      %dma_start3A_142 = tpu.memref_squeeze %dma_start3A_141 : memref<1x128x64xf32, #tpu.memory_space<hbm>> -> memref<128x64xf32, #tpu.memory_space<hbm>>
      %dma_start3A_143 = arith.constant 0 : i32
      %dma_start3A_144 = tpu.memref_slice %arg6[%arg0, %add3A_130, %dma_start3A_143] : memref<2x10240x64xf32, #tpu.memory_space<hbm>> -> memref<1x128x64xf32, #tpu.memory_space<hbm>>
      %dma_start3A_145 = tpu.memref_squeeze %dma_start3A_144 : memref<1x128x64xf32, #tpu.memory_space<hbm>> -> memref<128x64xf32, #tpu.memory_space<hbm>>
      tpu.enqueue_dma source(%arg10 : memref<128x64xf32, #tpu.memory_space<vmem>>) target(%dma_start3A_145 : memref<128x64xf32, #tpu.memory_space<hbm>>) target_semaphore(%run_scoped3A_139 : memref<!tpu.dma_semaphore, #tpu.memory_space<semaphore_mem>>)
      %dma_wait3A_146 = arith.constant 0 : i32
      %dma_wait3A_147 = tpu.memref_slice %arg6[%arg0, %add3A_130, %dma_wait3A_146] : memref<2x10240x64xf32, #tpu.memory_space<hbm>> -> memref<1x128x64xf32, #tpu.memory_space<hbm>>
      %dma_wait3A_148 = tpu.memref_squeeze %dma_wait3A_147 : memref<1x128x64xf32, #tpu.memory_space<hbm>> -> memref<128x64xf32, #tpu.memory_space<hbm>>
      %dma_wait3A_149 = arith.constant 0 : i32
      %dma_wait3A_150 = tpu.memref_slice %arg6[%arg0, %add3A_130, %dma_wait3A_149] : memref<2x10240x64xf32, #tpu.memory_space<hbm>> -> memref<1x128x64xf32, #tpu.memory_space<hbm>>
      %dma_wait3A_151 = tpu.memref_squeeze %dma_wait3A_150 : memref<1x128x64xf32, #tpu.memory_space<hbm>> -> memref<128x64xf32, #tpu.memory_space<hbm>>
      tpu.wait_dma2 semaphore(%run_scoped3A_139 : memref<!tpu.dma_semaphore, #tpu.memory_space<semaphore_mem>>) src(%arg10 : memref<128x64xf32, #tpu.memory_space<vmem>>) dst(%dma_wait3A_151 : memref<128x64xf32, #tpu.memory_space<hbm>>)
      tpu.yield
    }) : () -> ()
    %add3A_131 = arith.constant 384 : i32
    %add3A_132 = arith.addi %mul3A_2, %add3A_131 : i32
    "tpu.region"() ({
      %run_scoped3A_139 = tpu.sem_alloc : memref<!tpu.dma_semaphore, #tpu.memory_space<semaphore_mem>>
      %dma_start3A_140 = arith.constant 0 : i32
      %dma_start3A_141 = tpu.memref_slice %arg11[%add3A_132, %dma_start3A_140] : memref<10240x64xf32, #tpu.memory_space<vmem_shared>> -> memref<128x64xf32, #tpu.memory_space<vmem_shared>>
      %dma_start3A_142 = arith.constant 0 : i32
      %dma_start3A_143 = tpu.memref_slice %arg11[%add3A_132, %dma_start3A_142] : memref<10240x64xf32, #tpu.memory_space<vmem_shared>> -> memref<128x64xf32, #tpu.memory_space<vmem_shared>>
      tpu.enqueue_dma source(%dma_start3A_143 : memref<128x64xf32, #tpu.memory_space<vmem_shared>>) target(%arg10 : memref<128x64xf32, #tpu.memory_space<vmem>>) target_semaphore(%run_scoped3A_139 : memref<!tpu.dma_semaphore, #tpu.memory_space<semaphore_mem>>)
      %dma_wait3A_144 = arith.constant 0 : i32
      %dma_wait3A_145 = tpu.memref_slice %arg11[%add3A_132, %dma_wait3A_144] : memref<10240x64xf32, #tpu.memory_space<vmem_shared>> -> memref<128x64xf32, #tpu.memory_space<vmem_shared>>
      %dma_wait3A_146 = arith.constant 0 : i32
      %dma_wait3A_147 = tpu.memref_slice %arg11[%add3A_132, %dma_wait3A_146] : memref<10240x64xf32, #tpu.memory_space<vmem_shared>> -> memref<128x64xf32, #tpu.memory_space<vmem_shared>>
      tpu.wait_dma2 semaphore(%run_scoped3A_139 : memref<!tpu.dma_semaphore, #tpu.memory_space<semaphore_mem>>) src(%dma_wait3A_147 : memref<128x64xf32, #tpu.memory_space<vmem_shared>>) dst(%arg10 : memref<128x64xf32, #tpu.memory_space<vmem>>)
      tpu.yield
    }) : () -> ()
    %add3A_133 = arith.constant 384 : i32
    %add3A_134 = arith.addi %mul3A_2, %add3A_133 : i32
    "tpu.region"() ({
      %run_scoped3A_139 = tpu.sem_alloc : memref<!tpu.dma_semaphore, #tpu.memory_space<semaphore_mem>>
      %dma_start3A_140 = arith.constant 0 : i32
      %dma_start3A_141 = tpu.memref_slice %arg6[%arg0, %add3A_134, %dma_start3A_140] : memref<2x10240x64xf32, #tpu.memory_space<hbm>> -> memref<1x128x64xf32, #tpu.memory_space<hbm>>
      %dma_start3A_142 = tpu.memref_squeeze %dma_start3A_141 : memref<1x128x64xf32, #tpu.memory_space<hbm>> -> memref<128x64xf32, #tpu.memory_space<hbm>>
      %dma_start3A_143 = arith.constant 0 : i32
      %dma_start3A_144 = tpu.memref_slice %arg6[%arg0, %add3A_134, %dma_start3A_143] : memref<2x10240x64xf32, #tpu.memory_space<hbm>> -> memref<1x128x64xf32, #tpu.memory_space<hbm>>
      %dma_start3A_145 = tpu.memref_squeeze %dma_start3A_144 : memref<1x128x64xf32, #tpu.memory_space<hbm>> -> memref<128x64xf32, #tpu.memory_space<hbm>>
      tpu.enqueue_dma source(%arg10 : memref<128x64xf32, #tpu.memory_space<vmem>>) target(%dma_start3A_145 : memref<128x64xf32, #tpu.memory_space<hbm>>) target_semaphore(%run_scoped3A_139 : memref<!tpu.dma_semaphore, #tpu.memory_space<semaphore_mem>>)
      %dma_wait3A_146 = arith.constant 0 : i32
      %dma_wait3A_147 = tpu.memref_slice %arg6[%arg0, %add3A_134, %dma_wait3A_146] : memref<2x10240x64xf32, #tpu.memory_space<hbm>> -> memref<1x128x64xf32, #tpu.memory_space<hbm>>
      %dma_wait3A_148 = tpu.memref_squeeze %dma_wait3A_147 : memref<1x128x64xf32, #tpu.memory_space<hbm>> -> memref<128x64xf32, #tpu.memory_space<hbm>>
      %dma_wait3A_149 = arith.constant 0 : i32
      %dma_wait3A_150 = tpu.memref_slice %arg6[%arg0, %add3A_134, %dma_wait3A_149] : memref<2x10240x64xf32, #tpu.memory_space<hbm>> -> memref<1x128x64xf32, #tpu.memory_space<hbm>>
      %dma_wait3A_151 = tpu.memref_squeeze %dma_wait3A_150 : memref<1x128x64xf32, #tpu.memory_space<hbm>> -> memref<128x64xf32, #tpu.memory_space<hbm>>
      tpu.wait_dma2 semaphore(%run_scoped3A_139 : memref<!tpu.dma_semaphore, #tpu.memory_space<semaphore_mem>>) src(%arg10 : memref<128x64xf32, #tpu.memory_space<vmem>>) dst(%dma_wait3A_151 : memref<128x64xf32, #tpu.memory_space<hbm>>)
      tpu.yield
    }) : () -> ()
    %add3A_135 = arith.constant 512 : i32
    %add3A_136 = arith.addi %mul3A_2, %add3A_135 : i32
    "tpu.region"() ({
      %run_scoped3A_139 = tpu.sem_alloc : memref<!tpu.dma_semaphore, #tpu.memory_space<semaphore_mem>>
      %dma_start3A_140 = arith.constant 0 : i32
      %dma_start3A_141 = tpu.memref_slice %arg11[%add3A_136, %dma_start3A_140] : memref<10240x64xf32, #tpu.memory_space<vmem_shared>> -> memref<128x64xf32, #tpu.memory_space<vmem_shared>>
      %dma_start3A_142 = arith.constant 0 : i32
      %dma_start3A_143 = tpu.memref_slice %arg11[%add3A_136, %dma_start3A_142] : memref<10240x64xf32, #tpu.memory_space<vmem_shared>> -> memref<128x64xf32, #tpu.memory_space<vmem_shared>>
      tpu.enqueue_dma source(%dma_start3A_143 : memref<128x64xf32, #tpu.memory_space<vmem_shared>>) target(%arg10 : memref<128x64xf32, #tpu.memory_space<vmem>>) target_semaphore(%run_scoped3A_139 : memref<!tpu.dma_semaphore, #tpu.memory_space<semaphore_mem>>)
      %dma_wait3A_144 = arith.constant 0 : i32
      %dma_wait3A_145 = tpu.memref_slice %arg11[%add3A_136, %dma_wait3A_144] : memref<10240x64xf32, #tpu.memory_space<vmem_shared>> -> memref<128x64xf32, #tpu.memory_space<vmem_shared>>
      %dma_wait3A_146 = arith.constant 0 : i32
      %dma_wait3A_147 = tpu.memref_slice %arg11[%add3A_136, %dma_wait3A_146] : memref<10240x64xf32, #tpu.memory_space<vmem_shared>> -> memref<128x64xf32, #tpu.memory_space<vmem_shared>>
      tpu.wait_dma2 semaphore(%run_scoped3A_139 : memref<!tpu.dma_semaphore, #tpu.memory_space<semaphore_mem>>) src(%dma_wait3A_147 : memref<128x64xf32, #tpu.memory_space<vmem_shared>>) dst(%arg10 : memref<128x64xf32, #tpu.memory_space<vmem>>)
      tpu.yield
    }) : () -> ()
    %add3A_137 = arith.constant 512 : i32
    %add3A_138 = arith.addi %mul3A_2, %add3A_137 : i32
    "tpu.region"() ({
      %run_scoped3A_139 = tpu.sem_alloc : memref<!tpu.dma_semaphore, #tpu.memory_space<semaphore_mem>>
      %dma_start3A_140 = arith.constant 0 : i32
      %dma_start3A_141 = tpu.memref_slice %arg6[%arg0, %add3A_138, %dma_start3A_140] : memref<2x10240x64xf32, #tpu.memory_space<hbm>> -> memref<1x128x64xf32, #tpu.memory_space<hbm>>
      %dma_start3A_142 = tpu.memref_squeeze %dma_start3A_141 : memref<1x128x64xf32, #tpu.memory_space<hbm>> -> memref<128x64xf32, #tpu.memory_space<hbm>>
      %dma_start3A_143 = arith.constant 0 : i32
      %dma_start3A_144 = tpu.memref_slice %arg6[%arg0, %add3A_138, %dma_start3A_143] : memref<2x10240x64xf32, #tpu.memory_space<hbm>> -> memref<1x128x64xf32, #tpu.memory_space<hbm>>
      %dma_start3A_145 = tpu.memref_squeeze %dma_start3A_144 : memref<1x128x64xf32, #tpu.memory_space<hbm>> -> memref<128x64xf32, #tpu.memory_space<hbm>>
      tpu.enqueue_dma source(%arg10 : memref<128x64xf32, #tpu.memory_space<vmem>>) target(%dma_start3A_145 : memref<128x64xf32, #tpu.memory_space<hbm>>) target_semaphore(%run_scoped3A_139 : memref<!tpu.dma_semaphore, #tpu.memory_space<semaphore_mem>>)
      %dma_wait3A_146 = arith.constant 0 : i32
      %dma_wait3A_147 = tpu.memref_slice %arg6[%arg0, %add3A_138, %dma_wait3A_146] : memref<2x10240x64xf32, #tpu.memory_space<hbm>> -> memref<1x128x64xf32, #tpu.memory_space<hbm>>
      %dma_wait3A_148 = tpu.memref_squeeze %dma_wait3A_147 : memref<1x128x64xf32, #tpu.memory_space<hbm>> -> memref<128x64xf32, #tpu.memory_space<hbm>>
      %dma_wait3A_149 = arith.constant 0 : i32
      %dma_wait3A_150 = tpu.memref_slice %arg6[%arg0, %add3A_138, %dma_wait3A_149] : memref<2x10240x64xf32, #tpu.memory_space<hbm>> -> memref<1x128x64xf32, #tpu.memory_space<hbm>>
      %dma_wait3A_151 = tpu.memref_squeeze %dma_wait3A_150 : memref<1x128x64xf32, #tpu.memory_space<hbm>> -> memref<128x64xf32, #tpu.memory_space<hbm>>
      tpu.wait_dma2 semaphore(%run_scoped3A_139 : memref<!tpu.dma_semaphore, #tpu.memory_space<semaphore_mem>>) src(%arg10 : memref<128x64xf32, #tpu.memory_space<vmem>>) dst(%dma_wait3A_151 : memref<128x64xf32, #tpu.memory_space<hbm>>)
      tpu.yield
    }) : () -> ()
    return
  }
}

#map = affine_map<(d0, d1) -> (0, 0)>
#map1 = affine_map<(d0, d1) -> (0, 0, 0)>
module attributes {stable_mosaic.version = 14 : i64} {
  func.func @body(%arg0: i32, %arg1: i32, %arg2: memref<10240x64xf32, #tpu.memory_space<hbm>>, %arg3: memref<32x40x128xi32, #tpu.memory_space<hbm>>, %arg4: memref<32x40x128xi32, #tpu.memory_space<hbm>>, %arg5: memref<128x64xf32, #tpu.memory_space<hbm>>, %arg6: memref<2x10240x64xf32, #tpu.memory_space<hbm>>, %arg7: memref<40x128xi32, #tpu.memory_space<vmem>>, %arg8: memref<40x128xi32, #tpu.memory_space<vmem>>, %arg9: memref<4x128x64xf32, #tpu.memory_space<vmem>>, %arg10: memref<128x64xf32, #tpu.memory_space<vmem>>, %arg11: memref<10240x64xf32, #tpu.memory_space<vmem_shared>>, %arg12: memref<!tpu.dma_semaphore, #tpu.memory_space<semaphore_mem>>, %arg13: memref<!tpu.dma_semaphore, #tpu.memory_space<semaphore_mem>>, %arg14: memref<!tpu.dma_semaphore, #tpu.memory_space<semaphore_mem>>, %arg15: memref<!tpu.dma_semaphore, #tpu.memory_space<semaphore_mem>>) attributes {dimension_semantics = [#tpu.dimension_semantics<core_parallel>, #tpu.dimension_semantics<subcore_parallel>], iteration_bounds = array<i64: 2, 16>, scalar_prefetch = 0 : i64, scratch_operands = 9 : i64, tpu.core_type = #tpu.core_type<sc_vector_subcore>, window_params = [{transform_indices = #map}, {transform_indices = #map1}, {transform_indices = #map1}, {transform_indices = #map}, {transform_indices = #map1}]} {
    %mul3A = arith.constant 16 : i32
    %mul3A_0 = arith.muli %arg0, %mul3A : i32
    %add3A = arith.addi %mul3A_0, %arg1 : i32
    "tpu.region"() ({
      %run_scoped3A_139 = tpu.sem_alloc : memref<!tpu.dma_semaphore, #tpu.memory_space<semaphore_mem>>
      %dma_start3A_140 = arith.constant 0 : i32
      %dma_start3A_141 = arith.constant 0 : i32
      %dma_start3A_142 = tpu.memref_slice %arg3[%add3A, %dma_start3A_140, %dma_start3A_141] : memref<32x40x128xi32, #tpu.memory_space<hbm>> -> memref<1x40x128xi32, #tpu.memory_space<hbm>>
      %dma_start3A_143 = tpu.memref_squeeze %dma_start3A_142 : memref<1x40x128xi32, #tpu.memory_space<hbm>> -> memref<40x128xi32, #tpu.memory_space<hbm>>
      %dma_start3A_144 = arith.constant 0 : i32
      %dma_start3A_145 = arith.constant 0 : i32
      %dma_start3A_146 = tpu.memref_slice %arg3[%add3A, %dma_start3A_144, %dma_start3A_145] : memref<32x40x128xi32, #tpu.memory_space<hbm>> -> memref<1x40x128xi32, #tpu.memory_space<hbm>>
      %dma_start3A_147 = tpu.memref_squeeze %dma_start3A_146 : memref<1x40x128xi32, #tpu.memory_space<hbm>> -> memref<40x128xi32, #tpu.memory_space<hbm>>
      tpu.enqueue_dma source(%dma_start3A_147 : memref<40x128xi32, #tpu.memory_space<hbm>>) target(%arg7 : memref<40x128xi32, #tpu.memory_space<vmem>>) target_semaphore(%run_scoped3A_139 : memref<!tpu.dma_semaphore, #tpu.memory_space<semaphore_mem>>)
      %dma_wait3A_148 = arith.constant 0 : i32
      %dma_wait3A_149 = arith.constant 0 : i32
      %dma_wait3A_150 = tpu.memref_slice %arg3[%add3A, %dma_wait3A_148, %dma_wait3A_149] : memref<32x40x128xi32, #tpu.memory_space<hbm>> -> memref<1x40x128xi32, #tpu.memory_space<hbm>>
      %dma_wait3A_151 = tpu.memref_squeeze %dma_wait3A_150 : memref<1x40x128xi32, #tpu.memory_space<hbm>> -> memref<40x128xi32, #tpu.memory_space<hbm>>
      %dma_wait3A_152 = arith.constant 0 : i32
      %dma_wait3A_153 = arith.constant 0 : i32
      %dma_wait3A_154 = tpu.memref_slice %arg3[%add3A, %dma_wait3A_152, %dma_wait3A_153] : memref<32x40x128xi32, #tpu.memory_space<hbm>> -> memref<1x40x128xi32, #tpu.memory_space<hbm>>
      %dma_wait3A_155 = tpu.memref_squeeze %dma_wait3A_154 : memref<1x40x128xi32, #tpu.memory_space<hbm>> -> memref<40x128xi32, #tpu.memory_space<hbm>>
      tpu.wait_dma2 semaphore(%run_scoped3A_139 : memref<!tpu.dma_semaphore, #tpu.memory_space<semaphore_mem>>) src(%dma_wait3A_155 : memref<40x128xi32, #tpu.memory_space<hbm>>) dst(%arg7 : memref<40x128xi32, #tpu.memory_space<vmem>>)
      tpu.yield
    }) : () -> ()
    "tpu.region"() ({
      %run_scoped3A_139 = tpu.sem_alloc : memref<!tpu.dma_semaphore, #tpu.memory_space<semaphore_mem>>
      %dma_start3A_140 = arith.constant 0 : i32
      %dma_start3A_141 = arith.constant 0 : i32
      %dma_start3A_142 = tpu.memref_slice %arg4[%add3A, %dma_start3A_140, %dma_start3A_141] : memref<32x40x128xi32, #tpu.memory_space<hbm>> -> memref<1x40x128xi32, #tpu.memory_space<hbm>>
      %dma_start3A_143 = tpu.memref_squeeze %dma_start3A_142 : memref<1x40x128xi32, #tpu.memory_space<hbm>> -> memref<40x128xi32, #tpu.memory_space<hbm>>
      %dma_start3A_144 = arith.constant 0 : i32
      %dma_start3A_145 = arith.constant 0 : i32
      %dma_start3A_146 = tpu.memref_slice %arg4[%add3A, %dma_start3A_144, %dma_start3A_145] : memref<32x40x128xi32, #tpu.memory_space<hbm>> -> memref<1x40x128xi32, #tpu.memory_space<hbm>>
      %dma_start3A_147 = tpu.memref_squeeze %dma_start3A_146 : memref<1x40x128xi32, #tpu.memory_space<hbm>> -> memref<40x128xi32, #tpu.memory_space<hbm>>
      tpu.enqueue_dma source(%dma_start3A_147 : memref<40x128xi32, #tpu.memory_space<hbm>>) target(%arg8 : memref<40x128xi32, #tpu.memory_space<vmem>>) target_semaphore(%run_scoped3A_139 : memref<!tpu.dma_semaphore, #tpu.memory_space<semaphore_mem>>)
      %dma_wait3A_148 = arith.constant 0 : i32
      %dma_wait3A_149 = arith.constant 0 : i32
      %dma_wait3A_150 = tpu.memref_slice %arg4[%add3A, %dma_wait3A_148, %dma_wait3A_149] : memref<32x40x128xi32, #tpu.memory_space<hbm>> -> memref<1x40x128xi32, #tpu.memory_space<hbm>>
      %dma_wait3A_151 = tpu.memref_squeeze %dma_wait3A_150 : memref<1x40x128xi32, #tpu.memory_space<hbm>> -> memref<40x128xi32, #tpu.memory_space<hbm>>
      %dma_wait3A_152 = arith.constant 0 : i32
      %dma_wait3A_153 = arith.constant 0 : i32
      %dma_wait3A_154 = tpu.memref_slice %arg4[%add3A, %dma_wait3A_152, %dma_wait3A_153] : memref<32x40x128xi32, #tpu.memory_space<hbm>> -> memref<1x40x128xi32, #tpu.memory_space<hbm>>
      %dma_wait3A_155 = tpu.memref_squeeze %dma_wait3A_154 : memref<1x40x128xi32, #tpu.memory_space<hbm>> -> memref<40x128xi32, #tpu.memory_space<hbm>>
      tpu.wait_dma2 semaphore(%run_scoped3A_139 : memref<!tpu.dma_semaphore, #tpu.memory_space<semaphore_mem>>) src(%dma_wait3A_155 : memref<40x128xi32, #tpu.memory_space<hbm>>) dst(%arg8 : memref<40x128xi32, #tpu.memory_space<vmem>>)
      tpu.yield
    }) : () -> ()
    "tpu.region"() ({
      %run_scoped3A_139 = tpu.sem_alloc : memref<!tpu.dma_semaphore, #tpu.memory_space<semaphore_mem>>
      tpu.enqueue_dma source(%arg5 : memref<128x64xf32, #tpu.memory_space<hbm>>) target(%arg10 : memref<128x64xf32, #tpu.memory_space<vmem>>) target_semaphore(%run_scoped3A_139 : memref<!tpu.dma_semaphore, #tpu.memory_space<semaphore_mem>>)
      tpu.wait_dma2 semaphore(%run_scoped3A_139 : memref<!tpu.dma_semaphore, #tpu.memory_space<semaphore_mem>>) src(%arg5 : memref<128x64xf32, #tpu.memory_space<hbm>>) dst(%arg10 : memref<128x64xf32, #tpu.memory_space<vmem>>)
      tpu.yield
    }) : () -> ()
    %mul3A_1 = arith.constant 640 : i32
    %mul3A_2 = arith.muli %arg1, %mul3A_1 : i32
    %add3A_3 = arith.constant 0 : i32
    %add3A_4 = arith.addi %mul3A_2, %add3A_3 : i32
    "tpu.region"() ({
      %run_scoped3A_139 = tpu.sem_alloc : memref<!tpu.dma_semaphore, #tpu.memory_space<semaphore_mem>>
      %dma_start3A_140 = arith.constant 0 : i32
      %dma_start3A_141 = tpu.memref_slice %arg11[%add3A_4, %dma_start3A_140] : memref<10240x64xf32, #tpu.memory_space<vmem_shared>> -> memref<128x64xf32, #tpu.memory_space<vmem_shared>>
      %dma_start3A_142 = arith.constant 0 : i32
      %dma_start3A_143 = tpu.memref_slice %arg11[%add3A_4, %dma_start3A_142] : memref<10240x64xf32, #tpu.memory_space<vmem_shared>> -> memref<128x64xf32, #tpu.memory_space<vmem_shared>>
      tpu.enqueue_dma source(%arg10 : memref<128x64xf32, #tpu.memory_space<vmem>>) target(%dma_start3A_143 : memref<128x64xf32, #tpu.memory_space<vmem_shared>>) target_semaphore(%run_scoped3A_139 : memref<!tpu.dma_semaphore, #tpu.memory_space<semaphore_mem>>)
      %dma_wait3A_144 = arith.constant 0 : i32
      %dma_wait3A_145 = tpu.memref_slice %arg11[%add3A_4, %dma_wait3A_144] : memref<10240x64xf32, #tpu.memory_space<vmem_shared>> -> memref<128x64xf32, #tpu.memory_space<vmem_shared>>
      %dma_wait3A_146 = arith.constant 0 : i32
      %dma_wait3A_147 = tpu.memref_slice %arg11[%add3A_4, %dma_wait3A_146] : memref<10240x64xf32, #tpu.memory_space<vmem_shared>> -> memref<128x64xf32, #tpu.memory_space<vmem_shared>>
      tpu.wait_dma2 semaphore(%run_scoped3A_139 : memref<!tpu.dma_semaphore, #tpu.memory_space<semaphore_mem>>) src(%arg10 : memref<128x64xf32, #tpu.memory_space<vmem>>) dst(%dma_wait3A_147 : memref<128x64xf32, #tpu.memory_space<vmem_shared>>)
      tpu.yield
    }) : () -> ()
    %add3A_5 = arith.constant 128 : i32
    %add3A_6 = arith.addi %mul3A_2, %add3A_5 : i32
    "tpu.region"() ({
      %run_scoped3A_139 = tpu.sem_alloc : memref<!tpu.dma_semaphore, #tpu.memory_space<semaphore_mem>>
      %dma_start3A_140 = arith.constant 0 : i32
      %dma_start3A_141 = tpu.memref_slice %arg11[%add3A_6, %dma_start3A_140] : memref<10240x64xf32, #tpu.memory_space<vmem_shared>> -> memref<128x64xf32, #tpu.memory_space<vmem_shared>>
      %dma_start3A_142 = arith.constant 0 : i32
      %dma_start3A_143 = tpu.memref_slice %arg11[%add3A_6, %dma_start3A_142] : memref<10240x64xf32, #tpu.memory_space<vmem_shared>> -> memref<128x64xf32, #tpu.memory_space<vmem_shared>>
      tpu.enqueue_dma source(%arg10 : memref<128x64xf32, #tpu.memory_space<vmem>>) target(%dma_start3A_143 : memref<128x64xf32, #tpu.memory_space<vmem_shared>>) target_semaphore(%run_scoped3A_139 : memref<!tpu.dma_semaphore, #tpu.memory_space<semaphore_mem>>)
      %dma_wait3A_144 = arith.constant 0 : i32
      %dma_wait3A_145 = tpu.memref_slice %arg11[%add3A_6, %dma_wait3A_144] : memref<10240x64xf32, #tpu.memory_space<vmem_shared>> -> memref<128x64xf32, #tpu.memory_space<vmem_shared>>
      %dma_wait3A_146 = arith.constant 0 : i32
      %dma_wait3A_147 = tpu.memref_slice %arg11[%add3A_6, %dma_wait3A_146] : memref<10240x64xf32, #tpu.memory_space<vmem_shared>> -> memref<128x64xf32, #tpu.memory_space<vmem_shared>>
      tpu.wait_dma2 semaphore(%run_scoped3A_139 : memref<!tpu.dma_semaphore, #tpu.memory_space<semaphore_mem>>) src(%arg10 : memref<128x64xf32, #tpu.memory_space<vmem>>) dst(%dma_wait3A_147 : memref<128x64xf32, #tpu.memory_space<vmem_shared>>)
      tpu.yield
    }) : () -> ()
    %add3A_7 = arith.constant 256 : i32
    %add3A_8 = arith.addi %mul3A_2, %add3A_7 : i32
    "tpu.region"() ({
      %run_scoped3A_139 = tpu.sem_alloc : memref<!tpu.dma_semaphore, #tpu.memory_space<semaphore_mem>>
      %dma_start3A_140 = arith.constant 0 : i32
      %dma_start3A_141 = tpu.memref_slice %arg11[%add3A_8, %dma_start3A_140] : memref<10240x64xf32, #tpu.memory_space<vmem_shared>> -> memref<128x64xf32, #tpu.memory_space<vmem_shared>>
      %dma_start3A_142 = arith.constant 0 : i32
      %dma_start3A_143 = tpu.memref_slice %arg11[%add3A_8, %dma_start3A_142] : memref<10240x64xf32, #tpu.memory_space<vmem_shared>> -> memref<128x64xf32, #tpu.memory_space<vmem_shared>>
      tpu.enqueue_dma source(%arg10 : memref<128x64xf32, #tpu.memory_space<vmem>>) target(%dma_start3A_143 : memref<128x64xf32, #tpu.memory_space<vmem_shared>>) target_semaphore(%run_scoped3A_139 : memref<!tpu.dma_semaphore, #tpu.memory_space<semaphore_mem>>)
      %dma_wait3A_144 = arith.constant 0 : i32
      %dma_wait3A_145 = tpu.memref_slice %arg11[%add3A_8, %dma_wait3A_144] : memref<10240x64xf32, #tpu.memory_space<vmem_shared>> -> memref<128x64xf32, #tpu.memory_space<vmem_shared>>
      %dma_wait3A_146 = arith.constant 0 : i32
      %dma_wait3A_147 = tpu.memref_slice %arg11[%add3A_8, %dma_wait3A_146] : memref<10240x64xf32, #tpu.memory_space<vmem_shared>> -> memref<128x64xf32, #tpu.memory_space<vmem_shared>>
      tpu.wait_dma2 semaphore(%run_scoped3A_139 : memref<!tpu.dma_semaphore, #tpu.memory_space<semaphore_mem>>) src(%arg10 : memref<128x64xf32, #tpu.memory_space<vmem>>) dst(%dma_wait3A_147 : memref<128x64xf32, #tpu.memory_space<vmem_shared>>)
      tpu.yield
    }) : () -> ()
    %add3A_9 = arith.constant 384 : i32
    %add3A_10 = arith.addi %mul3A_2, %add3A_9 : i32
    "tpu.region"() ({
      %run_scoped3A_139 = tpu.sem_alloc : memref<!tpu.dma_semaphore, #tpu.memory_space<semaphore_mem>>
      %dma_start3A_140 = arith.constant 0 : i32
      %dma_start3A_141 = tpu.memref_slice %arg11[%add3A_10, %dma_start3A_140] : memref<10240x64xf32, #tpu.memory_space<vmem_shared>> -> memref<128x64xf32, #tpu.memory_space<vmem_shared>>
      %dma_start3A_142 = arith.constant 0 : i32
      %dma_start3A_143 = tpu.memref_slice %arg11[%add3A_10, %dma_start3A_142] : memref<10240x64xf32, #tpu.memory_space<vmem_shared>> -> memref<128x64xf32, #tpu.memory_space<vmem_shared>>
      tpu.enqueue_dma source(%arg10 : memref<128x64xf32, #tpu.memory_space<vmem>>) target(%dma_start3A_143 : memref<128x64xf32, #tpu.memory_space<vmem_shared>>) target_semaphore(%run_scoped3A_139 : memref<!tpu.dma_semaphore, #tpu.memory_space<semaphore_mem>>)
      %dma_wait3A_144 = arith.constant 0 : i32
      %dma_wait3A_145 = tpu.memref_slice %arg11[%add3A_10, %dma_wait3A_144] : memref<10240x64xf32, #tpu.memory_space<vmem_shared>> -> memref<128x64xf32, #tpu.memory_space<vmem_shared>>
      %dma_wait3A_146 = arith.constant 0 : i32
      %dma_wait3A_147 = tpu.memref_slice %arg11[%add3A_10, %dma_wait3A_146] : memref<10240x64xf32, #tpu.memory_space<vmem_shared>> -> memref<128x64xf32, #tpu.memory_space<vmem_shared>>
      tpu.wait_dma2 semaphore(%run_scoped3A_139 : memref<!tpu.dma_semaphore, #tpu.memory_space<semaphore_mem>>) src(%arg10 : memref<128x64xf32, #tpu.memory_space<vmem>>) dst(%dma_wait3A_147 : memref<128x64xf32, #tpu.memory_space<vmem_shared>>)
      tpu.yield
    }) : () -> ()
    %add3A_11 = arith.constant 512 : i32
    %add3A_12 = arith.addi %mul3A_2, %add3A_11 : i32
    "tpu.region"() ({
      %run_scoped3A_139 = tpu.sem_alloc : memref<!tpu.dma_semaphore, #tpu.memory_space<semaphore_mem>>
      %dma_start3A_140 = arith.constant 0 : i32
      %dma_start3A_141 = tpu.memref_slice %arg11[%add3A_12, %dma_start3A_140] : memref<10240x64xf32, #tpu.memory_space<vmem_shared>> -> memref<128x64xf32, #tpu.memory_space<vmem_shared>>
      %dma_start3A_142 = arith.constant 0 : i32
      %dma_start3A_143 = tpu.memref_slice %arg11[%add3A_12, %dma_start3A_142] : memref<10240x64xf32, #tpu.memory_space<vmem_shared>> -> memref<128x64xf32, #tpu.memory_space<vmem_shared>>
      tpu.enqueue_dma source(%arg10 : memref<128x64xf32, #tpu.memory_space<vmem>>) target(%dma_start3A_143 : memref<128x64xf32, #tpu.memory_space<vmem_shared>>) target_semaphore(%run_scoped3A_139 : memref<!tpu.dma_semaphore, #tpu.memory_space<semaphore_mem>>)
      %dma_wait3A_144 = arith.constant 0 : i32
      %dma_wait3A_145 = tpu.memref_slice %arg11[%add3A_12, %dma_wait3A_144] : memref<10240x64xf32, #tpu.memory_space<vmem_shared>> -> memref<128x64xf32, #tpu.memory_space<vmem_shared>>
      %dma_wait3A_146 = arith.constant 0 : i32
      %dma_wait3A_147 = tpu.memref_slice %arg11[%add3A_12, %dma_wait3A_146] : memref<10240x64xf32, #tpu.memory_space<vmem_shared>> -> memref<128x64xf32, #tpu.memory_space<vmem_shared>>
      tpu.wait_dma2 semaphore(%run_scoped3A_139 : memref<!tpu.dma_semaphore, #tpu.memory_space<semaphore_mem>>) src(%arg10 : memref<128x64xf32, #tpu.memory_space<vmem>>) dst(%dma_wait3A_147 : memref<128x64xf32, #tpu.memory_space<vmem_shared>>)
      tpu.yield
    }) : () -> ()
    %barrier3A = arith.constant 0 : index
    tpu.barrier barrier_id(%barrier3A)
    %dma_start3A = arith.constant 0 : i32
    %dma_start3A_13 = arith.constant 0 : i32
    %dma_start3A_14 = arith.constant 0 : i32
    %dma_start3A_15 = arith.constant 0 : i32
    %dma_start3A_16 = tpu.memref_slice %arg9[%dma_start3A_13, %dma_start3A_14, %dma_start3A_15] : memref<4x128x64xf32, #tpu.memory_space<vmem>> -> memref<1x128x64xf32, #tpu.memory_space<vmem>>
    %dma_start3A_17 = tpu.memref_squeeze %dma_start3A_16 : memref<1x128x64xf32, #tpu.memory_space<vmem>> -> memref<128x64xf32, #tpu.memory_space<vmem>>
    %dma_start3A_18 = arith.constant 0 : i32
    %dma_start3A_19 = tpu.memref_slice %arg7[%dma_start3A, %dma_start3A_18] : memref<40x128xi32, #tpu.memory_space<vmem>> -> memref<1x128xi32, #tpu.memory_space<vmem>>
    %dma_start3A_20 = tpu.memref_squeeze %dma_start3A_19 : memref<1x128xi32, #tpu.memory_space<vmem>> -> memref<128xi32, #tpu.memory_space<vmem>>
    %dma_start3A_21 = arith.constant 0 : i32
    %dma_start3A_22 = arith.constant 0 : i32
    %dma_start3A_23 = tpu.memref_slice %arg2[%dma_start3A_21, %dma_start3A_22] : memref<10240x64xf32, #tpu.memory_space<hbm>> -> memref<10240x64xf32, #tpu.memory_space<hbm>>
    tpu.enqueue_indirect_dma source(%dma_start3A_23 : memref<10240x64xf32, #tpu.memory_space<hbm>>) target(%dma_start3A_17 : memref<128x64xf32, #tpu.memory_space<vmem>>) offsets(%dma_start3A_20 : memref<128xi32, #tpu.memory_space<vmem>>) semaphore(%arg12 : memref<!tpu.dma_semaphore, #tpu.memory_space<semaphore_mem>>)
    %dma_start3A_24 = arith.constant 1 : i32
    %dma_start3A_25 = arith.constant 1 : i32
    %dma_start3A_26 = arith.constant 0 : i32
    %dma_start3A_27 = arith.constant 0 : i32
    %dma_start3A_28 = tpu.memref_slice %arg9[%dma_start3A_25, %dma_start3A_26, %dma_start3A_27] : memref<4x128x64xf32, #tpu.memory_space<vmem>> -> memref<1x128x64xf32, #tpu.memory_space<vmem>>
    %dma_start3A_29 = tpu.memref_squeeze %dma_start3A_28 : memref<1x128x64xf32, #tpu.memory_space<vmem>> -> memref<128x64xf32, #tpu.memory_space<vmem>>
    %dma_start3A_30 = arith.constant 0 : i32
    %dma_start3A_31 = tpu.memref_slice %arg7[%dma_start3A_24, %dma_start3A_30] : memref<40x128xi32, #tpu.memory_space<vmem>> -> memref<1x128xi32, #tpu.memory_space<vmem>>
    %dma_start3A_32 = tpu.memref_squeeze %dma_start3A_31 : memref<1x128xi32, #tpu.memory_space<vmem>> -> memref<128xi32, #tpu.memory_space<vmem>>
    %dma_start3A_33 = arith.constant 0 : i32
    %dma_start3A_34 = arith.constant 0 : i32
    %dma_start3A_35 = tpu.memref_slice %arg2[%dma_start3A_33, %dma_start3A_34] : memref<10240x64xf32, #tpu.memory_space<hbm>> -> memref<10240x64xf32, #tpu.memory_space<hbm>>
    tpu.enqueue_indirect_dma source(%dma_start3A_35 : memref<10240x64xf32, #tpu.memory_space<hbm>>) target(%dma_start3A_29 : memref<128x64xf32, #tpu.memory_space<vmem>>) offsets(%dma_start3A_32 : memref<128xi32, #tpu.memory_space<vmem>>) semaphore(%arg13 : memref<!tpu.dma_semaphore, #tpu.memory_space<semaphore_mem>>)
    %dma_start3A_36 = arith.constant 2 : i32
    %dma_start3A_37 = arith.constant 2 : i32
    %dma_start3A_38 = arith.constant 0 : i32
    %dma_start3A_39 = arith.constant 0 : i32
    %dma_start3A_40 = tpu.memref_slice %arg9[%dma_start3A_37, %dma_start3A_38, %dma_start3A_39] : memref<4x128x64xf32, #tpu.memory_space<vmem>> -> memref<1x128x64xf32, #tpu.memory_space<vmem>>
    %dma_start3A_41 = tpu.memref_squeeze %dma_start3A_40 : memref<1x128x64xf32, #tpu.memory_space<vmem>> -> memref<128x64xf32, #tpu.memory_space<vmem>>
    %dma_start3A_42 = arith.constant 0 : i32
    %dma_start3A_43 = tpu.memref_slice %arg7[%dma_start3A_36, %dma_start3A_42] : memref<40x128xi32, #tpu.memory_space<vmem>> -> memref<1x128xi32, #tpu.memory_space<vmem>>
    %dma_start3A_44 = tpu.memref_squeeze %dma_start3A_43 : memref<1x128xi32, #tpu.memory_space<vmem>> -> memref<128xi32, #tpu.memory_space<vmem>>
    %dma_start3A_45 = arith.constant 0 : i32
    %dma_start3A_46 = arith.constant 0 : i32
    %dma_start3A_47 = tpu.memref_slice %arg2[%dma_start3A_45, %dma_start3A_46] : memref<10240x64xf32, #tpu.memory_space<hbm>> -> memref<10240x64xf32, #tpu.memory_space<hbm>>
    tpu.enqueue_indirect_dma source(%dma_start3A_47 : memref<10240x64xf32, #tpu.memory_space<hbm>>) target(%dma_start3A_41 : memref<128x64xf32, #tpu.memory_space<vmem>>) offsets(%dma_start3A_44 : memref<128xi32, #tpu.memory_space<vmem>>) semaphore(%arg14 : memref<!tpu.dma_semaphore, #tpu.memory_space<semaphore_mem>>)
    %dma_start3A_48 = arith.constant 3 : i32
    %dma_start3A_49 = arith.constant 3 : i32
    %dma_start3A_50 = arith.constant 0 : i32
    %dma_start3A_51 = arith.constant 0 : i32
    %dma_start3A_52 = tpu.memref_slice %arg9[%dma_start3A_49, %dma_start3A_50, %dma_start3A_51] : memref<4x128x64xf32, #tpu.memory_space<vmem>> -> memref<1x128x64xf32, #tpu.memory_space<vmem>>
    %dma_start3A_53 = tpu.memref_squeeze %dma_start3A_52 : memref<1x128x64xf32, #tpu.memory_space<vmem>> -> memref<128x64xf32, #tpu.memory_space<vmem>>
    %dma_start3A_54 = arith.constant 0 : i32
    %dma_start3A_55 = tpu.memref_slice %arg7[%dma_start3A_48, %dma_start3A_54] : memref<40x128xi32, #tpu.memory_space<vmem>> -> memref<1x128xi32, #tpu.memory_space<vmem>>
    %dma_start3A_56 = tpu.memref_squeeze %dma_start3A_55 : memref<1x128xi32, #tpu.memory_space<vmem>> -> memref<128xi32, #tpu.memory_space<vmem>>
    %dma_start3A_57 = arith.constant 0 : i32
    %dma_start3A_58 = arith.constant 0 : i32
    %dma_start3A_59 = tpu.memref_slice %arg2[%dma_start3A_57, %dma_start3A_58] : memref<10240x64xf32, #tpu.memory_space<hbm>> -> memref<10240x64xf32, #tpu.memory_space<hbm>>
    tpu.enqueue_indirect_dma source(%dma_start3A_59 : memref<10240x64xf32, #tpu.memory_space<hbm>>) target(%dma_start3A_53 : memref<128x64xf32, #tpu.memory_space<vmem>>) offsets(%dma_start3A_56 : memref<128xi32, #tpu.memory_space<vmem>>) semaphore(%arg15 : memref<!tpu.dma_semaphore, #tpu.memory_space<semaphore_mem>>)
    %scan3A = arith.constant 0 : i32
    %scan3A_60 = arith.constant 9 : i32
    %scan3A_61 = arith.addi %scan3A, %scan3A_60 : i32
    %scan3A_62 = arith.constant 1 : i32
    scf.for %scan3A_139 = %scan3A to %scan3A_61 step %scan3A_62  : i32 {
      %mul3A_140 = arith.constant 4 : i32
      %mul3A_141 = arith.muli %mul3A_140, %scan3A_139 : i32
      %add3A_142 = arith.constant 0 : i32
      %add3A_143 = arith.addi %mul3A_141, %add3A_142 : i32
      %dma_wait3A_144 = arith.constant 0 : i32
      %dma_wait3A_145 = arith.constant 0 : i32
      %dma_wait3A_146 = arith.constant 0 : i32
      %dma_wait3A_147 = tpu.memref_slice %arg9[%dma_wait3A_144, %dma_wait3A_145, %dma_wait3A_146] : memref<4x128x64xf32, #tpu.memory_space<vmem>> -> memref<1x128x64xf32, #tpu.memory_space<vmem>>
      %dma_wait3A_148 = tpu.memref_squeeze %dma_wait3A_147 : memref<1x128x64xf32, #tpu.memory_space<vmem>> -> memref<128x64xf32, #tpu.memory_space<vmem>>
      %dma_wait3A_149 = arith.constant 0 : i32
      %dma_wait3A_150 = tpu.memref_slice %arg7[%add3A_143, %dma_wait3A_149] : memref<40x128xi32, #tpu.memory_space<vmem>> -> memref<1x128xi32, #tpu.memory_space<vmem>>
      %dma_wait3A_151 = tpu.memref_squeeze %dma_wait3A_150 : memref<1x128xi32, #tpu.memory_space<vmem>> -> memref<128xi32, #tpu.memory_space<vmem>>
      %dma_wait3A_152 = arith.constant 0 : i32
      %dma_wait3A_153 = arith.constant 0 : i32
      %dma_wait3A_154 = tpu.memref_slice %arg2[%dma_wait3A_152, %dma_wait3A_153] : memref<10240x64xf32, #tpu.memory_space<hbm>> -> memref<10240x64xf32, #tpu.memory_space<hbm>>
      tpu.wait_indirect_dma semaphore(%arg12 : memref<!tpu.dma_semaphore, #tpu.memory_space<semaphore_mem>>) src(%dma_wait3A_154 : memref<10240x64xf32, #tpu.memory_space<hbm>>) dst(%dma_wait3A_148 : memref<128x64xf32, #tpu.memory_space<vmem>>)
      %run_scoped3A_155 = arith.constant 0 : i32
      "tpu.region"() ({
        %run_scoped3A_256 = tpu.sem_alloc : memref<!tpu.dma_semaphore, #tpu.memory_space<semaphore_mem>>
        %dma_start3A_257 = arith.constant 0 : i32
        %dma_start3A_258 = arith.constant 0 : i32
        %dma_start3A_259 = tpu.memref_slice %arg9[%run_scoped3A_155, %dma_start3A_257, %dma_start3A_258] : memref<4x128x64xf32, #tpu.memory_space<vmem>> -> memref<1x128x64xf32, #tpu.memory_space<vmem>>
        %dma_start3A_260 = tpu.memref_squeeze %dma_start3A_259 : memref<1x128x64xf32, #tpu.memory_space<vmem>> -> memref<128x64xf32, #tpu.memory_space<vmem>>
        %dma_start3A_261 = arith.constant 0 : i32
        %dma_start3A_262 = tpu.memref_slice %arg8[%add3A_143, %dma_start3A_261] : memref<40x128xi32, #tpu.memory_space<vmem>> -> memref<1x128xi32, #tpu.memory_space<vmem>>
        %dma_start3A_263 = tpu.memref_squeeze %dma_start3A_262 : memref<1x128xi32, #tpu.memory_space<vmem>> -> memref<128xi32, #tpu.memory_space<vmem>>
        %dma_start3A_264 = arith.constant 0 : i32
        %dma_start3A_265 = arith.constant 0 : i32
        %dma_start3A_266 = tpu.memref_slice %arg11[%dma_start3A_264, %dma_start3A_265] : memref<10240x64xf32, #tpu.memory_space<vmem_shared>> -> memref<10240x64xf32, #tpu.memory_space<vmem_shared>>
        tpu.enqueue_indirect_dma source(%dma_start3A_260 : memref<128x64xf32, #tpu.memory_space<vmem>>) target(%dma_start3A_266 : memref<10240x64xf32, #tpu.memory_space<vmem_shared>>) offsets(%dma_start3A_263 : memref<128xi32, #tpu.memory_space<vmem>>) semaphore(%run_scoped3A_256 : memref<!tpu.dma_semaphore, #tpu.memory_space<semaphore_mem>>) {add = true}
        %dma_wait3A_267 = arith.constant 0 : i32
        %dma_wait3A_268 = arith.constant 0 : i32
        %dma_wait3A_269 = tpu.memref_slice %arg9[%run_scoped3A_155, %dma_wait3A_267, %dma_wait3A_268] : memref<4x128x64xf32, #tpu.memory_space<vmem>> -> memref<1x128x64xf32, #tpu.memory_space<vmem>>
        %dma_wait3A_270 = tpu.memref_squeeze %dma_wait3A_269 : memref<1x128x64xf32, #tpu.memory_space<vmem>> -> memref<128x64xf32, #tpu.memory_space<vmem>>
        %dma_wait3A_271 = arith.constant 0 : i32
        %dma_wait3A_272 = tpu.memref_slice %arg8[%add3A_143, %dma_wait3A_271] : memref<40x128xi32, #tpu.memory_space<vmem>> -> memref<1x128xi32, #tpu.memory_space<vmem>>
        %dma_wait3A_273 = tpu.memref_squeeze %dma_wait3A_272 : memref<1x128xi32, #tpu.memory_space<vmem>> -> memref<128xi32, #tpu.memory_space<vmem>>
        %dma_wait3A_274 = arith.constant 0 : i32
        %dma_wait3A_275 = arith.constant 0 : i32
        %dma_wait3A_276 = tpu.memref_slice %arg11[%dma_wait3A_274, %dma_wait3A_275] : memref<10240x64xf32, #tpu.memory_space<vmem_shared>> -> memref<10240x64xf32, #tpu.memory_space<vmem_shared>>
        tpu.wait_indirect_dma semaphore(%run_scoped3A_256 : memref<!tpu.dma_semaphore, #tpu.memory_space<semaphore_mem>>) src(%dma_wait3A_270 : memref<128x64xf32, #tpu.memory_space<vmem>>) dst(%dma_wait3A_276 : memref<10240x64xf32, #tpu.memory_space<vmem_shared>>)
        tpu.yield
      }) : () -> ()
      %add3A_156 = arith.constant 4 : i32
      %add3A_157 = arith.addi %add3A_143, %add3A_156 : i32
      %dma_start3A_158 = arith.constant 0 : i32
      %dma_start3A_159 = arith.constant 0 : i32
      %dma_start3A_160 = arith.constant 0 : i32
      %dma_start3A_161 = tpu.memref_slice %arg9[%dma_start3A_158, %dma_start3A_159, %dma_start3A_160] : memref<4x128x64xf32, #tpu.memory_space<vmem>> -> memref<1x128x64xf32, #tpu.memory_space<vmem>>
      %dma_start3A_162 = tpu.memref_squeeze %dma_start3A_161 : memref<1x128x64xf32, #tpu.memory_space<vmem>> -> memref<128x64xf32, #tpu.memory_space<vmem>>
      %dma_start3A_163 = arith.constant 0 : i32
      %dma_start3A_164 = tpu.memref_slice %arg7[%add3A_157, %dma_start3A_163] : memref<40x128xi32, #tpu.memory_space<vmem>> -> memref<1x128xi32, #tpu.memory_space<vmem>>
      %dma_start3A_165 = tpu.memref_squeeze %dma_start3A_164 : memref<1x128xi32, #tpu.memory_space<vmem>> -> memref<128xi32, #tpu.memory_space<vmem>>
      %dma_start3A_166 = arith.constant 0 : i32
      %dma_start3A_167 = arith.constant 0 : i32
      %dma_start3A_168 = tpu.memref_slice %arg2[%dma_start3A_166, %dma_start3A_167] : memref<10240x64xf32, #tpu.memory_space<hbm>> -> memref<10240x64xf32, #tpu.memory_space<hbm>>
      tpu.enqueue_indirect_dma source(%dma_start3A_168 : memref<10240x64xf32, #tpu.memory_space<hbm>>) target(%dma_start3A_162 : memref<128x64xf32, #tpu.memory_space<vmem>>) offsets(%dma_start3A_165 : memref<128xi32, #tpu.memory_space<vmem>>) semaphore(%arg12 : memref<!tpu.dma_semaphore, #tpu.memory_space<semaphore_mem>>)
      %mul3A_169 = arith.constant 4 : i32
      %mul3A_170 = arith.muli %mul3A_169, %scan3A_139 : i32
      %add3A_171 = arith.constant 1 : i32
      %add3A_172 = arith.addi %mul3A_170, %add3A_171 : i32
      %dma_wait3A_173 = arith.constant 1 : i32
      %dma_wait3A_174 = arith.constant 0 : i32
      %dma_wait3A_175 = arith.constant 0 : i32
      %dma_wait3A_176 = tpu.memref_slice %arg9[%dma_wait3A_173, %dma_wait3A_174, %dma_wait3A_175] : memref<4x128x64xf32, #tpu.memory_space<vmem>> -> memref<1x128x64xf32, #tpu.memory_space<vmem>>
      %dma_wait3A_177 = tpu.memref_squeeze %dma_wait3A_176 : memref<1x128x64xf32, #tpu.memory_space<vmem>> -> memref<128x64xf32, #tpu.memory_space<vmem>>
      %dma_wait3A_178 = arith.constant 0 : i32
      %dma_wait3A_179 = tpu.memref_slice %arg7[%add3A_172, %dma_wait3A_178] : memref<40x128xi32, #tpu.memory_space<vmem>> -> memref<1x128xi32, #tpu.memory_space<vmem>>
      %dma_wait3A_180 = tpu.memref_squeeze %dma_wait3A_179 : memref<1x128xi32, #tpu.memory_space<vmem>> -> memref<128xi32, #tpu.memory_space<vmem>>
      %dma_wait3A_181 = arith.constant 0 : i32
      %dma_wait3A_182 = arith.constant 0 : i32
      %dma_wait3A_183 = tpu.memref_slice %arg2[%dma_wait3A_181, %dma_wait3A_182] : memref<10240x64xf32, #tpu.memory_space<hbm>> -> memref<10240x64xf32, #tpu.memory_space<hbm>>
      tpu.wait_indirect_dma semaphore(%arg13 : memref<!tpu.dma_semaphore, #tpu.memory_space<semaphore_mem>>) src(%dma_wait3A_183 : memref<10240x64xf32, #tpu.memory_space<hbm>>) dst(%dma_wait3A_177 : memref<128x64xf32, #tpu.memory_space<vmem>>)
      %run_scoped3A_184 = arith.constant 1 : i32
      "tpu.region"() ({
        %run_scoped3A_256 = tpu.sem_alloc : memref<!tpu.dma_semaphore, #tpu.memory_space<semaphore_mem>>
        %dma_start3A_257 = arith.constant 0 : i32
        %dma_start3A_258 = arith.constant 0 : i32
        %dma_start3A_259 = tpu.memref_slice %arg9[%run_scoped3A_184, %dma_start3A_257, %dma_start3A_258] : memref<4x128x64xf32, #tpu.memory_space<vmem>> -> memref<1x128x64xf32, #tpu.memory_space<vmem>>
        %dma_start3A_260 = tpu.memref_squeeze %dma_start3A_259 : memref<1x128x64xf32, #tpu.memory_space<vmem>> -> memref<128x64xf32, #tpu.memory_space<vmem>>
        %dma_start3A_261 = arith.constant 0 : i32
        %dma_start3A_262 = tpu.memref_slice %arg8[%add3A_172, %dma_start3A_261] : memref<40x128xi32, #tpu.memory_space<vmem>> -> memref<1x128xi32, #tpu.memory_space<vmem>>
        %dma_start3A_263 = tpu.memref_squeeze %dma_start3A_262 : memref<1x128xi32, #tpu.memory_space<vmem>> -> memref<128xi32, #tpu.memory_space<vmem>>
        %dma_start3A_264 = arith.constant 0 : i32
        %dma_start3A_265 = arith.constant 0 : i32
        %dma_start3A_266 = tpu.memref_slice %arg11[%dma_start3A_264, %dma_start3A_265] : memref<10240x64xf32, #tpu.memory_space<vmem_shared>> -> memref<10240x64xf32, #tpu.memory_space<vmem_shared>>
        tpu.enqueue_indirect_dma source(%dma_start3A_260 : memref<128x64xf32, #tpu.memory_space<vmem>>) target(%dma_start3A_266 : memref<10240x64xf32, #tpu.memory_space<vmem_shared>>) offsets(%dma_start3A_263 : memref<128xi32, #tpu.memory_space<vmem>>) semaphore(%run_scoped3A_256 : memref<!tpu.dma_semaphore, #tpu.memory_space<semaphore_mem>>) {add = true}
        %dma_wait3A_267 = arith.constant 0 : i32
        %dma_wait3A_268 = arith.constant 0 : i32
        %dma_wait3A_269 = tpu.memref_slice %arg9[%run_scoped3A_184, %dma_wait3A_267, %dma_wait3A_268] : memref<4x128x64xf32, #tpu.memory_space<vmem>> -> memref<1x128x64xf32, #tpu.memory_space<vmem>>
        %dma_wait3A_270 = tpu.memref_squeeze %dma_wait3A_269 : memref<1x128x64xf32, #tpu.memory_space<vmem>> -> memref<128x64xf32, #tpu.memory_space<vmem>>
        %dma_wait3A_271 = arith.constant 0 : i32
        %dma_wait3A_272 = tpu.memref_slice %arg8[%add3A_172, %dma_wait3A_271] : memref<40x128xi32, #tpu.memory_space<vmem>> -> memref<1x128xi32, #tpu.memory_space<vmem>>
        %dma_wait3A_273 = tpu.memref_squeeze %dma_wait3A_272 : memref<1x128xi32, #tpu.memory_space<vmem>> -> memref<128xi32, #tpu.memory_space<vmem>>
        %dma_wait3A_274 = arith.constant 0 : i32
        %dma_wait3A_275 = arith.constant 0 : i32
        %dma_wait3A_276 = tpu.memref_slice %arg11[%dma_wait3A_274, %dma_wait3A_275] : memref<10240x64xf32, #tpu.memory_space<vmem_shared>> -> memref<10240x64xf32, #tpu.memory_space<vmem_shared>>
        tpu.wait_indirect_dma semaphore(%run_scoped3A_256 : memref<!tpu.dma_semaphore, #tpu.memory_space<semaphore_mem>>) src(%dma_wait3A_270 : memref<128x64xf32, #tpu.memory_space<vmem>>) dst(%dma_wait3A_276 : memref<10240x64xf32, #tpu.memory_space<vmem_shared>>)
        tpu.yield
      }) : () -> ()
      %add3A_185 = arith.constant 4 : i32
      %add3A_186 = arith.addi %add3A_172, %add3A_185 : i32
      %dma_start3A_187 = arith.constant 1 : i32
      %dma_start3A_188 = arith.constant 0 : i32
      %dma_start3A_189 = arith.constant 0 : i32
      %dma_start3A_190 = tpu.memref_slice %arg9[%dma_start3A_187, %dma_start3A_188, %dma_start3A_189] : memref<4x128x64xf32, #tpu.memory_space<vmem>> -> memref<1x128x64xf32, #tpu.memory_space<vmem>>
      %dma_start3A_191 = tpu.memref_squeeze %dma_start3A_190 : memref<1x128x64xf32, #tpu.memory_space<vmem>> -> memref<128x64xf32, #tpu.memory_space<vmem>>
      %dma_start3A_192 = arith.constant 0 : i32
      %dma_start3A_193 = tpu.memref_slice %arg7[%add3A_186, %dma_start3A_192] : memref<40x128xi32, #tpu.memory_space<vmem>> -> memref<1x128xi32, #tpu.memory_space<vmem>>
      %dma_start3A_194 = tpu.memref_squeeze %dma_start3A_193 : memref<1x128xi32, #tpu.memory_space<vmem>> -> memref<128xi32, #tpu.memory_space<vmem>>
      %dma_start3A_195 = arith.constant 0 : i32
      %dma_start3A_196 = arith.constant 0 : i32
      %dma_start3A_197 = tpu.memref_slice %arg2[%dma_start3A_195, %dma_start3A_196] : memref<10240x64xf32, #tpu.memory_space<hbm>> -> memref<10240x64xf32, #tpu.memory_space<hbm>>
      tpu.enqueue_indirect_dma source(%dma_start3A_197 : memref<10240x64xf32, #tpu.memory_space<hbm>>) target(%dma_start3A_191 : memref<128x64xf32, #tpu.memory_space<vmem>>) offsets(%dma_start3A_194 : memref<128xi32, #tpu.memory_space<vmem>>) semaphore(%arg13 : memref<!tpu.dma_semaphore, #tpu.memory_space<semaphore_mem>>)
      %mul3A_198 = arith.constant 4 : i32
      %mul3A_199 = arith.muli %mul3A_198, %scan3A_139 : i32
      %add3A_200 = arith.constant 2 : i32
      %add3A_201 = arith.addi %mul3A_199, %add3A_200 : i32
      %dma_wait3A_202 = arith.constant 2 : i32
      %dma_wait3A_203 = arith.constant 0 : i32
      %dma_wait3A_204 = arith.constant 0 : i32
      %dma_wait3A_205 = tpu.memref_slice %arg9[%dma_wait3A_202, %dma_wait3A_203, %dma_wait3A_204] : memref<4x128x64xf32, #tpu.memory_space<vmem>> -> memref<1x128x64xf32, #tpu.memory_space<vmem>>
      %dma_wait3A_206 = tpu.memref_squeeze %dma_wait3A_205 : memref<1x128x64xf32, #tpu.memory_space<vmem>> -> memref<128x64xf32, #tpu.memory_space<vmem>>
      %dma_wait3A_207 = arith.constant 0 : i32
      %dma_wait3A_208 = tpu.memref_slice %arg7[%add3A_201, %dma_wait3A_207] : memref<40x128xi32, #tpu.memory_space<vmem>> -> memref<1x128xi32, #tpu.memory_space<vmem>>
      %dma_wait3A_209 = tpu.memref_squeeze %dma_wait3A_208 : memref<1x128xi32, #tpu.memory_space<vmem>> -> memref<128xi32, #tpu.memory_space<vmem>>
      %dma_wait3A_210 = arith.constant 0 : i32
      %dma_wait3A_211 = arith.constant 0 : i32
      %dma_wait3A_212 = tpu.memref_slice %arg2[%dma_wait3A_210, %dma_wait3A_211] : memref<10240x64xf32, #tpu.memory_space<hbm>> -> memref<10240x64xf32, #tpu.memory_space<hbm>>
      tpu.wait_indirect_dma semaphore(%arg14 : memref<!tpu.dma_semaphore, #tpu.memory_space<semaphore_mem>>) src(%dma_wait3A_212 : memref<10240x64xf32, #tpu.memory_space<hbm>>) dst(%dma_wait3A_206 : memref<128x64xf32, #tpu.memory_space<vmem>>)
      %run_scoped3A_213 = arith.constant 2 : i32
      "tpu.region"() ({
        %run_scoped3A_256 = tpu.sem_alloc : memref<!tpu.dma_semaphore, #tpu.memory_space<semaphore_mem>>
        %dma_start3A_257 = arith.constant 0 : i32
        %dma_start3A_258 = arith.constant 0 : i32
        %dma_start3A_259 = tpu.memref_slice %arg9[%run_scoped3A_213, %dma_start3A_257, %dma_start3A_258] : memref<4x128x64xf32, #tpu.memory_space<vmem>> -> memref<1x128x64xf32, #tpu.memory_space<vmem>>
        %dma_start3A_260 = tpu.memref_squeeze %dma_start3A_259 : memref<1x128x64xf32, #tpu.memory_space<vmem>> -> memref<128x64xf32, #tpu.memory_space<vmem>>
        %dma_start3A_261 = arith.constant 0 : i32
        %dma_start3A_262 = tpu.memref_slice %arg8[%add3A_201, %dma_start3A_261] : memref<40x128xi32, #tpu.memory_space<vmem>> -> memref<1x128xi32, #tpu.memory_space<vmem>>
        %dma_start3A_263 = tpu.memref_squeeze %dma_start3A_262 : memref<1x128xi32, #tpu.memory_space<vmem>> -> memref<128xi32, #tpu.memory_space<vmem>>
        %dma_start3A_264 = arith.constant 0 : i32
        %dma_start3A_265 = arith.constant 0 : i32
        %dma_start3A_266 = tpu.memref_slice %arg11[%dma_start3A_264, %dma_start3A_265] : memref<10240x64xf32, #tpu.memory_space<vmem_shared>> -> memref<10240x64xf32, #tpu.memory_space<vmem_shared>>
        tpu.enqueue_indirect_dma source(%dma_start3A_260 : memref<128x64xf32, #tpu.memory_space<vmem>>) target(%dma_start3A_266 : memref<10240x64xf32, #tpu.memory_space<vmem_shared>>) offsets(%dma_start3A_263 : memref<128xi32, #tpu.memory_space<vmem>>) semaphore(%run_scoped3A_256 : memref<!tpu.dma_semaphore, #tpu.memory_space<semaphore_mem>>) {add = true}
        %dma_wait3A_267 = arith.constant 0 : i32
        %dma_wait3A_268 = arith.constant 0 : i32
        %dma_wait3A_269 = tpu.memref_slice %arg9[%run_scoped3A_213, %dma_wait3A_267, %dma_wait3A_268] : memref<4x128x64xf32, #tpu.memory_space<vmem>> -> memref<1x128x64xf32, #tpu.memory_space<vmem>>
        %dma_wait3A_270 = tpu.memref_squeeze %dma_wait3A_269 : memref<1x128x64xf32, #tpu.memory_space<vmem>> -> memref<128x64xf32, #tpu.memory_space<vmem>>
        %dma_wait3A_271 = arith.constant 0 : i32
        %dma_wait3A_272 = tpu.memref_slice %arg8[%add3A_201, %dma_wait3A_271] : memref<40x128xi32, #tpu.memory_space<vmem>> -> memref<1x128xi32, #tpu.memory_space<vmem>>
        %dma_wait3A_273 = tpu.memref_squeeze %dma_wait3A_272 : memref<1x128xi32, #tpu.memory_space<vmem>> -> memref<128xi32, #tpu.memory_space<vmem>>
        %dma_wait3A_274 = arith.constant 0 : i32
        %dma_wait3A_275 = arith.constant 0 : i32
        %dma_wait3A_276 = tpu.memref_slice %arg11[%dma_wait3A_274, %dma_wait3A_275] : memref<10240x64xf32, #tpu.memory_space<vmem_shared>> -> memref<10240x64xf32, #tpu.memory_space<vmem_shared>>
        tpu.wait_indirect_dma semaphore(%run_scoped3A_256 : memref<!tpu.dma_semaphore, #tpu.memory_space<semaphore_mem>>) src(%dma_wait3A_270 : memref<128x64xf32, #tpu.memory_space<vmem>>) dst(%dma_wait3A_276 : memref<10240x64xf32, #tpu.memory_space<vmem_shared>>)
        tpu.yield
      }) : () -> ()
      %add3A_214 = arith.constant 4 : i32
      %add3A_215 = arith.addi %add3A_201, %add3A_214 : i32
      %dma_start3A_216 = arith.constant 2 : i32
      %dma_start3A_217 = arith.constant 0 : i32
      %dma_start3A_218 = arith.constant 0 : i32
      %dma_start3A_219 = tpu.memref_slice %arg9[%dma_start3A_216, %dma_start3A_217, %dma_start3A_218] : memref<4x128x64xf32, #tpu.memory_space<vmem>> -> memref<1x128x64xf32, #tpu.memory_space<vmem>>
      %dma_start3A_220 = tpu.memref_squeeze %dma_start3A_219 : memref<1x128x64xf32, #tpu.memory_space<vmem>> -> memref<128x64xf32, #tpu.memory_space<vmem>>
      %dma_start3A_221 = arith.constant 0 : i32
      %dma_start3A_222 = tpu.memref_slice %arg7[%add3A_215, %dma_start3A_221] : memref<40x128xi32, #tpu.memory_space<vmem>> -> memref<1x128xi32, #tpu.memory_space<vmem>>
      %dma_start3A_223 = tpu.memref_squeeze %dma_start3A_222 : memref<1x128xi32, #tpu.memory_space<vmem>> -> memref<128xi32, #tpu.memory_space<vmem>>
      %dma_start3A_224 = arith.constant 0 : i32
      %dma_start3A_225 = arith.constant 0 : i32
      %dma_start3A_226 = tpu.memref_slice %arg2[%dma_start3A_224, %dma_start3A_225] : memref<10240x64xf32, #tpu.memory_space<hbm>> -> memref<10240x64xf32, #tpu.memory_space<hbm>>
      tpu.enqueue_indirect_dma source(%dma_start3A_226 : memref<10240x64xf32, #tpu.memory_space<hbm>>) target(%dma_start3A_220 : memref<128x64xf32, #tpu.memory_space<vmem>>) offsets(%dma_start3A_223 : memref<128xi32, #tpu.memory_space<vmem>>) semaphore(%arg14 : memref<!tpu.dma_semaphore, #tpu.memory_space<semaphore_mem>>)
      %mul3A_227 = arith.constant 4 : i32
      %mul3A_228 = arith.muli %mul3A_227, %scan3A_139 : i32
      %add3A_229 = arith.constant 3 : i32
      %add3A_230 = arith.addi %mul3A_228, %add3A_229 : i32
      %dma_wait3A_231 = arith.constant 3 : i32
      %dma_wait3A_232 = arith.constant 0 : i32
      %dma_wait3A_233 = arith.constant 0 : i32
      %dma_wait3A_234 = tpu.memref_slice %arg9[%dma_wait3A_231, %dma_wait3A_232, %dma_wait3A_233] : memref<4x128x64xf32, #tpu.memory_space<vmem>> -> memref<1x128x64xf32, #tpu.memory_space<vmem>>
      %dma_wait3A_235 = tpu.memref_squeeze %dma_wait3A_234 : memref<1x128x64xf32, #tpu.memory_space<vmem>> -> memref<128x64xf32, #tpu.memory_space<vmem>>
      %dma_wait3A_236 = arith.constant 0 : i32
      %dma_wait3A_237 = tpu.memref_slice %arg7[%add3A_230, %dma_wait3A_236] : memref<40x128xi32, #tpu.memory_space<vmem>> -> memref<1x128xi32, #tpu.memory_space<vmem>>
      %dma_wait3A_238 = tpu.memref_squeeze %dma_wait3A_237 : memref<1x128xi32, #tpu.memory_space<vmem>> -> memref<128xi32, #tpu.memory_space<vmem>>
      %dma_wait3A_239 = arith.constant 0 : i32
      %dma_wait3A_240 = arith.constant 0 : i32
      %dma_wait3A_241 = tpu.memref_slice %arg2[%dma_wait3A_239, %dma_wait3A_240] : memref<10240x64xf32, #tpu.memory_space<hbm>> -> memref<10240x64xf32, #tpu.memory_space<hbm>>
      tpu.wait_indirect_dma semaphore(%arg15 : memref<!tpu.dma_semaphore, #tpu.memory_space<semaphore_mem>>) src(%dma_wait3A_241 : memref<10240x64xf32, #tpu.memory_space<hbm>>) dst(%dma_wait3A_235 : memref<128x64xf32, #tpu.memory_space<vmem>>)
      %run_scoped3A_242 = arith.constant 3 : i32
      "tpu.region"() ({
        %run_scoped3A_256 = tpu.sem_alloc : memref<!tpu.dma_semaphore, #tpu.memory_space<semaphore_mem>>
        %dma_start3A_257 = arith.constant 0 : i32
        %dma_start3A_258 = arith.constant 0 : i32
        %dma_start3A_259 = tpu.memref_slice %arg9[%run_scoped3A_242, %dma_start3A_257, %dma_start3A_258] : memref<4x128x64xf32, #tpu.memory_space<vmem>> -> memref<1x128x64xf32, #tpu.memory_space<vmem>>
        %dma_start3A_260 = tpu.memref_squeeze %dma_start3A_259 : memref<1x128x64xf32, #tpu.memory_space<vmem>> -> memref<128x64xf32, #tpu.memory_space<vmem>>
        %dma_start3A_261 = arith.constant 0 : i32
        %dma_start3A_262 = tpu.memref_slice %arg8[%add3A_230, %dma_start3A_261] : memref<40x128xi32, #tpu.memory_space<vmem>> -> memref<1x128xi32, #tpu.memory_space<vmem>>
        %dma_start3A_263 = tpu.memref_squeeze %dma_start3A_262 : memref<1x128xi32, #tpu.memory_space<vmem>> -> memref<128xi32, #tpu.memory_space<vmem>>
        %dma_start3A_264 = arith.constant 0 : i32
        %dma_start3A_265 = arith.constant 0 : i32
        %dma_start3A_266 = tpu.memref_slice %arg11[%dma_start3A_264, %dma_start3A_265] : memref<10240x64xf32, #tpu.memory_space<vmem_shared>> -> memref<10240x64xf32, #tpu.memory_space<vmem_shared>>
        tpu.enqueue_indirect_dma source(%dma_start3A_260 : memref<128x64xf32, #tpu.memory_space<vmem>>) target(%dma_start3A_266 : memref<10240x64xf32, #tpu.memory_space<vmem_shared>>) offsets(%dma_start3A_263 : memref<128xi32, #tpu.memory_space<vmem>>) semaphore(%run_scoped3A_256 : memref<!tpu.dma_semaphore, #tpu.memory_space<semaphore_mem>>) {add = true}
        %dma_wait3A_267 = arith.constant 0 : i32
        %dma_wait3A_268 = arith.constant 0 : i32
        %dma_wait3A_269 = tpu.memref_slice %arg9[%run_scoped3A_242, %dma_wait3A_267, %dma_wait3A_268] : memref<4x128x64xf32, #tpu.memory_space<vmem>> -> memref<1x128x64xf32, #tpu.memory_space<vmem>>
        %dma_wait3A_270 = tpu.memref_squeeze %dma_wait3A_269 : memref<1x128x64xf32, #tpu.memory_space<vmem>> -> memref<128x64xf32, #tpu.memory_space<vmem>>
        %dma_wait3A_271 = arith.constant 0 : i32
        %dma_wait3A_272 = tpu.memref_slice %arg8[%add3A_230, %dma_wait3A_271] : memref<40x128xi32, #tpu.memory_space<vmem>> -> memref<1x128xi32, #tpu.memory_space<vmem>>
        %dma_wait3A_273 = tpu.memref_squeeze %dma_wait3A_272 : memref<1x128xi32, #tpu.memory_space<vmem>> -> memref<128xi32, #tpu.memory_space<vmem>>
        %dma_wait3A_274 = arith.constant 0 : i32
        %dma_wait3A_275 = arith.constant 0 : i32
        %dma_wait3A_276 = tpu.memref_slice %arg11[%dma_wait3A_274, %dma_wait3A_275] : memref<10240x64xf32, #tpu.memory_space<vmem_shared>> -> memref<10240x64xf32, #tpu.memory_space<vmem_shared>>
        tpu.wait_indirect_dma semaphore(%run_scoped3A_256 : memref<!tpu.dma_semaphore, #tpu.memory_space<semaphore_mem>>) src(%dma_wait3A_270 : memref<128x64xf32, #tpu.memory_space<vmem>>) dst(%dma_wait3A_276 : memref<10240x64xf32, #tpu.memory_space<vmem_shared>>)
        tpu.yield
      }) : () -> ()
      %add3A_243 = arith.constant 4 : i32
      %add3A_244 = arith.addi %add3A_230, %add3A_243 : i32
      %dma_start3A_245 = arith.constant 3 : i32
      %dma_start3A_246 = arith.constant 0 : i32
      %dma_start3A_247 = arith.constant 0 : i32
      %dma_start3A_248 = tpu.memref_slice %arg9[%dma_start3A_245, %dma_start3A_246, %dma_start3A_247] : memref<4x128x64xf32, #tpu.memory_space<vmem>> -> memref<1x128x64xf32, #tpu.memory_space<vmem>>
      %dma_start3A_249 = tpu.memref_squeeze %dma_start3A_248 : memref<1x128x64xf32, #tpu.memory_space<vmem>> -> memref<128x64xf32, #tpu.memory_space<vmem>>
      %dma_start3A_250 = arith.constant 0 : i32
      %dma_start3A_251 = tpu.memref_slice %arg7[%add3A_244, %dma_start3A_250] : memref<40x128xi32, #tpu.memory_space<vmem>> -> memref<1x128xi32, #tpu.memory_space<vmem>>
      %dma_start3A_252 = tpu.memref_squeeze %dma_start3A_251 : memref<1x128xi32, #tpu.memory_space<vmem>> -> memref<128xi32, #tpu.memory_space<vmem>>
      %dma_start3A_253 = arith.constant 0 : i32
      %dma_start3A_254 = arith.constant 0 : i32
      %dma_start3A_255 = tpu.memref_slice %arg2[%dma_start3A_253, %dma_start3A_254] : memref<10240x64xf32, #tpu.memory_space<hbm>> -> memref<10240x64xf32, #tpu.memory_space<hbm>>
      tpu.enqueue_indirect_dma source(%dma_start3A_255 : memref<10240x64xf32, #tpu.memory_space<hbm>>) target(%dma_start3A_249 : memref<128x64xf32, #tpu.memory_space<vmem>>) offsets(%dma_start3A_252 : memref<128xi32, #tpu.memory_space<vmem>>) semaphore(%arg15 : memref<!tpu.dma_semaphore, #tpu.memory_space<semaphore_mem>>)
    }
    %scan3A_63 = arith.constant 9 : i32
    %dma_wait3A = arith.constant 36 : i32
    %dma_wait3A_64 = arith.constant 0 : i32
    %dma_wait3A_65 = arith.constant 0 : i32
    %dma_wait3A_66 = arith.constant 0 : i32
    %dma_wait3A_67 = tpu.memref_slice %arg9[%dma_wait3A_64, %dma_wait3A_65, %dma_wait3A_66] : memref<4x128x64xf32, #tpu.memory_space<vmem>> -> memref<1x128x64xf32, #tpu.memory_space<vmem>>
    %dma_wait3A_68 = tpu.memref_squeeze %dma_wait3A_67 : memref<1x128x64xf32, #tpu.memory_space<vmem>> -> memref<128x64xf32, #tpu.memory_space<vmem>>
    %dma_wait3A_69 = arith.constant 0 : i32
    %dma_wait3A_70 = tpu.memref_slice %arg7[%dma_wait3A, %dma_wait3A_69] : memref<40x128xi32, #tpu.memory_space<vmem>> -> memref<1x128xi32, #tpu.memory_space<vmem>>
    %dma_wait3A_71 = tpu.memref_squeeze %dma_wait3A_70 : memref<1x128xi32, #tpu.memory_space<vmem>> -> memref<128xi32, #tpu.memory_space<vmem>>
    %dma_wait3A_72 = arith.constant 0 : i32
    %dma_wait3A_73 = arith.constant 0 : i32
    %dma_wait3A_74 = tpu.memref_slice %arg2[%dma_wait3A_72, %dma_wait3A_73] : memref<10240x64xf32, #tpu.memory_space<hbm>> -> memref<10240x64xf32, #tpu.memory_space<hbm>>
    tpu.wait_indirect_dma semaphore(%arg12 : memref<!tpu.dma_semaphore, #tpu.memory_space<semaphore_mem>>) src(%dma_wait3A_74 : memref<10240x64xf32, #tpu.memory_space<hbm>>) dst(%dma_wait3A_68 : memref<128x64xf32, #tpu.memory_space<vmem>>)
    %run_scoped3A = arith.constant 0 : i32
    %run_scoped3A_75 = arith.constant 36 : i32
    "tpu.region"() ({
      %run_scoped3A_139 = tpu.sem_alloc : memref<!tpu.dma_semaphore, #tpu.memory_space<semaphore_mem>>
      %dma_start3A_140 = arith.constant 0 : i32
      %dma_start3A_141 = arith.constant 0 : i32
      %dma_start3A_142 = tpu.memref_slice %arg9[%run_scoped3A, %dma_start3A_140, %dma_start3A_141] : memref<4x128x64xf32, #tpu.memory_space<vmem>> -> memref<1x128x64xf32, #tpu.memory_space<vmem>>
      %dma_start3A_143 = tpu.memref_squeeze %dma_start3A_142 : memref<1x128x64xf32, #tpu.memory_space<vmem>> -> memref<128x64xf32, #tpu.memory_space<vmem>>
      %dma_start3A_144 = arith.constant 0 : i32
      %dma_start3A_145 = tpu.memref_slice %arg8[%run_scoped3A_75, %dma_start3A_144] : memref<40x128xi32, #tpu.memory_space<vmem>> -> memref<1x128xi32, #tpu.memory_space<vmem>>
      %dma_start3A_146 = tpu.memref_squeeze %dma_start3A_145 : memref<1x128xi32, #tpu.memory_space<vmem>> -> memref<128xi32, #tpu.memory_space<vmem>>
      %dma_start3A_147 = arith.constant 0 : i32
      %dma_start3A_148 = arith.constant 0 : i32
      %dma_start3A_149 = tpu.memref_slice %arg11[%dma_start3A_147, %dma_start3A_148] : memref<10240x64xf32, #tpu.memory_space<vmem_shared>> -> memref<10240x64xf32, #tpu.memory_space<vmem_shared>>
      tpu.enqueue_indirect_dma source(%dma_start3A_143 : memref<128x64xf32, #tpu.memory_space<vmem>>) target(%dma_start3A_149 : memref<10240x64xf32, #tpu.memory_space<vmem_shared>>) offsets(%dma_start3A_146 : memref<128xi32, #tpu.memory_space<vmem>>) semaphore(%run_scoped3A_139 : memref<!tpu.dma_semaphore, #tpu.memory_space<semaphore_mem>>) {add = true}
      %dma_wait3A_150 = arith.constant 0 : i32
      %dma_wait3A_151 = arith.constant 0 : i32
      %dma_wait3A_152 = tpu.memref_slice %arg9[%run_scoped3A, %dma_wait3A_150, %dma_wait3A_151] : memref<4x128x64xf32, #tpu.memory_space<vmem>> -> memref<1x128x64xf32, #tpu.memory_space<vmem>>
      %dma_wait3A_153 = tpu.memref_squeeze %dma_wait3A_152 : memref<1x128x64xf32, #tpu.memory_space<vmem>> -> memref<128x64xf32, #tpu.memory_space<vmem>>
      %dma_wait3A_154 = arith.constant 0 : i32
      %dma_wait3A_155 = tpu.memref_slice %arg8[%run_scoped3A_75, %dma_wait3A_154] : memref<40x128xi32, #tpu.memory_space<vmem>> -> memref<1x128xi32, #tpu.memory_space<vmem>>
      %dma_wait3A_156 = tpu.memref_squeeze %dma_wait3A_155 : memref<1x128xi32, #tpu.memory_space<vmem>> -> memref<128xi32, #tpu.memory_space<vmem>>
      %dma_wait3A_157 = arith.constant 0 : i32
      %dma_wait3A_158 = arith.constant 0 : i32
      %dma_wait3A_159 = tpu.memref_slice %arg11[%dma_wait3A_157, %dma_wait3A_158] : memref<10240x64xf32, #tpu.memory_space<vmem_shared>> -> memref<10240x64xf32, #tpu.memory_space<vmem_shared>>
      tpu.wait_indirect_dma semaphore(%run_scoped3A_139 : memref<!tpu.dma_semaphore, #tpu.memory_space<semaphore_mem>>) src(%dma_wait3A_153 : memref<128x64xf32, #tpu.memory_space<vmem>>) dst(%dma_wait3A_159 : memref<10240x64xf32, #tpu.memory_space<vmem_shared>>)
      tpu.yield
    }) : () -> ()
    %dma_wait3A_76 = arith.constant 37 : i32
    %dma_wait3A_77 = arith.constant 1 : i32
    %dma_wait3A_78 = arith.constant 0 : i32
    %dma_wait3A_79 = arith.constant 0 : i32
    %dma_wait3A_80 = tpu.memref_slice %arg9[%dma_wait3A_77, %dma_wait3A_78, %dma_wait3A_79] : memref<4x128x64xf32, #tpu.memory_space<vmem>> -> memref<1x128x64xf32, #tpu.memory_space<vmem>>
    %dma_wait3A_81 = tpu.memref_squeeze %dma_wait3A_80 : memref<1x128x64xf32, #tpu.memory_space<vmem>> -> memref<128x64xf32, #tpu.memory_space<vmem>>
    %dma_wait3A_82 = arith.constant 0 : i32
    %dma_wait3A_83 = tpu.memref_slice %arg7[%dma_wait3A_76, %dma_wait3A_82] : memref<40x128xi32, #tpu.memory_space<vmem>> -> memref<1x128xi32, #tpu.memory_space<vmem>>
    %dma_wait3A_84 = tpu.memref_squeeze %dma_wait3A_83 : memref<1x128xi32, #tpu.memory_space<vmem>> -> memref<128xi32, #tpu.memory_space<vmem>>
    %dma_wait3A_85 = arith.constant 0 : i32
    %dma_wait3A_86 = arith.constant 0 : i32
    %dma_wait3A_87 = tpu.memref_slice %arg2[%dma_wait3A_85, %dma_wait3A_86] : memref<10240x64xf32, #tpu.memory_space<hbm>> -> memref<10240x64xf32, #tpu.memory_space<hbm>>
    tpu.wait_indirect_dma semaphore(%arg13 : memref<!tpu.dma_semaphore, #tpu.memory_space<semaphore_mem>>) src(%dma_wait3A_87 : memref<10240x64xf32, #tpu.memory_space<hbm>>) dst(%dma_wait3A_81 : memref<128x64xf32, #tpu.memory_space<vmem>>)
    %run_scoped3A_88 = arith.constant 1 : i32
    %run_scoped3A_89 = arith.constant 37 : i32
    "tpu.region"() ({
      %run_scoped3A_139 = tpu.sem_alloc : memref<!tpu.dma_semaphore, #tpu.memory_space<semaphore_mem>>
      %dma_start3A_140 = arith.constant 0 : i32
      %dma_start3A_141 = arith.constant 0 : i32
      %dma_start3A_142 = tpu.memref_slice %arg9[%run_scoped3A_88, %dma_start3A_140, %dma_start3A_141] : memref<4x128x64xf32, #tpu.memory_space<vmem>> -> memref<1x128x64xf32, #tpu.memory_space<vmem>>
      %dma_start3A_143 = tpu.memref_squeeze %dma_start3A_142 : memref<1x128x64xf32, #tpu.memory_space<vmem>> -> memref<128x64xf32, #tpu.memory_space<vmem>>
      %dma_start3A_144 = arith.constant 0 : i32
      %dma_start3A_145 = tpu.memref_slice %arg8[%run_scoped3A_89, %dma_start3A_144] : memref<40x128xi32, #tpu.memory_space<vmem>> -> memref<1x128xi32, #tpu.memory_space<vmem>>
      %dma_start3A_146 = tpu.memref_squeeze %dma_start3A_145 : memref<1x128xi32, #tpu.memory_space<vmem>> -> memref<128xi32, #tpu.memory_space<vmem>>
      %dma_start3A_147 = arith.constant 0 : i32
      %dma_start3A_148 = arith.constant 0 : i32
      %dma_start3A_149 = tpu.memref_slice %arg11[%dma_start3A_147, %dma_start3A_148] : memref<10240x64xf32, #tpu.memory_space<vmem_shared>> -> memref<10240x64xf32, #tpu.memory_space<vmem_shared>>
      tpu.enqueue_indirect_dma source(%dma_start3A_143 : memref<128x64xf32, #tpu.memory_space<vmem>>) target(%dma_start3A_149 : memref<10240x64xf32, #tpu.memory_space<vmem_shared>>) offsets(%dma_start3A_146 : memref<128xi32, #tpu.memory_space<vmem>>) semaphore(%run_scoped3A_139 : memref<!tpu.dma_semaphore, #tpu.memory_space<semaphore_mem>>) {add = true}
      %dma_wait3A_150 = arith.constant 0 : i32
      %dma_wait3A_151 = arith.constant 0 : i32
      %dma_wait3A_152 = tpu.memref_slice %arg9[%run_scoped3A_88, %dma_wait3A_150, %dma_wait3A_151] : memref<4x128x64xf32, #tpu.memory_space<vmem>> -> memref<1x128x64xf32, #tpu.memory_space<vmem>>
      %dma_wait3A_153 = tpu.memref_squeeze %dma_wait3A_152 : memref<1x128x64xf32, #tpu.memory_space<vmem>> -> memref<128x64xf32, #tpu.memory_space<vmem>>
      %dma_wait3A_154 = arith.constant 0 : i32
      %dma_wait3A_155 = tpu.memref_slice %arg8[%run_scoped3A_89, %dma_wait3A_154] : memref<40x128xi32, #tpu.memory_space<vmem>> -> memref<1x128xi32, #tpu.memory_space<vmem>>
      %dma_wait3A_156 = tpu.memref_squeeze %dma_wait3A_155 : memref<1x128xi32, #tpu.memory_space<vmem>> -> memref<128xi32, #tpu.memory_space<vmem>>
      %dma_wait3A_157 = arith.constant 0 : i32
      %dma_wait3A_158 = arith.constant 0 : i32
      %dma_wait3A_159 = tpu.memref_slice %arg11[%dma_wait3A_157, %dma_wait3A_158] : memref<10240x64xf32, #tpu.memory_space<vmem_shared>> -> memref<10240x64xf32, #tpu.memory_space<vmem_shared>>
      tpu.wait_indirect_dma semaphore(%run_scoped3A_139 : memref<!tpu.dma_semaphore, #tpu.memory_space<semaphore_mem>>) src(%dma_wait3A_153 : memref<128x64xf32, #tpu.memory_space<vmem>>) dst(%dma_wait3A_159 : memref<10240x64xf32, #tpu.memory_space<vmem_shared>>)
      tpu.yield
    }) : () -> ()
    %dma_wait3A_90 = arith.constant 38 : i32
    %dma_wait3A_91 = arith.constant 2 : i32
    %dma_wait3A_92 = arith.constant 0 : i32
    %dma_wait3A_93 = arith.constant 0 : i32
    %dma_wait3A_94 = tpu.memref_slice %arg9[%dma_wait3A_91, %dma_wait3A_92, %dma_wait3A_93] : memref<4x128x64xf32, #tpu.memory_space<vmem>> -> memref<1x128x64xf32, #tpu.memory_space<vmem>>
    %dma_wait3A_95 = tpu.memref_squeeze %dma_wait3A_94 : memref<1x128x64xf32, #tpu.memory_space<vmem>> -> memref<128x64xf32, #tpu.memory_space<vmem>>
    %dma_wait3A_96 = arith.constant 0 : i32
    %dma_wait3A_97 = tpu.memref_slice %arg7[%dma_wait3A_90, %dma_wait3A_96] : memref<40x128xi32, #tpu.memory_space<vmem>> -> memref<1x128xi32, #tpu.memory_space<vmem>>
    %dma_wait3A_98 = tpu.memref_squeeze %dma_wait3A_97 : memref<1x128xi32, #tpu.memory_space<vmem>> -> memref<128xi32, #tpu.memory_space<vmem>>
    %dma_wait3A_99 = arith.constant 0 : i32
    %dma_wait3A_100 = arith.constant 0 : i32
    %dma_wait3A_101 = tpu.memref_slice %arg2[%dma_wait3A_99, %dma_wait3A_100] : memref<10240x64xf32, #tpu.memory_space<hbm>> -> memref<10240x64xf32, #tpu.memory_space<hbm>>
    tpu.wait_indirect_dma semaphore(%arg14 : memref<!tpu.dma_semaphore, #tpu.memory_space<semaphore_mem>>) src(%dma_wait3A_101 : memref<10240x64xf32, #tpu.memory_space<hbm>>) dst(%dma_wait3A_95 : memref<128x64xf32, #tpu.memory_space<vmem>>)
    %run_scoped3A_102 = arith.constant 2 : i32
    %run_scoped3A_103 = arith.constant 38 : i32
    "tpu.region"() ({
      %run_scoped3A_139 = tpu.sem_alloc : memref<!tpu.dma_semaphore, #tpu.memory_space<semaphore_mem>>
      %dma_start3A_140 = arith.constant 0 : i32
      %dma_start3A_141 = arith.constant 0 : i32
      %dma_start3A_142 = tpu.memref_slice %arg9[%run_scoped3A_102, %dma_start3A_140, %dma_start3A_141] : memref<4x128x64xf32, #tpu.memory_space<vmem>> -> memref<1x128x64xf32, #tpu.memory_space<vmem>>
      %dma_start3A_143 = tpu.memref_squeeze %dma_start3A_142 : memref<1x128x64xf32, #tpu.memory_space<vmem>> -> memref<128x64xf32, #tpu.memory_space<vmem>>
      %dma_start3A_144 = arith.constant 0 : i32
      %dma_start3A_145 = tpu.memref_slice %arg8[%run_scoped3A_103, %dma_start3A_144] : memref<40x128xi32, #tpu.memory_space<vmem>> -> memref<1x128xi32, #tpu.memory_space<vmem>>
      %dma_start3A_146 = tpu.memref_squeeze %dma_start3A_145 : memref<1x128xi32, #tpu.memory_space<vmem>> -> memref<128xi32, #tpu.memory_space<vmem>>
      %dma_start3A_147 = arith.constant 0 : i32
      %dma_start3A_148 = arith.constant 0 : i32
      %dma_start3A_149 = tpu.memref_slice %arg11[%dma_start3A_147, %dma_start3A_148] : memref<10240x64xf32, #tpu.memory_space<vmem_shared>> -> memref<10240x64xf32, #tpu.memory_space<vmem_shared>>
      tpu.enqueue_indirect_dma source(%dma_start3A_143 : memref<128x64xf32, #tpu.memory_space<vmem>>) target(%dma_start3A_149 : memref<10240x64xf32, #tpu.memory_space<vmem_shared>>) offsets(%dma_start3A_146 : memref<128xi32, #tpu.memory_space<vmem>>) semaphore(%run_scoped3A_139 : memref<!tpu.dma_semaphore, #tpu.memory_space<semaphore_mem>>) {add = true}
      %dma_wait3A_150 = arith.constant 0 : i32
      %dma_wait3A_151 = arith.constant 0 : i32
      %dma_wait3A_152 = tpu.memref_slice %arg9[%run_scoped3A_102, %dma_wait3A_150, %dma_wait3A_151] : memref<4x128x64xf32, #tpu.memory_space<vmem>> -> memref<1x128x64xf32, #tpu.memory_space<vmem>>
      %dma_wait3A_153 = tpu.memref_squeeze %dma_wait3A_152 : memref<1x128x64xf32, #tpu.memory_space<vmem>> -> memref<128x64xf32, #tpu.memory_space<vmem>>
      %dma_wait3A_154 = arith.constant 0 : i32
      %dma_wait3A_155 = tpu.memref_slice %arg8[%run_scoped3A_103, %dma_wait3A_154] : memref<40x128xi32, #tpu.memory_space<vmem>> -> memref<1x128xi32, #tpu.memory_space<vmem>>
      %dma_wait3A_156 = tpu.memref_squeeze %dma_wait3A_155 : memref<1x128xi32, #tpu.memory_space<vmem>> -> memref<128xi32, #tpu.memory_space<vmem>>
      %dma_wait3A_157 = arith.constant 0 : i32
      %dma_wait3A_158 = arith.constant 0 : i32
      %dma_wait3A_159 = tpu.memref_slice %arg11[%dma_wait3A_157, %dma_wait3A_158] : memref<10240x64xf32, #tpu.memory_space<vmem_shared>> -> memref<10240x64xf32, #tpu.memory_space<vmem_shared>>
      tpu.wait_indirect_dma semaphore(%run_scoped3A_139 : memref<!tpu.dma_semaphore, #tpu.memory_space<semaphore_mem>>) src(%dma_wait3A_153 : memref<128x64xf32, #tpu.memory_space<vmem>>) dst(%dma_wait3A_159 : memref<10240x64xf32, #tpu.memory_space<vmem_shared>>)
      tpu.yield
    }) : () -> ()
    %dma_wait3A_104 = arith.constant 39 : i32
    %dma_wait3A_105 = arith.constant 3 : i32
    %dma_wait3A_106 = arith.constant 0 : i32
    %dma_wait3A_107 = arith.constant 0 : i32
    %dma_wait3A_108 = tpu.memref_slice %arg9[%dma_wait3A_105, %dma_wait3A_106, %dma_wait3A_107] : memref<4x128x64xf32, #tpu.memory_space<vmem>> -> memref<1x128x64xf32, #tpu.memory_space<vmem>>
    %dma_wait3A_109 = tpu.memref_squeeze %dma_wait3A_108 : memref<1x128x64xf32, #tpu.memory_space<vmem>> -> memref<128x64xf32, #tpu.memory_space<vmem>>
    %dma_wait3A_110 = arith.constant 0 : i32
    %dma_wait3A_111 = tpu.memref_slice %arg7[%dma_wait3A_104, %dma_wait3A_110] : memref<40x128xi32, #tpu.memory_space<vmem>> -> memref<1x128xi32, #tpu.memory_space<vmem>>
    %dma_wait3A_112 = tpu.memref_squeeze %dma_wait3A_111 : memref<1x128xi32, #tpu.memory_space<vmem>> -> memref<128xi32, #tpu.memory_space<vmem>>
    %dma_wait3A_113 = arith.constant 0 : i32
    %dma_wait3A_114 = arith.constant 0 : i32
    %dma_wait3A_115 = tpu.memref_slice %arg2[%dma_wait3A_113, %dma_wait3A_114] : memref<10240x64xf32, #tpu.memory_space<hbm>> -> memref<10240x64xf32, #tpu.memory_space<hbm>>
    tpu.wait_indirect_dma semaphore(%arg15 : memref<!tpu.dma_semaphore, #tpu.memory_space<semaphore_mem>>) src(%dma_wait3A_115 : memref<10240x64xf32, #tpu.memory_space<hbm>>) dst(%dma_wait3A_109 : memref<128x64xf32, #tpu.memory_space<vmem>>)
    %run_scoped3A_116 = arith.constant 3 : i32
    %run_scoped3A_117 = arith.constant 39 : i32
    "tpu.region"() ({
      %run_scoped3A_139 = tpu.sem_alloc : memref<!tpu.dma_semaphore, #tpu.memory_space<semaphore_mem>>
      %dma_start3A_140 = arith.constant 0 : i32
      %dma_start3A_141 = arith.constant 0 : i32
      %dma_start3A_142 = tpu.memref_slice %arg9[%run_scoped3A_116, %dma_start3A_140, %dma_start3A_141] : memref<4x128x64xf32, #tpu.memory_space<vmem>> -> memref<1x128x64xf32, #tpu.memory_space<vmem>>
      %dma_start3A_143 = tpu.memref_squeeze %dma_start3A_142 : memref<1x128x64xf32, #tpu.memory_space<vmem>> -> memref<128x64xf32, #tpu.memory_space<vmem>>
      %dma_start3A_144 = arith.constant 0 : i32
      %dma_start3A_145 = tpu.memref_slice %arg8[%run_scoped3A_117, %dma_start3A_144] : memref<40x128xi32, #tpu.memory_space<vmem>> -> memref<1x128xi32, #tpu.memory_space<vmem>>
      %dma_start3A_146 = tpu.memref_squeeze %dma_start3A_145 : memref<1x128xi32, #tpu.memory_space<vmem>> -> memref<128xi32, #tpu.memory_space<vmem>>
      %dma_start3A_147 = arith.constant 0 : i32
      %dma_start3A_148 = arith.constant 0 : i32
      %dma_start3A_149 = tpu.memref_slice %arg11[%dma_start3A_147, %dma_start3A_148] : memref<10240x64xf32, #tpu.memory_space<vmem_shared>> -> memref<10240x64xf32, #tpu.memory_space<vmem_shared>>
      tpu.enqueue_indirect_dma source(%dma_start3A_143 : memref<128x64xf32, #tpu.memory_space<vmem>>) target(%dma_start3A_149 : memref<10240x64xf32, #tpu.memory_space<vmem_shared>>) offsets(%dma_start3A_146 : memref<128xi32, #tpu.memory_space<vmem>>) semaphore(%run_scoped3A_139 : memref<!tpu.dma_semaphore, #tpu.memory_space<semaphore_mem>>) {add = true}
      %dma_wait3A_150 = arith.constant 0 : i32
      %dma_wait3A_151 = arith.constant 0 : i32
      %dma_wait3A_152 = tpu.memref_slice %arg9[%run_scoped3A_116, %dma_wait3A_150, %dma_wait3A_151] : memref<4x128x64xf32, #tpu.memory_space<vmem>> -> memref<1x128x64xf32, #tpu.memory_space<vmem>>
      %dma_wait3A_153 = tpu.memref_squeeze %dma_wait3A_152 : memref<1x128x64xf32, #tpu.memory_space<vmem>> -> memref<128x64xf32, #tpu.memory_space<vmem>>
      %dma_wait3A_154 = arith.constant 0 : i32
      %dma_wait3A_155 = tpu.memref_slice %arg8[%run_scoped3A_117, %dma_wait3A_154] : memref<40x128xi32, #tpu.memory_space<vmem>> -> memref<1x128xi32, #tpu.memory_space<vmem>>
      %dma_wait3A_156 = tpu.memref_squeeze %dma_wait3A_155 : memref<1x128xi32, #tpu.memory_space<vmem>> -> memref<128xi32, #tpu.memory_space<vmem>>
      %dma_wait3A_157 = arith.constant 0 : i32
      %dma_wait3A_158 = arith.constant 0 : i32
      %dma_wait3A_159 = tpu.memref_slice %arg11[%dma_wait3A_157, %dma_wait3A_158] : memref<10240x64xf32, #tpu.memory_space<vmem_shared>> -> memref<10240x64xf32, #tpu.memory_space<vmem_shared>>
      tpu.wait_indirect_dma semaphore(%run_scoped3A_139 : memref<!tpu.dma_semaphore, #tpu.memory_space<semaphore_mem>>) src(%dma_wait3A_153 : memref<128x64xf32, #tpu.memory_space<vmem>>) dst(%dma_wait3A_159 : memref<10240x64xf32, #tpu.memory_space<vmem_shared>>)
      tpu.yield
    }) : () -> ()
    %barrier3A_118 = arith.constant 0 : index
    tpu.barrier barrier_id(%barrier3A_118)
    %add3A_119 = arith.constant 0 : i32
    %add3A_120 = arith.addi %mul3A_2, %add3A_119 : i32
    "tpu.region"() ({
      %run_scoped3A_139 = tpu.sem_alloc : memref<!tpu.dma_semaphore, #tpu.memory_space<semaphore_mem>>
      %dma_start3A_140 = arith.constant 0 : i32
      %dma_start3A_141 = tpu.memref_slice %arg11[%add3A_120, %dma_start3A_140] : memref<10240x64xf32, #tpu.memory_space<vmem_shared>> -> memref<128x64xf32, #tpu.memory_space<vmem_shared>>
      %dma_start3A_142 = arith.constant 0 : i32
      %dma_start3A_143 = tpu.memref_slice %arg11[%add3A_120, %dma_start3A_142] : memref<10240x64xf32, #tpu.memory_space<vmem_shared>> -> memref<128x64xf32, #tpu.memory_space<vmem_shared>>
      tpu.enqueue_dma source(%dma_start3A_143 : memref<128x64xf32, #tpu.memory_space<vmem_shared>>) target(%arg10 : memref<128x64xf32, #tpu.memory_space<vmem>>) target_semaphore(%run_scoped3A_139 : memref<!tpu.dma_semaphore, #tpu.memory_space<semaphore_mem>>)
      %dma_wait3A_144 = arith.constant 0 : i32
      %dma_wait3A_145 = tpu.memref_slice %arg11[%add3A_120, %dma_wait3A_144] : memref<10240x64xf32, #tpu.memory_space<vmem_shared>> -> memref<128x64xf32, #tpu.memory_space<vmem_shared>>
      %dma_wait3A_146 = arith.constant 0 : i32
      %dma_wait3A_147 = tpu.memref_slice %arg11[%add3A_120, %dma_wait3A_146] : memref<10240x64xf32, #tpu.memory_space<vmem_shared>> -> memref<128x64xf32, #tpu.memory_space<vmem_shared>>
      tpu.wait_dma2 semaphore(%run_scoped3A_139 : memref<!tpu.dma_semaphore, #tpu.memory_space<semaphore_mem>>) src(%dma_wait3A_147 : memref<128x64xf32, #tpu.memory_space<vmem_shared>>) dst(%arg10 : memref<128x64xf32, #tpu.memory_space<vmem>>)
      tpu.yield
    }) : () -> ()
    %add3A_121 = arith.constant 0 : i32
    %add3A_122 = arith.addi %mul3A_2, %add3A_121 : i32
    "tpu.region"() ({
      %run_scoped3A_139 = tpu.sem_alloc : memref<!tpu.dma_semaphore, #tpu.memory_space<semaphore_mem>>
      %dma_start3A_140 = arith.constant 0 : i32
      %dma_start3A_141 = tpu.memref_slice %arg6[%arg0, %add3A_122, %dma_start3A_140] : memref<2x10240x64xf32, #tpu.memory_space<hbm>> -> memref<1x128x64xf32, #tpu.memory_space<hbm>>
      %dma_start3A_142 = tpu.memref_squeeze %dma_start3A_141 : memref<1x128x64xf32, #tpu.memory_space<hbm>> -> memref<128x64xf32, #tpu.memory_space<hbm>>
      %dma_start3A_143 = arith.constant 0 : i32
      %dma_start3A_144 = tpu.memref_slice %arg6[%arg0, %add3A_122, %dma_start3A_143] : memref<2x10240x64xf32, #tpu.memory_space<hbm>> -> memref<1x128x64xf32, #tpu.memory_space<hbm>>
      %dma_start3A_145 = tpu.memref_squeeze %dma_start3A_144 : memref<1x128x64xf32, #tpu.memory_space<hbm>> -> memref<128x64xf32, #tpu.memory_space<hbm>>
      tpu.enqueue_dma source(%arg10 : memref<128x64xf32, #tpu.memory_space<vmem>>) target(%dma_start3A_145 : memref<128x64xf32, #tpu.memory_space<hbm>>) target_semaphore(%run_scoped3A_139 : memref<!tpu.dma_semaphore, #tpu.memory_space<semaphore_mem>>)
      %dma_wait3A_146 = arith.constant 0 : i32
      %dma_wait3A_147 = tpu.memref_slice %arg6[%arg0, %add3A_122, %dma_wait3A_146] : memref<2x10240x64xf32, #tpu.memory_space<hbm>> -> memref<1x128x64xf32, #tpu.memory_space<hbm>>
      %dma_wait3A_148 = tpu.memref_squeeze %dma_wait3A_147 : memref<1x128x64xf32, #tpu.memory_space<hbm>> -> memref<128x64xf32, #tpu.memory_space<hbm>>
      %dma_wait3A_149 = arith.constant 0 : i32
      %dma_wait3A_150 = tpu.memref_slice %arg6[%arg0, %add3A_122, %dma_wait3A_149] : memref<2x10240x64xf32, #tpu.memory_space<hbm>> -> memref<1x128x64xf32, #tpu.memory_space<hbm>>
      %dma_wait3A_151 = tpu.memref_squeeze %dma_wait3A_150 : memref<1x128x64xf32, #tpu.memory_space<hbm>> -> memref<128x64xf32, #tpu.memory_space<hbm>>
      tpu.wait_dma2 semaphore(%run_scoped3A_139 : memref<!tpu.dma_semaphore, #tpu.memory_space<semaphore_mem>>) src(%arg10 : memref<128x64xf32, #tpu.memory_space<vmem>>) dst(%dma_wait3A_151 : memref<128x64xf32, #tpu.memory_space<hbm>>)
      tpu.yield
    }) : () -> ()
    %add3A_123 = arith.constant 128 : i32
    %add3A_124 = arith.addi %mul3A_2, %add3A_123 : i32
    "tpu.region"() ({
      %run_scoped3A_139 = tpu.sem_alloc : memref<!tpu.dma_semaphore, #tpu.memory_space<semaphore_mem>>
      %dma_start3A_140 = arith.constant 0 : i32
      %dma_start3A_141 = tpu.memref_slice %arg11[%add3A_124, %dma_start3A_140] : memref<10240x64xf32, #tpu.memory_space<vmem_shared>> -> memref<128x64xf32, #tpu.memory_space<vmem_shared>>
      %dma_start3A_142 = arith.constant 0 : i32
      %dma_start3A_143 = tpu.memref_slice %arg11[%add3A_124, %dma_start3A_142] : memref<10240x64xf32, #tpu.memory_space<vmem_shared>> -> memref<128x64xf32, #tpu.memory_space<vmem_shared>>
      tpu.enqueue_dma source(%dma_start3A_143 : memref<128x64xf32, #tpu.memory_space<vmem_shared>>) target(%arg10 : memref<128x64xf32, #tpu.memory_space<vmem>>) target_semaphore(%run_scoped3A_139 : memref<!tpu.dma_semaphore, #tpu.memory_space<semaphore_mem>>)
      %dma_wait3A_144 = arith.constant 0 : i32
      %dma_wait3A_145 = tpu.memref_slice %arg11[%add3A_124, %dma_wait3A_144] : memref<10240x64xf32, #tpu.memory_space<vmem_shared>> -> memref<128x64xf32, #tpu.memory_space<vmem_shared>>
      %dma_wait3A_146 = arith.constant 0 : i32
      %dma_wait3A_147 = tpu.memref_slice %arg11[%add3A_124, %dma_wait3A_146] : memref<10240x64xf32, #tpu.memory_space<vmem_shared>> -> memref<128x64xf32, #tpu.memory_space<vmem_shared>>
      tpu.wait_dma2 semaphore(%run_scoped3A_139 : memref<!tpu.dma_semaphore, #tpu.memory_space<semaphore_mem>>) src(%dma_wait3A_147 : memref<128x64xf32, #tpu.memory_space<vmem_shared>>) dst(%arg10 : memref<128x64xf32, #tpu.memory_space<vmem>>)
      tpu.yield
    }) : () -> ()
    %add3A_125 = arith.constant 128 : i32
    %add3A_126 = arith.addi %mul3A_2, %add3A_125 : i32
    "tpu.region"() ({
      %run_scoped3A_139 = tpu.sem_alloc : memref<!tpu.dma_semaphore, #tpu.memory_space<semaphore_mem>>
      %dma_start3A_140 = arith.constant 0 : i32
      %dma_start3A_141 = tpu.memref_slice %arg6[%arg0, %add3A_126, %dma_start3A_140] : memref<2x10240x64xf32, #tpu.memory_space<hbm>> -> memref<1x128x64xf32, #tpu.memory_space<hbm>>
      %dma_start3A_142 = tpu.memref_squeeze %dma_start3A_141 : memref<1x128x64xf32, #tpu.memory_space<hbm>> -> memref<128x64xf32, #tpu.memory_space<hbm>>
      %dma_start3A_143 = arith.constant 0 : i32
      %dma_start3A_144 = tpu.memref_slice %arg6[%arg0, %add3A_126, %dma_start3A_143] : memref<2x10240x64xf32, #tpu.memory_space<hbm>> -> memref<1x128x64xf32, #tpu.memory_space<hbm>>
      %dma_start3A_145 = tpu.memref_squeeze %dma_start3A_144 : memref<1x128x64xf32, #tpu.memory_space<hbm>> -> memref<128x64xf32, #tpu.memory_space<hbm>>
      tpu.enqueue_dma source(%arg10 : memref<128x64xf32, #tpu.memory_space<vmem>>) target(%dma_start3A_145 : memref<128x64xf32, #tpu.memory_space<hbm>>) target_semaphore(%run_scoped3A_139 : memref<!tpu.dma_semaphore, #tpu.memory_space<semaphore_mem>>)
      %dma_wait3A_146 = arith.constant 0 : i32
      %dma_wait3A_147 = tpu.memref_slice %arg6[%arg0, %add3A_126, %dma_wait3A_146] : memref<2x10240x64xf32, #tpu.memory_space<hbm>> -> memref<1x128x64xf32, #tpu.memory_space<hbm>>
      %dma_wait3A_148 = tpu.memref_squeeze %dma_wait3A_147 : memref<1x128x64xf32, #tpu.memory_space<hbm>> -> memref<128x64xf32, #tpu.memory_space<hbm>>
      %dma_wait3A_149 = arith.constant 0 : i32
      %dma_wait3A_150 = tpu.memref_slice %arg6[%arg0, %add3A_126, %dma_wait3A_149] : memref<2x10240x64xf32, #tpu.memory_space<hbm>> -> memref<1x128x64xf32, #tpu.memory_space<hbm>>
      %dma_wait3A_151 = tpu.memref_squeeze %dma_wait3A_150 : memref<1x128x64xf32, #tpu.memory_space<hbm>> -> memref<128x64xf32, #tpu.memory_space<hbm>>
      tpu.wait_dma2 semaphore(%run_scoped3A_139 : memref<!tpu.dma_semaphore, #tpu.memory_space<semaphore_mem>>) src(%arg10 : memref<128x64xf32, #tpu.memory_space<vmem>>) dst(%dma_wait3A_151 : memref<128x64xf32, #tpu.memory_space<hbm>>)
      tpu.yield
    }) : () -> ()
    %add3A_127 = arith.constant 256 : i32
    %add3A_128 = arith.addi %mul3A_2, %add3A_127 : i32
    "tpu.region"() ({
      %run_scoped3A_139 = tpu.sem_alloc : memref<!tpu.dma_semaphore, #tpu.memory_space<semaphore_mem>>
      %dma_start3A_140 = arith.constant 0 : i32
      %dma_start3A_141 = tpu.memref_slice %arg11[%add3A_128, %dma_start3A_140] : memref<10240x64xf32, #tpu.memory_space<vmem_shared>> -> memref<128x64xf32, #tpu.memory_space<vmem_shared>>
      %dma_start3A_142 = arith.constant 0 : i32
      %dma_start3A_143 = tpu.memref_slice %arg11[%add3A_128, %dma_start3A_142] : memref<10240x64xf32, #tpu.memory_space<vmem_shared>> -> memref<128x64xf32, #tpu.memory_space<vmem_shared>>
      tpu.enqueue_dma source(%dma_start3A_143 : memref<128x64xf32, #tpu.memory_space<vmem_shared>>) target(%arg10 : memref<128x64xf32, #tpu.memory_space<vmem>>) target_semaphore(%run_scoped3A_139 : memref<!tpu.dma_semaphore, #tpu.memory_space<semaphore_mem>>)
      %dma_wait3A_144 = arith.constant 0 : i32
      %dma_wait3A_145 = tpu.memref_slice %arg11[%add3A_128, %dma_wait3A_144] : memref<10240x64xf32, #tpu.memory_space<vmem_shared>> -> memref<128x64xf32, #tpu.memory_space<vmem_shared>>
      %dma_wait3A_146 = arith.constant 0 : i32
      %dma_wait3A_147 = tpu.memref_slice %arg11[%add3A_128, %dma_wait3A_146] : memref<10240x64xf32, #tpu.memory_space<vmem_shared>> -> memref<128x64xf32, #tpu.memory_space<vmem_shared>>
      tpu.wait_dma2 semaphore(%run_scoped3A_139 : memref<!tpu.dma_semaphore, #tpu.memory_space<semaphore_mem>>) src(%dma_wait3A_147 : memref<128x64xf32, #tpu.memory_space<vmem_shared>>) dst(%arg10 : memref<128x64xf32, #tpu.memory_space<vmem>>)
      tpu.yield
    }) : () -> ()
    %add3A_129 = arith.constant 256 : i32
    %add3A_130 = arith.addi %mul3A_2, %add3A_129 : i32
    "tpu.region"() ({
      %run_scoped3A_139 = tpu.sem_alloc : memref<!tpu.dma_semaphore, #tpu.memory_space<semaphore_mem>>
      %dma_start3A_140 = arith.constant 0 : i32
      %dma_start3A_141 = tpu.memref_slice %arg6[%arg0, %add3A_130, %dma_start3A_140] : memref<2x10240x64xf32, #tpu.memory_space<hbm>> -> memref<1x128x64xf32, #tpu.memory_space<hbm>>
      %dma_start3A_142 = tpu.memref_squeeze %dma_start3A_141 : memref<1x128x64xf32, #tpu.memory_space<hbm>> -> memref<128x64xf32, #tpu.memory_space<hbm>>
      %dma_start3A_143 = arith.constant 0 : i32
      %dma_start3A_144 = tpu.memref_slice %arg6[%arg0, %add3A_130, %dma_start3A_143] : memref<2x10240x64xf32, #tpu.memory_space<hbm>> -> memref<1x128x64xf32, #tpu.memory_space<hbm>>
      %dma_start3A_145 = tpu.memref_squeeze %dma_start3A_144 : memref<1x128x64xf32, #tpu.memory_space<hbm>> -> memref<128x64xf32, #tpu.memory_space<hbm>>
      tpu.enqueue_dma source(%arg10 : memref<128x64xf32, #tpu.memory_space<vmem>>) target(%dma_start3A_145 : memref<128x64xf32, #tpu.memory_space<hbm>>) target_semaphore(%run_scoped3A_139 : memref<!tpu.dma_semaphore, #tpu.memory_space<semaphore_mem>>)
      %dma_wait3A_146 = arith.constant 0 : i32
      %dma_wait3A_147 = tpu.memref_slice %arg6[%arg0, %add3A_130, %dma_wait3A_146] : memref<2x10240x64xf32, #tpu.memory_space<hbm>> -> memref<1x128x64xf32, #tpu.memory_space<hbm>>
      %dma_wait3A_148 = tpu.memref_squeeze %dma_wait3A_147 : memref<1x128x64xf32, #tpu.memory_space<hbm>> -> memref<128x64xf32, #tpu.memory_space<hbm>>
      %dma_wait3A_149 = arith.constant 0 : i32
      %dma_wait3A_150 = tpu.memref_slice %arg6[%arg0, %add3A_130, %dma_wait3A_149] : memref<2x10240x64xf32, #tpu.memory_space<hbm>> -> memref<1x128x64xf32, #tpu.memory_space<hbm>>
      %dma_wait3A_151 = tpu.memref_squeeze %dma_wait3A_150 : memref<1x128x64xf32, #tpu.memory_space<hbm>> -> memref<128x64xf32, #tpu.memory_space<hbm>>
      tpu.wait_dma2 semaphore(%run_scoped3A_139 : memref<!tpu.dma_semaphore, #tpu.memory_space<semaphore_mem>>) src(%arg10 : memref<128x64xf32, #tpu.memory_space<vmem>>) dst(%dma_wait3A_151 : memref<128x64xf32, #tpu.memory_space<hbm>>)
      tpu.yield
    }) : () -> ()
    %add3A_131 = arith.constant 384 : i32
    %add3A_132 = arith.addi %mul3A_2, %add3A_131 : i32
    "tpu.region"() ({
      %run_scoped3A_139 = tpu.sem_alloc : memref<!tpu.dma_semaphore, #tpu.memory_space<semaphore_mem>>
      %dma_start3A_140 = arith.constant 0 : i32
      %dma_start3A_141 = tpu.memref_slice %arg11[%add3A_132, %dma_start3A_140] : memref<10240x64xf32, #tpu.memory_space<vmem_shared>> -> memref<128x64xf32, #tpu.memory_space<vmem_shared>>
      %dma_start3A_142 = arith.constant 0 : i32
      %dma_start3A_143 = tpu.memref_slice %arg11[%add3A_132, %dma_start3A_142] : memref<10240x64xf32, #tpu.memory_space<vmem_shared>> -> memref<128x64xf32, #tpu.memory_space<vmem_shared>>
      tpu.enqueue_dma source(%dma_start3A_143 : memref<128x64xf32, #tpu.memory_space<vmem_shared>>) target(%arg10 : memref<128x64xf32, #tpu.memory_space<vmem>>) target_semaphore(%run_scoped3A_139 : memref<!tpu.dma_semaphore, #tpu.memory_space<semaphore_mem>>)
      %dma_wait3A_144 = arith.constant 0 : i32
      %dma_wait3A_145 = tpu.memref_slice %arg11[%add3A_132, %dma_wait3A_144] : memref<10240x64xf32, #tpu.memory_space<vmem_shared>> -> memref<128x64xf32, #tpu.memory_space<vmem_shared>>
      %dma_wait3A_146 = arith.constant 0 : i32
      %dma_wait3A_147 = tpu.memref_slice %arg11[%add3A_132, %dma_wait3A_146] : memref<10240x64xf32, #tpu.memory_space<vmem_shared>> -> memref<128x64xf32, #tpu.memory_space<vmem_shared>>
      tpu.wait_dma2 semaphore(%run_scoped3A_139 : memref<!tpu.dma_semaphore, #tpu.memory_space<semaphore_mem>>) src(%dma_wait3A_147 : memref<128x64xf32, #tpu.memory_space<vmem_shared>>) dst(%arg10 : memref<128x64xf32, #tpu.memory_space<vmem>>)
      tpu.yield
    }) : () -> ()
    %add3A_133 = arith.constant 384 : i32
    %add3A_134 = arith.addi %mul3A_2, %add3A_133 : i32
    "tpu.region"() ({
      %run_scoped3A_139 = tpu.sem_alloc : memref<!tpu.dma_semaphore, #tpu.memory_space<semaphore_mem>>
      %dma_start3A_140 = arith.constant 0 : i32
      %dma_start3A_141 = tpu.memref_slice %arg6[%arg0, %add3A_134, %dma_start3A_140] : memref<2x10240x64xf32, #tpu.memory_space<hbm>> -> memref<1x128x64xf32, #tpu.memory_space<hbm>>
      %dma_start3A_142 = tpu.memref_squeeze %dma_start3A_141 : memref<1x128x64xf32, #tpu.memory_space<hbm>> -> memref<128x64xf32, #tpu.memory_space<hbm>>
      %dma_start3A_143 = arith.constant 0 : i32
      %dma_start3A_144 = tpu.memref_slice %arg6[%arg0, %add3A_134, %dma_start3A_143] : memref<2x10240x64xf32, #tpu.memory_space<hbm>> -> memref<1x128x64xf32, #tpu.memory_space<hbm>>
      %dma_start3A_145 = tpu.memref_squeeze %dma_start3A_144 : memref<1x128x64xf32, #tpu.memory_space<hbm>> -> memref<128x64xf32, #tpu.memory_space<hbm>>
      tpu.enqueue_dma source(%arg10 : memref<128x64xf32, #tpu.memory_space<vmem>>) target(%dma_start3A_145 : memref<128x64xf32, #tpu.memory_space<hbm>>) target_semaphore(%run_scoped3A_139 : memref<!tpu.dma_semaphore, #tpu.memory_space<semaphore_mem>>)
      %dma_wait3A_146 = arith.constant 0 : i32
      %dma_wait3A_147 = tpu.memref_slice %arg6[%arg0, %add3A_134, %dma_wait3A_146] : memref<2x10240x64xf32, #tpu.memory_space<hbm>> -> memref<1x128x64xf32, #tpu.memory_space<hbm>>
      %dma_wait3A_148 = tpu.memref_squeeze %dma_wait3A_147 : memref<1x128x64xf32, #tpu.memory_space<hbm>> -> memref<128x64xf32, #tpu.memory_space<hbm>>
      %dma_wait3A_149 = arith.constant 0 : i32
      %dma_wait3A_150 = tpu.memref_slice %arg6[%arg0, %add3A_134, %dma_wait3A_149] : memref<2x10240x64xf32, #tpu.memory_space<hbm>> -> memref<1x128x64xf32, #tpu.memory_space<hbm>>
      %dma_wait3A_151 = tpu.memref_squeeze %dma_wait3A_150 : memref<1x128x64xf32, #tpu.memory_space<hbm>> -> memref<128x64xf32, #tpu.memory_space<hbm>>
      tpu.wait_dma2 semaphore(%run_scoped3A_139 : memref<!tpu.dma_semaphore, #tpu.memory_space<semaphore_mem>>) src(%arg10 : memref<128x64xf32, #tpu.memory_space<vmem>>) dst(%dma_wait3A_151 : memref<128x64xf32, #tpu.memory_space<hbm>>)
      tpu.yield
    }) : () -> ()
    %add3A_135 = arith.constant 512 : i32
    %add3A_136 = arith.addi %mul3A_2, %add3A_135 : i32
    "tpu.region"() ({
      %run_scoped3A_139 = tpu.sem_alloc : memref<!tpu.dma_semaphore, #tpu.memory_space<semaphore_mem>>
      %dma_start3A_140 = arith.constant 0 : i32
      %dma_start3A_141 = tpu.memref_slice %arg11[%add3A_136, %dma_start3A_140] : memref<10240x64xf32, #tpu.memory_space<vmem_shared>> -> memref<128x64xf32, #tpu.memory_space<vmem_shared>>
      %dma_start3A_142 = arith.constant 0 : i32
      %dma_start3A_143 = tpu.memref_slice %arg11[%add3A_136, %dma_start3A_142] : memref<10240x64xf32, #tpu.memory_space<vmem_shared>> -> memref<128x64xf32, #tpu.memory_space<vmem_shared>>
      tpu.enqueue_dma source(%dma_start3A_143 : memref<128x64xf32, #tpu.memory_space<vmem_shared>>) target(%arg10 : memref<128x64xf32, #tpu.memory_space<vmem>>) target_semaphore(%run_scoped3A_139 : memref<!tpu.dma_semaphore, #tpu.memory_space<semaphore_mem>>)
      %dma_wait3A_144 = arith.constant 0 : i32
      %dma_wait3A_145 = tpu.memref_slice %arg11[%add3A_136, %dma_wait3A_144] : memref<10240x64xf32, #tpu.memory_space<vmem_shared>> -> memref<128x64xf32, #tpu.memory_space<vmem_shared>>
      %dma_wait3A_146 = arith.constant 0 : i32
      %dma_wait3A_147 = tpu.memref_slice %arg11[%add3A_136, %dma_wait3A_146] : memref<10240x64xf32, #tpu.memory_space<vmem_shared>> -> memref<128x64xf32, #tpu.memory_space<vmem_shared>>
      tpu.wait_dma2 semaphore(%run_scoped3A_139 : memref<!tpu.dma_semaphore, #tpu.memory_space<semaphore_mem>>) src(%dma_wait3A_147 : memref<128x64xf32, #tpu.memory_space<vmem_shared>>) dst(%arg10 : memref<128x64xf32, #tpu.memory_space<vmem>>)
      tpu.yield
    }) : () -> ()
    %add3A_137 = arith.constant 512 : i32
    %add3A_138 = arith.addi %mul3A_2, %add3A_137 : i32
    "tpu.region"() ({
      %run_scoped3A_139 = tpu.sem_alloc : memref<!tpu.dma_semaphore, #tpu.memory_space<semaphore_mem>>
      %dma_start3A_140 = arith.constant 0 : i32
      %dma_start3A_141 = tpu.memref_slice %arg6[%arg0, %add3A_138, %dma_start3A_140] : memref<2x10240x64xf32, #tpu.memory_space<hbm>> -> memref<1x128x64xf32, #tpu.memory_space<hbm>>
      %dma_start3A_142 = tpu.memref_squeeze %dma_start3A_141 : memref<1x128x64xf32, #tpu.memory_space<hbm>> -> memref<128x64xf32, #tpu.memory_space<hbm>>
      %dma_start3A_143 = arith.constant 0 : i32
      %dma_start3A_144 = tpu.memref_slice %arg6[%arg0, %add3A_138, %dma_start3A_143] : memref<2x10240x64xf32, #tpu.memory_space<hbm>> -> memref<1x128x64xf32, #tpu.memory_space<hbm>>
      %dma_start3A_145 = tpu.memref_squeeze %dma_start3A_144 : memref<1x128x64xf32, #tpu.memory_space<hbm>> -> memref<128x64xf32, #tpu.memory_space<hbm>>
      tpu.enqueue_dma source(%arg10 : memref<128x64xf32, #tpu.memory_space<vmem>>) target(%dma_start3A_145 : memref<128x64xf32, #tpu.memory_space<hbm>>) target_semaphore(%run_scoped3A_139 : memref<!tpu.dma_semaphore, #tpu.memory_space<semaphore_mem>>)
      %dma_wait3A_146 = arith.constant 0 : i32
      %dma_wait3A_147 = tpu.memref_slice %arg6[%arg0, %add3A_138, %dma_wait3A_146] : memref<2x10240x64xf32, #tpu.memory_space<hbm>> -> memref<1x128x64xf32, #tpu.memory_space<hbm>>
      %dma_wait3A_148 = tpu.memref_squeeze %dma_wait3A_147 : memref<1x128x64xf32, #tpu.memory_space<hbm>> -> memref<128x64xf32, #tpu.memory_space<hbm>>
      %dma_wait3A_149 = arith.constant 0 : i32
      %dma_wait3A_150 = tpu.memref_slice %arg6[%arg0, %add3A_138, %dma_wait3A_149] : memref<2x10240x64xf32, #tpu.memory_space<hbm>> -> memref<1x128x64xf32, #tpu.memory_space<hbm>>
      %dma_wait3A_151 = tpu.memref_squeeze %dma_wait3A_150 : memref<1x128x64xf32, #tpu.memory_space<hbm>> -> memref<128x64xf32, #tpu.memory_space<hbm>>
      tpu.wait_dma2 semaphore(%run_scoped3A_139 : memref<!tpu.dma_semaphore, #tpu.memory_space<semaphore_mem>>) src(%arg10 : memref<128x64xf32, #tpu.memory_space<vmem>>) dst(%dma_wait3A_151 : memref<128x64xf32, #tpu.memory_space<hbm>>)
      tpu.yield
    }) : () -> ()
    return
  }
}

#map = affine_map<(d0, d1) -> (0, 0)>
#map1 = affine_map<(d0, d1) -> (0, 0, 0)>
module attributes {stable_mosaic.version = 14 : i64} {
  func.func @body(%arg0: i32, %arg1: i32, %arg2: memref<10240x64xf32, #tpu.memory_space<hbm>>, %arg3: memref<32x40x128xi32, #tpu.memory_space<hbm>>, %arg4: memref<32x40x128xi32, #tpu.memory_space<hbm>>, %arg5: memref<128x64xf32, #tpu.memory_space<hbm>>, %arg6: memref<2x10240x64xf32, #tpu.memory_space<hbm>>, %arg7: memref<40x128xi32, #tpu.memory_space<vmem>>, %arg8: memref<40x128xi32, #tpu.memory_space<vmem>>, %arg9: memref<4x128x64xf32, #tpu.memory_space<vmem>>, %arg10: memref<128x64xf32, #tpu.memory_space<vmem>>, %arg11: memref<10240x64xf32, #tpu.memory_space<vmem_shared>>, %arg12: memref<!tpu.dma_semaphore, #tpu.memory_space<semaphore_mem>>, %arg13: memref<!tpu.dma_semaphore, #tpu.memory_space<semaphore_mem>>, %arg14: memref<!tpu.dma_semaphore, #tpu.memory_space<semaphore_mem>>, %arg15: memref<!tpu.dma_semaphore, #tpu.memory_space<semaphore_mem>>) attributes {dimension_semantics = [#tpu.dimension_semantics<core_parallel>, #tpu.dimension_semantics<subcore_parallel>], iteration_bounds = array<i64: 2, 16>, scalar_prefetch = 0 : i64, scratch_operands = 9 : i64, tpu.core_type = #tpu.core_type<sc_vector_subcore>, window_params = [{transform_indices = #map}, {transform_indices = #map1}, {transform_indices = #map1}, {transform_indices = #map}, {transform_indices = #map1}]} {
    %mul3A = arith.constant 16 : i32
    %mul3A_0 = arith.muli %arg0, %mul3A : i32
    %add3A = arith.addi %mul3A_0, %arg1 : i32
    "tpu.region"() ({
      %run_scoped3A_139 = tpu.sem_alloc : memref<!tpu.dma_semaphore, #tpu.memory_space<semaphore_mem>>
      %dma_start3A_140 = arith.constant 0 : i32
      %dma_start3A_141 = arith.constant 0 : i32
      %dma_start3A_142 = tpu.memref_slice %arg3[%add3A, %dma_start3A_140, %dma_start3A_141] : memref<32x40x128xi32, #tpu.memory_space<hbm>> -> memref<1x40x128xi32, #tpu.memory_space<hbm>>
      %dma_start3A_143 = tpu.memref_squeeze %dma_start3A_142 : memref<1x40x128xi32, #tpu.memory_space<hbm>> -> memref<40x128xi32, #tpu.memory_space<hbm>>
      %dma_start3A_144 = arith.constant 0 : i32
      %dma_start3A_145 = arith.constant 0 : i32
      %dma_start3A_146 = tpu.memref_slice %arg3[%add3A, %dma_start3A_144, %dma_start3A_145] : memref<32x40x128xi32, #tpu.memory_space<hbm>> -> memref<1x40x128xi32, #tpu.memory_space<hbm>>
      %dma_start3A_147 = tpu.memref_squeeze %dma_start3A_146 : memref<1x40x128xi32, #tpu.memory_space<hbm>> -> memref<40x128xi32, #tpu.memory_space<hbm>>
      tpu.enqueue_dma source(%dma_start3A_147 : memref<40x128xi32, #tpu.memory_space<hbm>>) target(%arg7 : memref<40x128xi32, #tpu.memory_space<vmem>>) target_semaphore(%run_scoped3A_139 : memref<!tpu.dma_semaphore, #tpu.memory_space<semaphore_mem>>)
      %dma_wait3A_148 = arith.constant 0 : i32
      %dma_wait3A_149 = arith.constant 0 : i32
      %dma_wait3A_150 = tpu.memref_slice %arg3[%add3A, %dma_wait3A_148, %dma_wait3A_149] : memref<32x40x128xi32, #tpu.memory_space<hbm>> -> memref<1x40x128xi32, #tpu.memory_space<hbm>>
      %dma_wait3A_151 = tpu.memref_squeeze %dma_wait3A_150 : memref<1x40x128xi32, #tpu.memory_space<hbm>> -> memref<40x128xi32, #tpu.memory_space<hbm>>
      %dma_wait3A_152 = arith.constant 0 : i32
      %dma_wait3A_153 = arith.constant 0 : i32
      %dma_wait3A_154 = tpu.memref_slice %arg3[%add3A, %dma_wait3A_152, %dma_wait3A_153] : memref<32x40x128xi32, #tpu.memory_space<hbm>> -> memref<1x40x128xi32, #tpu.memory_space<hbm>>
      %dma_wait3A_155 = tpu.memref_squeeze %dma_wait3A_154 : memref<1x40x128xi32, #tpu.memory_space<hbm>> -> memref<40x128xi32, #tpu.memory_space<hbm>>
      tpu.wait_dma2 semaphore(%run_scoped3A_139 : memref<!tpu.dma_semaphore, #tpu.memory_space<semaphore_mem>>) src(%dma_wait3A_155 : memref<40x128xi32, #tpu.memory_space<hbm>>) dst(%arg7 : memref<40x128xi32, #tpu.memory_space<vmem>>)
      tpu.yield
    }) : () -> ()
    "tpu.region"() ({
      %run_scoped3A_139 = tpu.sem_alloc : memref<!tpu.dma_semaphore, #tpu.memory_space<semaphore_mem>>
      %dma_start3A_140 = arith.constant 0 : i32
      %dma_start3A_141 = arith.constant 0 : i32
      %dma_start3A_142 = tpu.memref_slice %arg4[%add3A, %dma_start3A_140, %dma_start3A_141] : memref<32x40x128xi32, #tpu.memory_space<hbm>> -> memref<1x40x128xi32, #tpu.memory_space<hbm>>
      %dma_start3A_143 = tpu.memref_squeeze %dma_start3A_142 : memref<1x40x128xi32, #tpu.memory_space<hbm>> -> memref<40x128xi32, #tpu.memory_space<hbm>>
      %dma_start3A_144 = arith.constant 0 : i32
      %dma_start3A_145 = arith.constant 0 : i32
      %dma_start3A_146 = tpu.memref_slice %arg4[%add3A, %dma_start3A_144, %dma_start3A_145] : memref<32x40x128xi32, #tpu.memory_space<hbm>> -> memref<1x40x128xi32, #tpu.memory_space<hbm>>
      %dma_start3A_147 = tpu.memref_squeeze %dma_start3A_146 : memref<1x40x128xi32, #tpu.memory_space<hbm>> -> memref<40x128xi32, #tpu.memory_space<hbm>>
      tpu.enqueue_dma source(%dma_start3A_147 : memref<40x128xi32, #tpu.memory_space<hbm>>) target(%arg8 : memref<40x128xi32, #tpu.memory_space<vmem>>) target_semaphore(%run_scoped3A_139 : memref<!tpu.dma_semaphore, #tpu.memory_space<semaphore_mem>>)
      %dma_wait3A_148 = arith.constant 0 : i32
      %dma_wait3A_149 = arith.constant 0 : i32
      %dma_wait3A_150 = tpu.memref_slice %arg4[%add3A, %dma_wait3A_148, %dma_wait3A_149] : memref<32x40x128xi32, #tpu.memory_space<hbm>> -> memref<1x40x128xi32, #tpu.memory_space<hbm>>
      %dma_wait3A_151 = tpu.memref_squeeze %dma_wait3A_150 : memref<1x40x128xi32, #tpu.memory_space<hbm>> -> memref<40x128xi32, #tpu.memory_space<hbm>>
      %dma_wait3A_152 = arith.constant 0 : i32
      %dma_wait3A_153 = arith.constant 0 : i32
      %dma_wait3A_154 = tpu.memref_slice %arg4[%add3A, %dma_wait3A_152, %dma_wait3A_153] : memref<32x40x128xi32, #tpu.memory_space<hbm>> -> memref<1x40x128xi32, #tpu.memory_space<hbm>>
      %dma_wait3A_155 = tpu.memref_squeeze %dma_wait3A_154 : memref<1x40x128xi32, #tpu.memory_space<hbm>> -> memref<40x128xi32, #tpu.memory_space<hbm>>
      tpu.wait_dma2 semaphore(%run_scoped3A_139 : memref<!tpu.dma_semaphore, #tpu.memory_space<semaphore_mem>>) src(%dma_wait3A_155 : memref<40x128xi32, #tpu.memory_space<hbm>>) dst(%arg8 : memref<40x128xi32, #tpu.memory_space<vmem>>)
      tpu.yield
    }) : () -> ()
    "tpu.region"() ({
      %run_scoped3A_139 = tpu.sem_alloc : memref<!tpu.dma_semaphore, #tpu.memory_space<semaphore_mem>>
      tpu.enqueue_dma source(%arg5 : memref<128x64xf32, #tpu.memory_space<hbm>>) target(%arg10 : memref<128x64xf32, #tpu.memory_space<vmem>>) target_semaphore(%run_scoped3A_139 : memref<!tpu.dma_semaphore, #tpu.memory_space<semaphore_mem>>)
      tpu.wait_dma2 semaphore(%run_scoped3A_139 : memref<!tpu.dma_semaphore, #tpu.memory_space<semaphore_mem>>) src(%arg5 : memref<128x64xf32, #tpu.memory_space<hbm>>) dst(%arg10 : memref<128x64xf32, #tpu.memory_space<vmem>>)
      tpu.yield
    }) : () -> ()
    %mul3A_1 = arith.constant 640 : i32
    %mul3A_2 = arith.muli %arg1, %mul3A_1 : i32
    %add3A_3 = arith.constant 0 : i32
    %add3A_4 = arith.addi %mul3A_2, %add3A_3 : i32
    "tpu.region"() ({
      %run_scoped3A_139 = tpu.sem_alloc : memref<!tpu.dma_semaphore, #tpu.memory_space<semaphore_mem>>
      %dma_start3A_140 = arith.constant 0 : i32
      %dma_start3A_141 = tpu.memref_slice %arg11[%add3A_4, %dma_start3A_140] : memref<10240x64xf32, #tpu.memory_space<vmem_shared>> -> memref<128x64xf32, #tpu.memory_space<vmem_shared>>
      %dma_start3A_142 = arith.constant 0 : i32
      %dma_start3A_143 = tpu.memref_slice %arg11[%add3A_4, %dma_start3A_142] : memref<10240x64xf32, #tpu.memory_space<vmem_shared>> -> memref<128x64xf32, #tpu.memory_space<vmem_shared>>
      tpu.enqueue_dma source(%arg10 : memref<128x64xf32, #tpu.memory_space<vmem>>) target(%dma_start3A_143 : memref<128x64xf32, #tpu.memory_space<vmem_shared>>) target_semaphore(%run_scoped3A_139 : memref<!tpu.dma_semaphore, #tpu.memory_space<semaphore_mem>>)
      %dma_wait3A_144 = arith.constant 0 : i32
      %dma_wait3A_145 = tpu.memref_slice %arg11[%add3A_4, %dma_wait3A_144] : memref<10240x64xf32, #tpu.memory_space<vmem_shared>> -> memref<128x64xf32, #tpu.memory_space<vmem_shared>>
      %dma_wait3A_146 = arith.constant 0 : i32
      %dma_wait3A_147 = tpu.memref_slice %arg11[%add3A_4, %dma_wait3A_146] : memref<10240x64xf32, #tpu.memory_space<vmem_shared>> -> memref<128x64xf32, #tpu.memory_space<vmem_shared>>
      tpu.wait_dma2 semaphore(%run_scoped3A_139 : memref<!tpu.dma_semaphore, #tpu.memory_space<semaphore_mem>>) src(%arg10 : memref<128x64xf32, #tpu.memory_space<vmem>>) dst(%dma_wait3A_147 : memref<128x64xf32, #tpu.memory_space<vmem_shared>>)
      tpu.yield
    }) : () -> ()
    %add3A_5 = arith.constant 128 : i32
    %add3A_6 = arith.addi %mul3A_2, %add3A_5 : i32
    "tpu.region"() ({
      %run_scoped3A_139 = tpu.sem_alloc : memref<!tpu.dma_semaphore, #tpu.memory_space<semaphore_mem>>
      %dma_start3A_140 = arith.constant 0 : i32
      %dma_start3A_141 = tpu.memref_slice %arg11[%add3A_6, %dma_start3A_140] : memref<10240x64xf32, #tpu.memory_space<vmem_shared>> -> memref<128x64xf32, #tpu.memory_space<vmem_shared>>
      %dma_start3A_142 = arith.constant 0 : i32
      %dma_start3A_143 = tpu.memref_slice %arg11[%add3A_6, %dma_start3A_142] : memref<10240x64xf32, #tpu.memory_space<vmem_shared>> -> memref<128x64xf32, #tpu.memory_space<vmem_shared>>
      tpu.enqueue_dma source(%arg10 : memref<128x64xf32, #tpu.memory_space<vmem>>) target(%dma_start3A_143 : memref<128x64xf32, #tpu.memory_space<vmem_shared>>) target_semaphore(%run_scoped3A_139 : memref<!tpu.dma_semaphore, #tpu.memory_space<semaphore_mem>>)
      %dma_wait3A_144 = arith.constant 0 : i32
      %dma_wait3A_145 = tpu.memref_slice %arg11[%add3A_6, %dma_wait3A_144] : memref<10240x64xf32, #tpu.memory_space<vmem_shared>> -> memref<128x64xf32, #tpu.memory_space<vmem_shared>>
      %dma_wait3A_146 = arith.constant 0 : i32
      %dma_wait3A_147 = tpu.memref_slice %arg11[%add3A_6, %dma_wait3A_146] : memref<10240x64xf32, #tpu.memory_space<vmem_shared>> -> memref<128x64xf32, #tpu.memory_space<vmem_shared>>
      tpu.wait_dma2 semaphore(%run_scoped3A_139 : memref<!tpu.dma_semaphore, #tpu.memory_space<semaphore_mem>>) src(%arg10 : memref<128x64xf32, #tpu.memory_space<vmem>>) dst(%dma_wait3A_147 : memref<128x64xf32, #tpu.memory_space<vmem_shared>>)
      tpu.yield
    }) : () -> ()
    %add3A_7 = arith.constant 256 : i32
    %add3A_8 = arith.addi %mul3A_2, %add3A_7 : i32
    "tpu.region"() ({
      %run_scoped3A_139 = tpu.sem_alloc : memref<!tpu.dma_semaphore, #tpu.memory_space<semaphore_mem>>
      %dma_start3A_140 = arith.constant 0 : i32
      %dma_start3A_141 = tpu.memref_slice %arg11[%add3A_8, %dma_start3A_140] : memref<10240x64xf32, #tpu.memory_space<vmem_shared>> -> memref<128x64xf32, #tpu.memory_space<vmem_shared>>
      %dma_start3A_142 = arith.constant 0 : i32
      %dma_start3A_143 = tpu.memref_slice %arg11[%add3A_8, %dma_start3A_142] : memref<10240x64xf32, #tpu.memory_space<vmem_shared>> -> memref<128x64xf32, #tpu.memory_space<vmem_shared>>
      tpu.enqueue_dma source(%arg10 : memref<128x64xf32, #tpu.memory_space<vmem>>) target(%dma_start3A_143 : memref<128x64xf32, #tpu.memory_space<vmem_shared>>) target_semaphore(%run_scoped3A_139 : memref<!tpu.dma_semaphore, #tpu.memory_space<semaphore_mem>>)
      %dma_wait3A_144 = arith.constant 0 : i32
      %dma_wait3A_145 = tpu.memref_slice %arg11[%add3A_8, %dma_wait3A_144] : memref<10240x64xf32, #tpu.memory_space<vmem_shared>> -> memref<128x64xf32, #tpu.memory_space<vmem_shared>>
      %dma_wait3A_146 = arith.constant 0 : i32
      %dma_wait3A_147 = tpu.memref_slice %arg11[%add3A_8, %dma_wait3A_146] : memref<10240x64xf32, #tpu.memory_space<vmem_shared>> -> memref<128x64xf32, #tpu.memory_space<vmem_shared>>
      tpu.wait_dma2 semaphore(%run_scoped3A_139 : memref<!tpu.dma_semaphore, #tpu.memory_space<semaphore_mem>>) src(%arg10 : memref<128x64xf32, #tpu.memory_space<vmem>>) dst(%dma_wait3A_147 : memref<128x64xf32, #tpu.memory_space<vmem_shared>>)
      tpu.yield
    }) : () -> ()
    %add3A_9 = arith.constant 384 : i32
    %add3A_10 = arith.addi %mul3A_2, %add3A_9 : i32
    "tpu.region"() ({
      %run_scoped3A_139 = tpu.sem_alloc : memref<!tpu.dma_semaphore, #tpu.memory_space<semaphore_mem>>
      %dma_start3A_140 = arith.constant 0 : i32
      %dma_start3A_141 = tpu.memref_slice %arg11[%add3A_10, %dma_start3A_140] : memref<10240x64xf32, #tpu.memory_space<vmem_shared>> -> memref<128x64xf32, #tpu.memory_space<vmem_shared>>
      %dma_start3A_142 = arith.constant 0 : i32
      %dma_start3A_143 = tpu.memref_slice %arg11[%add3A_10, %dma_start3A_142] : memref<10240x64xf32, #tpu.memory_space<vmem_shared>> -> memref<128x64xf32, #tpu.memory_space<vmem_shared>>
      tpu.enqueue_dma source(%arg10 : memref<128x64xf32, #tpu.memory_space<vmem>>) target(%dma_start3A_143 : memref<128x64xf32, #tpu.memory_space<vmem_shared>>) target_semaphore(%run_scoped3A_139 : memref<!tpu.dma_semaphore, #tpu.memory_space<semaphore_mem>>)
      %dma_wait3A_144 = arith.constant 0 : i32
      %dma_wait3A_145 = tpu.memref_slice %arg11[%add3A_10, %dma_wait3A_144] : memref<10240x64xf32, #tpu.memory_space<vmem_shared>> -> memref<128x64xf32, #tpu.memory_space<vmem_shared>>
      %dma_wait3A_146 = arith.constant 0 : i32
      %dma_wait3A_147 = tpu.memref_slice %arg11[%add3A_10, %dma_wait3A_146] : memref<10240x64xf32, #tpu.memory_space<vmem_shared>> -> memref<128x64xf32, #tpu.memory_space<vmem_shared>>
      tpu.wait_dma2 semaphore(%run_scoped3A_139 : memref<!tpu.dma_semaphore, #tpu.memory_space<semaphore_mem>>) src(%arg10 : memref<128x64xf32, #tpu.memory_space<vmem>>) dst(%dma_wait3A_147 : memref<128x64xf32, #tpu.memory_space<vmem_shared>>)
      tpu.yield
    }) : () -> ()
    %add3A_11 = arith.constant 512 : i32
    %add3A_12 = arith.addi %mul3A_2, %add3A_11 : i32
    "tpu.region"() ({
      %run_scoped3A_139 = tpu.sem_alloc : memref<!tpu.dma_semaphore, #tpu.memory_space<semaphore_mem>>
      %dma_start3A_140 = arith.constant 0 : i32
      %dma_start3A_141 = tpu.memref_slice %arg11[%add3A_12, %dma_start3A_140] : memref<10240x64xf32, #tpu.memory_space<vmem_shared>> -> memref<128x64xf32, #tpu.memory_space<vmem_shared>>
      %dma_start3A_142 = arith.constant 0 : i32
      %dma_start3A_143 = tpu.memref_slice %arg11[%add3A_12, %dma_start3A_142] : memref<10240x64xf32, #tpu.memory_space<vmem_shared>> -> memref<128x64xf32, #tpu.memory_space<vmem_shared>>
      tpu.enqueue_dma source(%arg10 : memref<128x64xf32, #tpu.memory_space<vmem>>) target(%dma_start3A_143 : memref<128x64xf32, #tpu.memory_space<vmem_shared>>) target_semaphore(%run_scoped3A_139 : memref<!tpu.dma_semaphore, #tpu.memory_space<semaphore_mem>>)
      %dma_wait3A_144 = arith.constant 0 : i32
      %dma_wait3A_145 = tpu.memref_slice %arg11[%add3A_12, %dma_wait3A_144] : memref<10240x64xf32, #tpu.memory_space<vmem_shared>> -> memref<128x64xf32, #tpu.memory_space<vmem_shared>>
      %dma_wait3A_146 = arith.constant 0 : i32
      %dma_wait3A_147 = tpu.memref_slice %arg11[%add3A_12, %dma_wait3A_146] : memref<10240x64xf32, #tpu.memory_space<vmem_shared>> -> memref<128x64xf32, #tpu.memory_space<vmem_shared>>
      tpu.wait_dma2 semaphore(%run_scoped3A_139 : memref<!tpu.dma_semaphore, #tpu.memory_space<semaphore_mem>>) src(%arg10 : memref<128x64xf32, #tpu.memory_space<vmem>>) dst(%dma_wait3A_147 : memref<128x64xf32, #tpu.memory_space<vmem_shared>>)
      tpu.yield
    }) : () -> ()
    %barrier3A = arith.constant 0 : index
    tpu.barrier barrier_id(%barrier3A)
    %dma_start3A = arith.constant 0 : i32
    %dma_start3A_13 = arith.constant 0 : i32
    %dma_start3A_14 = arith.constant 0 : i32
    %dma_start3A_15 = arith.constant 0 : i32
    %dma_start3A_16 = tpu.memref_slice %arg9[%dma_start3A_13, %dma_start3A_14, %dma_start3A_15] : memref<4x128x64xf32, #tpu.memory_space<vmem>> -> memref<1x128x64xf32, #tpu.memory_space<vmem>>
    %dma_start3A_17 = tpu.memref_squeeze %dma_start3A_16 : memref<1x128x64xf32, #tpu.memory_space<vmem>> -> memref<128x64xf32, #tpu.memory_space<vmem>>
    %dma_start3A_18 = arith.constant 0 : i32
    %dma_start3A_19 = tpu.memref_slice %arg7[%dma_start3A, %dma_start3A_18] : memref<40x128xi32, #tpu.memory_space<vmem>> -> memref<1x128xi32, #tpu.memory_space<vmem>>
    %dma_start3A_20 = tpu.memref_squeeze %dma_start3A_19 : memref<1x128xi32, #tpu.memory_space<vmem>> -> memref<128xi32, #tpu.memory_space<vmem>>
    %dma_start3A_21 = arith.constant 0 : i32
    %dma_start3A_22 = arith.constant 0 : i32
    %dma_start3A_23 = tpu.memref_slice %arg2[%dma_start3A_21, %dma_start3A_22] : memref<10240x64xf32, #tpu.memory_space<hbm>> -> memref<10240x64xf32, #tpu.memory_space<hbm>>
    tpu.enqueue_indirect_dma source(%dma_start3A_23 : memref<10240x64xf32, #tpu.memory_space<hbm>>) target(%dma_start3A_17 : memref<128x64xf32, #tpu.memory_space<vmem>>) offsets(%dma_start3A_20 : memref<128xi32, #tpu.memory_space<vmem>>) semaphore(%arg12 : memref<!tpu.dma_semaphore, #tpu.memory_space<semaphore_mem>>)
    %dma_start3A_24 = arith.constant 1 : i32
    %dma_start3A_25 = arith.constant 1 : i32
    %dma_start3A_26 = arith.constant 0 : i32
    %dma_start3A_27 = arith.constant 0 : i32
    %dma_start3A_28 = tpu.memref_slice %arg9[%dma_start3A_25, %dma_start3A_26, %dma_start3A_27] : memref<4x128x64xf32, #tpu.memory_space<vmem>> -> memref<1x128x64xf32, #tpu.memory_space<vmem>>
    %dma_start3A_29 = tpu.memref_squeeze %dma_start3A_28 : memref<1x128x64xf32, #tpu.memory_space<vmem>> -> memref<128x64xf32, #tpu.memory_space<vmem>>
    %dma_start3A_30 = arith.constant 0 : i32
    %dma_start3A_31 = tpu.memref_slice %arg7[%dma_start3A_24, %dma_start3A_30] : memref<40x128xi32, #tpu.memory_space<vmem>> -> memref<1x128xi32, #tpu.memory_space<vmem>>
    %dma_start3A_32 = tpu.memref_squeeze %dma_start3A_31 : memref<1x128xi32, #tpu.memory_space<vmem>> -> memref<128xi32, #tpu.memory_space<vmem>>
    %dma_start3A_33 = arith.constant 0 : i32
    %dma_start3A_34 = arith.constant 0 : i32
    %dma_start3A_35 = tpu.memref_slice %arg2[%dma_start3A_33, %dma_start3A_34] : memref<10240x64xf32, #tpu.memory_space<hbm>> -> memref<10240x64xf32, #tpu.memory_space<hbm>>
    tpu.enqueue_indirect_dma source(%dma_start3A_35 : memref<10240x64xf32, #tpu.memory_space<hbm>>) target(%dma_start3A_29 : memref<128x64xf32, #tpu.memory_space<vmem>>) offsets(%dma_start3A_32 : memref<128xi32, #tpu.memory_space<vmem>>) semaphore(%arg13 : memref<!tpu.dma_semaphore, #tpu.memory_space<semaphore_mem>>)
    %dma_start3A_36 = arith.constant 2 : i32
    %dma_start3A_37 = arith.constant 2 : i32
    %dma_start3A_38 = arith.constant 0 : i32
    %dma_start3A_39 = arith.constant 0 : i32
    %dma_start3A_40 = tpu.memref_slice %arg9[%dma_start3A_37, %dma_start3A_38, %dma_start3A_39] : memref<4x128x64xf32, #tpu.memory_space<vmem>> -> memref<1x128x64xf32, #tpu.memory_space<vmem>>
    %dma_start3A_41 = tpu.memref_squeeze %dma_start3A_40 : memref<1x128x64xf32, #tpu.memory_space<vmem>> -> memref<128x64xf32, #tpu.memory_space<vmem>>
    %dma_start3A_42 = arith.constant 0 : i32
    %dma_start3A_43 = tpu.memref_slice %arg7[%dma_start3A_36, %dma_start3A_42] : memref<40x128xi32, #tpu.memory_space<vmem>> -> memref<1x128xi32, #tpu.memory_space<vmem>>
    %dma_start3A_44 = tpu.memref_squeeze %dma_start3A_43 : memref<1x128xi32, #tpu.memory_space<vmem>> -> memref<128xi32, #tpu.memory_space<vmem>>
    %dma_start3A_45 = arith.constant 0 : i32
    %dma_start3A_46 = arith.constant 0 : i32
    %dma_start3A_47 = tpu.memref_slice %arg2[%dma_start3A_45, %dma_start3A_46] : memref<10240x64xf32, #tpu.memory_space<hbm>> -> memref<10240x64xf32, #tpu.memory_space<hbm>>
    tpu.enqueue_indirect_dma source(%dma_start3A_47 : memref<10240x64xf32, #tpu.memory_space<hbm>>) target(%dma_start3A_41 : memref<128x64xf32, #tpu.memory_space<vmem>>) offsets(%dma_start3A_44 : memref<128xi32, #tpu.memory_space<vmem>>) semaphore(%arg14 : memref<!tpu.dma_semaphore, #tpu.memory_space<semaphore_mem>>)
    %dma_start3A_48 = arith.constant 3 : i32
    %dma_start3A_49 = arith.constant 3 : i32
    %dma_start3A_50 = arith.constant 0 : i32
    %dma_start3A_51 = arith.constant 0 : i32
    %dma_start3A_52 = tpu.memref_slice %arg9[%dma_start3A_49, %dma_start3A_50, %dma_start3A_51] : memref<4x128x64xf32, #tpu.memory_space<vmem>> -> memref<1x128x64xf32, #tpu.memory_space<vmem>>
    %dma_start3A_53 = tpu.memref_squeeze %dma_start3A_52 : memref<1x128x64xf32, #tpu.memory_space<vmem>> -> memref<128x64xf32, #tpu.memory_space<vmem>>
    %dma_start3A_54 = arith.constant 0 : i32
    %dma_start3A_55 = tpu.memref_slice %arg7[%dma_start3A_48, %dma_start3A_54] : memref<40x128xi32, #tpu.memory_space<vmem>> -> memref<1x128xi32, #tpu.memory_space<vmem>>
    %dma_start3A_56 = tpu.memref_squeeze %dma_start3A_55 : memref<1x128xi32, #tpu.memory_space<vmem>> -> memref<128xi32, #tpu.memory_space<vmem>>
    %dma_start3A_57 = arith.constant 0 : i32
    %dma_start3A_58 = arith.constant 0 : i32
    %dma_start3A_59 = tpu.memref_slice %arg2[%dma_start3A_57, %dma_start3A_58] : memref<10240x64xf32, #tpu.memory_space<hbm>> -> memref<10240x64xf32, #tpu.memory_space<hbm>>
    tpu.enqueue_indirect_dma source(%dma_start3A_59 : memref<10240x64xf32, #tpu.memory_space<hbm>>) target(%dma_start3A_53 : memref<128x64xf32, #tpu.memory_space<vmem>>) offsets(%dma_start3A_56 : memref<128xi32, #tpu.memory_space<vmem>>) semaphore(%arg15 : memref<!tpu.dma_semaphore, #tpu.memory_space<semaphore_mem>>)
    %scan3A = arith.constant 0 : i32
    %scan3A_60 = arith.constant 9 : i32
    %scan3A_61 = arith.addi %scan3A, %scan3A_60 : i32
    %scan3A_62 = arith.constant 1 : i32
    scf.for %scan3A_139 = %scan3A to %scan3A_61 step %scan3A_62  : i32 {
      %mul3A_140 = arith.constant 4 : i32
      %mul3A_141 = arith.muli %mul3A_140, %scan3A_139 : i32
      %add3A_142 = arith.constant 0 : i32
      %add3A_143 = arith.addi %mul3A_141, %add3A_142 : i32
      %dma_wait3A_144 = arith.constant 0 : i32
      %dma_wait3A_145 = arith.constant 0 : i32
      %dma_wait3A_146 = arith.constant 0 : i32
      %dma_wait3A_147 = tpu.memref_slice %arg9[%dma_wait3A_144, %dma_wait3A_145, %dma_wait3A_146] : memref<4x128x64xf32, #tpu.memory_space<vmem>> -> memref<1x128x64xf32, #tpu.memory_space<vmem>>
      %dma_wait3A_148 = tpu.memref_squeeze %dma_wait3A_147 : memref<1x128x64xf32, #tpu.memory_space<vmem>> -> memref<128x64xf32, #tpu.memory_space<vmem>>
      %dma_wait3A_149 = arith.constant 0 : i32
      %dma_wait3A_150 = tpu.memref_slice %arg7[%add3A_143, %dma_wait3A_149] : memref<40x128xi32, #tpu.memory_space<vmem>> -> memref<1x128xi32, #tpu.memory_space<vmem>>
      %dma_wait3A_151 = tpu.memref_squeeze %dma_wait3A_150 : memref<1x128xi32, #tpu.memory_space<vmem>> -> memref<128xi32, #tpu.memory_space<vmem>>
      %dma_wait3A_152 = arith.constant 0 : i32
      %dma_wait3A_153 = arith.constant 0 : i32
      %dma_wait3A_154 = tpu.memref_slice %arg2[%dma_wait3A_152, %dma_wait3A_153] : memref<10240x64xf32, #tpu.memory_space<hbm>> -> memref<10240x64xf32, #tpu.memory_space<hbm>>
      tpu.wait_indirect_dma semaphore(%arg12 : memref<!tpu.dma_semaphore, #tpu.memory_space<semaphore_mem>>) src(%dma_wait3A_154 : memref<10240x64xf32, #tpu.memory_space<hbm>>) dst(%dma_wait3A_148 : memref<128x64xf32, #tpu.memory_space<vmem>>)
      %run_scoped3A_155 = arith.constant 0 : i32
      "tpu.region"() ({
        %run_scoped3A_256 = tpu.sem_alloc : memref<!tpu.dma_semaphore, #tpu.memory_space<semaphore_mem>>
        %dma_start3A_257 = arith.constant 0 : i32
        %dma_start3A_258 = arith.constant 0 : i32
        %dma_start3A_259 = tpu.memref_slice %arg9[%run_scoped3A_155, %dma_start3A_257, %dma_start3A_258] : memref<4x128x64xf32, #tpu.memory_space<vmem>> -> memref<1x128x64xf32, #tpu.memory_space<vmem>>
        %dma_start3A_260 = tpu.memref_squeeze %dma_start3A_259 : memref<1x128x64xf32, #tpu.memory_space<vmem>> -> memref<128x64xf32, #tpu.memory_space<vmem>>
        %dma_start3A_261 = arith.constant 0 : i32
        %dma_start3A_262 = tpu.memref_slice %arg8[%add3A_143, %dma_start3A_261] : memref<40x128xi32, #tpu.memory_space<vmem>> -> memref<1x128xi32, #tpu.memory_space<vmem>>
        %dma_start3A_263 = tpu.memref_squeeze %dma_start3A_262 : memref<1x128xi32, #tpu.memory_space<vmem>> -> memref<128xi32, #tpu.memory_space<vmem>>
        %dma_start3A_264 = arith.constant 0 : i32
        %dma_start3A_265 = arith.constant 0 : i32
        %dma_start3A_266 = tpu.memref_slice %arg11[%dma_start3A_264, %dma_start3A_265] : memref<10240x64xf32, #tpu.memory_space<vmem_shared>> -> memref<10240x64xf32, #tpu.memory_space<vmem_shared>>
        tpu.enqueue_indirect_dma source(%dma_start3A_260 : memref<128x64xf32, #tpu.memory_space<vmem>>) target(%dma_start3A_266 : memref<10240x64xf32, #tpu.memory_space<vmem_shared>>) offsets(%dma_start3A_263 : memref<128xi32, #tpu.memory_space<vmem>>) semaphore(%run_scoped3A_256 : memref<!tpu.dma_semaphore, #tpu.memory_space<semaphore_mem>>) {add = true}
        %dma_wait3A_267 = arith.constant 0 : i32
        %dma_wait3A_268 = arith.constant 0 : i32
        %dma_wait3A_269 = tpu.memref_slice %arg9[%run_scoped3A_155, %dma_wait3A_267, %dma_wait3A_268] : memref<4x128x64xf32, #tpu.memory_space<vmem>> -> memref<1x128x64xf32, #tpu.memory_space<vmem>>
        %dma_wait3A_270 = tpu.memref_squeeze %dma_wait3A_269 : memref<1x128x64xf32, #tpu.memory_space<vmem>> -> memref<128x64xf32, #tpu.memory_space<vmem>>
        %dma_wait3A_271 = arith.constant 0 : i32
        %dma_wait3A_272 = tpu.memref_slice %arg8[%add3A_143, %dma_wait3A_271] : memref<40x128xi32, #tpu.memory_space<vmem>> -> memref<1x128xi32, #tpu.memory_space<vmem>>
        %dma_wait3A_273 = tpu.memref_squeeze %dma_wait3A_272 : memref<1x128xi32, #tpu.memory_space<vmem>> -> memref<128xi32, #tpu.memory_space<vmem>>
        %dma_wait3A_274 = arith.constant 0 : i32
        %dma_wait3A_275 = arith.constant 0 : i32
        %dma_wait3A_276 = tpu.memref_slice %arg11[%dma_wait3A_274, %dma_wait3A_275] : memref<10240x64xf32, #tpu.memory_space<vmem_shared>> -> memref<10240x64xf32, #tpu.memory_space<vmem_shared>>
        tpu.wait_indirect_dma semaphore(%run_scoped3A_256 : memref<!tpu.dma_semaphore, #tpu.memory_space<semaphore_mem>>) src(%dma_wait3A_270 : memref<128x64xf32, #tpu.memory_space<vmem>>) dst(%dma_wait3A_276 : memref<10240x64xf32, #tpu.memory_space<vmem_shared>>)
        tpu.yield
      }) : () -> ()
      %add3A_156 = arith.constant 4 : i32
      %add3A_157 = arith.addi %add3A_143, %add3A_156 : i32
      %dma_start3A_158 = arith.constant 0 : i32
      %dma_start3A_159 = arith.constant 0 : i32
      %dma_start3A_160 = arith.constant 0 : i32
      %dma_start3A_161 = tpu.memref_slice %arg9[%dma_start3A_158, %dma_start3A_159, %dma_start3A_160] : memref<4x128x64xf32, #tpu.memory_space<vmem>> -> memref<1x128x64xf32, #tpu.memory_space<vmem>>
      %dma_start3A_162 = tpu.memref_squeeze %dma_start3A_161 : memref<1x128x64xf32, #tpu.memory_space<vmem>> -> memref<128x64xf32, #tpu.memory_space<vmem>>
      %dma_start3A_163 = arith.constant 0 : i32
      %dma_start3A_164 = tpu.memref_slice %arg7[%add3A_157, %dma_start3A_163] : memref<40x128xi32, #tpu.memory_space<vmem>> -> memref<1x128xi32, #tpu.memory_space<vmem>>
      %dma_start3A_165 = tpu.memref_squeeze %dma_start3A_164 : memref<1x128xi32, #tpu.memory_space<vmem>> -> memref<128xi32, #tpu.memory_space<vmem>>
      %dma_start3A_166 = arith.constant 0 : i32
      %dma_start3A_167 = arith.constant 0 : i32
      %dma_start3A_168 = tpu.memref_slice %arg2[%dma_start3A_166, %dma_start3A_167] : memref<10240x64xf32, #tpu.memory_space<hbm>> -> memref<10240x64xf32, #tpu.memory_space<hbm>>
      tpu.enqueue_indirect_dma source(%dma_start3A_168 : memref<10240x64xf32, #tpu.memory_space<hbm>>) target(%dma_start3A_162 : memref<128x64xf32, #tpu.memory_space<vmem>>) offsets(%dma_start3A_165 : memref<128xi32, #tpu.memory_space<vmem>>) semaphore(%arg12 : memref<!tpu.dma_semaphore, #tpu.memory_space<semaphore_mem>>)
      %mul3A_169 = arith.constant 4 : i32
      %mul3A_170 = arith.muli %mul3A_169, %scan3A_139 : i32
      %add3A_171 = arith.constant 1 : i32
      %add3A_172 = arith.addi %mul3A_170, %add3A_171 : i32
      %dma_wait3A_173 = arith.constant 1 : i32
      %dma_wait3A_174 = arith.constant 0 : i32
      %dma_wait3A_175 = arith.constant 0 : i32
      %dma_wait3A_176 = tpu.memref_slice %arg9[%dma_wait3A_173, %dma_wait3A_174, %dma_wait3A_175] : memref<4x128x64xf32, #tpu.memory_space<vmem>> -> memref<1x128x64xf32, #tpu.memory_space<vmem>>
      %dma_wait3A_177 = tpu.memref_squeeze %dma_wait3A_176 : memref<1x128x64xf32, #tpu.memory_space<vmem>> -> memref<128x64xf32, #tpu.memory_space<vmem>>
      %dma_wait3A_178 = arith.constant 0 : i32
      %dma_wait3A_179 = tpu.memref_slice %arg7[%add3A_172, %dma_wait3A_178] : memref<40x128xi32, #tpu.memory_space<vmem>> -> memref<1x128xi32, #tpu.memory_space<vmem>>
      %dma_wait3A_180 = tpu.memref_squeeze %dma_wait3A_179 : memref<1x128xi32, #tpu.memory_space<vmem>> -> memref<128xi32, #tpu.memory_space<vmem>>
      %dma_wait3A_181 = arith.constant 0 : i32
      %dma_wait3A_182 = arith.constant 0 : i32
      %dma_wait3A_183 = tpu.memref_slice %arg2[%dma_wait3A_181, %dma_wait3A_182] : memref<10240x64xf32, #tpu.memory_space<hbm>> -> memref<10240x64xf32, #tpu.memory_space<hbm>>
      tpu.wait_indirect_dma semaphore(%arg13 : memref<!tpu.dma_semaphore, #tpu.memory_space<semaphore_mem>>) src(%dma_wait3A_183 : memref<10240x64xf32, #tpu.memory_space<hbm>>) dst(%dma_wait3A_177 : memref<128x64xf32, #tpu.memory_space<vmem>>)
      %run_scoped3A_184 = arith.constant 1 : i32
      "tpu.region"() ({
        %run_scoped3A_256 = tpu.sem_alloc : memref<!tpu.dma_semaphore, #tpu.memory_space<semaphore_mem>>
        %dma_start3A_257 = arith.constant 0 : i32
        %dma_start3A_258 = arith.constant 0 : i32
        %dma_start3A_259 = tpu.memref_slice %arg9[%run_scoped3A_184, %dma_start3A_257, %dma_start3A_258] : memref<4x128x64xf32, #tpu.memory_space<vmem>> -> memref<1x128x64xf32, #tpu.memory_space<vmem>>
        %dma_start3A_260 = tpu.memref_squeeze %dma_start3A_259 : memref<1x128x64xf32, #tpu.memory_space<vmem>> -> memref<128x64xf32, #tpu.memory_space<vmem>>
        %dma_start3A_261 = arith.constant 0 : i32
        %dma_start3A_262 = tpu.memref_slice %arg8[%add3A_172, %dma_start3A_261] : memref<40x128xi32, #tpu.memory_space<vmem>> -> memref<1x128xi32, #tpu.memory_space<vmem>>
        %dma_start3A_263 = tpu.memref_squeeze %dma_start3A_262 : memref<1x128xi32, #tpu.memory_space<vmem>> -> memref<128xi32, #tpu.memory_space<vmem>>
        %dma_start3A_264 = arith.constant 0 : i32
        %dma_start3A_265 = arith.constant 0 : i32
        %dma_start3A_266 = tpu.memref_slice %arg11[%dma_start3A_264, %dma_start3A_265] : memref<10240x64xf32, #tpu.memory_space<vmem_shared>> -> memref<10240x64xf32, #tpu.memory_space<vmem_shared>>
        tpu.enqueue_indirect_dma source(%dma_start3A_260 : memref<128x64xf32, #tpu.memory_space<vmem>>) target(%dma_start3A_266 : memref<10240x64xf32, #tpu.memory_space<vmem_shared>>) offsets(%dma_start3A_263 : memref<128xi32, #tpu.memory_space<vmem>>) semaphore(%run_scoped3A_256 : memref<!tpu.dma_semaphore, #tpu.memory_space<semaphore_mem>>) {add = true}
        %dma_wait3A_267 = arith.constant 0 : i32
        %dma_wait3A_268 = arith.constant 0 : i32
        %dma_wait3A_269 = tpu.memref_slice %arg9[%run_scoped3A_184, %dma_wait3A_267, %dma_wait3A_268] : memref<4x128x64xf32, #tpu.memory_space<vmem>> -> memref<1x128x64xf32, #tpu.memory_space<vmem>>
        %dma_wait3A_270 = tpu.memref_squeeze %dma_wait3A_269 : memref<1x128x64xf32, #tpu.memory_space<vmem>> -> memref<128x64xf32, #tpu.memory_space<vmem>>
        %dma_wait3A_271 = arith.constant 0 : i32
        %dma_wait3A_272 = tpu.memref_slice %arg8[%add3A_172, %dma_wait3A_271] : memref<40x128xi32, #tpu.memory_space<vmem>> -> memref<1x128xi32, #tpu.memory_space<vmem>>
        %dma_wait3A_273 = tpu.memref_squeeze %dma_wait3A_272 : memref<1x128xi32, #tpu.memory_space<vmem>> -> memref<128xi32, #tpu.memory_space<vmem>>
        %dma_wait3A_274 = arith.constant 0 : i32
        %dma_wait3A_275 = arith.constant 0 : i32
        %dma_wait3A_276 = tpu.memref_slice %arg11[%dma_wait3A_274, %dma_wait3A_275] : memref<10240x64xf32, #tpu.memory_space<vmem_shared>> -> memref<10240x64xf32, #tpu.memory_space<vmem_shared>>
        tpu.wait_indirect_dma semaphore(%run_scoped3A_256 : memref<!tpu.dma_semaphore, #tpu.memory_space<semaphore_mem>>) src(%dma_wait3A_270 : memref<128x64xf32, #tpu.memory_space<vmem>>) dst(%dma_wait3A_276 : memref<10240x64xf32, #tpu.memory_space<vmem_shared>>)
        tpu.yield
      }) : () -> ()
      %add3A_185 = arith.constant 4 : i32
      %add3A_186 = arith.addi %add3A_172, %add3A_185 : i32
      %dma_start3A_187 = arith.constant 1 : i32
      %dma_start3A_188 = arith.constant 0 : i32
      %dma_start3A_189 = arith.constant 0 : i32
      %dma_start3A_190 = tpu.memref_slice %arg9[%dma_start3A_187, %dma_start3A_188, %dma_start3A_189] : memref<4x128x64xf32, #tpu.memory_space<vmem>> -> memref<1x128x64xf32, #tpu.memory_space<vmem>>
      %dma_start3A_191 = tpu.memref_squeeze %dma_start3A_190 : memref<1x128x64xf32, #tpu.memory_space<vmem>> -> memref<128x64xf32, #tpu.memory_space<vmem>>
      %dma_start3A_192 = arith.constant 0 : i32
      %dma_start3A_193 = tpu.memref_slice %arg7[%add3A_186, %dma_start3A_192] : memref<40x128xi32, #tpu.memory_space<vmem>> -> memref<1x128xi32, #tpu.memory_space<vmem>>
      %dma_start3A_194 = tpu.memref_squeeze %dma_start3A_193 : memref<1x128xi32, #tpu.memory_space<vmem>> -> memref<128xi32, #tpu.memory_space<vmem>>
      %dma_start3A_195 = arith.constant 0 : i32
      %dma_start3A_196 = arith.constant 0 : i32
      %dma_start3A_197 = tpu.memref_slice %arg2[%dma_start3A_195, %dma_start3A_196] : memref<10240x64xf32, #tpu.memory_space<hbm>> -> memref<10240x64xf32, #tpu.memory_space<hbm>>
      tpu.enqueue_indirect_dma source(%dma_start3A_197 : memref<10240x64xf32, #tpu.memory_space<hbm>>) target(%dma_start3A_191 : memref<128x64xf32, #tpu.memory_space<vmem>>) offsets(%dma_start3A_194 : memref<128xi32, #tpu.memory_space<vmem>>) semaphore(%arg13 : memref<!tpu.dma_semaphore, #tpu.memory_space<semaphore_mem>>)
      %mul3A_198 = arith.constant 4 : i32
      %mul3A_199 = arith.muli %mul3A_198, %scan3A_139 : i32
      %add3A_200 = arith.constant 2 : i32
      %add3A_201 = arith.addi %mul3A_199, %add3A_200 : i32
      %dma_wait3A_202 = arith.constant 2 : i32
      %dma_wait3A_203 = arith.constant 0 : i32
      %dma_wait3A_204 = arith.constant 0 : i32
      %dma_wait3A_205 = tpu.memref_slice %arg9[%dma_wait3A_202, %dma_wait3A_203, %dma_wait3A_204] : memref<4x128x64xf32, #tpu.memory_space<vmem>> -> memref<1x128x64xf32, #tpu.memory_space<vmem>>
      %dma_wait3A_206 = tpu.memref_squeeze %dma_wait3A_205 : memref<1x128x64xf32, #tpu.memory_space<vmem>> -> memref<128x64xf32, #tpu.memory_space<vmem>>
      %dma_wait3A_207 = arith.constant 0 : i32
      %dma_wait3A_208 = tpu.memref_slice %arg7[%add3A_201, %dma_wait3A_207] : memref<40x128xi32, #tpu.memory_space<vmem>> -> memref<1x128xi32, #tpu.memory_space<vmem>>
      %dma_wait3A_209 = tpu.memref_squeeze %dma_wait3A_208 : memref<1x128xi32, #tpu.memory_space<vmem>> -> memref<128xi32, #tpu.memory_space<vmem>>
      %dma_wait3A_210 = arith.constant 0 : i32
      %dma_wait3A_211 = arith.constant 0 : i32
      %dma_wait3A_212 = tpu.memref_slice %arg2[%dma_wait3A_210, %dma_wait3A_211] : memref<10240x64xf32, #tpu.memory_space<hbm>> -> memref<10240x64xf32, #tpu.memory_space<hbm>>
      tpu.wait_indirect_dma semaphore(%arg14 : memref<!tpu.dma_semaphore, #tpu.memory_space<semaphore_mem>>) src(%dma_wait3A_212 : memref<10240x64xf32, #tpu.memory_space<hbm>>) dst(%dma_wait3A_206 : memref<128x64xf32, #tpu.memory_space<vmem>>)
      %run_scoped3A_213 = arith.constant 2 : i32
      "tpu.region"() ({
        %run_scoped3A_256 = tpu.sem_alloc : memref<!tpu.dma_semaphore, #tpu.memory_space<semaphore_mem>>
        %dma_start3A_257 = arith.constant 0 : i32
        %dma_start3A_258 = arith.constant 0 : i32
        %dma_start3A_259 = tpu.memref_slice %arg9[%run_scoped3A_213, %dma_start3A_257, %dma_start3A_258] : memref<4x128x64xf32, #tpu.memory_space<vmem>> -> memref<1x128x64xf32, #tpu.memory_space<vmem>>
        %dma_start3A_260 = tpu.memref_squeeze %dma_start3A_259 : memref<1x128x64xf32, #tpu.memory_space<vmem>> -> memref<128x64xf32, #tpu.memory_space<vmem>>
        %dma_start3A_261 = arith.constant 0 : i32
        %dma_start3A_262 = tpu.memref_slice %arg8[%add3A_201, %dma_start3A_261] : memref<40x128xi32, #tpu.memory_space<vmem>> -> memref<1x128xi32, #tpu.memory_space<vmem>>
        %dma_start3A_263 = tpu.memref_squeeze %dma_start3A_262 : memref<1x128xi32, #tpu.memory_space<vmem>> -> memref<128xi32, #tpu.memory_space<vmem>>
        %dma_start3A_264 = arith.constant 0 : i32
        %dma_start3A_265 = arith.constant 0 : i32
        %dma_start3A_266 = tpu.memref_slice %arg11[%dma_start3A_264, %dma_start3A_265] : memref<10240x64xf32, #tpu.memory_space<vmem_shared>> -> memref<10240x64xf32, #tpu.memory_space<vmem_shared>>
        tpu.enqueue_indirect_dma source(%dma_start3A_260 : memref<128x64xf32, #tpu.memory_space<vmem>>) target(%dma_start3A_266 : memref<10240x64xf32, #tpu.memory_space<vmem_shared>>) offsets(%dma_start3A_263 : memref<128xi32, #tpu.memory_space<vmem>>) semaphore(%run_scoped3A_256 : memref<!tpu.dma_semaphore, #tpu.memory_space<semaphore_mem>>) {add = true}
        %dma_wait3A_267 = arith.constant 0 : i32
        %dma_wait3A_268 = arith.constant 0 : i32
        %dma_wait3A_269 = tpu.memref_slice %arg9[%run_scoped3A_213, %dma_wait3A_267, %dma_wait3A_268] : memref<4x128x64xf32, #tpu.memory_space<vmem>> -> memref<1x128x64xf32, #tpu.memory_space<vmem>>
        %dma_wait3A_270 = tpu.memref_squeeze %dma_wait3A_269 : memref<1x128x64xf32, #tpu.memory_space<vmem>> -> memref<128x64xf32, #tpu.memory_space<vmem>>
        %dma_wait3A_271 = arith.constant 0 : i32
        %dma_wait3A_272 = tpu.memref_slice %arg8[%add3A_201, %dma_wait3A_271] : memref<40x128xi32, #tpu.memory_space<vmem>> -> memref<1x128xi32, #tpu.memory_space<vmem>>
        %dma_wait3A_273 = tpu.memref_squeeze %dma_wait3A_272 : memref<1x128xi32, #tpu.memory_space<vmem>> -> memref<128xi32, #tpu.memory_space<vmem>>
        %dma_wait3A_274 = arith.constant 0 : i32
        %dma_wait3A_275 = arith.constant 0 : i32
        %dma_wait3A_276 = tpu.memref_slice %arg11[%dma_wait3A_274, %dma_wait3A_275] : memref<10240x64xf32, #tpu.memory_space<vmem_shared>> -> memref<10240x64xf32, #tpu.memory_space<vmem_shared>>
        tpu.wait_indirect_dma semaphore(%run_scoped3A_256 : memref<!tpu.dma_semaphore, #tpu.memory_space<semaphore_mem>>) src(%dma_wait3A_270 : memref<128x64xf32, #tpu.memory_space<vmem>>) dst(%dma_wait3A_276 : memref<10240x64xf32, #tpu.memory_space<vmem_shared>>)
        tpu.yield
      }) : () -> ()
      %add3A_214 = arith.constant 4 : i32
      %add3A_215 = arith.addi %add3A_201, %add3A_214 : i32
      %dma_start3A_216 = arith.constant 2 : i32
      %dma_start3A_217 = arith.constant 0 : i32
      %dma_start3A_218 = arith.constant 0 : i32
      %dma_start3A_219 = tpu.memref_slice %arg9[%dma_start3A_216, %dma_start3A_217, %dma_start3A_218] : memref<4x128x64xf32, #tpu.memory_space<vmem>> -> memref<1x128x64xf32, #tpu.memory_space<vmem>>
      %dma_start3A_220 = tpu.memref_squeeze %dma_start3A_219 : memref<1x128x64xf32, #tpu.memory_space<vmem>> -> memref<128x64xf32, #tpu.memory_space<vmem>>
      %dma_start3A_221 = arith.constant 0 : i32
      %dma_start3A_222 = tpu.memref_slice %arg7[%add3A_215, %dma_start3A_221] : memref<40x128xi32, #tpu.memory_space<vmem>> -> memref<1x128xi32, #tpu.memory_space<vmem>>
      %dma_start3A_223 = tpu.memref_squeeze %dma_start3A_222 : memref<1x128xi32, #tpu.memory_space<vmem>> -> memref<128xi32, #tpu.memory_space<vmem>>
      %dma_start3A_224 = arith.constant 0 : i32
      %dma_start3A_225 = arith.constant 0 : i32
      %dma_start3A_226 = tpu.memref_slice %arg2[%dma_start3A_224, %dma_start3A_225] : memref<10240x64xf32, #tpu.memory_space<hbm>> -> memref<10240x64xf32, #tpu.memory_space<hbm>>
      tpu.enqueue_indirect_dma source(%dma_start3A_226 : memref<10240x64xf32, #tpu.memory_space<hbm>>) target(%dma_start3A_220 : memref<128x64xf32, #tpu.memory_space<vmem>>) offsets(%dma_start3A_223 : memref<128xi32, #tpu.memory_space<vmem>>) semaphore(%arg14 : memref<!tpu.dma_semaphore, #tpu.memory_space<semaphore_mem>>)
      %mul3A_227 = arith.constant 4 : i32
      %mul3A_228 = arith.muli %mul3A_227, %scan3A_139 : i32
      %add3A_229 = arith.constant 3 : i32
      %add3A_230 = arith.addi %mul3A_228, %add3A_229 : i32
      %dma_wait3A_231 = arith.constant 3 : i32
      %dma_wait3A_232 = arith.constant 0 : i32
      %dma_wait3A_233 = arith.constant 0 : i32
      %dma_wait3A_234 = tpu.memref_slice %arg9[%dma_wait3A_231, %dma_wait3A_232, %dma_wait3A_233] : memref<4x128x64xf32, #tpu.memory_space<vmem>> -> memref<1x128x64xf32, #tpu.memory_space<vmem>>
      %dma_wait3A_235 = tpu.memref_squeeze %dma_wait3A_234 : memref<1x128x64xf32, #tpu.memory_space<vmem>> -> memref<128x64xf32, #tpu.memory_space<vmem>>
      %dma_wait3A_236 = arith.constant 0 : i32
      %dma_wait3A_237 = tpu.memref_slice %arg7[%add3A_230, %dma_wait3A_236] : memref<40x128xi32, #tpu.memory_space<vmem>> -> memref<1x128xi32, #tpu.memory_space<vmem>>
      %dma_wait3A_238 = tpu.memref_squeeze %dma_wait3A_237 : memref<1x128xi32, #tpu.memory_space<vmem>> -> memref<128xi32, #tpu.memory_space<vmem>>
      %dma_wait3A_239 = arith.constant 0 : i32
      %dma_wait3A_240 = arith.constant 0 : i32
      %dma_wait3A_241 = tpu.memref_slice %arg2[%dma_wait3A_239, %dma_wait3A_240] : memref<10240x64xf32, #tpu.memory_space<hbm>> -> memref<10240x64xf32, #tpu.memory_space<hbm>>
      tpu.wait_indirect_dma semaphore(%arg15 : memref<!tpu.dma_semaphore, #tpu.memory_space<semaphore_mem>>) src(%dma_wait3A_241 : memref<10240x64xf32, #tpu.memory_space<hbm>>) dst(%dma_wait3A_235 : memref<128x64xf32, #tpu.memory_space<vmem>>)
      %run_scoped3A_242 = arith.constant 3 : i32
      "tpu.region"() ({
        %run_scoped3A_256 = tpu.sem_alloc : memref<!tpu.dma_semaphore, #tpu.memory_space<semaphore_mem>>
        %dma_start3A_257 = arith.constant 0 : i32
        %dma_start3A_258 = arith.constant 0 : i32
        %dma_start3A_259 = tpu.memref_slice %arg9[%run_scoped3A_242, %dma_start3A_257, %dma_start3A_258] : memref<4x128x64xf32, #tpu.memory_space<vmem>> -> memref<1x128x64xf32, #tpu.memory_space<vmem>>
        %dma_start3A_260 = tpu.memref_squeeze %dma_start3A_259 : memref<1x128x64xf32, #tpu.memory_space<vmem>> -> memref<128x64xf32, #tpu.memory_space<vmem>>
        %dma_start3A_261 = arith.constant 0 : i32
        %dma_start3A_262 = tpu.memref_slice %arg8[%add3A_230, %dma_start3A_261] : memref<40x128xi32, #tpu.memory_space<vmem>> -> memref<1x128xi32, #tpu.memory_space<vmem>>
        %dma_start3A_263 = tpu.memref_squeeze %dma_start3A_262 : memref<1x128xi32, #tpu.memory_space<vmem>> -> memref<128xi32, #tpu.memory_space<vmem>>
        %dma_start3A_264 = arith.constant 0 : i32
        %dma_start3A_265 = arith.constant 0 : i32
        %dma_start3A_266 = tpu.memref_slice %arg11[%dma_start3A_264, %dma_start3A_265] : memref<10240x64xf32, #tpu.memory_space<vmem_shared>> -> memref<10240x64xf32, #tpu.memory_space<vmem_shared>>
        tpu.enqueue_indirect_dma source(%dma_start3A_260 : memref<128x64xf32, #tpu.memory_space<vmem>>) target(%dma_start3A_266 : memref<10240x64xf32, #tpu.memory_space<vmem_shared>>) offsets(%dma_start3A_263 : memref<128xi32, #tpu.memory_space<vmem>>) semaphore(%run_scoped3A_256 : memref<!tpu.dma_semaphore, #tpu.memory_space<semaphore_mem>>) {add = true}
        %dma_wait3A_267 = arith.constant 0 : i32
        %dma_wait3A_268 = arith.constant 0 : i32
        %dma_wait3A_269 = tpu.memref_slice %arg9[%run_scoped3A_242, %dma_wait3A_267, %dma_wait3A_268] : memref<4x128x64xf32, #tpu.memory_space<vmem>> -> memref<1x128x64xf32, #tpu.memory_space<vmem>>
        %dma_wait3A_270 = tpu.memref_squeeze %dma_wait3A_269 : memref<1x128x64xf32, #tpu.memory_space<vmem>> -> memref<128x64xf32, #tpu.memory_space<vmem>>
        %dma_wait3A_271 = arith.constant 0 : i32
        %dma_wait3A_272 = tpu.memref_slice %arg8[%add3A_230, %dma_wait3A_271] : memref<40x128xi32, #tpu.memory_space<vmem>> -> memref<1x128xi32, #tpu.memory_space<vmem>>
        %dma_wait3A_273 = tpu.memref_squeeze %dma_wait3A_272 : memref<1x128xi32, #tpu.memory_space<vmem>> -> memref<128xi32, #tpu.memory_space<vmem>>
        %dma_wait3A_274 = arith.constant 0 : i32
        %dma_wait3A_275 = arith.constant 0 : i32
        %dma_wait3A_276 = tpu.memref_slice %arg11[%dma_wait3A_274, %dma_wait3A_275] : memref<10240x64xf32, #tpu.memory_space<vmem_shared>> -> memref<10240x64xf32, #tpu.memory_space<vmem_shared>>
        tpu.wait_indirect_dma semaphore(%run_scoped3A_256 : memref<!tpu.dma_semaphore, #tpu.memory_space<semaphore_mem>>) src(%dma_wait3A_270 : memref<128x64xf32, #tpu.memory_space<vmem>>) dst(%dma_wait3A_276 : memref<10240x64xf32, #tpu.memory_space<vmem_shared>>)
        tpu.yield
      }) : () -> ()
      %add3A_243 = arith.constant 4 : i32
      %add3A_244 = arith.addi %add3A_230, %add3A_243 : i32
      %dma_start3A_245 = arith.constant 3 : i32
      %dma_start3A_246 = arith.constant 0 : i32
      %dma_start3A_247 = arith.constant 0 : i32
      %dma_start3A_248 = tpu.memref_slice %arg9[%dma_start3A_245, %dma_start3A_246, %dma_start3A_247] : memref<4x128x64xf32, #tpu.memory_space<vmem>> -> memref<1x128x64xf32, #tpu.memory_space<vmem>>
      %dma_start3A_249 = tpu.memref_squeeze %dma_start3A_248 : memref<1x128x64xf32, #tpu.memory_space<vmem>> -> memref<128x64xf32, #tpu.memory_space<vmem>>
      %dma_start3A_250 = arith.constant 0 : i32
      %dma_start3A_251 = tpu.memref_slice %arg7[%add3A_244, %dma_start3A_250] : memref<40x128xi32, #tpu.memory_space<vmem>> -> memref<1x128xi32, #tpu.memory_space<vmem>>
      %dma_start3A_252 = tpu.memref_squeeze %dma_start3A_251 : memref<1x128xi32, #tpu.memory_space<vmem>> -> memref<128xi32, #tpu.memory_space<vmem>>
      %dma_start3A_253 = arith.constant 0 : i32
      %dma_start3A_254 = arith.constant 0 : i32
      %dma_start3A_255 = tpu.memref_slice %arg2[%dma_start3A_253, %dma_start3A_254] : memref<10240x64xf32, #tpu.memory_space<hbm>> -> memref<10240x64xf32, #tpu.memory_space<hbm>>
      tpu.enqueue_indirect_dma source(%dma_start3A_255 : memref<10240x64xf32, #tpu.memory_space<hbm>>) target(%dma_start3A_249 : memref<128x64xf32, #tpu.memory_space<vmem>>) offsets(%dma_start3A_252 : memref<128xi32, #tpu.memory_space<vmem>>) semaphore(%arg15 : memref<!tpu.dma_semaphore, #tpu.memory_space<semaphore_mem>>)
    }
    %scan3A_63 = arith.constant 9 : i32
    %dma_wait3A = arith.constant 36 : i32
    %dma_wait3A_64 = arith.constant 0 : i32
    %dma_wait3A_65 = arith.constant 0 : i32
    %dma_wait3A_66 = arith.constant 0 : i32
    %dma_wait3A_67 = tpu.memref_slice %arg9[%dma_wait3A_64, %dma_wait3A_65, %dma_wait3A_66] : memref<4x128x64xf32, #tpu.memory_space<vmem>> -> memref<1x128x64xf32, #tpu.memory_space<vmem>>
    %dma_wait3A_68 = tpu.memref_squeeze %dma_wait3A_67 : memref<1x128x64xf32, #tpu.memory_space<vmem>> -> memref<128x64xf32, #tpu.memory_space<vmem>>
    %dma_wait3A_69 = arith.constant 0 : i32
    %dma_wait3A_70 = tpu.memref_slice %arg7[%dma_wait3A, %dma_wait3A_69] : memref<40x128xi32, #tpu.memory_space<vmem>> -> memref<1x128xi32, #tpu.memory_space<vmem>>
    %dma_wait3A_71 = tpu.memref_squeeze %dma_wait3A_70 : memref<1x128xi32, #tpu.memory_space<vmem>> -> memref<128xi32, #tpu.memory_space<vmem>>
    %dma_wait3A_72 = arith.constant 0 : i32
    %dma_wait3A_73 = arith.constant 0 : i32
    %dma_wait3A_74 = tpu.memref_slice %arg2[%dma_wait3A_72, %dma_wait3A_73] : memref<10240x64xf32, #tpu.memory_space<hbm>> -> memref<10240x64xf32, #tpu.memory_space<hbm>>
    tpu.wait_indirect_dma semaphore(%arg12 : memref<!tpu.dma_semaphore, #tpu.memory_space<semaphore_mem>>) src(%dma_wait3A_74 : memref<10240x64xf32, #tpu.memory_space<hbm>>) dst(%dma_wait3A_68 : memref<128x64xf32, #tpu.memory_space<vmem>>)
    %run_scoped3A = arith.constant 0 : i32
    %run_scoped3A_75 = arith.constant 36 : i32
    "tpu.region"() ({
      %run_scoped3A_139 = tpu.sem_alloc : memref<!tpu.dma_semaphore, #tpu.memory_space<semaphore_mem>>
      %dma_start3A_140 = arith.constant 0 : i32
      %dma_start3A_141 = arith.constant 0 : i32
      %dma_start3A_142 = tpu.memref_slice %arg9[%run_scoped3A, %dma_start3A_140, %dma_start3A_141] : memref<4x128x64xf32, #tpu.memory_space<vmem>> -> memref<1x128x64xf32, #tpu.memory_space<vmem>>
      %dma_start3A_143 = tpu.memref_squeeze %dma_start3A_142 : memref<1x128x64xf32, #tpu.memory_space<vmem>> -> memref<128x64xf32, #tpu.memory_space<vmem>>
      %dma_start3A_144 = arith.constant 0 : i32
      %dma_start3A_145 = tpu.memref_slice %arg8[%run_scoped3A_75, %dma_start3A_144] : memref<40x128xi32, #tpu.memory_space<vmem>> -> memref<1x128xi32, #tpu.memory_space<vmem>>
      %dma_start3A_146 = tpu.memref_squeeze %dma_start3A_145 : memref<1x128xi32, #tpu.memory_space<vmem>> -> memref<128xi32, #tpu.memory_space<vmem>>
      %dma_start3A_147 = arith.constant 0 : i32
      %dma_start3A_148 = arith.constant 0 : i32
      %dma_start3A_149 = tpu.memref_slice %arg11[%dma_start3A_147, %dma_start3A_148] : memref<10240x64xf32, #tpu.memory_space<vmem_shared>> -> memref<10240x64xf32, #tpu.memory_space<vmem_shared>>
      tpu.enqueue_indirect_dma source(%dma_start3A_143 : memref<128x64xf32, #tpu.memory_space<vmem>>) target(%dma_start3A_149 : memref<10240x64xf32, #tpu.memory_space<vmem_shared>>) offsets(%dma_start3A_146 : memref<128xi32, #tpu.memory_space<vmem>>) semaphore(%run_scoped3A_139 : memref<!tpu.dma_semaphore, #tpu.memory_space<semaphore_mem>>) {add = true}
      %dma_wait3A_150 = arith.constant 0 : i32
      %dma_wait3A_151 = arith.constant 0 : i32
      %dma_wait3A_152 = tpu.memref_slice %arg9[%run_scoped3A, %dma_wait3A_150, %dma_wait3A_151] : memref<4x128x64xf32, #tpu.memory_space<vmem>> -> memref<1x128x64xf32, #tpu.memory_space<vmem>>
      %dma_wait3A_153 = tpu.memref_squeeze %dma_wait3A_152 : memref<1x128x64xf32, #tpu.memory_space<vmem>> -> memref<128x64xf32, #tpu.memory_space<vmem>>
      %dma_wait3A_154 = arith.constant 0 : i32
      %dma_wait3A_155 = tpu.memref_slice %arg8[%run_scoped3A_75, %dma_wait3A_154] : memref<40x128xi32, #tpu.memory_space<vmem>> -> memref<1x128xi32, #tpu.memory_space<vmem>>
      %dma_wait3A_156 = tpu.memref_squeeze %dma_wait3A_155 : memref<1x128xi32, #tpu.memory_space<vmem>> -> memref<128xi32, #tpu.memory_space<vmem>>
      %dma_wait3A_157 = arith.constant 0 : i32
      %dma_wait3A_158 = arith.constant 0 : i32
      %dma_wait3A_159 = tpu.memref_slice %arg11[%dma_wait3A_157, %dma_wait3A_158] : memref<10240x64xf32, #tpu.memory_space<vmem_shared>> -> memref<10240x64xf32, #tpu.memory_space<vmem_shared>>
      tpu.wait_indirect_dma semaphore(%run_scoped3A_139 : memref<!tpu.dma_semaphore, #tpu.memory_space<semaphore_mem>>) src(%dma_wait3A_153 : memref<128x64xf32, #tpu.memory_space<vmem>>) dst(%dma_wait3A_159 : memref<10240x64xf32, #tpu.memory_space<vmem_shared>>)
      tpu.yield
    }) : () -> ()
    %dma_wait3A_76 = arith.constant 37 : i32
    %dma_wait3A_77 = arith.constant 1 : i32
    %dma_wait3A_78 = arith.constant 0 : i32
    %dma_wait3A_79 = arith.constant 0 : i32
    %dma_wait3A_80 = tpu.memref_slice %arg9[%dma_wait3A_77, %dma_wait3A_78, %dma_wait3A_79] : memref<4x128x64xf32, #tpu.memory_space<vmem>> -> memref<1x128x64xf32, #tpu.memory_space<vmem>>
    %dma_wait3A_81 = tpu.memref_squeeze %dma_wait3A_80 : memref<1x128x64xf32, #tpu.memory_space<vmem>> -> memref<128x64xf32, #tpu.memory_space<vmem>>
    %dma_wait3A_82 = arith.constant 0 : i32
    %dma_wait3A_83 = tpu.memref_slice %arg7[%dma_wait3A_76, %dma_wait3A_82] : memref<40x128xi32, #tpu.memory_space<vmem>> -> memref<1x128xi32, #tpu.memory_space<vmem>>
    %dma_wait3A_84 = tpu.memref_squeeze %dma_wait3A_83 : memref<1x128xi32, #tpu.memory_space<vmem>> -> memref<128xi32, #tpu.memory_space<vmem>>
    %dma_wait3A_85 = arith.constant 0 : i32
    %dma_wait3A_86 = arith.constant 0 : i32
    %dma_wait3A_87 = tpu.memref_slice %arg2[%dma_wait3A_85, %dma_wait3A_86] : memref<10240x64xf32, #tpu.memory_space<hbm>> -> memref<10240x64xf32, #tpu.memory_space<hbm>>
    tpu.wait_indirect_dma semaphore(%arg13 : memref<!tpu.dma_semaphore, #tpu.memory_space<semaphore_mem>>) src(%dma_wait3A_87 : memref<10240x64xf32, #tpu.memory_space<hbm>>) dst(%dma_wait3A_81 : memref<128x64xf32, #tpu.memory_space<vmem>>)
    %run_scoped3A_88 = arith.constant 1 : i32
    %run_scoped3A_89 = arith.constant 37 : i32
    "tpu.region"() ({
      %run_scoped3A_139 = tpu.sem_alloc : memref<!tpu.dma_semaphore, #tpu.memory_space<semaphore_mem>>
      %dma_start3A_140 = arith.constant 0 : i32
      %dma_start3A_141 = arith.constant 0 : i32
      %dma_start3A_142 = tpu.memref_slice %arg9[%run_scoped3A_88, %dma_start3A_140, %dma_start3A_141] : memref<4x128x64xf32, #tpu.memory_space<vmem>> -> memref<1x128x64xf32, #tpu.memory_space<vmem>>
      %dma_start3A_143 = tpu.memref_squeeze %dma_start3A_142 : memref<1x128x64xf32, #tpu.memory_space<vmem>> -> memref<128x64xf32, #tpu.memory_space<vmem>>
      %dma_start3A_144 = arith.constant 0 : i32
      %dma_start3A_145 = tpu.memref_slice %arg8[%run_scoped3A_89, %dma_start3A_144] : memref<40x128xi32, #tpu.memory_space<vmem>> -> memref<1x128xi32, #tpu.memory_space<vmem>>
      %dma_start3A_146 = tpu.memref_squeeze %dma_start3A_145 : memref<1x128xi32, #tpu.memory_space<vmem>> -> memref<128xi32, #tpu.memory_space<vmem>>
      %dma_start3A_147 = arith.constant 0 : i32
      %dma_start3A_148 = arith.constant 0 : i32
      %dma_start3A_149 = tpu.memref_slice %arg11[%dma_start3A_147, %dma_start3A_148] : memref<10240x64xf32, #tpu.memory_space<vmem_shared>> -> memref<10240x64xf32, #tpu.memory_space<vmem_shared>>
      tpu.enqueue_indirect_dma source(%dma_start3A_143 : memref<128x64xf32, #tpu.memory_space<vmem>>) target(%dma_start3A_149 : memref<10240x64xf32, #tpu.memory_space<vmem_shared>>) offsets(%dma_start3A_146 : memref<128xi32, #tpu.memory_space<vmem>>) semaphore(%run_scoped3A_139 : memref<!tpu.dma_semaphore, #tpu.memory_space<semaphore_mem>>) {add = true}
      %dma_wait3A_150 = arith.constant 0 : i32
      %dma_wait3A_151 = arith.constant 0 : i32
      %dma_wait3A_152 = tpu.memref_slice %arg9[%run_scoped3A_88, %dma_wait3A_150, %dma_wait3A_151] : memref<4x128x64xf32, #tpu.memory_space<vmem>> -> memref<1x128x64xf32, #tpu.memory_space<vmem>>
      %dma_wait3A_153 = tpu.memref_squeeze %dma_wait3A_152 : memref<1x128x64xf32, #tpu.memory_space<vmem>> -> memref<128x64xf32, #tpu.memory_space<vmem>>
      %dma_wait3A_154 = arith.constant 0 : i32
      %dma_wait3A_155 = tpu.memref_slice %arg8[%run_scoped3A_89, %dma_wait3A_154] : memref<40x128xi32, #tpu.memory_space<vmem>> -> memref<1x128xi32, #tpu.memory_space<vmem>>
      %dma_wait3A_156 = tpu.memref_squeeze %dma_wait3A_155 : memref<1x128xi32, #tpu.memory_space<vmem>> -> memref<128xi32, #tpu.memory_space<vmem>>
      %dma_wait3A_157 = arith.constant 0 : i32
      %dma_wait3A_158 = arith.constant 0 : i32
      %dma_wait3A_159 = tpu.memref_slice %arg11[%dma_wait3A_157, %dma_wait3A_158] : memref<10240x64xf32, #tpu.memory_space<vmem_shared>> -> memref<10240x64xf32, #tpu.memory_space<vmem_shared>>
      tpu.wait_indirect_dma semaphore(%run_scoped3A_139 : memref<!tpu.dma_semaphore, #tpu.memory_space<semaphore_mem>>) src(%dma_wait3A_153 : memref<128x64xf32, #tpu.memory_space<vmem>>) dst(%dma_wait3A_159 : memref<10240x64xf32, #tpu.memory_space<vmem_shared>>)
      tpu.yield
    }) : () -> ()
    %dma_wait3A_90 = arith.constant 38 : i32
    %dma_wait3A_91 = arith.constant 2 : i32
    %dma_wait3A_92 = arith.constant 0 : i32
    %dma_wait3A_93 = arith.constant 0 : i32
    %dma_wait3A_94 = tpu.memref_slice %arg9[%dma_wait3A_91, %dma_wait3A_92, %dma_wait3A_93] : memref<4x128x64xf32, #tpu.memory_space<vmem>> -> memref<1x128x64xf32, #tpu.memory_space<vmem>>
    %dma_wait3A_95 = tpu.memref_squeeze %dma_wait3A_94 : memref<1x128x64xf32, #tpu.memory_space<vmem>> -> memref<128x64xf32, #tpu.memory_space<vmem>>
    %dma_wait3A_96 = arith.constant 0 : i32
    %dma_wait3A_97 = tpu.memref_slice %arg7[%dma_wait3A_90, %dma_wait3A_96] : memref<40x128xi32, #tpu.memory_space<vmem>> -> memref<1x128xi32, #tpu.memory_space<vmem>>
    %dma_wait3A_98 = tpu.memref_squeeze %dma_wait3A_97 : memref<1x128xi32, #tpu.memory_space<vmem>> -> memref<128xi32, #tpu.memory_space<vmem>>
    %dma_wait3A_99 = arith.constant 0 : i32
    %dma_wait3A_100 = arith.constant 0 : i32
    %dma_wait3A_101 = tpu.memref_slice %arg2[%dma_wait3A_99, %dma_wait3A_100] : memref<10240x64xf32, #tpu.memory_space<hbm>> -> memref<10240x64xf32, #tpu.memory_space<hbm>>
    tpu.wait_indirect_dma semaphore(%arg14 : memref<!tpu.dma_semaphore, #tpu.memory_space<semaphore_mem>>) src(%dma_wait3A_101 : memref<10240x64xf32, #tpu.memory_space<hbm>>) dst(%dma_wait3A_95 : memref<128x64xf32, #tpu.memory_space<vmem>>)
    %run_scoped3A_102 = arith.constant 2 : i32
    %run_scoped3A_103 = arith.constant 38 : i32
    "tpu.region"() ({
      %run_scoped3A_139 = tpu.sem_alloc : memref<!tpu.dma_semaphore, #tpu.memory_space<semaphore_mem>>
      %dma_start3A_140 = arith.constant 0 : i32
      %dma_start3A_141 = arith.constant 0 : i32
      %dma_start3A_142 = tpu.memref_slice %arg9[%run_scoped3A_102, %dma_start3A_140, %dma_start3A_141] : memref<4x128x64xf32, #tpu.memory_space<vmem>> -> memref<1x128x64xf32, #tpu.memory_space<vmem>>
      %dma_start3A_143 = tpu.memref_squeeze %dma_start3A_142 : memref<1x128x64xf32, #tpu.memory_space<vmem>> -> memref<128x64xf32, #tpu.memory_space<vmem>>
      %dma_start3A_144 = arith.constant 0 : i32
      %dma_start3A_145 = tpu.memref_slice %arg8[%run_scoped3A_103, %dma_start3A_144] : memref<40x128xi32, #tpu.memory_space<vmem>> -> memref<1x128xi32, #tpu.memory_space<vmem>>
      %dma_start3A_146 = tpu.memref_squeeze %dma_start3A_145 : memref<1x128xi32, #tpu.memory_space<vmem>> -> memref<128xi32, #tpu.memory_space<vmem>>
      %dma_start3A_147 = arith.constant 0 : i32
      %dma_start3A_148 = arith.constant 0 : i32
      %dma_start3A_149 = tpu.memref_slice %arg11[%dma_start3A_147, %dma_start3A_148] : memref<10240x64xf32, #tpu.memory_space<vmem_shared>> -> memref<10240x64xf32, #tpu.memory_space<vmem_shared>>
      tpu.enqueue_indirect_dma source(%dma_start3A_143 : memref<128x64xf32, #tpu.memory_space<vmem>>) target(%dma_start3A_149 : memref<10240x64xf32, #tpu.memory_space<vmem_shared>>) offsets(%dma_start3A_146 : memref<128xi32, #tpu.memory_space<vmem>>) semaphore(%run_scoped3A_139 : memref<!tpu.dma_semaphore, #tpu.memory_space<semaphore_mem>>) {add = true}
      %dma_wait3A_150 = arith.constant 0 : i32
      %dma_wait3A_151 = arith.constant 0 : i32
      %dma_wait3A_152 = tpu.memref_slice %arg9[%run_scoped3A_102, %dma_wait3A_150, %dma_wait3A_151] : memref<4x128x64xf32, #tpu.memory_space<vmem>> -> memref<1x128x64xf32, #tpu.memory_space<vmem>>
      %dma_wait3A_153 = tpu.memref_squeeze %dma_wait3A_152 : memref<1x128x64xf32, #tpu.memory_space<vmem>> -> memref<128x64xf32, #tpu.memory_space<vmem>>
      %dma_wait3A_154 = arith.constant 0 : i32
      %dma_wait3A_155 = tpu.memref_slice %arg8[%run_scoped3A_103, %dma_wait3A_154] : memref<40x128xi32, #tpu.memory_space<vmem>> -> memref<1x128xi32, #tpu.memory_space<vmem>>
      %dma_wait3A_156 = tpu.memref_squeeze %dma_wait3A_155 : memref<1x128xi32, #tpu.memory_space<vmem>> -> memref<128xi32, #tpu.memory_space<vmem>>
      %dma_wait3A_157 = arith.constant 0 : i32
      %dma_wait3A_158 = arith.constant 0 : i32
      %dma_wait3A_159 = tpu.memref_slice %arg11[%dma_wait3A_157, %dma_wait3A_158] : memref<10240x64xf32, #tpu.memory_space<vmem_shared>> -> memref<10240x64xf32, #tpu.memory_space<vmem_shared>>
      tpu.wait_indirect_dma semaphore(%run_scoped3A_139 : memref<!tpu.dma_semaphore, #tpu.memory_space<semaphore_mem>>) src(%dma_wait3A_153 : memref<128x64xf32, #tpu.memory_space<vmem>>) dst(%dma_wait3A_159 : memref<10240x64xf32, #tpu.memory_space<vmem_shared>>)
      tpu.yield
    }) : () -> ()
    %dma_wait3A_104 = arith.constant 39 : i32
    %dma_wait3A_105 = arith.constant 3 : i32
    %dma_wait3A_106 = arith.constant 0 : i32
    %dma_wait3A_107 = arith.constant 0 : i32
    %dma_wait3A_108 = tpu.memref_slice %arg9[%dma_wait3A_105, %dma_wait3A_106, %dma_wait3A_107] : memref<4x128x64xf32, #tpu.memory_space<vmem>> -> memref<1x128x64xf32, #tpu.memory_space<vmem>>
    %dma_wait3A_109 = tpu.memref_squeeze %dma_wait3A_108 : memref<1x128x64xf32, #tpu.memory_space<vmem>> -> memref<128x64xf32, #tpu.memory_space<vmem>>
    %dma_wait3A_110 = arith.constant 0 : i32
    %dma_wait3A_111 = tpu.memref_slice %arg7[%dma_wait3A_104, %dma_wait3A_110] : memref<40x128xi32, #tpu.memory_space<vmem>> -> memref<1x128xi32, #tpu.memory_space<vmem>>
    %dma_wait3A_112 = tpu.memref_squeeze %dma_wait3A_111 : memref<1x128xi32, #tpu.memory_space<vmem>> -> memref<128xi32, #tpu.memory_space<vmem>>
    %dma_wait3A_113 = arith.constant 0 : i32
    %dma_wait3A_114 = arith.constant 0 : i32
    %dma_wait3A_115 = tpu.memref_slice %arg2[%dma_wait3A_113, %dma_wait3A_114] : memref<10240x64xf32, #tpu.memory_space<hbm>> -> memref<10240x64xf32, #tpu.memory_space<hbm>>
    tpu.wait_indirect_dma semaphore(%arg15 : memref<!tpu.dma_semaphore, #tpu.memory_space<semaphore_mem>>) src(%dma_wait3A_115 : memref<10240x64xf32, #tpu.memory_space<hbm>>) dst(%dma_wait3A_109 : memref<128x64xf32, #tpu.memory_space<vmem>>)
    %run_scoped3A_116 = arith.constant 3 : i32
    %run_scoped3A_117 = arith.constant 39 : i32
    "tpu.region"() ({
      %run_scoped3A_139 = tpu.sem_alloc : memref<!tpu.dma_semaphore, #tpu.memory_space<semaphore_mem>>
      %dma_start3A_140 = arith.constant 0 : i32
      %dma_start3A_141 = arith.constant 0 : i32
      %dma_start3A_142 = tpu.memref_slice %arg9[%run_scoped3A_116, %dma_start3A_140, %dma_start3A_141] : memref<4x128x64xf32, #tpu.memory_space<vmem>> -> memref<1x128x64xf32, #tpu.memory_space<vmem>>
      %dma_start3A_143 = tpu.memref_squeeze %dma_start3A_142 : memref<1x128x64xf32, #tpu.memory_space<vmem>> -> memref<128x64xf32, #tpu.memory_space<vmem>>
      %dma_start3A_144 = arith.constant 0 : i32
      %dma_start3A_145 = tpu.memref_slice %arg8[%run_scoped3A_117, %dma_start3A_144] : memref<40x128xi32, #tpu.memory_space<vmem>> -> memref<1x128xi32, #tpu.memory_space<vmem>>
      %dma_start3A_146 = tpu.memref_squeeze %dma_start3A_145 : memref<1x128xi32, #tpu.memory_space<vmem>> -> memref<128xi32, #tpu.memory_space<vmem>>
      %dma_start3A_147 = arith.constant 0 : i32
      %dma_start3A_148 = arith.constant 0 : i32
      %dma_start3A_149 = tpu.memref_slice %arg11[%dma_start3A_147, %dma_start3A_148] : memref<10240x64xf32, #tpu.memory_space<vmem_shared>> -> memref<10240x64xf32, #tpu.memory_space<vmem_shared>>
      tpu.enqueue_indirect_dma source(%dma_start3A_143 : memref<128x64xf32, #tpu.memory_space<vmem>>) target(%dma_start3A_149 : memref<10240x64xf32, #tpu.memory_space<vmem_shared>>) offsets(%dma_start3A_146 : memref<128xi32, #tpu.memory_space<vmem>>) semaphore(%run_scoped3A_139 : memref<!tpu.dma_semaphore, #tpu.memory_space<semaphore_mem>>) {add = true}
      %dma_wait3A_150 = arith.constant 0 : i32
      %dma_wait3A_151 = arith.constant 0 : i32
      %dma_wait3A_152 = tpu.memref_slice %arg9[%run_scoped3A_116, %dma_wait3A_150, %dma_wait3A_151] : memref<4x128x64xf32, #tpu.memory_space<vmem>> -> memref<1x128x64xf32, #tpu.memory_space<vmem>>
      %dma_wait3A_153 = tpu.memref_squeeze %dma_wait3A_152 : memref<1x128x64xf32, #tpu.memory_space<vmem>> -> memref<128x64xf32, #tpu.memory_space<vmem>>
      %dma_wait3A_154 = arith.constant 0 : i32
      %dma_wait3A_155 = tpu.memref_slice %arg8[%run_scoped3A_117, %dma_wait3A_154] : memref<40x128xi32, #tpu.memory_space<vmem>> -> memref<1x128xi32, #tpu.memory_space<vmem>>
      %dma_wait3A_156 = tpu.memref_squeeze %dma_wait3A_155 : memref<1x128xi32, #tpu.memory_space<vmem>> -> memref<128xi32, #tpu.memory_space<vmem>>
      %dma_wait3A_157 = arith.constant 0 : i32
      %dma_wait3A_158 = arith.constant 0 : i32
      %dma_wait3A_159 = tpu.memref_slice %arg11[%dma_wait3A_157, %dma_wait3A_158] : memref<10240x64xf32, #tpu.memory_space<vmem_shared>> -> memref<10240x64xf32, #tpu.memory_space<vmem_shared>>
      tpu.wait_indirect_dma semaphore(%run_scoped3A_139 : memref<!tpu.dma_semaphore, #tpu.memory_space<semaphore_mem>>) src(%dma_wait3A_153 : memref<128x64xf32, #tpu.memory_space<vmem>>) dst(%dma_wait3A_159 : memref<10240x64xf32, #tpu.memory_space<vmem_shared>>)
      tpu.yield
    }) : () -> ()
    %barrier3A_118 = arith.constant 0 : index
    tpu.barrier barrier_id(%barrier3A_118)
    %add3A_119 = arith.constant 0 : i32
    %add3A_120 = arith.addi %mul3A_2, %add3A_119 : i32
    "tpu.region"() ({
      %run_scoped3A_139 = tpu.sem_alloc : memref<!tpu.dma_semaphore, #tpu.memory_space<semaphore_mem>>
      %dma_start3A_140 = arith.constant 0 : i32
      %dma_start3A_141 = tpu.memref_slice %arg11[%add3A_120, %dma_start3A_140] : memref<10240x64xf32, #tpu.memory_space<vmem_shared>> -> memref<128x64xf32, #tpu.memory_space<vmem_shared>>
      %dma_start3A_142 = arith.constant 0 : i32
      %dma_start3A_143 = tpu.memref_slice %arg11[%add3A_120, %dma_start3A_142] : memref<10240x64xf32, #tpu.memory_space<vmem_shared>> -> memref<128x64xf32, #tpu.memory_space<vmem_shared>>
      tpu.enqueue_dma source(%dma_start3A_143 : memref<128x64xf32, #tpu.memory_space<vmem_shared>>) target(%arg10 : memref<128x64xf32, #tpu.memory_space<vmem>>) target_semaphore(%run_scoped3A_139 : memref<!tpu.dma_semaphore, #tpu.memory_space<semaphore_mem>>)
      %dma_wait3A_144 = arith.constant 0 : i32
      %dma_wait3A_145 = tpu.memref_slice %arg11[%add3A_120, %dma_wait3A_144] : memref<10240x64xf32, #tpu.memory_space<vmem_shared>> -> memref<128x64xf32, #tpu.memory_space<vmem_shared>>
      %dma_wait3A_146 = arith.constant 0 : i32
      %dma_wait3A_147 = tpu.memref_slice %arg11[%add3A_120, %dma_wait3A_146] : memref<10240x64xf32, #tpu.memory_space<vmem_shared>> -> memref<128x64xf32, #tpu.memory_space<vmem_shared>>
      tpu.wait_dma2 semaphore(%run_scoped3A_139 : memref<!tpu.dma_semaphore, #tpu.memory_space<semaphore_mem>>) src(%dma_wait3A_147 : memref<128x64xf32, #tpu.memory_space<vmem_shared>>) dst(%arg10 : memref<128x64xf32, #tpu.memory_space<vmem>>)
      tpu.yield
    }) : () -> ()
    %add3A_121 = arith.constant 0 : i32
    %add3A_122 = arith.addi %mul3A_2, %add3A_121 : i32
    "tpu.region"() ({
      %run_scoped3A_139 = tpu.sem_alloc : memref<!tpu.dma_semaphore, #tpu.memory_space<semaphore_mem>>
      %dma_start3A_140 = arith.constant 0 : i32
      %dma_start3A_141 = tpu.memref_slice %arg6[%arg0, %add3A_122, %dma_start3A_140] : memref<2x10240x64xf32, #tpu.memory_space<hbm>> -> memref<1x128x64xf32, #tpu.memory_space<hbm>>
      %dma_start3A_142 = tpu.memref_squeeze %dma_start3A_141 : memref<1x128x64xf32, #tpu.memory_space<hbm>> -> memref<128x64xf32, #tpu.memory_space<hbm>>
      %dma_start3A_143 = arith.constant 0 : i32
      %dma_start3A_144 = tpu.memref_slice %arg6[%arg0, %add3A_122, %dma_start3A_143] : memref<2x10240x64xf32, #tpu.memory_space<hbm>> -> memref<1x128x64xf32, #tpu.memory_space<hbm>>
      %dma_start3A_145 = tpu.memref_squeeze %dma_start3A_144 : memref<1x128x64xf32, #tpu.memory_space<hbm>> -> memref<128x64xf32, #tpu.memory_space<hbm>>
      tpu.enqueue_dma source(%arg10 : memref<128x64xf32, #tpu.memory_space<vmem>>) target(%dma_start3A_145 : memref<128x64xf32, #tpu.memory_space<hbm>>) target_semaphore(%run_scoped3A_139 : memref<!tpu.dma_semaphore, #tpu.memory_space<semaphore_mem>>)
      %dma_wait3A_146 = arith.constant 0 : i32
      %dma_wait3A_147 = tpu.memref_slice %arg6[%arg0, %add3A_122, %dma_wait3A_146] : memref<2x10240x64xf32, #tpu.memory_space<hbm>> -> memref<1x128x64xf32, #tpu.memory_space<hbm>>
      %dma_wait3A_148 = tpu.memref_squeeze %dma_wait3A_147 : memref<1x128x64xf32, #tpu.memory_space<hbm>> -> memref<128x64xf32, #tpu.memory_space<hbm>>
      %dma_wait3A_149 = arith.constant 0 : i32
      %dma_wait3A_150 = tpu.memref_slice %arg6[%arg0, %add3A_122, %dma_wait3A_149] : memref<2x10240x64xf32, #tpu.memory_space<hbm>> -> memref<1x128x64xf32, #tpu.memory_space<hbm>>
      %dma_wait3A_151 = tpu.memref_squeeze %dma_wait3A_150 : memref<1x128x64xf32, #tpu.memory_space<hbm>> -> memref<128x64xf32, #tpu.memory_space<hbm>>
      tpu.wait_dma2 semaphore(%run_scoped3A_139 : memref<!tpu.dma_semaphore, #tpu.memory_space<semaphore_mem>>) src(%arg10 : memref<128x64xf32, #tpu.memory_space<vmem>>) dst(%dma_wait3A_151 : memref<128x64xf32, #tpu.memory_space<hbm>>)
      tpu.yield
    }) : () -> ()
    %add3A_123 = arith.constant 128 : i32
    %add3A_124 = arith.addi %mul3A_2, %add3A_123 : i32
    "tpu.region"() ({
      %run_scoped3A_139 = tpu.sem_alloc : memref<!tpu.dma_semaphore, #tpu.memory_space<semaphore_mem>>
      %dma_start3A_140 = arith.constant 0 : i32
      %dma_start3A_141 = tpu.memref_slice %arg11[%add3A_124, %dma_start3A_140] : memref<10240x64xf32, #tpu.memory_space<vmem_shared>> -> memref<128x64xf32, #tpu.memory_space<vmem_shared>>
      %dma_start3A_142 = arith.constant 0 : i32
      %dma_start3A_143 = tpu.memref_slice %arg11[%add3A_124, %dma_start3A_142] : memref<10240x64xf32, #tpu.memory_space<vmem_shared>> -> memref<128x64xf32, #tpu.memory_space<vmem_shared>>
      tpu.enqueue_dma source(%dma_start3A_143 : memref<128x64xf32, #tpu.memory_space<vmem_shared>>) target(%arg10 : memref<128x64xf32, #tpu.memory_space<vmem>>) target_semaphore(%run_scoped3A_139 : memref<!tpu.dma_semaphore, #tpu.memory_space<semaphore_mem>>)
      %dma_wait3A_144 = arith.constant 0 : i32
      %dma_wait3A_145 = tpu.memref_slice %arg11[%add3A_124, %dma_wait3A_144] : memref<10240x64xf32, #tpu.memory_space<vmem_shared>> -> memref<128x64xf32, #tpu.memory_space<vmem_shared>>
      %dma_wait3A_146 = arith.constant 0 : i32
      %dma_wait3A_147 = tpu.memref_slice %arg11[%add3A_124, %dma_wait3A_146] : memref<10240x64xf32, #tpu.memory_space<vmem_shared>> -> memref<128x64xf32, #tpu.memory_space<vmem_shared>>
      tpu.wait_dma2 semaphore(%run_scoped3A_139 : memref<!tpu.dma_semaphore, #tpu.memory_space<semaphore_mem>>) src(%dma_wait3A_147 : memref<128x64xf32, #tpu.memory_space<vmem_shared>>) dst(%arg10 : memref<128x64xf32, #tpu.memory_space<vmem>>)
      tpu.yield
    }) : () -> ()
    %add3A_125 = arith.constant 128 : i32
    %add3A_126 = arith.addi %mul3A_2, %add3A_125 : i32
    "tpu.region"() ({
      %run_scoped3A_139 = tpu.sem_alloc : memref<!tpu.dma_semaphore, #tpu.memory_space<semaphore_mem>>
      %dma_start3A_140 = arith.constant 0 : i32
      %dma_start3A_141 = tpu.memref_slice %arg6[%arg0, %add3A_126, %dma_start3A_140] : memref<2x10240x64xf32, #tpu.memory_space<hbm>> -> memref<1x128x64xf32, #tpu.memory_space<hbm>>
      %dma_start3A_142 = tpu.memref_squeeze %dma_start3A_141 : memref<1x128x64xf32, #tpu.memory_space<hbm>> -> memref<128x64xf32, #tpu.memory_space<hbm>>
      %dma_start3A_143 = arith.constant 0 : i32
      %dma_start3A_144 = tpu.memref_slice %arg6[%arg0, %add3A_126, %dma_start3A_143] : memref<2x10240x64xf32, #tpu.memory_space<hbm>> -> memref<1x128x64xf32, #tpu.memory_space<hbm>>
      %dma_start3A_145 = tpu.memref_squeeze %dma_start3A_144 : memref<1x128x64xf32, #tpu.memory_space<hbm>> -> memref<128x64xf32, #tpu.memory_space<hbm>>
      tpu.enqueue_dma source(%arg10 : memref<128x64xf32, #tpu.memory_space<vmem>>) target(%dma_start3A_145 : memref<128x64xf32, #tpu.memory_space<hbm>>) target_semaphore(%run_scoped3A_139 : memref<!tpu.dma_semaphore, #tpu.memory_space<semaphore_mem>>)
      %dma_wait3A_146 = arith.constant 0 : i32
      %dma_wait3A_147 = tpu.memref_slice %arg6[%arg0, %add3A_126, %dma_wait3A_146] : memref<2x10240x64xf32, #tpu.memory_space<hbm>> -> memref<1x128x64xf32, #tpu.memory_space<hbm>>
      %dma_wait3A_148 = tpu.memref_squeeze %dma_wait3A_147 : memref<1x128x64xf32, #tpu.memory_space<hbm>> -> memref<128x64xf32, #tpu.memory_space<hbm>>
      %dma_wait3A_149 = arith.constant 0 : i32
      %dma_wait3A_150 = tpu.memref_slice %arg6[%arg0, %add3A_126, %dma_wait3A_149] : memref<2x10240x64xf32, #tpu.memory_space<hbm>> -> memref<1x128x64xf32, #tpu.memory_space<hbm>>
      %dma_wait3A_151 = tpu.memref_squeeze %dma_wait3A_150 : memref<1x128x64xf32, #tpu.memory_space<hbm>> -> memref<128x64xf32, #tpu.memory_space<hbm>>
      tpu.wait_dma2 semaphore(%run_scoped3A_139 : memref<!tpu.dma_semaphore, #tpu.memory_space<semaphore_mem>>) src(%arg10 : memref<128x64xf32, #tpu.memory_space<vmem>>) dst(%dma_wait3A_151 : memref<128x64xf32, #tpu.memory_space<hbm>>)
      tpu.yield
    }) : () -> ()
    %add3A_127 = arith.constant 256 : i32
    %add3A_128 = arith.addi %mul3A_2, %add3A_127 : i32
    "tpu.region"() ({
      %run_scoped3A_139 = tpu.sem_alloc : memref<!tpu.dma_semaphore, #tpu.memory_space<semaphore_mem>>
      %dma_start3A_140 = arith.constant 0 : i32
      %dma_start3A_141 = tpu.memref_slice %arg11[%add3A_128, %dma_start3A_140] : memref<10240x64xf32, #tpu.memory_space<vmem_shared>> -> memref<128x64xf32, #tpu.memory_space<vmem_shared>>
      %dma_start3A_142 = arith.constant 0 : i32
      %dma_start3A_143 = tpu.memref_slice %arg11[%add3A_128, %dma_start3A_142] : memref<10240x64xf32, #tpu.memory_space<vmem_shared>> -> memref<128x64xf32, #tpu.memory_space<vmem_shared>>
      tpu.enqueue_dma source(%dma_start3A_143 : memref<128x64xf32, #tpu.memory_space<vmem_shared>>) target(%arg10 : memref<128x64xf32, #tpu.memory_space<vmem>>) target_semaphore(%run_scoped3A_139 : memref<!tpu.dma_semaphore, #tpu.memory_space<semaphore_mem>>)
      %dma_wait3A_144 = arith.constant 0 : i32
      %dma_wait3A_145 = tpu.memref_slice %arg11[%add3A_128, %dma_wait3A_144] : memref<10240x64xf32, #tpu.memory_space<vmem_shared>> -> memref<128x64xf32, #tpu.memory_space<vmem_shared>>
      %dma_wait3A_146 = arith.constant 0 : i32
      %dma_wait3A_147 = tpu.memref_slice %arg11[%add3A_128, %dma_wait3A_146] : memref<10240x64xf32, #tpu.memory_space<vmem_shared>> -> memref<128x64xf32, #tpu.memory_space<vmem_shared>>
      tpu.wait_dma2 semaphore(%run_scoped3A_139 : memref<!tpu.dma_semaphore, #tpu.memory_space<semaphore_mem>>) src(%dma_wait3A_147 : memref<128x64xf32, #tpu.memory_space<vmem_shared>>) dst(%arg10 : memref<128x64xf32, #tpu.memory_space<vmem>>)
      tpu.yield
    }) : () -> ()
    %add3A_129 = arith.constant 256 : i32
    %add3A_130 = arith.addi %mul3A_2, %add3A_129 : i32
    "tpu.region"() ({
      %run_scoped3A_139 = tpu.sem_alloc : memref<!tpu.dma_semaphore, #tpu.memory_space<semaphore_mem>>
      %dma_start3A_140 = arith.constant 0 : i32
      %dma_start3A_141 = tpu.memref_slice %arg6[%arg0, %add3A_130, %dma_start3A_140] : memref<2x10240x64xf32, #tpu.memory_space<hbm>> -> memref<1x128x64xf32, #tpu.memory_space<hbm>>
      %dma_start3A_142 = tpu.memref_squeeze %dma_start3A_141 : memref<1x128x64xf32, #tpu.memory_space<hbm>> -> memref<128x64xf32, #tpu.memory_space<hbm>>
      %dma_start3A_143 = arith.constant 0 : i32
      %dma_start3A_144 = tpu.memref_slice %arg6[%arg0, %add3A_130, %dma_start3A_143] : memref<2x10240x64xf32, #tpu.memory_space<hbm>> -> memref<1x128x64xf32, #tpu.memory_space<hbm>>
      %dma_start3A_145 = tpu.memref_squeeze %dma_start3A_144 : memref<1x128x64xf32, #tpu.memory_space<hbm>> -> memref<128x64xf32, #tpu.memory_space<hbm>>
      tpu.enqueue_dma source(%arg10 : memref<128x64xf32, #tpu.memory_space<vmem>>) target(%dma_start3A_145 : memref<128x64xf32, #tpu.memory_space<hbm>>) target_semaphore(%run_scoped3A_139 : memref<!tpu.dma_semaphore, #tpu.memory_space<semaphore_mem>>)
      %dma_wait3A_146 = arith.constant 0 : i32
      %dma_wait3A_147 = tpu.memref_slice %arg6[%arg0, %add3A_130, %dma_wait3A_146] : memref<2x10240x64xf32, #tpu.memory_space<hbm>> -> memref<1x128x64xf32, #tpu.memory_space<hbm>>
      %dma_wait3A_148 = tpu.memref_squeeze %dma_wait3A_147 : memref<1x128x64xf32, #tpu.memory_space<hbm>> -> memref<128x64xf32, #tpu.memory_space<hbm>>
      %dma_wait3A_149 = arith.constant 0 : i32
      %dma_wait3A_150 = tpu.memref_slice %arg6[%arg0, %add3A_130, %dma_wait3A_149] : memref<2x10240x64xf32, #tpu.memory_space<hbm>> -> memref<1x128x64xf32, #tpu.memory_space<hbm>>
      %dma_wait3A_151 = tpu.memref_squeeze %dma_wait3A_150 : memref<1x128x64xf32, #tpu.memory_space<hbm>> -> memref<128x64xf32, #tpu.memory_space<hbm>>
      tpu.wait_dma2 semaphore(%run_scoped3A_139 : memref<!tpu.dma_semaphore, #tpu.memory_space<semaphore_mem>>) src(%arg10 : memref<128x64xf32, #tpu.memory_space<vmem>>) dst(%dma_wait3A_151 : memref<128x64xf32, #tpu.memory_space<hbm>>)
      tpu.yield
    }) : () -> ()
    %add3A_131 = arith.constant 384 : i32
    %add3A_132 = arith.addi %mul3A_2, %add3A_131 : i32
    "tpu.region"() ({
      %run_scoped3A_139 = tpu.sem_alloc : memref<!tpu.dma_semaphore, #tpu.memory_space<semaphore_mem>>
      %dma_start3A_140 = arith.constant 0 : i32
      %dma_start3A_141 = tpu.memref_slice %arg11[%add3A_132, %dma_start3A_140] : memref<10240x64xf32, #tpu.memory_space<vmem_shared>> -> memref<128x64xf32, #tpu.memory_space<vmem_shared>>
      %dma_start3A_142 = arith.constant 0 : i32
      %dma_start3A_143 = tpu.memref_slice %arg11[%add3A_132, %dma_start3A_142] : memref<10240x64xf32, #tpu.memory_space<vmem_shared>> -> memref<128x64xf32, #tpu.memory_space<vmem_shared>>
      tpu.enqueue_dma source(%dma_start3A_143 : memref<128x64xf32, #tpu.memory_space<vmem_shared>>) target(%arg10 : memref<128x64xf32, #tpu.memory_space<vmem>>) target_semaphore(%run_scoped3A_139 : memref<!tpu.dma_semaphore, #tpu.memory_space<semaphore_mem>>)
      %dma_wait3A_144 = arith.constant 0 : i32
      %dma_wait3A_145 = tpu.memref_slice %arg11[%add3A_132, %dma_wait3A_144] : memref<10240x64xf32, #tpu.memory_space<vmem_shared>> -> memref<128x64xf32, #tpu.memory_space<vmem_shared>>
      %dma_wait3A_146 = arith.constant 0 : i32
      %dma_wait3A_147 = tpu.memref_slice %arg11[%add3A_132, %dma_wait3A_146] : memref<10240x64xf32, #tpu.memory_space<vmem_shared>> -> memref<128x64xf32, #tpu.memory_space<vmem_shared>>
      tpu.wait_dma2 semaphore(%run_scoped3A_139 : memref<!tpu.dma_semaphore, #tpu.memory_space<semaphore_mem>>) src(%dma_wait3A_147 : memref<128x64xf32, #tpu.memory_space<vmem_shared>>) dst(%arg10 : memref<128x64xf32, #tpu.memory_space<vmem>>)
      tpu.yield
    }) : () -> ()
    %add3A_133 = arith.constant 384 : i32
    %add3A_134 = arith.addi %mul3A_2, %add3A_133 : i32
    "tpu.region"() ({
      %run_scoped3A_139 = tpu.sem_alloc : memref<!tpu.dma_semaphore, #tpu.memory_space<semaphore_mem>>
      %dma_start3A_140 = arith.constant 0 : i32
      %dma_start3A_141 = tpu.memref_slice %arg6[%arg0, %add3A_134, %dma_start3A_140] : memref<2x10240x64xf32, #tpu.memory_space<hbm>> -> memref<1x128x64xf32, #tpu.memory_space<hbm>>
      %dma_start3A_142 = tpu.memref_squeeze %dma_start3A_141 : memref<1x128x64xf32, #tpu.memory_space<hbm>> -> memref<128x64xf32, #tpu.memory_space<hbm>>
      %dma_start3A_143 = arith.constant 0 : i32
      %dma_start3A_144 = tpu.memref_slice %arg6[%arg0, %add3A_134, %dma_start3A_143] : memref<2x10240x64xf32, #tpu.memory_space<hbm>> -> memref<1x128x64xf32, #tpu.memory_space<hbm>>
      %dma_start3A_145 = tpu.memref_squeeze %dma_start3A_144 : memref<1x128x64xf32, #tpu.memory_space<hbm>> -> memref<128x64xf32, #tpu.memory_space<hbm>>
      tpu.enqueue_dma source(%arg10 : memref<128x64xf32, #tpu.memory_space<vmem>>) target(%dma_start3A_145 : memref<128x64xf32, #tpu.memory_space<hbm>>) target_semaphore(%run_scoped3A_139 : memref<!tpu.dma_semaphore, #tpu.memory_space<semaphore_mem>>)
      %dma_wait3A_146 = arith.constant 0 : i32
      %dma_wait3A_147 = tpu.memref_slice %arg6[%arg0, %add3A_134, %dma_wait3A_146] : memref<2x10240x64xf32, #tpu.memory_space<hbm>> -> memref<1x128x64xf32, #tpu.memory_space<hbm>>
      %dma_wait3A_148 = tpu.memref_squeeze %dma_wait3A_147 : memref<1x128x64xf32, #tpu.memory_space<hbm>> -> memref<128x64xf32, #tpu.memory_space<hbm>>
      %dma_wait3A_149 = arith.constant 0 : i32
      %dma_wait3A_150 = tpu.memref_slice %arg6[%arg0, %add3A_134, %dma_wait3A_149] : memref<2x10240x64xf32, #tpu.memory_space<hbm>> -> memref<1x128x64xf32, #tpu.memory_space<hbm>>
      %dma_wait3A_151 = tpu.memref_squeeze %dma_wait3A_150 : memref<1x128x64xf32, #tpu.memory_space<hbm>> -> memref<128x64xf32, #tpu.memory_space<hbm>>
      tpu.wait_dma2 semaphore(%run_scoped3A_139 : memref<!tpu.dma_semaphore, #tpu.memory_space<semaphore_mem>>) src(%arg10 : memref<128x64xf32, #tpu.memory_space<vmem>>) dst(%dma_wait3A_151 : memref<128x64xf32, #tpu.memory_space<hbm>>)
      tpu.yield
    }) : () -> ()
    %add3A_135 = arith.constant 512 : i32
    %add3A_136 = arith.addi %mul3A_2, %add3A_135 : i32
    "tpu.region"() ({
      %run_scoped3A_139 = tpu.sem_alloc : memref<!tpu.dma_semaphore, #tpu.memory_space<semaphore_mem>>
      %dma_start3A_140 = arith.constant 0 : i32
      %dma_start3A_141 = tpu.memref_slice %arg11[%add3A_136, %dma_start3A_140] : memref<10240x64xf32, #tpu.memory_space<vmem_shared>> -> memref<128x64xf32, #tpu.memory_space<vmem_shared>>
      %dma_start3A_142 = arith.constant 0 : i32
      %dma_start3A_143 = tpu.memref_slice %arg11[%add3A_136, %dma_start3A_142] : memref<10240x64xf32, #tpu.memory_space<vmem_shared>> -> memref<128x64xf32, #tpu.memory_space<vmem_shared>>
      tpu.enqueue_dma source(%dma_start3A_143 : memref<128x64xf32, #tpu.memory_space<vmem_shared>>) target(%arg10 : memref<128x64xf32, #tpu.memory_space<vmem>>) target_semaphore(%run_scoped3A_139 : memref<!tpu.dma_semaphore, #tpu.memory_space<semaphore_mem>>)
      %dma_wait3A_144 = arith.constant 0 : i32
      %dma_wait3A_145 = tpu.memref_slice %arg11[%add3A_136, %dma_wait3A_144] : memref<10240x64xf32, #tpu.memory_space<vmem_shared>> -> memref<128x64xf32, #tpu.memory_space<vmem_shared>>
      %dma_wait3A_146 = arith.constant 0 : i32
      %dma_wait3A_147 = tpu.memref_slice %arg11[%add3A_136, %dma_wait3A_146] : memref<10240x64xf32, #tpu.memory_space<vmem_shared>> -> memref<128x64xf32, #tpu.memory_space<vmem_shared>>
      tpu.wait_dma2 semaphore(%run_scoped3A_139 : memref<!tpu.dma_semaphore, #tpu.memory_space<semaphore_mem>>) src(%dma_wait3A_147 : memref<128x64xf32, #tpu.memory_space<vmem_shared>>) dst(%arg10 : memref<128x64xf32, #tpu.memory_space<vmem>>)
      tpu.yield
    }) : () -> ()
    %add3A_137 = arith.constant 512 : i32
    %add3A_138 = arith.addi %mul3A_2, %add3A_137 : i32
    "tpu.region"() ({
      %run_scoped3A_139 = tpu.sem_alloc : memref<!tpu.dma_semaphore, #tpu.memory_space<semaphore_mem>>
      %dma_start3A_140 = arith.constant 0 : i32
      %dma_start3A_141 = tpu.memref_slice %arg6[%arg0, %add3A_138, %dma_start3A_140] : memref<2x10240x64xf32, #tpu.memory_space<hbm>> -> memref<1x128x64xf32, #tpu.memory_space<hbm>>
      %dma_start3A_142 = tpu.memref_squeeze %dma_start3A_141 : memref<1x128x64xf32, #tpu.memory_space<hbm>> -> memref<128x64xf32, #tpu.memory_space<hbm>>
      %dma_start3A_143 = arith.constant 0 : i32
      %dma_start3A_144 = tpu.memref_slice %arg6[%arg0, %add3A_138, %dma_start3A_143] : memref<2x10240x64xf32, #tpu.memory_space<hbm>> -> memref<1x128x64xf32, #tpu.memory_space<hbm>>
      %dma_start3A_145 = tpu.memref_squeeze %dma_start3A_144 : memref<1x128x64xf32, #tpu.memory_space<hbm>> -> memref<128x64xf32, #tpu.memory_space<hbm>>
      tpu.enqueue_dma source(%arg10 : memref<128x64xf32, #tpu.memory_space<vmem>>) target(%dma_start3A_145 : memref<128x64xf32, #tpu.memory_space<hbm>>) target_semaphore(%run_scoped3A_139 : memref<!tpu.dma_semaphore, #tpu.memory_space<semaphore_mem>>)
      %dma_wait3A_146 = arith.constant 0 : i32
      %dma_wait3A_147 = tpu.memref_slice %arg6[%arg0, %add3A_138, %dma_wait3A_146] : memref<2x10240x64xf32, #tpu.memory_space<hbm>> -> memref<1x128x64xf32, #tpu.memory_space<hbm>>
      %dma_wait3A_148 = tpu.memref_squeeze %dma_wait3A_147 : memref<1x128x64xf32, #tpu.memory_space<hbm>> -> memref<128x64xf32, #tpu.memory_space<hbm>>
      %dma_wait3A_149 = arith.constant 0 : i32
      %dma_wait3A_150 = tpu.memref_slice %arg6[%arg0, %add3A_138, %dma_wait3A_149] : memref<2x10240x64xf32, #tpu.memory_space<hbm>> -> memref<1x128x64xf32, #tpu.memory_space<hbm>>
      %dma_wait3A_151 = tpu.memref_squeeze %dma_wait3A_150 : memref<1x128x64xf32, #tpu.memory_space<hbm>> -> memref<128x64xf32, #tpu.memory_space<hbm>>
      tpu.wait_dma2 semaphore(%run_scoped3A_139 : memref<!tpu.dma_semaphore, #tpu.memory_space<semaphore_mem>>) src(%arg10 : memref<128x64xf32, #tpu.memory_space<vmem>>) dst(%dma_wait3A_151 : memref<128x64xf32, #tpu.memory_space<hbm>>)
      tpu.yield
    }) : () -> ()
    return
  }
}

module attributes {stable_mosaic.version = 14 : i64} {
  func.func @_tc1_body(%arg0: i32, %arg1: memref<2x1280x16xf32, #tpu.memory_space<vmem>>, %arg2: memref<1280x128xf32, #tpu.memory_space<vmem>>, %arg3: memref<128x64xf32, #tpu.memory_space<vmem>>, %arg4: memref<1280x64xf32, #tpu.memory_space<vmem>>, %arg5: memref<1280x16xf32, #tpu.memory_space<vmem>>) attributes {dimension_semantics = [#tpu.dimension_semantics<arbitrary>], iteration_bounds = array<i64: 8>, scalar_prefetch = 0 : i64, scratch_operands = 0 : i64, tpu.core_type = #tpu.core_type<tc>, window_params = [{transform_indices = @transform_0, window_bounds = array<i64: 2, 1280, 16>}, {transform_indices = @transform_1, window_bounds = array<i64: 1280, 128>}, {pipeline_mode = #tpu.pipeline_mode<synchronous>, transform_indices = @transform_2, window_bounds = array<i64: 128, 64>}, {transform_indices = @transform_3, window_bounds = array<i64: 1280, 64>}, {transform_indices = @transform_4, window_bounds = array<i64: 1280, 16>}]} {
    %get3A = arith.constant 0 : index
    %get3A_0 = arith.constant 0 : index
    %get3A_1 = arith.constant 0 : index
    %get3A_2 = vector.load %arg1[%get3A, %get3A_0, %get3A_1] : memref<2x1280x16xf32, #tpu.memory_space<vmem>>, vector<1x1280x16xf32>
    %get3A_3 = vector.shape_cast %get3A_2 : vector<1x1280x16xf32> to vector<1280x16xf32>
    %get3A_4 = arith.constant 1 : index
    %get3A_5 = arith.constant 0 : index
    %get3A_6 = arith.constant 0 : index
    %get3A_7 = vector.load %arg1[%get3A_4, %get3A_5, %get3A_6] : memref<2x1280x16xf32, #tpu.memory_space<vmem>>, vector<1x1280x16xf32>
    %get3A_8 = vector.shape_cast %get3A_7 : vector<1x1280x16xf32> to vector<1280x16xf32>
    %add3A = arith.addf %get3A_3, %get3A_8 : vector<1280x16xf32>
    %add3A_9 = arith.constant 1.000000e+00 : f32
    %add3A_10 = vector.broadcast %add3A_9 : f32 to vector<1280x16xf32>
    %add3A_11 = arith.addf %add3A, %add3A_10 : vector<1280x16xf32>
    %rsqrt3A = math.rsqrt %add3A_11 : vector<1280x16xf32>
    %swap3A = arith.constant 0 : index
    %swap3A_12 = arith.constant 0 : index
    %swap3A_13 = vector.load %arg5[%swap3A, %swap3A_12] : memref<1280x16xf32, #tpu.memory_space<vmem>>, vector<1280x16xf32>
    tpu.vector_store %arg5[%swap3A, %swap3A_12], %rsqrt3A {strides = array<i32>} : memref<1280x16xf32, #tpu.memory_space<vmem>>, vector<1280x16xf32>,
    %slice3A = vector.extract_strided_slice %rsqrt3A {offsets = [0, 0], sizes = [1280, 1], strides = [1, 1]} : vector<1280x16xf32> to vector<1280x1xf32>
    %get3A_14 = arith.constant 0 : index
    %get3A_15 = arith.constant 0 : index
    %get3A_16 = vector.load %arg2[%get3A_14, %get3A_15] : memref<1280x128xf32, #tpu.memory_space<vmem>>, vector<1280x128xf32>
    %get3A_17 = arith.constant 0 : index
    %get3A_18 = arith.constant 0 : index
    %get3A_19 = vector.load %arg3[%get3A_17, %get3A_18] : memref<128x64xf32, #tpu.memory_space<vmem>>, vector<128x64xf32>
    %dot_general3A = arith.constant dense<0.000000e+00> : vector<1280x64xf32>
    %dot_general3A_20 = tpu.matmul %get3A_16, %get3A_19, %dot_general3A {dimension_numbers = #tpu.dot_dimension_numbers<[1], [0], [0], [1], [0, 0, 1, 1], [], []>, transpose_lhs_hint = false} : vector<1280x128xf32>, vector<128x64xf32>, vector<1280x64xf32> -> vector<1280x64xf32>
    %mul3A = vector.broadcast %slice3A : vector<1280x1xf32> to vector<1280x64xf32>
    %mul3A_21 = arith.mulf %dot_general3A_20, %mul3A : vector<1280x64xf32>
    %swap3A_22 = arith.constant 0 : index
    %swap3A_23 = arith.constant 0 : index
    %swap3A_24 = vector.load %arg4[%swap3A_22, %swap3A_23] : memref<1280x64xf32, #tpu.memory_space<vmem>>, vector<1280x64xf32>
    tpu.vector_store %arg4[%swap3A_22, %swap3A_23], %mul3A_21 {strides = array<i32>} : memref<1280x64xf32, #tpu.memory_space<vmem>>, vector<1280x64xf32>,
    return
  }
  func.func @transform_0(%arg0: i32) -> (i32, i32, i32) {
    %c0_i32 = arith.constant 0 : i32
    %c0_i32_0 = arith.constant 0 : i32
    %c0_i32_1 = arith.constant 0 : i32
    return %c0_i32, %arg0, %c0_i32_0 : i32, i32, i32
  }
  func.func @transform_1(%arg0: i32) -> (i32, i32) {
    %c0_i32 = arith.constant 0 : i32
    %c0_i32_0 = arith.constant 0 : i32
    return %arg0, %c0_i32 : i32, i32
  }
  func.func @transform_2(%arg0: i32) -> (i32, i32) {
    %c0_i32 = arith.constant 0 : i32
    %c0_i32_0 = arith.constant 0 : i32
    %c0_i32_1 = arith.constant 0 : i32
    return %c0_i32, %c0_i32_0 : i32, i32
  }
  func.func @transform_3(%arg0: i32) -> (i32, i32) {
    %c0_i32 = arith.constant 0 : i32
    %c0_i32_0 = arith.constant 0 : i32
    return %arg0, %c0_i32 : i32, i32
  }
  func.func @transform_4(%arg0: i32) -> (i32, i32) {
    %c0_i32 = arith.constant 0 : i32
    %c0_i32_0 = arith.constant 0 : i32
    return %arg0, %c0_i32 : i32, i32
  }
}

module attributes {stable_mosaic.version = 14 : i64} {
  func.func @_tc2_body(%arg0: i32, %arg1: memref<1280x16xf32, #tpu.memory_space<vmem>>, %arg2: memref<2x1280x64xf32, #tpu.memory_space<vmem>>, %arg3: memref<1280x64xf32, #tpu.memory_space<vmem>>, %arg4: memref<1x64xf32, #tpu.memory_space<vmem>>, %arg5: memref<1280x64xf32, #tpu.memory_space<vmem>>) attributes {dimension_semantics = [#tpu.dimension_semantics<arbitrary>], iteration_bounds = array<i64: 8>, scalar_prefetch = 0 : i64, scratch_operands = 0 : i64, tpu.core_type = #tpu.core_type<tc>, window_params = [{transform_indices = @transform_0, window_bounds = array<i64: 1280, 16>}, {transform_indices = @transform_1, window_bounds = array<i64: 2, 1280, 64>}, {transform_indices = @transform_2, window_bounds = array<i64: 1280, 64>}, {pipeline_mode = #tpu.pipeline_mode<synchronous>, transform_indices = @transform_3, window_bounds = array<i64: 1, 64>}, {transform_indices = @transform_4, window_bounds = array<i64: 1280, 64>}]} {
    %get3A = arith.constant 0 : index
    %get3A_0 = arith.constant 0 : index
    %get3A_1 = vector.load %arg1[%get3A, %get3A_0] : memref<1280x16xf32, #tpu.memory_space<vmem>>, vector<1280x1xf32>
    %get3A_2 = arith.constant 0 : index
    %get3A_3 = arith.constant 0 : index
    %get3A_4 = arith.constant 0 : index
    %get3A_5 = vector.load %arg2[%get3A_2, %get3A_3, %get3A_4] : memref<2x1280x64xf32, #tpu.memory_space<vmem>>, vector<1x1280x64xf32>
    %get3A_6 = vector.shape_cast %get3A_5 : vector<1x1280x64xf32> to vector<1280x64xf32>
    %get3A_7 = arith.constant 1 : index
    %get3A_8 = arith.constant 0 : index
    %get3A_9 = arith.constant 0 : index
    %get3A_10 = vector.load %arg2[%get3A_7, %get3A_8, %get3A_9] : memref<2x1280x64xf32, #tpu.memory_space<vmem>>, vector<1x1280x64xf32>
    %get3A_11 = vector.shape_cast %get3A_10 : vector<1x1280x64xf32> to vector<1280x64xf32>
    %add3A = arith.addf %get3A_6, %get3A_11 : vector<1280x64xf32>
    %get3A_12 = arith.constant 0 : index
    %get3A_13 = arith.constant 0 : index
    %get3A_14 = vector.load %arg3[%get3A_12, %get3A_13] : memref<1280x64xf32, #tpu.memory_space<vmem>>, vector<1280x64xf32>
    %add3A_15 = arith.addf %add3A, %get3A_14 : vector<1280x64xf32>
    %mul3A = vector.broadcast %get3A_1 : vector<1280x1xf32> to vector<1280x64xf32>
    %mul3A_16 = arith.mulf %mul3A, %add3A_15 : vector<1280x64xf32>
    %get3A_17 = arith.constant 0 : index
    %get3A_18 = arith.constant 0 : index
    %get3A_19 = vector.load %arg4[%get3A_17, %get3A_18] : memref<1x64xf32, #tpu.memory_space<vmem>>, vector<1x64xf32>
    %add3A_20 = vector.broadcast %get3A_19 : vector<1x64xf32> to vector<1280x64xf32>
    %add3A_21 = arith.addf %mul3A_16, %add3A_20 : vector<1280x64xf32>
    %max3A = arith.constant 0.000000e+00 : f32
    %max3A_22 = vector.broadcast %max3A : f32 to vector<1280x64xf32>
    %max3A_23 = arith.maximumf %add3A_21, %max3A_22 : vector<1280x64xf32>
    %mul3A_24 = arith.constant 1280 : i32
    %mul3A_25 = arith.muli %arg0, %mul3A_24 : i32
    %iota3A = tpu.iota {dimensions = array<i32: 0>} : vector<1280x1xi32>
    %add3A_26 = vector.broadcast %mul3A_25 : i32 to vector<1280x1xi32>
    %add3A_27 = arith.addi %add3A_26, %iota3A : vector<1280x1xi32>
    %lt3A = arith.constant 10000 : i32
    %lt3A_28 = vector.broadcast %lt3A : i32 to vector<1280x1xi32>
    %lt3A_29 = arith.cmpi slt, %add3A_27, %lt3A_28 : vector<1280x1xi32>
    %mul3A_30 = vector.broadcast %get3A_1 : vector<1280x1xf32> to vector<1280x64xf32>
    %mul3A_31 = arith.mulf %mul3A_30, %max3A_23 : vector<1280x64xf32>
    %jit3A = arith.constant 0.000000e+00 : f32
    %broadcast_in_dim3A = vector.shape_cast %lt3A_29 : vector<1280x1xi1> to vector<1280x1xi1>
    %broadcast_in_dim3A_32 = vector.broadcast %broadcast_in_dim3A : vector<1280x1xi1> to vector<1280x64xi1>
    %broadcast_in_dim3A_33 = vector.broadcast %jit3A : f32 to vector<1280x64xf32>
    %select_n3A = arith.select %broadcast_in_dim3A_32, %mul3A_31, %broadcast_in_dim3A_33 : vector<1280x64xi1>, vector<1280x64xf32>
    %swap3A = arith.constant 0 : index
    %swap3A_34 = arith.constant 0 : index
    %swap3A_35 = vector.load %arg5[%swap3A, %swap3A_34] : memref<1280x64xf32, #tpu.memory_space<vmem>>, vector<1280x64xf32>
    tpu.vector_store %arg5[%swap3A, %swap3A_34], %select_n3A {strides = array<i32>} : memref<1280x64xf32, #tpu.memory_space<vmem>>, vector<1280x64xf32>,
    return
  }
  func.func @transform_0(%arg0: i32) -> (i32, i32) {
    %c0_i32 = arith.constant 0 : i32
    %c0_i32_0 = arith.constant 0 : i32
    return %arg0, %c0_i32 : i32, i32
  }
  func.func @transform_1(%arg0: i32) -> (i32, i32, i32) {
    %c0_i32 = arith.constant 0 : i32
    %c0_i32_0 = arith.constant 0 : i32
    %c0_i32_1 = arith.constant 0 : i32
    return %c0_i32, %arg0, %c0_i32_0 : i32, i32, i32
  }
  func.func @transform_2(%arg0: i32) -> (i32, i32) {
    %c0_i32 = arith.constant 0 : i32
    %c0_i32_0 = arith.constant 0 : i32
    return %arg0, %c0_i32 : i32, i32
  }
  func.func @transform_3(%arg0: i32) -> (i32, i32) {
    %c0_i32 = arith.constant 0 : i32
    %c0_i32_0 = arith.constant 0 : i32
    %c0_i32_1 = arith.constant 0 : i32
    return %c0_i32, %c0_i32_0 : i32, i32
  }
  func.func @transform_4(%arg0: i32) -> (i32, i32) {
    %c0_i32 = arith.constant 0 : i32
    %c0_i32_0 = arith.constant 0 : i32
    return %arg0, %c0_i32 : i32, i32
  }
}

module attributes {stable_mosaic.version = 14 : i64} {
  func.func @_tc3_body(%arg0: i32, %arg1: memref<1280x16xf32, #tpu.memory_space<vmem>>, %arg2: memref<2x1280x64xf32, #tpu.memory_space<vmem>>, %arg3: memref<1280x64xf32, #tpu.memory_space<vmem>>, %arg4: memref<64x128xf32, #tpu.memory_space<vmem>>, %arg5: memref<1x128xf32, #tpu.memory_space<vmem>>, %arg6: memref<1280x64xf32, #tpu.memory_space<vmem>>, %arg7: memref<1280x64xf32, #tpu.memory_space<vmem>>) attributes {dimension_semantics = [#tpu.dimension_semantics<arbitrary>], iteration_bounds = array<i64: 8>, scalar_prefetch = 0 : i64, scratch_operands = 0 : i64, tpu.core_type = #tpu.core_type<tc>, window_params = [{transform_indices = @transform_0, window_bounds = array<i64: 1280, 16>}, {transform_indices = @transform_1, window_bounds = array<i64: 2, 1280, 64>}, {transform_indices = @transform_2, window_bounds = array<i64: 1280, 64>}, {pipeline_mode = #tpu.pipeline_mode<synchronous>, transform_indices = @transform_3, window_bounds = array<i64: 64, 128>}, {pipeline_mode = #tpu.pipeline_mode<synchronous>, transform_indices = @transform_4, window_bounds = array<i64: 1, 128>}, {transform_indices = @transform_5, window_bounds = array<i64: 1280, 64>}, {transform_indices = @transform_6, window_bounds = array<i64: 1280, 64>}]} {
    %get3A = arith.constant 0 : index
    %get3A_0 = arith.constant 0 : index
    %get3A_1 = vector.load %arg1[%get3A, %get3A_0] : memref<1280x16xf32, #tpu.memory_space<vmem>>, vector<1280x1xf32>
    %get3A_2 = arith.constant 0 : index
    %get3A_3 = arith.constant 0 : index
    %get3A_4 = arith.constant 0 : index
    %get3A_5 = vector.load %arg2[%get3A_2, %get3A_3, %get3A_4] : memref<2x1280x64xf32, #tpu.memory_space<vmem>>, vector<1x1280x64xf32>
    %get3A_6 = vector.shape_cast %get3A_5 : vector<1x1280x64xf32> to vector<1280x64xf32>
    %get3A_7 = arith.constant 1 : index
    %get3A_8 = arith.constant 0 : index
    %get3A_9 = arith.constant 0 : index
    %get3A_10 = vector.load %arg2[%get3A_7, %get3A_8, %get3A_9] : memref<2x1280x64xf32, #tpu.memory_space<vmem>>, vector<1x1280x64xf32>
    %get3A_11 = vector.shape_cast %get3A_10 : vector<1x1280x64xf32> to vector<1280x64xf32>
    %add3A = arith.addf %get3A_6, %get3A_11 : vector<1280x64xf32>
    %get3A_12 = arith.constant 0 : index
    %get3A_13 = arith.constant 0 : index
    %get3A_14 = vector.load %arg3[%get3A_12, %get3A_13] : memref<1280x64xf32, #tpu.memory_space<vmem>>, vector<1280x64xf32>
    %add3A_15 = arith.addf %add3A, %get3A_14 : vector<1280x64xf32>
    %mul3A = vector.broadcast %get3A_1 : vector<1280x1xf32> to vector<1280x64xf32>
    %mul3A_16 = arith.mulf %mul3A, %add3A_15 : vector<1280x64xf32>
    %get3A_17 = arith.constant 0 : index
    %get3A_18 = arith.constant 0 : index
    %get3A_19 = vector.load %arg4[%get3A_17, %get3A_18] : memref<64x128xf32, #tpu.memory_space<vmem>>, vector<64x128xf32>
    %dot_general3A = arith.constant dense<0.000000e+00> : vector<1280x128xf32>
    %dot_general3A_20 = tpu.matmul %mul3A_16, %get3A_19, %dot_general3A {dimension_numbers = #tpu.dot_dimension_numbers<[1], [0], [0], [1], [0, 0, 1, 1], [], []>, transpose_lhs_hint = false} : vector<1280x64xf32>, vector<64x128xf32>, vector<1280x128xf32> -> vector<1280x128xf32>
    %get3A_21 = arith.constant 0 : index
    %get3A_22 = arith.constant 0 : index
    %get3A_23 = vector.load %arg5[%get3A_21, %get3A_22] : memref<1x128xf32, #tpu.memory_space<vmem>>, vector<1x128xf32>
    %add3A_24 = vector.broadcast %get3A_23 : vector<1x128xf32> to vector<1280x128xf32>
    %add3A_25 = arith.addf %dot_general3A_20, %add3A_24 : vector<1280x128xf32>
    %max3A = arith.constant 0.000000e+00 : f32
    %max3A_26 = vector.broadcast %max3A : f32 to vector<1280x128xf32>
    %max3A_27 = arith.maximumf %add3A_25, %max3A_26 : vector<1280x128xf32>
    %mul3A_28 = arith.constant 1280 : i32
    %mul3A_29 = arith.muli %arg0, %mul3A_28 : i32
    %iota3A = tpu.iota {dimensions = array<i32: 0>} : vector<1280x1xi32>
    %add3A_30 = vector.broadcast %mul3A_29 : i32 to vector<1280x1xi32>
    %add3A_31 = arith.addi %add3A_30, %iota3A : vector<1280x1xi32>
    %lt3A = arith.constant 10000 : i32
    %lt3A_32 = vector.broadcast %lt3A : i32 to vector<1280x1xi32>
    %lt3A_33 = arith.cmpi slt, %add3A_31, %lt3A_32 : vector<1280x1xi32>
    %mul3A_34 = vector.broadcast %get3A_1 : vector<1280x1xf32> to vector<1280x128xf32>
    %mul3A_35 = arith.mulf %mul3A_34, %max3A_27 : vector<1280x128xf32>
    %jit3A = arith.constant 0.000000e+00 : f32
    %broadcast_in_dim3A = vector.shape_cast %lt3A_33 : vector<1280x1xi1> to vector<1280x1xi1>
    %broadcast_in_dim3A_36 = vector.broadcast %broadcast_in_dim3A : vector<1280x1xi1> to vector<1280x128xi1>
    %broadcast_in_dim3A_37 = vector.broadcast %jit3A : f32 to vector<1280x128xf32>
    %select_n3A = arith.select %broadcast_in_dim3A_36, %mul3A_35, %broadcast_in_dim3A_37 : vector<1280x128xi1>, vector<1280x128xf32>
    %slice3A = vector.extract_strided_slice %select_n3A {offsets = [0, 0], sizes = [1280, 64], strides = [1, 1]} : vector<1280x128xf32> to vector<1280x64xf32>
    %swap3A = arith.constant 0 : index
    %swap3A_38 = arith.constant 0 : index
    %swap3A_39 = vector.load %arg6[%swap3A, %swap3A_38] : memref<1280x64xf32, #tpu.memory_space<vmem>>, vector<1280x64xf32>
    tpu.vector_store %arg6[%swap3A, %swap3A_38], %slice3A {strides = array<i32>} : memref<1280x64xf32, #tpu.memory_space<vmem>>, vector<1280x64xf32>,
    %slice3A_40 = vector.extract_strided_slice %select_n3A {offsets = [0, 64], sizes = [1280, 64], strides = [1, 1]} : vector<1280x128xf32> to vector<1280x64xf32>
    %swap3A_41 = arith.constant 0 : index
    %swap3A_42 = arith.constant 0 : index
    %swap3A_43 = vector.load %arg7[%swap3A_41, %swap3A_42] : memref<1280x64xf32, #tpu.memory_space<vmem>>, vector<1280x64xf32>
    tpu.vector_store %arg7[%swap3A_41, %swap3A_42], %slice3A_40 {strides = array<i32>} : memref<1280x64xf32, #tpu.memory_space<vmem>>, vector<1280x64xf32>,
    return
  }
  func.func @transform_0(%arg0: i32) -> (i32, i32) {
    %c0_i32 = arith.constant 0 : i32
    %c0_i32_0 = arith.constant 0 : i32
    return %arg0, %c0_i32 : i32, i32
  }
  func.func @transform_1(%arg0: i32) -> (i32, i32, i32) {
    %c0_i32 = arith.constant 0 : i32
    %c0_i32_0 = arith.constant 0 : i32
    %c0_i32_1 = arith.constant 0 : i32
    return %c0_i32, %arg0, %c0_i32_0 : i32, i32, i32
  }
  func.func @transform_2(%arg0: i32) -> (i32, i32) {
    %c0_i32 = arith.constant 0 : i32
    %c0_i32_0 = arith.constant 0 : i32
    return %arg0, %c0_i32 : i32, i32
  }
  func.func @transform_3(%arg0: i32) -> (i32, i32) {
    %c0_i32 = arith.constant 0 : i32
    %c0_i32_0 = arith.constant 0 : i32
    %c0_i32_1 = arith.constant 0 : i32
    return %c0_i32, %c0_i32_0 : i32, i32
  }
  func.func @transform_4(%arg0: i32) -> (i32, i32) {
    %c0_i32 = arith.constant 0 : i32
    %c0_i32_0 = arith.constant 0 : i32
    %c0_i32_1 = arith.constant 0 : i32
    return %c0_i32, %c0_i32_0 : i32, i32
  }
  func.func @transform_5(%arg0: i32) -> (i32, i32) {
    %c0_i32 = arith.constant 0 : i32
    %c0_i32_0 = arith.constant 0 : i32
    return %arg0, %c0_i32 : i32, i32
  }
  func.func @transform_6(%arg0: i32) -> (i32, i32) {
    %c0_i32 = arith.constant 0 : i32
    %c0_i32_0 = arith.constant 0 : i32
    return %arg0, %c0_i32 : i32, i32
  }
}

module attributes {stable_mosaic.version = 14 : i64} {
  func.func @_tc4_body(%arg0: i32, %arg1: memref<1280x16xf32, #tpu.memory_space<vmem>>, %arg2: memref<2x1280x64xf32, #tpu.memory_space<vmem>>, %arg3: memref<2x1280x64xf32, #tpu.memory_space<vmem>>, %arg4: memref<1280x64xf32, #tpu.memory_space<vmem>>, %arg5: memref<1280x64xf32, #tpu.memory_space<vmem>>, %arg6: memref<64x1024xf32, #tpu.memory_space<vmem>>, %arg7: memref<64x1024xf32, #tpu.memory_space<vmem>>, %arg8: memref<1x1024xf32, #tpu.memory_space<vmem>>, %arg9: memref<1280x1024xf32, #tpu.memory_space<vmem>>) attributes {dimension_semantics = [#tpu.dimension_semantics<arbitrary>], iteration_bounds = array<i64: 8>, scalar_prefetch = 0 : i64, scratch_operands = 0 : i64, tpu.core_type = #tpu.core_type<tc>, window_params = [{transform_indices = @transform_0, window_bounds = array<i64: 1280, 16>}, {transform_indices = @transform_1, window_bounds = array<i64: 2, 1280, 64>}, {transform_indices = @transform_2, window_bounds = array<i64: 2, 1280, 64>}, {transform_indices = @transform_3, window_bounds = array<i64: 1280, 64>}, {transform_indices = @transform_4, window_bounds = array<i64: 1280, 64>}, {pipeline_mode = #tpu.pipeline_mode<synchronous>, transform_indices = @transform_5, window_bounds = array<i64: 64, 1024>}, {pipeline_mode = #tpu.pipeline_mode<synchronous>, transform_indices = @transform_6, window_bounds = array<i64: 64, 1024>}, {pipeline_mode = #tpu.pipeline_mode<synchronous>, transform_indices = @transform_7, window_bounds = array<i64: 1, 1024>}, {transform_indices = @transform_8, window_bounds = array<i64: 1280, 1024>}]} {
    %get3A = arith.constant 0 : index
    %get3A_0 = arith.constant 0 : index
    %get3A_1 = vector.load %arg1[%get3A, %get3A_0] : memref<1280x16xf32, #tpu.memory_space<vmem>>, vector<1280x1xf32>
    %get3A_2 = arith.constant 0 : index
    %get3A_3 = arith.constant 0 : index
    %get3A_4 = arith.constant 0 : index
    %get3A_5 = vector.load %arg2[%get3A_2, %get3A_3, %get3A_4] : memref<2x1280x64xf32, #tpu.memory_space<vmem>>, vector<1x1280x64xf32>
    %get3A_6 = vector.shape_cast %get3A_5 : vector<1x1280x64xf32> to vector<1280x64xf32>
    %get3A_7 = arith.constant 1 : index
    %get3A_8 = arith.constant 0 : index
    %get3A_9 = arith.constant 0 : index
    %get3A_10 = vector.load %arg2[%get3A_7, %get3A_8, %get3A_9] : memref<2x1280x64xf32, #tpu.memory_space<vmem>>, vector<1x1280x64xf32>
    %get3A_11 = vector.shape_cast %get3A_10 : vector<1x1280x64xf32> to vector<1280x64xf32>
    %add3A = arith.addf %get3A_6, %get3A_11 : vector<1280x64xf32>
    %get3A_12 = arith.constant 0 : index
    %get3A_13 = arith.constant 0 : index
    %get3A_14 = vector.load %arg4[%get3A_12, %get3A_13] : memref<1280x64xf32, #tpu.memory_space<vmem>>, vector<1280x64xf32>
    %add3A_15 = arith.addf %add3A, %get3A_14 : vector<1280x64xf32>
    %mul3A = vector.broadcast %get3A_1 : vector<1280x1xf32> to vector<1280x64xf32>
    %mul3A_16 = arith.mulf %mul3A, %add3A_15 : vector<1280x64xf32>
    %convert_element_type3A = arith.truncf %mul3A_16 : vector<1280x64xf32> to vector<1280x64xbf16>
    %get3A_17 = arith.constant 0 : index
    %get3A_18 = arith.constant 0 : index
    %get3A_19 = arith.constant 0 : index
    %get3A_20 = vector.load %arg3[%get3A_17, %get3A_18, %get3A_19] : memref<2x1280x64xf32, #tpu.memory_space<vmem>>, vector<1x1280x64xf32>
    %get3A_21 = vector.shape_cast %get3A_20 : vector<1x1280x64xf32> to vector<1280x64xf32>
    %get3A_22 = arith.constant 1 : index
    %get3A_23 = arith.constant 0 : index
    %get3A_24 = arith.constant 0 : index
    %get3A_25 = vector.load %arg3[%get3A_22, %get3A_23, %get3A_24] : memref<2x1280x64xf32, #tpu.memory_space<vmem>>, vector<1x1280x64xf32>
    %get3A_26 = vector.shape_cast %get3A_25 : vector<1x1280x64xf32> to vector<1280x64xf32>
    %add3A_27 = arith.addf %get3A_21, %get3A_26 : vector<1280x64xf32>
    %get3A_28 = arith.constant 0 : index
    %get3A_29 = arith.constant 0 : index
    %get3A_30 = vector.load %arg5[%get3A_28, %get3A_29] : memref<1280x64xf32, #tpu.memory_space<vmem>>, vector<1280x64xf32>
    %add3A_31 = arith.addf %add3A_27, %get3A_30 : vector<1280x64xf32>
    %mul3A_32 = vector.broadcast %get3A_1 : vector<1280x1xf32> to vector<1280x64xf32>
    %mul3A_33 = arith.mulf %mul3A_32, %add3A_31 : vector<1280x64xf32>
    %convert_element_type3A_34 = arith.truncf %mul3A_33 : vector<1280x64xf32> to vector<1280x64xbf16>
    %get3A_35 = arith.constant 0 : index
    %get3A_36 = arith.constant 0 : index
    %get3A_37 = vector.load %arg6[%get3A_35, %get3A_36] : memref<64x1024xf32, #tpu.memory_space<vmem>>, vector<64x1024xf32>
    %convert_element_type3A_38 = arith.truncf %get3A_37 : vector<64x1024xf32> to vector<64x1024xbf16>
    %dot_general3A = arith.constant dense<0.000000e+00> : vector<1280x1024xf32>
    %dot_general3A_39 = tpu.matmul %convert_element_type3A, %convert_element_type3A_38, %dot_general3A {dimension_numbers = #tpu.dot_dimension_numbers<[1], [0], [0], [1], [0, 0, 1, 1], [], []>, transpose_lhs_hint = false} : vector<1280x64xbf16>, vector<64x1024xbf16>, vector<1280x1024xf32> -> vector<1280x1024xf32>
    %get3A_40 = arith.constant 0 : index
    %get3A_41 = arith.constant 0 : index
    %get3A_42 = vector.load %arg7[%get3A_40, %get3A_41] : memref<64x1024xf32, #tpu.memory_space<vmem>>, vector<64x1024xf32>
    %convert_element_type3A_43 = arith.truncf %get3A_42 : vector<64x1024xf32> to vector<64x1024xbf16>
    %dot_general3A_44 = arith.constant dense<0.000000e+00> : vector<1280x1024xf32>
    %dot_general3A_45 = tpu.matmul %convert_element_type3A_34, %convert_element_type3A_43, %dot_general3A_44 {dimension_numbers = #tpu.dot_dimension_numbers<[1], [0], [0], [1], [0, 0, 1, 1], [], []>, transpose_lhs_hint = false} : vector<1280x64xbf16>, vector<64x1024xbf16>, vector<1280x1024xf32> -> vector<1280x1024xf32>
    %add3A_46 = arith.addf %dot_general3A_39, %dot_general3A_45 : vector<1280x1024xf32>
    %get3A_47 = arith.constant 0 : index
    %get3A_48 = arith.constant 0 : index
    %get3A_49 = vector.load %arg8[%get3A_47, %get3A_48] : memref<1x1024xf32, #tpu.memory_space<vmem>>, vector<1x1024xf32>
    %add3A_50 = vector.broadcast %get3A_49 : vector<1x1024xf32> to vector<1280x1024xf32>
    %add3A_51 = arith.addf %add3A_46, %add3A_50 : vector<1280x1024xf32>
    %swap3A = arith.constant 0 : index
    %swap3A_52 = arith.constant 0 : index
    %swap3A_53 = vector.load %arg9[%swap3A, %swap3A_52] : memref<1280x1024xf32, #tpu.memory_space<vmem>>, vector<1280x1024xf32>
    tpu.vector_store %arg9[%swap3A, %swap3A_52], %add3A_51 {strides = array<i32>} : memref<1280x1024xf32, #tpu.memory_space<vmem>>, vector<1280x1024xf32>,
    return
  }
  func.func @transform_0(%arg0: i32) -> (i32, i32) {
    %c0_i32 = arith.constant 0 : i32
    %c0_i32_0 = arith.constant 0 : i32
    return %arg0, %c0_i32 : i32, i32
  }
  func.func @transform_1(%arg0: i32) -> (i32, i32, i32) {
    %c0_i32 = arith.constant 0 : i32
    %c0_i32_0 = arith.constant 0 : i32
    %c0_i32_1 = arith.constant 0 : i32
    return %c0_i32, %arg0, %c0_i32_0 : i32, i32, i32
  }
  func.func @transform_2(%arg0: i32) -> (i32, i32, i32) {
    %c0_i32 = arith.constant 0 : i32
    %c0_i32_0 = arith.constant 0 : i32
    %c0_i32_1 = arith.constant 0 : i32
    return %c0_i32, %arg0, %c0_i32_0 : i32, i32, i32
  }
  func.func @transform_3(%arg0: i32) -> (i32, i32) {
    %c0_i32 = arith.constant 0 : i32
    %c0_i32_0 = arith.constant 0 : i32
    return %arg0, %c0_i32 : i32, i32
  }
  func.func @transform_4(%arg0: i32) -> (i32, i32) {
    %c0_i32 = arith.constant 0 : i32
    %c0_i32_0 = arith.constant 0 : i32
    return %arg0, %c0_i32 : i32, i32
  }
  func.func @transform_5(%arg0: i32) -> (i32, i32) {
    %c0_i32 = arith.constant 0 : i32
    %c0_i32_0 = arith.constant 0 : i32
    %c0_i32_1 = arith.constant 0 : i32
    return %c0_i32, %c0_i32_0 : i32, i32
  }
  func.func @transform_6(%arg0: i32) -> (i32, i32) {
    %c0_i32 = arith.constant 0 : i32
    %c0_i32_0 = arith.constant 0 : i32
    %c0_i32_1 = arith.constant 0 : i32
    return %c0_i32, %c0_i32_0 : i32, i32
  }
  func.func @transform_7(%arg0: i32) -> (i32, i32) {
    %c0_i32 = arith.constant 0 : i32
    %c0_i32_0 = arith.constant 0 : i32
    %c0_i32_1 = arith.constant 0 : i32
    return %c0_i32, %c0_i32_0 : i32, i32
  }
  func.func @transform_8(%arg0: i32) -> (i32, i32) {
    %c0_i32 = arith.constant 0 : i32
    %c0_i32_0 = arith.constant 0 : i32
    return %arg0, %c0_i32 : i32, i32
  }
}

</mosaic_0001>

<sc_bundles>
// kernel: kernel.11.cloned.1.call-start
scs
__scs_entry_jumppad:
0x0: {  	(pc) =	sbr.rel $0x88, $3  }
0x1: {  	(tag) =	ssettag $0x0;
	lr =	simm.s32 $0x1  }
0x2: {  	[smem:$0x3F99] =	sst lr;
	_ =	strace $0xD0000000  }
0x3: {  	_ = 	snop  }
0x4: {  	_ = 	snop  }
0x5: {  	_ = 	snop  }
0x6: {  	_ = 	snop  }
0x7: {  	_ = 	snop  }
__scs_overlays_trampoline_lowered:
0x8: {  	[smem:$0x3FA8] =	sst s0  }
0x9: {  	[smem:$0x3FA9] =	sst s1  }
0xa: {  	[smem:$0x3FAA] =	sst s2  }
0xb: {  	[smem:$0x3FAB] =	sst s3  }
0xc: {  	[smem:$0x3FAC] =	sst s4  }
0xd: {  	[smem:$0x3FAD] =	sst s5  }
0xe: {  	[smem:$0x3FAE] =	sst s6  }
0xf: {  	[smem:$0x3FAF] =	sst s7  }
0x10: {  	[smem:$0x3FB0] =	sst s8  }
0x11: {  	[smem:$0x3FB1] =	sst s9;
	s0 =	simm.s32 @!p0 $0x0  }
0x12: {  	s1 =	sld [smem:$0x3F97];
	s0 =	simm.s32 @p0 $0x1  }
0x13: {  	[smem:$0x3FB2] =	sst s0;
	s0 =	simm.s32 @!p1 $0x0  }
0x14: {  	s2 =	sld [smem:$0x3F96];
	s0 =	simm.s32 @p1 $0x1  }
0x15: {  	[smem:$0x3FB3] =	sst s0;
	s0 =	simm.s32 @!p2 $0x0  }
0x16: {  	s3 =	sld [smem:$0x3FDB];
	s0 =	simm.s32 @p2 $0x1  }
0x17: {  	s4 =	simm.s32 $0x1BF5;
	[smem:$0x3FB5] =	sst s0  }
0x18: {  	s0 =	sld [smem:$0x3F98];
	_ =	swait.ge [sflag:s4], $0x0  }
0x19: {  	s7 =	sld [smem:$0x3F99]  }
0x1a: {  	s8 =	sadd.s32 $0xFFFFE003, lr  }
0x1b: {  	s9 =	sadd.s32 $0xFFFFFEF7, lr;
	s5 =	simm.s32 $0xFFFFFFFF;
	p2 =	slt.u32 s8, $0xFFFFF086  }
0x1c: {  	p1 =	slt.u32 s9, $0xF7A;
	s5 =	simm.s32 @!p2 $0x0  }
0x1d: {  	s5 =	simm.s32 @p1 $0x1;
	p0 =	seq.s32 s7, s2  }
0x1e: {  	s7 =	smul.u32 @!p0 $0xF7A, s2;
	p2 =	seq.s32 @!p0 s5, $0x0  }
0x1f: {  	s9 =	smul.u32 $0xF7A, s1;
	s8 =	simm.s32 @!p0 $0x1BF5;
	p2 =	por !p2, p0  }
0x20: {  	[sflag:s8] =	ssyncset.s32 @!p0 $0xFFFFF086;
	s6 =	sadd.s32 @!p0 s3, s7;
	s7 =	simm.s32 @!p0 $0x108  }
0x21: {  	s3 =	sadd.s32 s3, s9;
	s6 =	sadd.s32 @!p0 $0x88, s6;
	s7 =	simm.s32 @p2 $0x1082  }
0x22: {  	[simem:s7], [sflag:s8] =	dma.local @!p0 [hbm:s6], $0xF7A  }
0x23: {  	s9 =	sor.u32 $0xD0000000, s2;
	s6 =	simm.s32 $0x108;
	_ =	swait.ge @!p0 [sflag:s8], $0x0  }
0x24: {  	s3 =	sadd.s32 $0x88, s3;
	s6 =	simm.s32 @!p1 $0x1082;
	[sflag:s4] =	ssyncset.s32 $0xFFFFF086  }
0x25: {  	[simem:s6], [sflag:s4] =	dma.local [hbm:s3], $0xF7A  }
0x26: {  	[smem:$0x3F99] =	sst s1;
	(tag) =	ssettag s2;
	_ =	strace s9  }
0x27: {  	s1 =	sld [smem:$0x3FA9]  }
0x28: {  	s2 =	sld [smem:$0x3FAA]  }
0x29: {  	s4 =	sld [smem:$0x3FAC]  }
0x2a: {  	p0 =	seq.s32 s5, $0x0;
	s5 =	sld [smem:$0x3FAD]  }
0x2b: {  	s6 =	sld [smem:$0x3FAE]  }
0x2c: {  	s7 =	sld [smem:$0x3FAF]  }
0x2d: {  	s3 =	simm.s32 $0x108;
	s8 =	sld [smem:$0x3FB0]  }
0x2e: {  	s3 =	simm.s32 @!p0 $0x1082;
	s9 =	sld [smem:$0x3FB1]  }
0x2f: {  	lr =	sadd.s32 s0, s3;
	s0 =	sld [smem:$0x3FA8]  }
0x30: {  	s3 =	sld [smem:$0x3FAB]  }
0x31: {  	[smem:$0x3FB4] =	sst s10  }
0x32: {  	s10 =	sld [smem:$0x3FB2];
	_ =	sdelay $0x3  }
0x33: {  	p0 =	seq.s32 s10, $0x1;
	s10 =	sld [smem:$0x3FB4];
	_ =	sdelay $0x3  }
0x34: {  	[smem:$0x3FB4] =	sst s10  }
0x35: {  	s10 =	sld [smem:$0x3FB3];
	_ =	sdelay $0x3  }
0x36: {  	p1 =	seq.s32 s10, $0x1;
	s10 =	sld [smem:$0x3FB4];
	_ =	sdelay $0x3  }
0x37: {  	[smem:$0x3FB4] =	sst s10  }
0x38: {  	s10 =	sld [smem:$0x3FB5]  }
0x39: {  	_ = 	snop;
	(pc) =	sbr.ind lr, $3  }
0x3a: {  	_ = 	snop  }
0x3b: {  	_ = 	snop  }
0x3c: {  	p2 =	seq.s32 s10, $0x1;
	s10 =	sld [smem:$0x3FB4]  }
0x3d: {  	_ =	shalt  }
0x3e: {  	_ =	shalt  }
0x3f: {  	_ =	shalt  }
0x40: {  	_ =	shalt  }
0x41: {  	_ =	shalt  }
0x42: {  	_ =	shalt  }
0x43: {  	_ =	shalt  }
0x44: {  	_ =	shalt  }
0x45: {  	_ =	shalt  }
0x46: {  	_ =	shalt  }
0x47: {  	_ =	shalt  }
0x48: {  	_ =	shalt  }
0x49: {  	_ =	shalt  }
0x4a: {  	_ =	shalt  }
0x4b: {  	_ =	shalt  }
0x4c: {  	_ =	shalt  }
0x4d: {  	_ =	shalt  }
0x4e: {  	_ =	shalt  }
0x4f: {  	_ =	shalt  }
0x50: {  	_ =	shalt  }
0x51: {  	_ =	shalt  }
0x52: {  	_ =	shalt  }
0x53: {  	_ =	shalt  }
0x54: {  	_ =	shalt  }
0x55: {  	_ =	shalt  }
0x56: {  	_ =	shalt  }
0x57: {  	_ =	shalt  }
0x58: {  	_ =	shalt  }
0x59: {  	_ =	shalt  }
0x5a: {  	_ =	shalt  }
0x5b: {  	_ =	shalt  }
0x5c: {  	_ =	shalt  }
0x5d: {  	_ =	shalt  }
0x5e: {  	_ =	shalt  }
0x5f: {  	_ =	shalt  }
0x60: {  	_ =	shalt  }
0x61: {  	_ =	shalt  }
0x62: {  	_ =	shalt  }
0x63: {  	_ =	shalt  }
0x64: {  	_ =	shalt  }
0x65: {  	_ =	shalt  }
0x66: {  	_ =	shalt  }
0x67: {  	_ =	shalt  }
0x68: {  	_ =	shalt  }
0x69: {  	_ =	shalt  }
0x6a: {  	_ =	shalt  }
0x6b: {  	_ =	shalt  }
0x6c: {  	_ =	shalt  }
0x6d: {  	_ =	shalt  }
0x6e: {  	_ =	shalt  }
0x6f: {  	_ =	shalt  }
0x70: {  	_ =	shalt  }
0x71: {  	_ =	shalt  }
0x72: {  	_ =	shalt  }
0x73: {  	_ =	shalt  }
0x74: {  	_ =	shalt  }
0x75: {  	_ =	shalt  }
0x76: {  	_ =	shalt  }
0x77: {  	_ =	shalt  }
0x78: {  	_ =	shalt  }
0x79: {  	_ =	shalt  }
0x7a: {  	_ =	shalt  }
0x7b: {  	_ =	shalt  }
0x7c: {  	_ =	shalt  }
0x7d: {  	_ =	shalt  }
0x7e: {  	_ =	shalt  }
0x7f: {  	_ =	shalt  }
0x80: {  	_ =	shalt  }
0x81: {  	_ =	shalt  }
0x82: {  	_ =	shalt  }
0x83: {  	_ =	shalt  }
0x84: {  	_ =	shalt  }
0x85: {  	_ =	shalt  }
0x86: {  	_ =	shalt  }
0x87: {  	_ =	shalt  }
.Lfunc_end0:
.L_simem_size_0:
called_computation_lowered:
.L_overlay_start_0:
0x88: {  	s2 =	sld [smem:$0x3FD9]  }
0x89: {  	s3 =	sld [smem:$0x3FFE];
	_ =	sdelay $0x1  }
0x8a: {  	s1 =	srdreg.scid  }
0x8b: {  	s0 =	sand.u32 $0x1, s1  }
0x8c: {  	s17 =	sshll.u32 s0, $0xA;
	s2 =	sadd.s32 s3, s2  }
0x8d: {  	s2 =	sadd.s32 s2, s17  }
0x8e: {  	[smem:$0x3FC0] =	sst s2  }
0x8f: {  	_ = 	snop  }
0x90: {  	s2 =	sld [smem:$0x3FD0];
	(tm) =	ssettm $0x1  }
0x91: {  	s18 =	sld [smem:$0x3FFB];
	_ =	sdelay $0x3  }
0x92: {  	_ =	strace s18  }
0x93: {  	s3 =	sld [smem:$0x3FFC];
	_ =	sdelay $0x3  }
0x94: {  	_ =	strace s3  }
0x95: {  	s3 =	sld [smem:$0x3FFD];
	_ =	sdelay $0x3  }
0x96: {  	_ =	strace s3  }
0x97: {  	_ =	strace $0x8FFFFFFF  }
0x98: {  	s19 =	sld [smem:$0x3FDB];
	_ =	sdelay $0x1  }
0x99: {  	s4 =	simm.s32 $_scs_section_size  }
0x9a: {  	s5 =	simm.s32 $_size__tile_overlayer_lowered;
	s6 =	simm.s32 $_tile_overlayer_lowered  }
0x9b: {  	s22 =	simm.s32 $0x1BFF;
	s21 =	sshll.u32 s6, $0x1;
	s3 =	sadd.s32 s4, s19  }
0x9c: {  	s7 =	simm.s32 $0x0;
	s20 =	sshll.u32 s5, $0x1;
	s5 =	sadd.s32 s21, s3  }
0x9d: {  	[timem:s7], [sflag:s22] =	dma.local [hbm:s5], s20  }
0x9e: {  	_ =	swait.ge [sflag:s22], s20  }
0x9f: {  	s4 =	ssub.s32 $0x0, s20;
	[sflag:s22] =	ssyncset.done $0x0  }
0xa0: {  	[sflag:s22] =	ssyncadd.s32 s4;
	_ =	sdelay $0x1  }
0xa1: {  	s23 =	simm.s32 $0x1B8B  }
0xa2: {  	_ =	swait.ge [sflag:s23], $0x1  }
0xa3: {  	[sflag:s23] =	ssyncset.done $0x0  }
0xa4: {  	s25 =	simm.s32 $0x1B8E;
	s24 =	sld [smem:$0x3FFE];
	[sflag:s23] =	ssyncadd.s32 $0xFFFFFFFF  }
0xa5: {  	s26 =	simm.s32 $execute0_lowered;
	[smem:$0x3FD2] =	sst s25  }
0xa6: {  	s5 =	sshll.u32 s26, $0x1;
	_ =	strace $0x80000046;
	[dreg:$0x1] =	wrdreg $0xFFFFFFFF  }
0xa7: {  	s28 =	simm.s32 $_size_execute0_lowered;
	s3 =	sadd.s32 s3, s5;
	[dreg:$0x0] =	wrdreg $0x0  }
0xa8: {  	s5 =	sshll.u32 s28, $0x1;
	[dreg:$0x2] =	wrdreg s3  }
0xa9: {  	[dreg:$0x3] =	wrdreg s5  }
0xaa: {  	[dreg:$0x4] =	wrdreg $0xC0  }
0xab: {  	_ =	task [dreg:s7], $0x5FFFF  }
0xac: {  	[dreg:$0x1] =	wrdreg $0xFFFFFFFF  }
0xad: {  	[dreg:$0x0] =	wrdreg $0x60  }
0xae: {  	[dreg:$0x2] =	wrdreg s24  }
0xaf: {  	[dreg:$0x3] =	wrdreg s2  }
0xb0: {  	[dreg:$0x4] =	wrdreg $0x24000  }
0xb1: {  	[dreg:$0x5] =	wrdreg $0x9  }
0xb2: {  	_ =	task.clear_ibuf [dreg:s7], $0x6FFFF;
	_ =	strace $0x90000046  }
0xb3: {  	s29 =	simm.s32 $0x9;
	_ =	strace $0x80000048  }
0xb4: {  	_ =	swait.ge [sflag:s29], $0x1  }
0xb5: {  	[sflag:s29] =	ssyncadd.s32 $0xFFFFFFFF  }
0xb6: {  	_ =	strace $0x90000048  }
0xb7: {  	_ =	sfence  }
0xb8: {  	s30 =	sld [smem:$0x0];
	_ =	sdelay $0x2  }
0xb9: {  	s31 =	sshll.u32 s1, $0xD;
	s1 =	sshrl.u32 s1, $0x2  }
0xba: {  	s3 =	sand.u32 $0x4000, s31;
	s1 =	sadd.s32 s1, s30  }
0xbb: {  	s0 =	sor.u32 s3, s0;
	s1 =	sshll.u32 s1, $0x11  }
0xbc: {  	s0 =	sor.u32 s1, s0  }
0xbd: {  	s0 =	sadd.s32 $0x8F2B, s0  }
0xbe: {  	[sflag:s0] =	ssyncadd.remote.s32 $0x1  }
0xbf: {  	_ =	sfence.sel $0xFFFF  }
0xc0: {  	[dreg:$0x0] =	wrdreg $0xFFFFFFFF;
	(pc) =	sbr.abs _section_cstart, $3  }
0xc1: {  	[dreg:$0x1] =	wrdreg $0xFFFFFFFF  }
0xc2: {  	_ =	task.clear_ibuf [dreg:s7], $0x2FFFF;
	_ =	strace $0x9FFFFFFF  }
0xc3: {  	(tm) =	ssettm $0x7FFFFFFF  }
tec
execute0_lowered:
.L_overlay_start_1:
0x0: {  	(tag) =	ssettag $0x1  }
0x1: {  	s6 =	rddreg [dreg:$0x0]  }
0x2: {  	s2 =	rddreg [dreg:$0x1]  }
0x3: {  	s0 =	srdreg.scid;
	s3 =	rddreg [dreg:$0x2]  }
0x4: {  	s1 =	stileid.u32;
	s4 =	simm.s32 $0x0;
	s21 =	simm.s32 $0x80  }
0x5: {  	s22 =	simm.s32 $0x0;
	s8 =	sand.u32 $0x1, s0;
	s0 =	rddreg [dreg:$0x3]  }
0x6: {  	[smem:$0x7FF] =	sst s4;
	s11 =	smul.u32 $0x2800, s1;
	s16 =	sadd.s32 $0x7800, s6  }
0x7: {  	s5 =	sshll.u32 s8, $0x4;
	_ =	strace $0x80000047;
	s9 =	ssub.s32 $0x2, s8  }
0x8: {  	s15 =	smul.u32 $0x28000, s8;
	s5 =	sor.u32 s1, s5;
	s31 =	sshrl.u32 s9, $0x1  }
0x9: {  	s12 =	sadd.s32 $0x800, s11;
	s14 =	sadd.s32 $0x1000, s11;
	s18 =	sadd.s32 $0x1800, s11  }
0xa: {  	s19 =	sadd.s32 $0x2000, s11;
	s5 =	smul.u32 $0x280, s5;
	s17 =	ssub.s32 s9, s31  }
0xb: {  	s8 =	sadd.s32 s12, s3;
	s9 =	sadd.s32 s14, s3;
	s10 =	sadd.s32 s18, s3  }
0xc: {  	s13 =	sadd.s32 s11, s15;
	s12 =	sadd.s32 s15, s12;
	s14 =	sadd.s32 s15, s14  }
0xd: {  	s18 =	sadd.s32 s15, s18;
	s15 =	sadd.s32 s15, s19;
	s13 =	sshrl.u32 s13, $0x3  }
0xe: {  	s20 =	sshrl.u32 s12, $0x3;
	s14 =	sshrl.u32 s14, $0x3;
	s18 =	sshrl.u32 s18, $0x3  }
0xf: {  	s17 =	smax.u32 s17, $0x1;
	s7 =	sadd.s32 s5, s6;
	s5 =	sadd.s32 $0x7600, s6  }
0x10: {  	s12 =	sadd.s32 s16, s13;
	s13 =	sadd.s32 s16, s20;
	s14 =	sadd.s32 s16, s14  }
0x11: {  	s20 =	simm.s32 $0x1C00;
	s6 =	sadd.s32 $0x2600, s7;
	s7 =	sadd.s32 s11, s3  }
0x12: {  	s11 =	sadd.s32 s19, s3;
	s19 =	sshrl.u32 s15, $0x3;
	s15 =	sadd.s32 s16, s18  }
0x13: {  	s18 =	simm.s32 $0x1;
	s16 =	sadd.s32 s16, s19;
	s19 =	simm.s32 $0x1400  }
.LBB2_1:
0x14: {  	[tilespmem:s4], [sflag:$0x1] =	stream.linear.gather [hbm4b:s6+s4], $0x1400, $0x38;
	[tilespmem:$0x4C00] =	vst v63  }
0x15: {  	_ =	swait.ge [sflag:s18], $0x1400  }
0x16: {  	[sflag:s18] =	ssyncset.done $0x0  }
0x17: {  	[sflag:s18] =	ssyncadd.s32 $0xFFFFEC00  }
0x18: {  	[tilespmem:s19], [sflag:$0x1] =	stream.linear.gather [hbm4b:s2+s4], $0x800, $0x38;
	[tilespmem:$0x4C00] =	vst v63  }
0x19: {  	_ =	swait.ge [sflag:s18], $0x800  }
0x1a: {  	[sflag:s18] =	ssyncset.done $0x0  }
0x1b: {  	[sflag:s18] =	ssyncadd.s32 $0xFFFFF800  }
0x1c: {  	[tilespmem:s20], [sflag:$0x1] =	stream.linear.gather [hbm4b:s5+s4], $0x800, $0x38;
	[tilespmem:$0x4C00] =	vst v63  }
0x1d: {  	_ =	swait.ge [sflag:s18], $0x800  }
0x1e: {  	[sflag:s18] =	ssyncset.done $0x0  }
0x1f: {  	[sflag:s18] =	ssyncadd.s32 $0xFFFFF800  }
0x20: {  	[spmem:s7] =	stream.linear.scatter [tilespmem:s20], [sflag:$0x1], $0x800, $0x38;
	[tilespmem:$0x4C00] =	vst v63  }
0x21: {  	_ =	swait.ge [sflag:s18], $0x800  }
0x22: {  	[sflag:s18] =	ssyncset.done $0x0  }
0x23: {  	[sflag:s18] =	ssyncadd.s32 $0xFFFFF800  }
0x24: {  	[spmem:s8] =	stream.linear.scatter [tilespmem:s20], [sflag:$0x1], $0x800, $0x38;
	[tilespmem:$0x4C00] =	vst v63  }
0x25: {  	_ =	swait.ge [sflag:s18], $0x800  }
0x26: {  	[sflag:s18] =	ssyncset.done $0x0  }
0x27: {  	[sflag:s18] =	ssyncadd.s32 $0xFFFFF800  }
0x28: {  	[spmem:s9] =	stream.linear.scatter [tilespmem:s20], [sflag:$0x1], $0x800, $0x38;
	[tilespmem:$0x4C00] =	vst v63  }
0x29: {  	_ =	swait.ge [sflag:s18], $0x800  }
0x2a: {  	[sflag:s18] =	ssyncset.done $0x0  }
0x2b: {  	[sflag:s18] =	ssyncadd.s32 $0xFFFFF800  }
0x2c: {  	[spmem:s10] =	stream.linear.scatter [tilespmem:s20], [sflag:$0x1], $0x800, $0x38;
	[tilespmem:$0x4C00] =	vst v63  }
0x2d: {  	_ =	swait.ge [sflag:s18], $0x800  }
0x2e: {  	[sflag:s18] =	ssyncset.done $0x0  }
0x2f: {  	[sflag:s18] =	ssyncadd.s32 $0xFFFFF800  }
0x30: {  	[spmem:s11] =	stream.linear.scatter [tilespmem:s20], [sflag:$0x1], $0x800, $0x38;
	[tilespmem:$0x4C00] =	vst v63  }
0x31: {  	_ =	swait.ge [sflag:s18], $0x800  }
0x32: {  	[sflag:s18] =	ssyncset.done $0x0  }
0x33: {  	[sflag:s18] =	ssyncadd.s32 $0xFFFFF800  }
0x34: {  	s23 =	simm.s32 $0x0;
	[bflag:$0x0] =	sbarrier.arrive $0xFFFF  }
0x35: {  	[spmem:s3] =	stream.indirect.scatter.add.f32 [tilespmem:s19], [sflag:$0x1], $0x10, s23, s21, $0xb8;
	[tilespmem:$0x4C00] =	vst v63  }
0x36: {  	_ =	swait.ge [sflag:s18], $0x800  }
0x37: {  	s23 =	simm.s32 $0x200;
	[sflag:s18] =	ssyncset.done $0x0  }
.LBB2_2:
0x38: {  	s24 =	sshra.s32 s23, $0x2;
	[sflag:s18] =	ssyncadd.s32 $0xFFFFF800;
	p0 =	sne.s32 s23, $0x4E00  }
0x39: {  	[spmem:s3] =	stream.indirect.scatter.add.f32 [tilespmem:s19], [sflag:$0x1], $0x10, s24, s21, $0xb8;
	[tilespmem:$0x4C00] =	vst v63  }
.Ltmp0:
0x3a: {  	_ = 	snop;
	(pc) =	sbr.rel @p0 .LBB2_2-.Ltmp0, $4  }
0x3b: {  	_ = 	snop  }
0x3c: {  	s23 =	sadd.s32 $0x200, s23  }
0x3d: {  	_ =	swait.ge [sflag:s18], $0x800  }
0x3e: {  	[sflag:s18] =	ssyncset.done $0x0  }
0x3f: {  	[sflag:s18] =	ssyncadd.s32 $0xFFFFF800  }
0x40: {  	[bflag:$0x0] =	sbarrier.arrive $0xFFFF  }
0x41: {  	[tilespmem:s20], [sflag:$0x1] =	stream.linear.gather [spmem:s7], $0x800, $0x38;
	[tilespmem:$0x4C00] =	vst v63  }
0x42: {  	_ =	swait.ge [sflag:s18], $0x800  }
0x43: {  	[sflag:s18] =	ssyncset.done $0x0  }
0x44: {  	[sflag:s18] =	ssyncadd.s32 $0xFFFFF800  }
0x45: {  	[hbm4b:s12+s4] =	stream.linear.scatter [tilespmem:s20], [sflag:$0x1], $0x800, $0x38;
	[tilespmem:$0x4C00] =	vst v63  }
0x46: {  	_ =	swait.ge [sflag:s18], $0x800  }
0x47: {  	[sflag:s18] =	ssyncset.done $0x0  }
0x48: {  	[sflag:s18] =	ssyncadd.s32 $0xFFFFF800  }
0x49: {  	[tilespmem:s20], [sflag:$0x1] =	stream.linear.gather [spmem:s8], $0x800, $0x38;
	[tilespmem:$0x4C00] =	vst v63  }
0x4a: {  	_ =	swait.ge [sflag:s18], $0x800  }
0x4b: {  	[sflag:s18] =	ssyncset.done $0x0  }
0x4c: {  	[sflag:s18] =	ssyncadd.s32 $0xFFFFF800  }
0x4d: {  	[hbm4b:s13+s4] =	stream.linear.scatter [tilespmem:s20], [sflag:$0x1], $0x800, $0x38;
	[tilespmem:$0x4C00] =	vst v63  }
0x4e: {  	_ =	swait.ge [sflag:s18], $0x800  }
0x4f: {  	[sflag:s18] =	ssyncset.done $0x0  }
0x50: {  	[sflag:s18] =	ssyncadd.s32 $0xFFFFF800  }
0x51: {  	[tilespmem:s20], [sflag:$0x1] =	stream.linear.gather [spmem:s9], $0x800, $0x38;
	[tilespmem:$0x4C00] =	vst v63  }
0x52: {  	_ =	swait.ge [sflag:s18], $0x800  }
0x53: {  	[sflag:s18] =	ssyncset.done $0x0  }
0x54: {  	[sflag:s18] =	ssyncadd.s32 $0xFFFFF800  }
0x55: {  	[hbm4b:s14+s4] =	stream.linear.scatter [tilespmem:s20], [sflag:$0x1], $0x800, $0x38;
	[tilespmem:$0x4C00] =	vst v63  }
0x56: {  	_ =	swait.ge [sflag:s18], $0x800  }
0x57: {  	[sflag:s18] =	ssyncset.done $0x0  }
0x58: {  	[sflag:s18] =	ssyncadd.s32 $0xFFFFF800  }
0x59: {  	[tilespmem:s20], [sflag:$0x1] =	stream.linear.gather [spmem:s10], $0x800, $0x38;
	[tilespmem:$0x4C00] =	vst v63  }
0x5a: {  	_ =	swait.ge [sflag:s18], $0x800  }
0x5b: {  	[sflag:s18] =	ssyncset.done $0x0  }
0x5c: {  	[sflag:s18] =	ssyncadd.s32 $0xFFFFF800  }
0x5d: {  	[hbm4b:s15+s4] =	stream.linear.scatter [tilespmem:s20], [sflag:$0x1], $0x800, $0x38;
	[tilespmem:$0x4C00] =	vst v63  }
0x5e: {  	_ =	swait.ge [sflag:s18], $0x800  }
0x5f: {  	[sflag:s18] =	ssyncset.done $0x0  }
0x60: {  	[sflag:s18] =	ssyncadd.s32 $0xFFFFF800  }
0x61: {  	[tilespmem:s20], [sflag:$0x1] =	stream.linear.gather [spmem:s11], $0x800, $0x38;
	[tilespmem:$0x4C00] =	vst v63  }
0x62: {  	s22 =	sadd.s32 $0x1, s22;
	_ =	swait.ge [sflag:s18], $0x800  }
0x63: {  	p0 =	sne.s32 s22, s17;
	[sflag:s18] =	ssyncset.done $0x0  }
.Ltmp1:
0x64: {  	[sflag:s18] =	ssyncadd.s32 $0xFFFFF800;
	(pc) =	sbr.rel @p0 .LBB2_1-.Ltmp1, $4  }
0x65: {  	[hbm4b:s16+s4] =	stream.linear.scatter [tilespmem:s20], [sflag:$0x1], $0x800, $0x38;
	[tilespmem:$0x4C00] =	vst v63  }
0x66: {  	_ =	swait.ge [sflag:s18], $0x800  }
0x67: {  	[sflag:s18] =	ssyncset.done $0x0  }
0x68: {  	[sflag:s18] =	ssyncadd.s32 $0xFFFFF800  }
0x69: {  	_ =	sfence.sel $0x180000  }
0x6a: {  	[bflag:$0x0] =	sbarrier.arrive $0xFFFF  }
0x6b: {  	p0 =	sne.s32 s1, $0x0;
	_ =	strace $0x90000047  }
0x6c: {  	s0 =	sadd.s32 @!p0 $0x100000, s0;
	[bflag:$0x2] =	sbarrier.arrive $0xFFFF  }
0x6d: {  	[sflag:s0] =	ssyncadd.tile.s32 @!p0 $0x1;
	_ =	shalt  }
.Lfunc_end2:
_tile_overlayer_lowered:
.L_overlay_start_2:
0x6e: {  	(tag) =	ssettag $0x2  }
0x6f: {  	s0 =	rddreg [dreg:$0x0];
	s2 =	stileid.u32  }
0x70: {  	s1 =	rddreg [dreg:$0x1];
	p0 =	sne.s32 s2, $0x0  }
0x71: {  	s3 =	rddreg [dreg:$0x2];
	[bflag:$0x3] =	sbarrier.arrive $0xFFFF;
	s2 =	simm.s32 @!p0 $0x1C01  }
0x72: {  	[timem:s3], [sflag:s2] =	dma.local @!p0 [hbm:s0], s1  }
0x73: {  	s0 =	simm.s32 @!p0 $0x1  }
0x74: {  	_ =	swait.ge @!p0 [sflag:s0], s1  }
0x75: {  	s1 =	ssub.s32 @!p0 $0x0, s1;
	[sflag:s0] =	ssyncset.done @!p0 $0x0  }
0x76: {  	[sflag:s0] =	ssyncadd.s32 @!p0 s1  }
0x77: {  	[bflag:$0x3] =	sbarrier.arrive $0xFFFF  }
0x78: {  	_ =	shalt  }

// kernel: kernel.14.cloned.1.call-start
scs
__scs_entry_jumppad:
0x0: {  	(pc) =	sbr.rel $0x88, $3  }
0x1: {  	(tag) =	ssettag $0x0;
	lr =	simm.s32 $0x1  }
0x2: {  	[smem:$0x3F99] =	sst lr;
	_ =	strace $0xD0000000  }
0x3: {  	_ = 	snop  }
0x4: {  	_ = 	snop  }
0x5: {  	_ = 	snop  }
0x6: {  	_ = 	snop  }
0x7: {  	_ = 	snop  }
__scs_overlays_trampoline_lowered:
0x8: {  	[smem:$0x3FA8] =	sst s0  }
0x9: {  	[smem:$0x3FA9] =	sst s1  }
0xa: {  	[smem:$0x3FAA] =	sst s2  }
0xb: {  	[smem:$0x3FAB] =	sst s3  }
0xc: {  	[smem:$0x3FAC] =	sst s4  }
0xd: {  	[smem:$0x3FAD] =	sst s5  }
0xe: {  	[smem:$0x3FAE] =	sst s6  }
0xf: {  	[smem:$0x3FAF] =	sst s7  }
0x10: {  	[smem:$0x3FB0] =	sst s8  }
0x11: {  	[smem:$0x3FB1] =	sst s9;
	s0 =	simm.s32 @!p0 $0x0  }
0x12: {  	s1 =	sld [smem:$0x3F97];
	s0 =	simm.s32 @p0 $0x1  }
0x13: {  	[smem:$0x3FB2] =	sst s0;
	s0 =	simm.s32 @!p1 $0x0  }
0x14: {  	s2 =	sld [smem:$0x3F96];
	s0 =	simm.s32 @p1 $0x1  }
0x15: {  	[smem:$0x3FB3] =	sst s0;
	s0 =	simm.s32 @!p2 $0x0  }
0x16: {  	s3 =	sld [smem:$0x3FDB];
	s0 =	simm.s32 @p2 $0x1  }
0x17: {  	s4 =	simm.s32 $0x1BF5;
	[smem:$0x3FB5] =	sst s0  }
0x18: {  	s0 =	sld [smem:$0x3F98];
	_ =	swait.ge [sflag:s4], $0x0  }
0x19: {  	s7 =	sld [smem:$0x3F99]  }
0x1a: {  	s8 =	sadd.s32 $0xFFFFE003, lr  }
0x1b: {  	s9 =	sadd.s32 $0xFFFFFEF7, lr;
	s5 =	simm.s32 $0xFFFFFFFF;
	p2 =	slt.u32 s8, $0xFFFFF086  }
0x1c: {  	p1 =	slt.u32 s9, $0xF7A;
	s5 =	simm.s32 @!p2 $0x0  }
0x1d: {  	s5 =	simm.s32 @p1 $0x1;
	p0 =	seq.s32 s7, s2  }
0x1e: {  	s7 =	smul.u32 @!p0 $0xF7A, s2;
	p2 =	seq.s32 @!p0 s5, $0x0  }
0x1f: {  	s9 =	smul.u32 $0xF7A, s1;
	s8 =	simm.s32 @!p0 $0x1BF5;
	p2 =	por !p2, p0  }
0x20: {  	[sflag:s8] =	ssyncset.s32 @!p0 $0xFFFFF086;
	s6 =	sadd.s32 @!p0 s3, s7;
	s7 =	simm.s32 @!p0 $0x108  }
0x21: {  	s3 =	sadd.s32 s3, s9;
	s6 =	sadd.s32 @!p0 $0x88, s6;
	s7 =	simm.s32 @p2 $0x1082  }
0x22: {  	[simem:s7], [sflag:s8] =	dma.local @!p0 [hbm:s6], $0xF7A  }
0x23: {  	s9 =	sor.u32 $0xD0000000, s2;
	s6 =	simm.s32 $0x108;
	_ =	swait.ge @!p0 [sflag:s8], $0x0  }
0x24: {  	s3 =	sadd.s32 $0x88, s3;
	s6 =	simm.s32 @!p1 $0x1082;
	[sflag:s4] =	ssyncset.s32 $0xFFFFF086  }
0x25: {  	[simem:s6], [sflag:s4] =	dma.local [hbm:s3], $0xF7A  }
0x26: {  	[smem:$0x3F99] =	sst s1;
	(tag) =	ssettag s2;
	_ =	strace s9  }
0x27: {  	s1 =	sld [smem:$0x3FA9]  }
0x28: {  	s2 =	sld [smem:$0x3FAA]  }
0x29: {  	s4 =	sld [smem:$0x3FAC]  }
0x2a: {  	p0 =	seq.s32 s5, $0x0;
	s5 =	sld [smem:$0x3FAD]  }
0x2b: {  	s6 =	sld [smem:$0x3FAE]  }
0x2c: {  	s7 =	sld [smem:$0x3FAF]  }
0x2d: {  	s3 =	simm.s32 $0x108;
	s8 =	sld [smem:$0x3FB0]  }
0x2e: {  	s3 =	simm.s32 @!p0 $0x1082;
	s9 =	sld [smem:$0x3FB1]  }
0x2f: {  	lr =	sadd.s32 s0, s3;
	s0 =	sld [smem:$0x3FA8]  }
0x30: {  	s3 =	sld [smem:$0x3FAB]  }
0x31: {  	[smem:$0x3FB4] =	sst s10  }
0x32: {  	s10 =	sld [smem:$0x3FB2];
	_ =	sdelay $0x3  }
0x33: {  	p0 =	seq.s32 s10, $0x1;
	s10 =	sld [smem:$0x3FB4];
	_ =	sdelay $0x3  }
0x34: {  	[smem:$0x3FB4] =	sst s10  }
0x35: {  	s10 =	sld [smem:$0x3FB3];
	_ =	sdelay $0x3  }
0x36: {  	p1 =	seq.s32 s10, $0x1;
	s10 =	sld [smem:$0x3FB4];
	_ =	sdelay $0x3  }
0x37: {  	[smem:$0x3FB4] =	sst s10  }
0x38: {  	s10 =	sld [smem:$0x3FB5]  }
0x39: {  	_ = 	snop;
	(pc) =	sbr.ind lr, $3  }
0x3a: {  	_ = 	snop  }
0x3b: {  	_ = 	snop  }
0x3c: {  	p2 =	seq.s32 s10, $0x1;
	s10 =	sld [smem:$0x3FB4]  }
0x3d: {  	_ =	shalt  }
0x3e: {  	_ =	shalt  }
0x3f: {  	_ =	shalt  }
0x40: {  	_ =	shalt  }
0x41: {  	_ =	shalt  }
0x42: {  	_ =	shalt  }
0x43: {  	_ =	shalt  }
0x44: {  	_ =	shalt  }
0x45: {  	_ =	shalt  }
0x46: {  	_ =	shalt  }
0x47: {  	_ =	shalt  }
0x48: {  	_ =	shalt  }
0x49: {  	_ =	shalt  }
0x4a: {  	_ =	shalt  }
0x4b: {  	_ =	shalt  }
0x4c: {  	_ =	shalt  }
0x4d: {  	_ =	shalt  }
0x4e: {  	_ =	shalt  }
0x4f: {  	_ =	shalt  }
0x50: {  	_ =	shalt  }
0x51: {  	_ =	shalt  }
0x52: {  	_ =	shalt  }
0x53: {  	_ =	shalt  }
0x54: {  	_ =	shalt  }
0x55: {  	_ =	shalt  }
0x56: {  	_ =	shalt  }
0x57: {  	_ =	shalt  }
0x58: {  	_ =	shalt  }
0x59: {  	_ =	shalt  }
0x5a: {  	_ =	shalt  }
0x5b: {  	_ =	shalt  }
0x5c: {  	_ =	shalt  }
0x5d: {  	_ =	shalt  }
0x5e: {  	_ =	shalt  }
0x5f: {  	_ =	shalt  }
0x60: {  	_ =	shalt  }
0x61: {  	_ =	shalt  }
0x62: {  	_ =	shalt  }
0x63: {  	_ =	shalt  }
0x64: {  	_ =	shalt  }
0x65: {  	_ =	shalt  }
0x66: {  	_ =	shalt  }
0x67: {  	_ =	shalt  }
0x68: {  	_ =	shalt  }
0x69: {  	_ =	shalt  }
0x6a: {  	_ =	shalt  }
0x6b: {  	_ =	shalt  }
0x6c: {  	_ =	shalt  }
0x6d: {  	_ =	shalt  }
0x6e: {  	_ =	shalt  }
0x6f: {  	_ =	shalt  }
0x70: {  	_ =	shalt  }
0x71: {  	_ =	shalt  }
0x72: {  	_ =	shalt  }
0x73: {  	_ =	shalt  }
0x74: {  	_ =	shalt  }
0x75: {  	_ =	shalt  }
0x76: {  	_ =	shalt  }
0x77: {  	_ =	shalt  }
0x78: {  	_ =	shalt  }
0x79: {  	_ =	shalt  }
0x7a: {  	_ =	shalt  }
0x7b: {  	_ =	shalt  }
0x7c: {  	_ =	shalt  }
0x7d: {  	_ =	shalt  }
0x7e: {  	_ =	shalt  }
0x7f: {  	_ =	shalt  }
0x80: {  	_ =	shalt  }
0x81: {  	_ =	shalt  }
0x82: {  	_ =	shalt  }
0x83: {  	_ =	shalt  }
0x84: {  	_ =	shalt  }
0x85: {  	_ =	shalt  }
0x86: {  	_ =	shalt  }
0x87: {  	_ =	shalt  }
.Lfunc_end0:
.L_simem_size_0:
called_computation.1_lowered:
.L_overlay_start_0:
0x88: {  	s2 =	sld [smem:$0x3FD9]  }
0x89: {  	s3 =	sld [smem:$0x3FFE];
	_ =	sdelay $0x1  }
0x8a: {  	s1 =	srdreg.scid  }
0x8b: {  	s0 =	sand.u32 $0x1, s1  }
0x8c: {  	s17 =	sshll.u32 s0, $0xA;
	s2 =	sadd.s32 s3, s2  }
0x8d: {  	s2 =	sadd.s32 s2, s17  }
0x8e: {  	[smem:$0x3FC0] =	sst s2  }
0x8f: {  	_ = 	snop  }
0x90: {  	s2 =	sld [smem:$0x3FD0];
	(tm) =	ssettm $0x1  }
0x91: {  	s18 =	sld [smem:$0x3FFB];
	_ =	sdelay $0x3  }
0x92: {  	_ =	strace s18  }
0x93: {  	s3 =	sld [smem:$0x3FFC];
	_ =	sdelay $0x3  }
0x94: {  	_ =	strace s3  }
0x95: {  	s3 =	sld [smem:$0x3FFD];
	_ =	sdelay $0x3  }
0x96: {  	_ =	strace s3  }
0x97: {  	_ =	strace $0x8FFFFFFF  }
0x98: {  	s19 =	sld [smem:$0x3FDB];
	_ =	sdelay $0x1  }
0x99: {  	s4 =	simm.s32 $_scs_section_size  }
0x9a: {  	s5 =	simm.s32 $_size__tile_overlayer_lowered;
	s6 =	simm.s32 $_tile_overlayer_lowered  }
0x9b: {  	s22 =	simm.s32 $0x1BFF;
	s21 =	sshll.u32 s6, $0x1;
	s3 =	sadd.s32 s4, s19  }
0x9c: {  	s7 =	simm.s32 $0x0;
	s20 =	sshll.u32 s5, $0x1;
	s5 =	sadd.s32 s21, s3  }
0x9d: {  	[timem:s7], [sflag:s22] =	dma.local [hbm:s5], s20  }
0x9e: {  	_ =	swait.ge [sflag:s22], s20  }
0x9f: {  	s4 =	ssub.s32 $0x0, s20;
	[sflag:s22] =	ssyncset.done $0x0  }
0xa0: {  	[sflag:s22] =	ssyncadd.s32 s4;
	_ =	sdelay $0x1  }
0xa1: {  	s23 =	simm.s32 $0x1B8B  }
0xa2: {  	_ =	swait.ge [sflag:s23], $0x1  }
0xa3: {  	[sflag:s23] =	ssyncset.done $0x0  }
0xa4: {  	s25 =	simm.s32 $0x1B8E;
	s24 =	sld [smem:$0x3FFE];
	[sflag:s23] =	ssyncadd.s32 $0xFFFFFFFF  }
0xa5: {  	s26 =	simm.s32 $execute0_lowered;
	[smem:$0x3FD2] =	sst s25  }
0xa6: {  	s5 =	sshll.u32 s26, $0x1;
	_ =	strace $0x80000049;
	[dreg:$0x1] =	wrdreg $0xFFFFFFFF  }
0xa7: {  	s28 =	simm.s32 $_size_execute0_lowered;
	s3 =	sadd.s32 s3, s5;
	[dreg:$0x0] =	wrdreg $0x0  }
0xa8: {  	s5 =	sshll.u32 s28, $0x1;
	[dreg:$0x2] =	wrdreg s3  }
0xa9: {  	[dreg:$0x3] =	wrdreg s5  }
0xaa: {  	[dreg:$0x4] =	wrdreg $0xC0  }
0xab: {  	_ =	task [dreg:s7], $0x5FFFF  }
0xac: {  	[dreg:$0x1] =	wrdreg $0xFFFFFFFF  }
0xad: {  	[dreg:$0x0] =	wrdreg $0x60  }
0xae: {  	[dreg:$0x2] =	wrdreg s2  }
0xaf: {  	[dreg:$0x3] =	wrdreg s24  }
0xb0: {  	[dreg:$0x4] =	wrdreg $0xC8000  }
0xb1: {  	[dreg:$0x5] =	wrdreg $0x9  }
0xb2: {  	_ =	task.clear_ibuf [dreg:s7], $0x6FFFF;
	_ =	strace $0x90000049  }
0xb3: {  	s29 =	simm.s32 $0x9;
	_ =	strace $0x8000004B  }
0xb4: {  	_ =	swait.ge [sflag:s29], $0x1  }
0xb5: {  	[sflag:s29] =	ssyncadd.s32 $0xFFFFFFFF  }
0xb6: {  	_ =	strace $0x9000004B  }
0xb7: {  	_ =	sfence  }
0xb8: {  	s30 =	sld [smem:$0x0];
	_ =	sdelay $0x2  }
0xb9: {  	s31 =	sshll.u32 s1, $0xD;
	s1 =	sshrl.u32 s1, $0x2  }
0xba: {  	s3 =	sand.u32 $0x4000, s31;
	s1 =	sadd.s32 s1, s30  }
0xbb: {  	s0 =	sor.u32 s3, s0;
	s1 =	sshll.u32 s1, $0x11  }
0xbc: {  	s0 =	sor.u32 s1, s0  }
0xbd: {  	s0 =	sadd.s32 $0x8F2B, s0  }
0xbe: {  	[sflag:s0] =	ssyncadd.remote.s32 $0x1  }
0xbf: {  	_ =	sfence.sel $0xFFFF  }
0xc0: {  	[dreg:$0x0] =	wrdreg $0xFFFFFFFF;
	(pc) =	sbr.abs _section_cstart, $3  }
0xc1: {  	[dreg:$0x1] =	wrdreg $0xFFFFFFFF  }
0xc2: {  	_ =	task.clear_ibuf [dreg:s7], $0x2FFFF;
	_ =	strace $0x9FFFFFFF  }
0xc3: {  	(tm) =	ssettm $0x7FFFFFFF  }
tec
execute0_lowered:
.L_overlay_start_1:
0x0: {  	(tag) =	ssettag $0x1  }
0x1: {  	s0 =	rddreg [dreg:$0x0]  }
0x2: {  	s1 =	srdreg.scid;
	s2 =	rddreg [dreg:$0x1]  }
0x3: {  	s3 =	rddreg [dreg:$0x2];
	s9 =	stileid.u32;
	s4 =	simm.s32 $0x0  }
0x4: {  	s21 =	simm.s32 $0xA800;
	s22 =	simm.s32 $0x80;
	s23 =	simm.s32 $0x2800  }
0x5: {  	s24 =	simm.s32 $0x4800;
	s29 =	simm.s32 $0x8800;
	s30 =	simm.s32 $0x1  }
0x6: {  	s31 =	simm.s32 $0x2;
	s25 =	simm.s32 $0x0;
	s1 =	sand.u32 $0x1, s1  }
0x7: {  	[smem:$0x7FF] =	sst s4;
	s26 =	sadd.s32 $0x7600, s2;
	s12 =	smul.u32 $0xA000, s9  }
0x8: {  	s5 =	sshll.u32 s1, $0x4;
	_ =	strace $0x8000004A;
	[dreg:$0x4] =	wrdreg s26  }
0x9: {  	s6 =	ssub.s32 $0x2, s1;
	s1 =	smul.u32 $0xA0000, s1;
	s26 =	simm.s32 $0x6800  }
0xa: {  	s5 =	sor.u32 s9, s5;
	s8 =	sshrl.u32 s6, $0x1;
	s13 =	sadd.s32 $0x2000, s12  }
0xb: {  	s15 =	sadd.s32 $0x4000, s12;
	s16 =	sadd.s32 $0x6000, s12;
	s17 =	sadd.s32 $0x8000, s12  }
0xc: {  	s5 =	smul.u32 $0x280, s5;
	s18 =	ssub.s32 s6, s8;
	s8 =	sadd.s32 s12, s3  }
0xd: {  	s9 =	sadd.s32 s13, s3;
	s10 =	sadd.s32 s15, s3;
	s11 =	sadd.s32 s16, s3  }
0xe: {  	s14 =	sadd.s32 s12, s1;
	s19 =	sadd.s32 s1, s13;
	s12 =	sadd.s32 s17, s3  }
0xf: {  	s15 =	sadd.s32 s1, s15;
	s16 =	sadd.s32 s1, s16;
	s1 =	sadd.s32 s1, s17  }
0x10: {  	s14 =	sshrl.u32 s14, $0x3;
	s28 =	sshrl.u32 s19, $0x3;
	s15 =	sshrl.u32 s15, $0x3  }
0x11: {  	s16 =	sshrl.u32 s16, $0x3;
	s1 =	sshrl.u32 s1, $0x3;
	s18 =	smax.u32 s18, $0x1  }
0x12: {  	s19 =	simm.s32 $0x5;
	s7 =	sadd.s32 s5, s2;
	s2 =	sadd.s32 $0x16800, s2  }
0x13: {  	s6 =	sadd.s32 $0x11800, s7;
	s7 =	sadd.s32 $0x2600, s7;
	s13 =	sadd.s32 s2, s14  }
0x14: {  	s14 =	sadd.s32 s2, s28;
	s15 =	sadd.s32 s2, s15;
	s16 =	sadd.s32 s2, s16  }
0x15: {  	s17 =	sadd.s32 s2, s1;
	s1 =	simm.s32 $0x3;
	s2 =	simm.s32 $0x4  }
.LBB2_1:
0x16: {  	[tilespmem:s4], [sflag:$0x5] =	stream.linear.gather [hbm4b:s6+s4], $0x1400, $0x38;
	[tilespmem:$0x16800] =	vst v63  }
0x17: {  	_ =	swait.ge [sflag:s19], $0x1400  }
0x18: {  	[sflag:s19] =	ssyncset.done $0x0  }
0x19: {  	s5 =	simm.s32 $0x1400;
	[sflag:s19] =	ssyncadd.s32 $0xFFFFEC00  }
0x1a: {  	[tilespmem:s5], [sflag:$0x5] =	stream.linear.gather [hbm4b:s7+s4], $0x1400, $0x38;
	[tilespmem:$0x16800] =	vst v63  }
0x1b: {  	_ =	swait.ge [sflag:s19], $0x1400  }
0x1c: {  	[sflag:s19] =	ssyncset.done $0x0  }
0x1d: {  	s20 =	rddreg [dreg:$0x4];
	[sflag:s19] =	ssyncadd.s32 $0xFFFFEC00  }
0x1e: {  	[tilespmem:s21], [sflag:$0x5] =	stream.linear.gather [hbm4b:s20+s4], $0x2000, $0x38;
	[tilespmem:$0x16800] =	vst v63  }
0x1f: {  	_ =	swait.ge [sflag:s19], $0x2000  }
0x20: {  	[sflag:s19] =	ssyncset.done $0x0  }
0x21: {  	[sflag:s19] =	ssyncadd.s32 $0xFFFFE000  }
0x22: {  	[spmem:s8] =	stream.linear.scatter [tilespmem:s21], [sflag:$0x5], $0x2000, $0x38;
	[tilespmem:$0x16800] =	vst v63  }
0x23: {  	_ =	swait.ge [sflag:s19], $0x2000  }
0x24: {  	[sflag:s19] =	ssyncset.done $0x0  }
0x25: {  	[sflag:s19] =	ssyncadd.s32 $0xFFFFE000  }
0x26: {  	[spmem:s9] =	stream.linear.scatter [tilespmem:s21], [sflag:$0x5], $0x2000, $0x38;
	[tilespmem:$0x16800] =	vst v63  }
0x27: {  	_ =	swait.ge [sflag:s19], $0x2000  }
0x28: {  	[sflag:s19] =	ssyncset.done $0x0  }
0x29: {  	[sflag:s19] =	ssyncadd.s32 $0xFFFFE000  }
0x2a: {  	[spmem:s10] =	stream.linear.scatter [tilespmem:s21], [sflag:$0x5], $0x2000, $0x38;
	[tilespmem:$0x16800] =	vst v63  }
0x2b: {  	_ =	swait.ge [sflag:s19], $0x2000  }
0x2c: {  	[sflag:s19] =	ssyncset.done $0x0  }
0x2d: {  	[sflag:s19] =	ssyncadd.s32 $0xFFFFE000  }
0x2e: {  	[spmem:s11] =	stream.linear.scatter [tilespmem:s21], [sflag:$0x5], $0x2000, $0x38;
	[tilespmem:$0x16800] =	vst v63  }
0x2f: {  	_ =	swait.ge [sflag:s19], $0x2000  }
0x30: {  	[sflag:s19] =	ssyncset.done $0x0  }
0x31: {  	[sflag:s19] =	ssyncadd.s32 $0xFFFFE000  }
0x32: {  	[spmem:s12] =	stream.linear.scatter [tilespmem:s21], [sflag:$0x5], $0x2000, $0x38;
	[tilespmem:$0x16800] =	vst v63  }
0x33: {  	_ =	swait.ge [sflag:s19], $0x2000  }
0x34: {  	[sflag:s19] =	ssyncset.done $0x0  }
0x35: {  	[sflag:s19] =	ssyncadd.s32 $0xFFFFE000  }
0x36: {  	[bflag:$0x0] =	sbarrier.arrive $0xFFFF  }
0x37: {  	[tilespmem:s23], [sflag:$0x1] =	stream.indirect.gather [hbm4b:s0+s22], $0x40, s4, s22, $0xb8;
	[tilespmem:$0x16800] =	vst v63  }
0x38: {  	_ = 	snop  }
0x39: {  	[tilespmem:s24], [sflag:$0x2] =	stream.indirect.gather [hbm4b:s0+s22], $0x40, s22, s22, $0xb8;
	[tilespmem:$0x16800] =	vst v63  }
0x3a: {  	s20 =	simm.s32 $0x100  }
0x3b: {  	[tilespmem:s26], [sflag:$0x3] =	stream.indirect.gather [hbm4b:s0+s22], $0x40, s20, s22, $0xb8;
	[tilespmem:$0x16800] =	vst v63  }
0x3c: {  	s20 =	simm.s32 $0x180  }
0x3d: {  	[tilespmem:s29], [sflag:$0x4] =	stream.indirect.gather [hbm4b:s0+s22], $0x40, s20, s22, $0xb8;
	[tilespmem:$0x16800] =	vst v63  }
0x3e: {  	_ =	swait.ge [sflag:s30], $0x2000  }
0x3f: {  	[sflag:s30] =	ssyncset.done $0x0  }
0x40: {  	s20 =	simm.s32 $0x1400;
	[sflag:s30] =	ssyncadd.s32 $0xFFFFE000  }
0x41: {  	[spmem:s3] =	stream.indirect.scatter.add.f32 [tilespmem:s23], [sflag:$0x5], $0x40, s20, s22, $0xb8;
	[tilespmem:$0x16800] =	vst v63  }
0x42: {  	_ =	swait.ge [sflag:s19], $0x2000  }
0x43: {  	[sflag:s19] =	ssyncset.done $0x0  }
0x44: {  	s5 =	simm.s32 $0x200;
	[sflag:s19] =	ssyncadd.s32 $0xFFFFE000  }
0x45: {  	[tilespmem:s23], [sflag:$0x1] =	stream.indirect.gather [hbm4b:s0+s22], $0x40, s5, s22, $0xb8;
	[tilespmem:$0x16800] =	vst v63  }
0x46: {  	_ =	swait.ge [sflag:s31], $0x2000  }
0x47: {  	[sflag:s31] =	ssyncset.done $0x0  }
0x48: {  	s5 =	simm.s32 $0x1480;
	[sflag:s31] =	ssyncadd.s32 $0xFFFFE000  }
0x49: {  	[spmem:s3] =	stream.indirect.scatter.add.f32 [tilespmem:s24], [sflag:$0x5], $0x40, s5, s22, $0xb8;
	[tilespmem:$0x16800] =	vst v63  }
0x4a: {  	_ =	swait.ge [sflag:s19], $0x2000  }
0x4b: {  	[sflag:s19] =	ssyncset.done $0x0  }
0x4c: {  	s5 =	simm.s32 $0x280;
	[sflag:s19] =	ssyncadd.s32 $0xFFFFE000  }
0x4d: {  	[tilespmem:s24], [sflag:$0x2] =	stream.indirect.gather [hbm4b:s0+s22], $0x40, s5, s22, $0xb8;
	[tilespmem:$0x16800] =	vst v63  }
0x4e: {  	_ =	swait.ge [sflag:s1], $0x2000  }
0x4f: {  	[sflag:s1] =	ssyncset.done $0x0  }
0x50: {  	s5 =	simm.s32 $0x1500;
	[sflag:s1] =	ssyncadd.s32 $0xFFFFE000  }
0x51: {  	[spmem:s3] =	stream.indirect.scatter.add.f32 [tilespmem:s26], [sflag:$0x5], $0x40, s5, s22, $0xb8;
	[tilespmem:$0x16800] =	vst v63  }
0x52: {  	_ =	swait.ge [sflag:s19], $0x2000  }
0x53: {  	[sflag:s19] =	ssyncset.done $0x0  }
0x54: {  	s5 =	simm.s32 $0x300;
	[sflag:s19] =	ssyncadd.s32 $0xFFFFE000  }
0x55: {  	[tilespmem:s26], [sflag:$0x3] =	stream.indirect.gather [hbm4b:s0+s22], $0x40, s5, s22, $0xb8;
	[tilespmem:$0x16800] =	vst v63  }
0x56: {  	_ =	swait.ge [sflag:s2], $0x2000  }
0x57: {  	[sflag:s2] =	ssyncset.done $0x0  }
0x58: {  	s5 =	simm.s32 $0x1580;
	[sflag:s2] =	ssyncadd.s32 $0xFFFFE000  }
0x59: {  	[spmem:s3] =	stream.indirect.scatter.add.f32 [tilespmem:s29], [sflag:$0x5], $0x40, s5, s22, $0xb8;
	[tilespmem:$0x16800] =	vst v63  }
0x5a: {  	_ =	swait.ge [sflag:s19], $0x2000  }
0x5b: {  	[sflag:s19] =	ssyncset.done $0x0  }
0x5c: {  	s28 =	simm.s32 $0x800;
	s20 =	simm.s32 $0x380;
	[sflag:s19] =	ssyncadd.s32 $0xFFFFE000  }
.LBB2_2:
0x5d: {  	[tilespmem:s29], [sflag:$0x4] =	stream.indirect.gather [hbm4b:s0+s22], $0x40, s20, s22, $0xb8;
	[tilespmem:$0x16800] =	vst v63  }
0x5e: {  	s20 =	smov.u32 s28  }
0x5f: {  	p0 =	sne.s32 s28, $0x4000;
	s28 =	sadd.s32 $0x800, s28;
	_ =	swait.ge [sflag:s30], $0x2000  }
0x60: {  	s20 =	sshra.s32 s20, $0x2;
	[sflag:s30] =	ssyncset.done $0x0  }
0x61: {  	s5 =	sadd.s32 $0x1400, s20;
	[sflag:s30] =	ssyncadd.s32 $0xFFFFE000  }
0x62: {  	[spmem:s3] =	stream.indirect.scatter.add.f32 [tilespmem:s23], [sflag:$0x5], $0x40, s5, s22, $0xb8;
	[tilespmem:$0x16800] =	vst v63  }
0x63: {  	_ =	swait.ge [sflag:s19], $0x2000  }
0x64: {  	[sflag:s19] =	ssyncset.done $0x0  }
0x65: {  	s5 =	sadd.s32 $0x200, s20;
	[sflag:s19] =	ssyncadd.s32 $0xFFFFE000  }
0x66: {  	[tilespmem:s23], [sflag:$0x1] =	stream.indirect.gather [hbm4b:s0+s22], $0x40, s5, s22, $0xb8;
	[tilespmem:$0x16800] =	vst v63  }
0x67: {  	_ =	swait.ge [sflag:s31], $0x2000  }
0x68: {  	[sflag:s31] =	ssyncset.done $0x0  }
0x69: {  	s5 =	sadd.s32 $0x1480, s20;
	[sflag:s31] =	ssyncadd.s32 $0xFFFFE000  }
0x6a: {  	[spmem:s3] =	stream.indirect.scatter.add.f32 [tilespmem:s24], [sflag:$0x5], $0x40, s5, s22, $0xb8;
	[tilespmem:$0x16800] =	vst v63  }
0x6b: {  	_ =	swait.ge [sflag:s19], $0x2000  }
0x6c: {  	[sflag:s19] =	ssyncset.done $0x0  }
0x6d: {  	s5 =	sadd.s32 $0x280, s20;
	[sflag:s19] =	ssyncadd.s32 $0xFFFFE000  }
0x6e: {  	[tilespmem:s24], [sflag:$0x2] =	stream.indirect.gather [hbm4b:s0+s22], $0x40, s5, s22, $0xb8;
	[tilespmem:$0x16800] =	vst v63  }
0x6f: {  	_ =	swait.ge [sflag:s1], $0x2000  }
0x70: {  	[sflag:s1] =	ssyncset.done $0x0  }
0x71: {  	s5 =	sadd.s32 $0x1500, s20;
	[sflag:s1] =	ssyncadd.s32 $0xFFFFE000  }
0x72: {  	[spmem:s3] =	stream.indirect.scatter.add.f32 [tilespmem:s26], [sflag:$0x5], $0x40, s5, s22, $0xb8;
	[tilespmem:$0x16800] =	vst v63  }
0x73: {  	_ =	swait.ge [sflag:s19], $0x2000  }
0x74: {  	[sflag:s19] =	ssyncset.done $0x0  }
0x75: {  	s5 =	sadd.s32 $0x300, s20;
	[sflag:s19] =	ssyncadd.s32 $0xFFFFE000  }
0x76: {  	[tilespmem:s26], [sflag:$0x3] =	stream.indirect.gather [hbm4b:s0+s22], $0x40, s5, s22, $0xb8;
	[tilespmem:$0x16800] =	vst v63  }
0x77: {  	_ =	swait.ge [sflag:s2], $0x2000  }
0x78: {  	[sflag:s2] =	ssyncset.done $0x0  }
.Ltmp0:
0x79: {  	s5 =	sadd.s32 $0x1580, s20;
	[sflag:s2] =	ssyncadd.s32 $0xFFFFE000;
	(pc) =	sbr.rel @p0 .LBB2_2-.Ltmp0, $4  }
0x7a: {  	[spmem:s3] =	stream.indirect.scatter.add.f32 [tilespmem:s29], [sflag:$0x5], $0x40, s5, s22, $0xb8;
	[tilespmem:$0x16800] =	vst v63  }
0x7b: {  	_ =	swait.ge [sflag:s19], $0x2000  }
0x7c: {  	[sflag:s19] =	ssyncset.done $0x0  }
0x7d: {  	s20 =	sadd.s32 $0x380, s20;
	[sflag:s19] =	ssyncadd.s32 $0xFFFFE000  }
0x7e: {  	[tilespmem:s29], [sflag:$0x4] =	stream.indirect.gather [hbm4b:s0+s22], $0x40, s20, s22, $0xb8;
	[tilespmem:$0x16800] =	vst v63  }
0x7f: {  	_ =	swait.ge [sflag:s30], $0x2000  }
0x80: {  	[sflag:s30] =	ssyncset.done $0x0  }
0x81: {  	s5 =	simm.s32 $0x2600;
	[sflag:s30] =	ssyncadd.s32 $0xFFFFE000  }
0x82: {  	[spmem:s3] =	stream.indirect.scatter.add.f32 [tilespmem:s23], [sflag:$0x5], $0x40, s5, s22, $0xb8;
	[tilespmem:$0x16800] =	vst v63  }
0x83: {  	_ =	swait.ge [sflag:s19], $0x2000  }
0x84: {  	[sflag:s19] =	ssyncset.done $0x0  }
0x85: {  	[sflag:s19] =	ssyncadd.s32 $0xFFFFE000  }
0x86: {  	_ =	swait.ge [sflag:s31], $0x2000  }
0x87: {  	[sflag:s31] =	ssyncset.done $0x0  }
0x88: {  	s28 =	simm.s32 $0x2680;
	[sflag:s31] =	ssyncadd.s32 $0xFFFFE000  }
0x89: {  	[spmem:s3] =	stream.indirect.scatter.add.f32 [tilespmem:s24], [sflag:$0x5], $0x40, s28, s22, $0xb8;
	[tilespmem:$0x16800] =	vst v63  }
0x8a: {  	_ =	swait.ge [sflag:s19], $0x2000  }
0x8b: {  	[sflag:s19] =	ssyncset.done $0x0  }
0x8c: {  	[sflag:s19] =	ssyncadd.s32 $0xFFFFE000  }
0x8d: {  	_ =	swait.ge [sflag:s1], $0x2000  }
0x8e: {  	[sflag:s1] =	ssyncset.done $0x0  }
0x8f: {  	s20 =	simm.s32 $0x2700;
	[sflag:s1] =	ssyncadd.s32 $0xFFFFE000  }
0x90: {  	[spmem:s3] =	stream.indirect.scatter.add.f32 [tilespmem:s26], [sflag:$0x5], $0x40, s20, s22, $0xb8;
	[tilespmem:$0x16800] =	vst v63  }
0x91: {  	_ =	swait.ge [sflag:s19], $0x2000  }
0x92: {  	[sflag:s19] =	ssyncset.done $0x0  }
0x93: {  	[sflag:s19] =	ssyncadd.s32 $0xFFFFE000  }
0x94: {  	_ =	swait.ge [sflag:s2], $0x2000  }
0x95: {  	[sflag:s2] =	ssyncset.done $0x0  }
0x96: {  	s28 =	simm.s32 $0x2780;
	[sflag:s2] =	ssyncadd.s32 $0xFFFFE000  }
0x97: {  	[spmem:s3] =	stream.indirect.scatter.add.f32 [tilespmem:s29], [sflag:$0x5], $0x40, s28, s22, $0xb8;
	[tilespmem:$0x16800] =	vst v63  }
0x98: {  	_ =	swait.ge [sflag:s19], $0x2000  }
0x99: {  	[sflag:s19] =	ssyncset.done $0x0  }
0x9a: {  	[sflag:s19] =	ssyncadd.s32 $0xFFFFE000  }
0x9b: {  	[bflag:$0x0] =	sbarrier.arrive $0xFFFF  }
0x9c: {  	[tilespmem:s21], [sflag:$0x5] =	stream.linear.gather [spmem:s8], $0x2000, $0x38;
	[tilespmem:$0x16800] =	vst v63  }
0x9d: {  	_ =	swait.ge [sflag:s19], $0x2000  }
0x9e: {  	[sflag:s19] =	ssyncset.done $0x0  }
0x9f: {  	[sflag:s19] =	ssyncadd.s32 $0xFFFFE000  }
0xa0: {  	[hbm4b:s13+s4] =	stream.linear.scatter [tilespmem:s21], [sflag:$0x5], $0x2000, $0x38;
	[tilespmem:$0x16800] =	vst v63  }
0xa1: {  	_ =	swait.ge [sflag:s19], $0x2000  }
0xa2: {  	[sflag:s19] =	ssyncset.done $0x0  }
0xa3: {  	[sflag:s19] =	ssyncadd.s32 $0xFFFFE000  }
0xa4: {  	[tilespmem:s21], [sflag:$0x5] =	stream.linear.gather [spmem:s9], $0x2000, $0x38;
	[tilespmem:$0x16800] =	vst v63  }
0xa5: {  	_ =	swait.ge [sflag:s19], $0x2000  }
0xa6: {  	[sflag:s19] =	ssyncset.done $0x0  }
0xa7: {  	[sflag:s19] =	ssyncadd.s32 $0xFFFFE000  }
0xa8: {  	[hbm4b:s14+s4] =	stream.linear.scatter [tilespmem:s21], [sflag:$0x5], $0x2000, $0x38;
	[tilespmem:$0x16800] =	vst v63  }
0xa9: {  	_ =	swait.ge [sflag:s19], $0x2000  }
0xaa: {  	[sflag:s19] =	ssyncset.done $0x0  }
0xab: {  	[sflag:s19] =	ssyncadd.s32 $0xFFFFE000  }
0xac: {  	[tilespmem:s21], [sflag:$0x5] =	stream.linear.gather [spmem:s10], $0x2000, $0x38;
	[tilespmem:$0x16800] =	vst v63  }
0xad: {  	_ =	swait.ge [sflag:s19], $0x2000  }
0xae: {  	[sflag:s19] =	ssyncset.done $0x0  }
0xaf: {  	[sflag:s19] =	ssyncadd.s32 $0xFFFFE000  }
0xb0: {  	[hbm4b:s15+s4] =	stream.linear.scatter [tilespmem:s21], [sflag:$0x5], $0x2000, $0x38;
	[tilespmem:$0x16800] =	vst v63  }
0xb1: {  	_ =	swait.ge [sflag:s19], $0x2000  }
0xb2: {  	[sflag:s19] =	ssyncset.done $0x0  }
0xb3: {  	[sflag:s19] =	ssyncadd.s32 $0xFFFFE000  }
0xb4: {  	[tilespmem:s21], [sflag:$0x5] =	stream.linear.gather [spmem:s11], $0x2000, $0x38;
	[tilespmem:$0x16800] =	vst v63  }
0xb5: {  	_ =	swait.ge [sflag:s19], $0x2000  }
0xb6: {  	[sflag:s19] =	ssyncset.done $0x0  }
0xb7: {  	[sflag:s19] =	ssyncadd.s32 $0xFFFFE000  }
0xb8: {  	[hbm4b:s16+s4] =	stream.linear.scatter [tilespmem:s21], [sflag:$0x5], $0x2000, $0x38;
	[tilespmem:$0x16800] =	vst v63  }
0xb9: {  	_ =	swait.ge [sflag:s19], $0x2000  }
0xba: {  	[sflag:s19] =	ssyncset.done $0x0  }
0xbb: {  	[sflag:s19] =	ssyncadd.s32 $0xFFFFE000  }
0xbc: {  	[tilespmem:s21], [sflag:$0x5] =	stream.linear.gather [spmem:s12], $0x2000, $0x38;
	[tilespmem:$0x16800] =	vst v63  }
0xbd: {  	s25 =	sadd.s32 $0x1, s25;
	_ =	swait.ge [sflag:s19], $0x2000  }
0xbe: {  	p0 =	sne.s32 s25, s18;
	[sflag:s19] =	ssyncset.done $0x0  }
.Ltmp1:
0xbf: {  	[sflag:s19] =	ssyncadd.s32 $0xFFFFE000;
	(pc) =	sbr.rel @p0 .LBB2_1-.Ltmp1, $4  }
0xc0: {  	[hbm4b:s17+s4] =	stream.linear.scatter [tilespmem:s21], [sflag:$0x5], $0x2000, $0x38;
	[tilespmem:$0x16800] =	vst v63  }
0xc1: {  	_ =	swait.ge [sflag:s19], $0x2000  }
0xc2: {  	[sflag:s19] =	ssyncset.done $0x0  }
0xc3: {  	[sflag:s19] =	ssyncadd.s32 $0xFFFFE000  }
0xc4: {  	_ =	sfence.sel $0x180000  }
0xc5: {  	[bflag:$0x0] =	sbarrier.arrive $0xFFFF  }
0xc6: {  	_ =	strace $0x9000004A  }
0xc7: {  	s0 =	stileid.u32;
	[bflag:$0x2] =	sbarrier.arrive $0xFFFF  }
0xc8: {  	p0 =	sne.s32 s0, $0x0;
	s0 =	rddreg [dreg:$0x3]  }
0xc9: {  	s0 =	sadd.s32 @!p0 $0x100000, s0  }
0xca: {  	[sflag:s0] =	ssyncadd.tile.s32 @!p0 $0x1;
	_ =	shalt  }
.Lfunc_end2:
_tile_overlayer_lowered:
.L_overlay_start_2:
0xcb: {  	(tag) =	ssettag $0x2  }
0xcc: {  	s0 =	rddreg [dreg:$0x0];
	s2 =	stileid.u32  }
0xcd: {  	s1 =	rddreg [dreg:$0x1];
	p0 =	sne.s32 s2, $0x0  }
0xce: {  	s3 =	rddreg [dreg:$0x2];
	[bflag:$0x3] =	sbarrier.arrive $0xFFFF;
	s2 =	simm.s32 @!p0 $0x1C05  }
0xcf: {  	[timem:s3], [sflag:s2] =	dma.local @!p0 [hbm:s0], s1  }
0xd0: {  	s0 =	simm.s32 @!p0 $0x5  }
0xd1: {  	_ =	swait.ge @!p0 [sflag:s0], s1  }
0xd2: {  	s1 =	ssub.s32 @!p0 $0x0, s1;
	[sflag:s0] =	ssyncset.done @!p0 $0x0  }
0xd3: {  	[sflag:s0] =	ssyncadd.s32 @!p0 s1  }
0xd4: {  	[bflag:$0x3] =	sbarrier.arrive $0xFFFF  }
0xd5: {  	_ =	shalt  }

// kernel: kernel.17.cloned.1.call-start
scs
__scs_entry_jumppad:
0x0: {  	(pc) =	sbr.rel $0x88, $3  }
0x1: {  	(tag) =	ssettag $0x0;
	lr =	simm.s32 $0x1  }
0x2: {  	[smem:$0x3F99] =	sst lr;
	_ =	strace $0xD0000000  }
0x3: {  	_ = 	snop  }
0x4: {  	_ = 	snop  }
0x5: {  	_ = 	snop  }
0x6: {  	_ = 	snop  }
0x7: {  	_ = 	snop  }
__scs_overlays_trampoline_lowered:
0x8: {  	[smem:$0x3FA8] =	sst s0  }
0x9: {  	[smem:$0x3FA9] =	sst s1  }
0xa: {  	[smem:$0x3FAA] =	sst s2  }
0xb: {  	[smem:$0x3FAB] =	sst s3  }
0xc: {  	[smem:$0x3FAC] =	sst s4  }
0xd: {  	[smem:$0x3FAD] =	sst s5  }
0xe: {  	[smem:$0x3FAE] =	sst s6  }
0xf: {  	[smem:$0x3FAF] =	sst s7  }
0x10: {  	[smem:$0x3FB0] =	sst s8  }
0x11: {  	[smem:$0x3FB1] =	sst s9;
	s0 =	simm.s32 @!p0 $0x0  }
0x12: {  	s1 =	sld [smem:$0x3F97];
	s0 =	simm.s32 @p0 $0x1  }
0x13: {  	[smem:$0x3FB2] =	sst s0;
	s0 =	simm.s32 @!p1 $0x0  }
0x14: {  	s2 =	sld [smem:$0x3F96];
	s0 =	simm.s32 @p1 $0x1  }
0x15: {  	[smem:$0x3FB3] =	sst s0;
	s0 =	simm.s32 @!p2 $0x0  }
0x16: {  	s3 =	sld [smem:$0x3FDB];
	s0 =	simm.s32 @p2 $0x1  }
0x17: {  	s4 =	simm.s32 $0x1BF5;
	[smem:$0x3FB5] =	sst s0  }
0x18: {  	s0 =	sld [smem:$0x3F98];
	_ =	swait.ge [sflag:s4], $0x0  }
0x19: {  	s7 =	sld [smem:$0x3F99]  }
0x1a: {  	s8 =	sadd.s32 $0xFFFFE003, lr  }
0x1b: {  	s9 =	sadd.s32 $0xFFFFFEF7, lr;
	s5 =	simm.s32 $0xFFFFFFFF;
	p2 =	slt.u32 s8, $0xFFFFF086  }
0x1c: {  	p1 =	slt.u32 s9, $0xF7A;
	s5 =	simm.s32 @!p2 $0x0  }
0x1d: {  	s5 =	simm.s32 @p1 $0x1;
	p0 =	seq.s32 s7, s2  }
0x1e: {  	s7 =	smul.u32 @!p0 $0xF7A, s2;
	p2 =	seq.s32 @!p0 s5, $0x0  }
0x1f: {  	s9 =	smul.u32 $0xF7A, s1;
	s8 =	simm.s32 @!p0 $0x1BF5;
	p2 =	por !p2, p0  }
0x20: {  	[sflag:s8] =	ssyncset.s32 @!p0 $0xFFFFF086;
	s6 =	sadd.s32 @!p0 s3, s7;
	s7 =	simm.s32 @!p0 $0x108  }
0x21: {  	s3 =	sadd.s32 s3, s9;
	s6 =	sadd.s32 @!p0 $0x88, s6;
	s7 =	simm.s32 @p2 $0x1082  }
0x22: {  	[simem:s7], [sflag:s8] =	dma.local @!p0 [hbm:s6], $0xF7A  }
0x23: {  	s9 =	sor.u32 $0xD0000000, s2;
	s6 =	simm.s32 $0x108;
	_ =	swait.ge @!p0 [sflag:s8], $0x0  }
0x24: {  	s3 =	sadd.s32 $0x88, s3;
	s6 =	simm.s32 @!p1 $0x1082;
	[sflag:s4] =	ssyncset.s32 $0xFFFFF086  }
0x25: {  	[simem:s6], [sflag:s4] =	dma.local [hbm:s3], $0xF7A  }
0x26: {  	[smem:$0x3F99] =	sst s1;
	(tag) =	ssettag s2;
	_ =	strace s9  }
0x27: {  	s1 =	sld [smem:$0x3FA9]  }
0x28: {  	s2 =	sld [smem:$0x3FAA]  }
0x29: {  	s4 =	sld [smem:$0x3FAC]  }
0x2a: {  	p0 =	seq.s32 s5, $0x0;
	s5 =	sld [smem:$0x3FAD]  }
0x2b: {  	s6 =	sld [smem:$0x3FAE]  }
0x2c: {  	s7 =	sld [smem:$0x3FAF]  }
0x2d: {  	s3 =	simm.s32 $0x108;
	s8 =	sld [smem:$0x3FB0]  }
0x2e: {  	s3 =	simm.s32 @!p0 $0x1082;
	s9 =	sld [smem:$0x3FB1]  }
0x2f: {  	lr =	sadd.s32 s0, s3;
	s0 =	sld [smem:$0x3FA8]  }
0x30: {  	s3 =	sld [smem:$0x3FAB]  }
0x31: {  	[smem:$0x3FB4] =	sst s10  }
0x32: {  	s10 =	sld [smem:$0x3FB2];
	_ =	sdelay $0x3  }
0x33: {  	p0 =	seq.s32 s10, $0x1;
	s10 =	sld [smem:$0x3FB4];
	_ =	sdelay $0x3  }
0x34: {  	[smem:$0x3FB4] =	sst s10  }
0x35: {  	s10 =	sld [smem:$0x3FB3];
	_ =	sdelay $0x3  }
0x36: {  	p1 =	seq.s32 s10, $0x1;
	s10 =	sld [smem:$0x3FB4];
	_ =	sdelay $0x3  }
0x37: {  	[smem:$0x3FB4] =	sst s10  }
0x38: {  	s10 =	sld [smem:$0x3FB5]  }
0x39: {  	_ = 	snop;
	(pc) =	sbr.ind lr, $3  }
0x3a: {  	_ = 	snop  }
0x3b: {  	_ = 	snop  }
0x3c: {  	p2 =	seq.s32 s10, $0x1;
	s10 =	sld [smem:$0x3FB4]  }
0x3d: {  	_ =	shalt  }
0x3e: {  	_ =	shalt  }
0x3f: {  	_ =	shalt  }
0x40: {  	_ =	shalt  }
0x41: {  	_ =	shalt  }
0x42: {  	_ =	shalt  }
0x43: {  	_ =	shalt  }
0x44: {  	_ =	shalt  }
0x45: {  	_ =	shalt  }
0x46: {  	_ =	shalt  }
0x47: {  	_ =	shalt  }
0x48: {  	_ =	shalt  }
0x49: {  	_ =	shalt  }
0x4a: {  	_ =	shalt  }
0x4b: {  	_ =	shalt  }
0x4c: {  	_ =	shalt  }
0x4d: {  	_ =	shalt  }
0x4e: {  	_ =	shalt  }
0x4f: {  	_ =	shalt  }
0x50: {  	_ =	shalt  }
0x51: {  	_ =	shalt  }
0x52: {  	_ =	shalt  }
0x53: {  	_ =	shalt  }
0x54: {  	_ =	shalt  }
0x55: {  	_ =	shalt  }
0x56: {  	_ =	shalt  }
0x57: {  	_ =	shalt  }
0x58: {  	_ =	shalt  }
0x59: {  	_ =	shalt  }
0x5a: {  	_ =	shalt  }
0x5b: {  	_ =	shalt  }
0x5c: {  	_ =	shalt  }
0x5d: {  	_ =	shalt  }
0x5e: {  	_ =	shalt  }
0x5f: {  	_ =	shalt  }
0x60: {  	_ =	shalt  }
0x61: {  	_ =	shalt  }
0x62: {  	_ =	shalt  }
0x63: {  	_ =	shalt  }
0x64: {  	_ =	shalt  }
0x65: {  	_ =	shalt  }
0x66: {  	_ =	shalt  }
0x67: {  	_ =	shalt  }
0x68: {  	_ =	shalt  }
0x69: {  	_ =	shalt  }
0x6a: {  	_ =	shalt  }
0x6b: {  	_ =	shalt  }
0x6c: {  	_ =	shalt  }
0x6d: {  	_ =	shalt  }
0x6e: {  	_ =	shalt  }
0x6f: {  	_ =	shalt  }
0x70: {  	_ =	shalt  }
0x71: {  	_ =	shalt  }
0x72: {  	_ =	shalt  }
0x73: {  	_ =	shalt  }
0x74: {  	_ =	shalt  }
0x75: {  	_ =	shalt  }
0x76: {  	_ =	shalt  }
0x77: {  	_ =	shalt  }
0x78: {  	_ =	shalt  }
0x79: {  	_ =	shalt  }
0x7a: {  	_ =	shalt  }
0x7b: {  	_ =	shalt  }
0x7c: {  	_ =	shalt  }
0x7d: {  	_ =	shalt  }
0x7e: {  	_ =	shalt  }
0x7f: {  	_ =	shalt  }
0x80: {  	_ =	shalt  }
0x81: {  	_ =	shalt  }
0x82: {  	_ =	shalt  }
0x83: {  	_ =	shalt  }
0x84: {  	_ =	shalt  }
0x85: {  	_ =	shalt  }
0x86: {  	_ =	shalt  }
0x87: {  	_ =	shalt  }
.Lfunc_end0:
.L_simem_size_0:
called_computation.2_lowered:
.L_overlay_start_0:
0x88: {  	s2 =	sld [smem:$0x3FD9]  }
0x89: {  	s3 =	sld [smem:$0x3FFE];
	_ =	sdelay $0x1  }
0x8a: {  	s1 =	srdreg.scid  }
0x8b: {  	s0 =	sand.u32 $0x1, s1  }
0x8c: {  	s17 =	sshll.u32 s0, $0xA;
	s2 =	sadd.s32 s3, s2  }
0x8d: {  	s2 =	sadd.s32 s2, s17  }
0x8e: {  	[smem:$0x3FC0] =	sst s2  }
0x8f: {  	_ = 	snop  }
0x90: {  	s2 =	sld [smem:$0x3FD0];
	(tm) =	ssettm $0x1  }
0x91: {  	s18 =	sld [smem:$0x3FFB];
	_ =	sdelay $0x3  }
0x92: {  	_ =	strace s18  }
0x93: {  	s3 =	sld [smem:$0x3FFC];
	_ =	sdelay $0x3  }
0x94: {  	_ =	strace s3  }
0x95: {  	s3 =	sld [smem:$0x3FFD];
	_ =	sdelay $0x3  }
0x96: {  	_ =	strace s3  }
0x97: {  	_ =	strace $0x8FFFFFFF  }
0x98: {  	s19 =	sld [smem:$0x3FDB];
	_ =	sdelay $0x1  }
0x99: {  	s4 =	simm.s32 $_scs_section_size  }
0x9a: {  	s5 =	simm.s32 $_size__tile_overlayer_lowered;
	s6 =	simm.s32 $_tile_overlayer_lowered  }
0x9b: {  	s22 =	simm.s32 $0x1BFF;
	s21 =	sshll.u32 s6, $0x1;
	s3 =	sadd.s32 s4, s19  }
0x9c: {  	s7 =	simm.s32 $0x0;
	s20 =	sshll.u32 s5, $0x1;
	s5 =	sadd.s32 s21, s3  }
0x9d: {  	[timem:s7], [sflag:s22] =	dma.local [hbm:s5], s20  }
0x9e: {  	_ =	swait.ge [sflag:s22], s20  }
0x9f: {  	s4 =	ssub.s32 $0x0, s20;
	[sflag:s22] =	ssyncset.done $0x0  }
0xa0: {  	[sflag:s22] =	ssyncadd.s32 s4;
	_ =	sdelay $0x1  }
0xa1: {  	s23 =	simm.s32 $0x1B8B  }
0xa2: {  	_ =	swait.ge [sflag:s23], $0x1  }
0xa3: {  	[sflag:s23] =	ssyncset.done $0x0  }
0xa4: {  	s25 =	simm.s32 $0x1B8E;
	s24 =	sld [smem:$0x3FFE];
	[sflag:s23] =	ssyncadd.s32 $0xFFFFFFFF  }
0xa5: {  	s26 =	simm.s32 $execute0_lowered;
	[smem:$0x3FD2] =	sst s25  }
0xa6: {  	s5 =	sshll.u32 s26, $0x1;
	_ =	strace $0x8000004C;
	[dreg:$0x1] =	wrdreg $0xFFFFFFFF  }
0xa7: {  	s28 =	simm.s32 $_size_execute0_lowered;
	s3 =	sadd.s32 s3, s5;
	[dreg:$0x0] =	wrdreg $0x0  }
0xa8: {  	s5 =	sshll.u32 s28, $0x1;
	[dreg:$0x2] =	wrdreg s3  }
0xa9: {  	[dreg:$0x3] =	wrdreg s5  }
0xaa: {  	[dreg:$0x4] =	wrdreg $0xC0  }
0xab: {  	_ =	task [dreg:s7], $0x5FFFF  }
0xac: {  	[dreg:$0x1] =	wrdreg $0xFFFFFFFF  }
0xad: {  	[dreg:$0x0] =	wrdreg $0x60  }
0xae: {  	[dreg:$0x2] =	wrdreg s2  }
0xaf: {  	[dreg:$0x3] =	wrdreg s24  }
0xb0: {  	[dreg:$0x4] =	wrdreg $0xC8000  }
0xb1: {  	[dreg:$0x5] =	wrdreg $0x9  }
0xb2: {  	_ =	task.clear_ibuf [dreg:s7], $0x6FFFF;
	_ =	strace $0x9000004C  }
0xb3: {  	s29 =	simm.s32 $0x9;
	_ =	strace $0x8000004E  }
0xb4: {  	_ =	swait.ge [sflag:s29], $0x1  }
0xb5: {  	[sflag:s29] =	ssyncadd.s32 $0xFFFFFFFF  }
0xb6: {  	_ =	strace $0x9000004E  }
0xb7: {  	_ =	sfence  }
0xb8: {  	s30 =	sld [smem:$0x0];
	_ =	sdelay $0x2  }
0xb9: {  	s31 =	sshll.u32 s1, $0xD;
	s1 =	sshrl.u32 s1, $0x2  }
0xba: {  	s3 =	sand.u32 $0x4000, s31;
	s1 =	sadd.s32 s1, s30  }
0xbb: {  	s0 =	sor.u32 s3, s0;
	s1 =	sshll.u32 s1, $0x11  }
0xbc: {  	s0 =	sor.u32 s1, s0  }
0xbd: {  	s0 =	sadd.s32 $0x8F2B, s0  }
0xbe: {  	[sflag:s0] =	ssyncadd.remote.s32 $0x1  }
0xbf: {  	_ =	sfence.sel $0xFFFF  }
0xc0: {  	[dreg:$0x0] =	wrdreg $0xFFFFFFFF;
	(pc) =	sbr.abs _section_cstart, $3  }
0xc1: {  	[dreg:$0x1] =	wrdreg $0xFFFFFFFF  }
0xc2: {  	_ =	task.clear_ibuf [dreg:s7], $0x2FFFF;
	_ =	strace $0x9FFFFFFF  }
0xc3: {  	(tm) =	ssettm $0x7FFFFFFF  }
tec
execute0_lowered:
.L_overlay_start_1:
0x0: {  	(tag) =	ssettag $0x1  }
0x1: {  	s0 =	rddreg [dreg:$0x0]  }
0x2: {  	s1 =	srdreg.scid;
	s2 =	rddreg [dreg:$0x1]  }
0x3: {  	s3 =	rddreg [dreg:$0x2];
	s9 =	stileid.u32;
	s4 =	simm.s32 $0x0  }
0x4: {  	s21 =	simm.s32 $0xA800;
	s22 =	simm.s32 $0x80;
	s23 =	simm.s32 $0x2800  }
0x5: {  	s24 =	simm.s32 $0x4800;
	s29 =	simm.s32 $0x8800;
	s30 =	simm.s32 $0x1  }
0x6: {  	s31 =	simm.s32 $0x2;
	s25 =	simm.s32 $0x0;
	s1 =	sand.u32 $0x1, s1  }
0x7: {  	[smem:$0x7FF] =	sst s4;
	s26 =	sadd.s32 $0x7600, s2;
	s12 =	smul.u32 $0xA000, s9  }
0x8: {  	s5 =	sshll.u32 s1, $0x4;
	_ =	strace $0x8000004D;
	[dreg:$0x4] =	wrdreg s26  }
0x9: {  	s6 =	ssub.s32 $0x2, s1;
	s1 =	smul.u32 $0xA0000, s1;
	s26 =	simm.s32 $0x6800  }
0xa: {  	s5 =	sor.u32 s9, s5;
	s8 =	sshrl.u32 s6, $0x1;
	s13 =	sadd.s32 $0x2000, s12  }
0xb: {  	s15 =	sadd.s32 $0x4000, s12;
	s16 =	sadd.s32 $0x6000, s12;
	s17 =	sadd.s32 $0x8000, s12  }
0xc: {  	s5 =	smul.u32 $0x280, s5;
	s18 =	ssub.s32 s6, s8;
	s8 =	sadd.s32 s12, s3  }
0xd: {  	s9 =	sadd.s32 s13, s3;
	s10 =	sadd.s32 s15, s3;
	s11 =	sadd.s32 s16, s3  }
0xe: {  	s14 =	sadd.s32 s12, s1;
	s19 =	sadd.s32 s1, s13;
	s12 =	sadd.s32 s17, s3  }
0xf: {  	s15 =	sadd.s32 s1, s15;
	s16 =	sadd.s32 s1, s16;
	s1 =	sadd.s32 s1, s17  }
0x10: {  	s14 =	sshrl.u32 s14, $0x3;
	s28 =	sshrl.u32 s19, $0x3;
	s15 =	sshrl.u32 s15, $0x3  }
0x11: {  	s16 =	sshrl.u32 s16, $0x3;
	s1 =	sshrl.u32 s1, $0x3;
	s18 =	smax.u32 s18, $0x1  }
0x12: {  	s19 =	simm.s32 $0x5;
	s7 =	sadd.s32 s5, s2;
	s2 =	sadd.s32 $0x16800, s2  }
0x13: {  	s6 =	sadd.s32 $0x11800, s7;
	s7 =	sadd.s32 $0x2600, s7;
	s13 =	sadd.s32 s2, s14  }
0x14: {  	s14 =	sadd.s32 s2, s28;
	s15 =	sadd.s32 s2, s15;
	s16 =	sadd.s32 s2, s16  }
0x15: {  	s17 =	sadd.s32 s2, s1;
	s1 =	simm.s32 $0x3;
	s2 =	simm.s32 $0x4  }
.LBB2_1:
0x16: {  	[tilespmem:s4], [sflag:$0x5] =	stream.linear.gather [hbm4b:s6+s4], $0x1400, $0x38;
	[tilespmem:$0x16800] =	vst v63  }
0x17: {  	_ =	swait.ge [sflag:s19], $0x1400  }
0x18: {  	[sflag:s19] =	ssyncset.done $0x0  }
0x19: {  	s5 =	simm.s32 $0x1400;
	[sflag:s19] =	ssyncadd.s32 $0xFFFFEC00  }
0x1a: {  	[tilespmem:s5], [sflag:$0x5] =	stream.linear.gather [hbm4b:s7+s4], $0x1400, $0x38;
	[tilespmem:$0x16800] =	vst v63  }
0x1b: {  	_ =	swait.ge [sflag:s19], $0x1400  }
0x1c: {  	[sflag:s19] =	ssyncset.done $0x0  }
0x1d: {  	s20 =	rddreg [dreg:$0x4];
	[sflag:s19] =	ssyncadd.s32 $0xFFFFEC00  }
0x1e: {  	[tilespmem:s21], [sflag:$0x5] =	stream.linear.gather [hbm4b:s20+s4], $0x2000, $0x38;
	[tilespmem:$0x16800] =	vst v63  }
0x1f: {  	_ =	swait.ge [sflag:s19], $0x2000  }
0x20: {  	[sflag:s19] =	ssyncset.done $0x0  }
0x21: {  	[sflag:s19] =	ssyncadd.s32 $0xFFFFE000  }
0x22: {  	[spmem:s8] =	stream.linear.scatter [tilespmem:s21], [sflag:$0x5], $0x2000, $0x38;
	[tilespmem:$0x16800] =	vst v63  }
0x23: {  	_ =	swait.ge [sflag:s19], $0x2000  }
0x24: {  	[sflag:s19] =	ssyncset.done $0x0  }
0x25: {  	[sflag:s19] =	ssyncadd.s32 $0xFFFFE000  }
0x26: {  	[spmem:s9] =	stream.linear.scatter [tilespmem:s21], [sflag:$0x5], $0x2000, $0x38;
	[tilespmem:$0x16800] =	vst v63  }
0x27: {  	_ =	swait.ge [sflag:s19], $0x2000  }
0x28: {  	[sflag:s19] =	ssyncset.done $0x0  }
0x29: {  	[sflag:s19] =	ssyncadd.s32 $0xFFFFE000  }
0x2a: {  	[spmem:s10] =	stream.linear.scatter [tilespmem:s21], [sflag:$0x5], $0x2000, $0x38;
	[tilespmem:$0x16800] =	vst v63  }
0x2b: {  	_ =	swait.ge [sflag:s19], $0x2000  }
0x2c: {  	[sflag:s19] =	ssyncset.done $0x0  }
0x2d: {  	[sflag:s19] =	ssyncadd.s32 $0xFFFFE000  }
0x2e: {  	[spmem:s11] =	stream.linear.scatter [tilespmem:s21], [sflag:$0x5], $0x2000, $0x38;
	[tilespmem:$0x16800] =	vst v63  }
0x2f: {  	_ =	swait.ge [sflag:s19], $0x2000  }
0x30: {  	[sflag:s19] =	ssyncset.done $0x0  }
0x31: {  	[sflag:s19] =	ssyncadd.s32 $0xFFFFE000  }
0x32: {  	[spmem:s12] =	stream.linear.scatter [tilespmem:s21], [sflag:$0x5], $0x2000, $0x38;
	[tilespmem:$0x16800] =	vst v63  }
0x33: {  	_ =	swait.ge [sflag:s19], $0x2000  }
0x34: {  	[sflag:s19] =	ssyncset.done $0x0  }
0x35: {  	[sflag:s19] =	ssyncadd.s32 $0xFFFFE000  }
0x36: {  	[bflag:$0x0] =	sbarrier.arrive $0xFFFF  }
0x37: {  	[tilespmem:s23], [sflag:$0x1] =	stream.indirect.gather [hbm4b:s0+s22], $0x40, s4, s22, $0xb8;
	[tilespmem:$0x16800] =	vst v63  }
0x38: {  	_ = 	snop  }
0x39: {  	[tilespmem:s24], [sflag:$0x2] =	stream.indirect.gather [hbm4b:s0+s22], $0x40, s22, s22, $0xb8;
	[tilespmem:$0x16800] =	vst v63  }
0x3a: {  	s20 =	simm.s32 $0x100  }
0x3b: {  	[tilespmem:s26], [sflag:$0x3] =	stream.indirect.gather [hbm4b:s0+s22], $0x40, s20, s22, $0xb8;
	[tilespmem:$0x16800] =	vst v63  }
0x3c: {  	s20 =	simm.s32 $0x180  }
0x3d: {  	[tilespmem:s29], [sflag:$0x4] =	stream.indirect.gather [hbm4b:s0+s22], $0x40, s20, s22, $0xb8;
	[tilespmem:$0x16800] =	vst v63  }
0x3e: {  	_ =	swait.ge [sflag:s30], $0x2000  }
0x3f: {  	[sflag:s30] =	ssyncset.done $0x0  }
0x40: {  	s20 =	simm.s32 $0x1400;
	[sflag:s30] =	ssyncadd.s32 $0xFFFFE000  }
0x41: {  	[spmem:s3] =	stream.indirect.scatter.add.f32 [tilespmem:s23], [sflag:$0x5], $0x40, s20, s22, $0xb8;
	[tilespmem:$0x16800] =	vst v63  }
0x42: {  	_ =	swait.ge [sflag:s19], $0x2000  }
0x43: {  	[sflag:s19] =	ssyncset.done $0x0  }
0x44: {  	s5 =	simm.s32 $0x200;
	[sflag:s19] =	ssyncadd.s32 $0xFFFFE000  }
0x45: {  	[tilespmem:s23], [sflag:$0x1] =	stream.indirect.gather [hbm4b:s0+s22], $0x40, s5, s22, $0xb8;
	[tilespmem:$0x16800] =	vst v63  }
0x46: {  	_ =	swait.ge [sflag:s31], $0x2000  }
0x47: {  	[sflag:s31] =	ssyncset.done $0x0  }
0x48: {  	s5 =	simm.s32 $0x1480;
	[sflag:s31] =	ssyncadd.s32 $0xFFFFE000  }
0x49: {  	[spmem:s3] =	stream.indirect.scatter.add.f32 [tilespmem:s24], [sflag:$0x5], $0x40, s5, s22, $0xb8;
	[tilespmem:$0x16800] =	vst v63  }
0x4a: {  	_ =	swait.ge [sflag:s19], $0x2000  }
0x4b: {  	[sflag:s19] =	ssyncset.done $0x0  }
0x4c: {  	s5 =	simm.s32 $0x280;
	[sflag:s19] =	ssyncadd.s32 $0xFFFFE000  }
0x4d: {  	[tilespmem:s24], [sflag:$0x2] =	stream.indirect.gather [hbm4b:s0+s22], $0x40, s5, s22, $0xb8;
	[tilespmem:$0x16800] =	vst v63  }
0x4e: {  	_ =	swait.ge [sflag:s1], $0x2000  }
0x4f: {  	[sflag:s1] =	ssyncset.done $0x0  }
0x50: {  	s5 =	simm.s32 $0x1500;
	[sflag:s1] =	ssyncadd.s32 $0xFFFFE000  }
0x51: {  	[spmem:s3] =	stream.indirect.scatter.add.f32 [tilespmem:s26], [sflag:$0x5], $0x40, s5, s22, $0xb8;
	[tilespmem:$0x16800] =	vst v63  }
0x52: {  	_ =	swait.ge [sflag:s19], $0x2000  }
0x53: {  	[sflag:s19] =	ssyncset.done $0x0  }
0x54: {  	s5 =	simm.s32 $0x300;
	[sflag:s19] =	ssyncadd.s32 $0xFFFFE000  }
0x55: {  	[tilespmem:s26], [sflag:$0x3] =	stream.indirect.gather [hbm4b:s0+s22], $0x40, s5, s22, $0xb8;
	[tilespmem:$0x16800] =	vst v63  }
0x56: {  	_ =	swait.ge [sflag:s2], $0x2000  }
0x57: {  	[sflag:s2] =	ssyncset.done $0x0  }
0x58: {  	s5 =	simm.s32 $0x1580;
	[sflag:s2] =	ssyncadd.s32 $0xFFFFE000  }
0x59: {  	[spmem:s3] =	stream.indirect.scatter.add.f32 [tilespmem:s29], [sflag:$0x5], $0x40, s5, s22, $0xb8;
	[tilespmem:$0x16800] =	vst v63  }
0x5a: {  	_ =	swait.ge [sflag:s19], $0x2000  }
0x5b: {  	[sflag:s19] =	ssyncset.done $0x0  }
0x5c: {  	s28 =	simm.s32 $0x800;
	s20 =	simm.s32 $0x380;
	[sflag:s19] =	ssyncadd.s32 $0xFFFFE000  }
.LBB2_2:
0x5d: {  	[tilespmem:s29], [sflag:$0x4] =	stream.indirect.gather [hbm4b:s0+s22], $0x40, s20, s22, $0xb8;
	[tilespmem:$0x16800] =	vst v63  }
0x5e: {  	s20 =	smov.u32 s28  }
0x5f: {  	p0 =	sne.s32 s28, $0x4000;
	s28 =	sadd.s32 $0x800, s28;
	_ =	swait.ge [sflag:s30], $0x2000  }
0x60: {  	s20 =	sshra.s32 s20, $0x2;
	[sflag:s30] =	ssyncset.done $0x0  }
0x61: {  	s5 =	sadd.s32 $0x1400, s20;
	[sflag:s30] =	ssyncadd.s32 $0xFFFFE000  }
0x62: {  	[spmem:s3] =	stream.indirect.scatter.add.f32 [tilespmem:s23], [sflag:$0x5], $0x40, s5, s22, $0xb8;
	[tilespmem:$0x16800] =	vst v63  }
0x63: {  	_ =	swait.ge [sflag:s19], $0x2000  }
0x64: {  	[sflag:s19] =	ssyncset.done $0x0  }
0x65: {  	s5 =	sadd.s32 $0x200, s20;
	[sflag:s19] =	ssyncadd.s32 $0xFFFFE000  }
0x66: {  	[tilespmem:s23], [sflag:$0x1] =	stream.indirect.gather [hbm4b:s0+s22], $0x40, s5, s22, $0xb8;
	[tilespmem:$0x16800] =	vst v63  }
0x67: {  	_ =	swait.ge [sflag:s31], $0x2000  }
0x68: {  	[sflag:s31] =	ssyncset.done $0x0  }
0x69: {  	s5 =	sadd.s32 $0x1480, s20;
	[sflag:s31] =	ssyncadd.s32 $0xFFFFE000  }
0x6a: {  	[spmem:s3] =	stream.indirect.scatter.add.f32 [tilespmem:s24], [sflag:$0x5], $0x40, s5, s22, $0xb8;
	[tilespmem:$0x16800] =	vst v63  }
0x6b: {  	_ =	swait.ge [sflag:s19], $0x2000  }
0x6c: {  	[sflag:s19] =	ssyncset.done $0x0  }
0x6d: {  	s5 =	sadd.s32 $0x280, s20;
	[sflag:s19] =	ssyncadd.s32 $0xFFFFE000  }
0x6e: {  	[tilespmem:s24], [sflag:$0x2] =	stream.indirect.gather [hbm4b:s0+s22], $0x40, s5, s22, $0xb8;
	[tilespmem:$0x16800] =	vst v63  }
0x6f: {  	_ =	swait.ge [sflag:s1], $0x2000  }
0x70: {  	[sflag:s1] =	ssyncset.done $0x0  }
0x71: {  	s5 =	sadd.s32 $0x1500, s20;
	[sflag:s1] =	ssyncadd.s32 $0xFFFFE000  }
0x72: {  	[spmem:s3] =	stream.indirect.scatter.add.f32 [tilespmem:s26], [sflag:$0x5], $0x40, s5, s22, $0xb8;
	[tilespmem:$0x16800] =	vst v63  }
0x73: {  	_ =	swait.ge [sflag:s19], $0x2000  }
0x74: {  	[sflag:s19] =	ssyncset.done $0x0  }
0x75: {  	s5 =	sadd.s32 $0x300, s20;
	[sflag:s19] =	ssyncadd.s32 $0xFFFFE000  }
0x76: {  	[tilespmem:s26], [sflag:$0x3] =	stream.indirect.gather [hbm4b:s0+s22], $0x40, s5, s22, $0xb8;
	[tilespmem:$0x16800] =	vst v63  }
0x77: {  	_ =	swait.ge [sflag:s2], $0x2000  }
0x78: {  	[sflag:s2] =	ssyncset.done $0x0  }
.Ltmp0:
0x79: {  	s5 =	sadd.s32 $0x1580, s20;
	[sflag:s2] =	ssyncadd.s32 $0xFFFFE000;
	(pc) =	sbr.rel @p0 .LBB2_2-.Ltmp0, $4  }
0x7a: {  	[spmem:s3] =	stream.indirect.scatter.add.f32 [tilespmem:s29], [sflag:$0x5], $0x40, s5, s22, $0xb8;
	[tilespmem:$0x16800] =	vst v63  }
0x7b: {  	_ =	swait.ge [sflag:s19], $0x2000  }
0x7c: {  	[sflag:s19] =	ssyncset.done $0x0  }
0x7d: {  	s20 =	sadd.s32 $0x380, s20;
	[sflag:s19] =	ssyncadd.s32 $0xFFFFE000  }
0x7e: {  	[tilespmem:s29], [sflag:$0x4] =	stream.indirect.gather [hbm4b:s0+s22], $0x40, s20, s22, $0xb8;
	[tilespmem:$0x16800] =	vst v63  }
0x7f: {  	_ =	swait.ge [sflag:s30], $0x2000  }
0x80: {  	[sflag:s30] =	ssyncset.done $0x0  }
0x81: {  	s5 =	simm.s32 $0x2600;
	[sflag:s30] =	ssyncadd.s32 $0xFFFFE000  }
0x82: {  	[spmem:s3] =	stream.indirect.scatter.add.f32 [tilespmem:s23], [sflag:$0x5], $0x40, s5, s22, $0xb8;
	[tilespmem:$0x16800] =	vst v63  }
0x83: {  	_ =	swait.ge [sflag:s19], $0x2000  }
0x84: {  	[sflag:s19] =	ssyncset.done $0x0  }
0x85: {  	[sflag:s19] =	ssyncadd.s32 $0xFFFFE000  }
0x86: {  	_ =	swait.ge [sflag:s31], $0x2000  }
0x87: {  	[sflag:s31] =	ssyncset.done $0x0  }
0x88: {  	s28 =	simm.s32 $0x2680;
	[sflag:s31] =	ssyncadd.s32 $0xFFFFE000  }
0x89: {  	[spmem:s3] =	stream.indirect.scatter.add.f32 [tilespmem:s24], [sflag:$0x5], $0x40, s28, s22, $0xb8;
	[tilespmem:$0x16800] =	vst v63  }
0x8a: {  	_ =	swait.ge [sflag:s19], $0x2000  }
0x8b: {  	[sflag:s19] =	ssyncset.done $0x0  }
0x8c: {  	[sflag:s19] =	ssyncadd.s32 $0xFFFFE000  }
0x8d: {  	_ =	swait.ge [sflag:s1], $0x2000  }
0x8e: {  	[sflag:s1] =	ssyncset.done $0x0  }
0x8f: {  	s20 =	simm.s32 $0x2700;
	[sflag:s1] =	ssyncadd.s32 $0xFFFFE000  }
0x90: {  	[spmem:s3] =	stream.indirect.scatter.add.f32 [tilespmem:s26], [sflag:$0x5], $0x40, s20, s22, $0xb8;
	[tilespmem:$0x16800] =	vst v63  }
0x91: {  	_ =	swait.ge [sflag:s19], $0x2000  }
0x92: {  	[sflag:s19] =	ssyncset.done $0x0  }
0x93: {  	[sflag:s19] =	ssyncadd.s32 $0xFFFFE000  }
0x94: {  	_ =	swait.ge [sflag:s2], $0x2000  }
0x95: {  	[sflag:s2] =	ssyncset.done $0x0  }
0x96: {  	s28 =	simm.s32 $0x2780;
	[sflag:s2] =	ssyncadd.s32 $0xFFFFE000  }
0x97: {  	[spmem:s3] =	stream.indirect.scatter.add.f32 [tilespmem:s29], [sflag:$0x5], $0x40, s28, s22, $0xb8;
	[tilespmem:$0x16800] =	vst v63  }
0x98: {  	_ =	swait.ge [sflag:s19], $0x2000  }
0x99: {  	[sflag:s19] =	ssyncset.done $0x0  }
0x9a: {  	[sflag:s19] =	ssyncadd.s32 $0xFFFFE000  }
0x9b: {  	[bflag:$0x0] =	sbarrier.arrive $0xFFFF  }
0x9c: {  	[tilespmem:s21], [sflag:$0x5] =	stream.linear.gather [spmem:s8], $0x2000, $0x38;
	[tilespmem:$0x16800] =	vst v63  }
0x9d: {  	_ =	swait.ge [sflag:s19], $0x2000  }
0x9e: {  	[sflag:s19] =	ssyncset.done $0x0  }
0x9f: {  	[sflag:s19] =	ssyncadd.s32 $0xFFFFE000  }
0xa0: {  	[hbm4b:s13+s4] =	stream.linear.scatter [tilespmem:s21], [sflag:$0x5], $0x2000, $0x38;
	[tilespmem:$0x16800] =	vst v63  }
0xa1: {  	_ =	swait.ge [sflag:s19], $0x2000  }
0xa2: {  	[sflag:s19] =	ssyncset.done $0x0  }
0xa3: {  	[sflag:s19] =	ssyncadd.s32 $0xFFFFE000  }
0xa4: {  	[tilespmem:s21], [sflag:$0x5] =	stream.linear.gather [spmem:s9], $0x2000, $0x38;
	[tilespmem:$0x16800] =	vst v63  }
0xa5: {  	_ =	swait.ge [sflag:s19], $0x2000  }
0xa6: {  	[sflag:s19] =	ssyncset.done $0x0  }
0xa7: {  	[sflag:s19] =	ssyncadd.s32 $0xFFFFE000  }
0xa8: {  	[hbm4b:s14+s4] =	stream.linear.scatter [tilespmem:s21], [sflag:$0x5], $0x2000, $0x38;
	[tilespmem:$0x16800] =	vst v63  }
0xa9: {  	_ =	swait.ge [sflag:s19], $0x2000  }
0xaa: {  	[sflag:s19] =	ssyncset.done $0x0  }
0xab: {  	[sflag:s19] =	ssyncadd.s32 $0xFFFFE000  }
0xac: {  	[tilespmem:s21], [sflag:$0x5] =	stream.linear.gather [spmem:s10], $0x2000, $0x38;
	[tilespmem:$0x16800] =	vst v63  }
0xad: {  	_ =	swait.ge [sflag:s19], $0x2000  }
0xae: {  	[sflag:s19] =	ssyncset.done $0x0  }
0xaf: {  	[sflag:s19] =	ssyncadd.s32 $0xFFFFE000  }
0xb0: {  	[hbm4b:s15+s4] =	stream.linear.scatter [tilespmem:s21], [sflag:$0x5], $0x2000, $0x38;
	[tilespmem:$0x16800] =	vst v63  }
0xb1: {  	_ =	swait.ge [sflag:s19], $0x2000  }
0xb2: {  	[sflag:s19] =	ssyncset.done $0x0  }
0xb3: {  	[sflag:s19] =	ssyncadd.s32 $0xFFFFE000  }
0xb4: {  	[tilespmem:s21], [sflag:$0x5] =	stream.linear.gather [spmem:s11], $0x2000, $0x38;
	[tilespmem:$0x16800] =	vst v63  }
0xb5: {  	_ =	swait.ge [sflag:s19], $0x2000  }
0xb6: {  	[sflag:s19] =	ssyncset.done $0x0  }
0xb7: {  	[sflag:s19] =	ssyncadd.s32 $0xFFFFE000  }
0xb8: {  	[hbm4b:s16+s4] =	stream.linear.scatter [tilespmem:s21], [sflag:$0x5], $0x2000, $0x38;
	[tilespmem:$0x16800] =	vst v63  }
0xb9: {  	_ =	swait.ge [sflag:s19], $0x2000  }
0xba: {  	[sflag:s19] =	ssyncset.done $0x0  }
0xbb: {  	[sflag:s19] =	ssyncadd.s32 $0xFFFFE000  }
0xbc: {  	[tilespmem:s21], [sflag:$0x5] =	stream.linear.gather [spmem:s12], $0x2000, $0x38;
	[tilespmem:$0x16800] =	vst v63  }
0xbd: {  	s25 =	sadd.s32 $0x1, s25;
	_ =	swait.ge [sflag:s19], $0x2000  }
0xbe: {  	p0 =	sne.s32 s25, s18;
	[sflag:s19] =	ssyncset.done $0x0  }
.Ltmp1:
0xbf: {  	[sflag:s19] =	ssyncadd.s32 $0xFFFFE000;
	(pc) =	sbr.rel @p0 .LBB2_1-.Ltmp1, $4  }
0xc0: {  	[hbm4b:s17+s4] =	stream.linear.scatter [tilespmem:s21], [sflag:$0x5], $0x2000, $0x38;
	[tilespmem:$0x16800] =	vst v63  }
0xc1: {  	_ =	swait.ge [sflag:s19], $0x2000  }
0xc2: {  	[sflag:s19] =	ssyncset.done $0x0  }
0xc3: {  	[sflag:s19] =	ssyncadd.s32 $0xFFFFE000  }
0xc4: {  	_ =	sfence.sel $0x180000  }
0xc5: {  	[bflag:$0x0] =	sbarrier.arrive $0xFFFF  }
0xc6: {  	_ =	strace $0x9000004D  }
0xc7: {  	s0 =	stileid.u32;
	[bflag:$0x2] =	sbarrier.arrive $0xFFFF  }
0xc8: {  	p0 =	sne.s32 s0, $0x0;
	s0 =	rddreg [dreg:$0x3]  }
0xc9: {  	s0 =	sadd.s32 @!p0 $0x100000, s0  }
0xca: {  	[sflag:s0] =	ssyncadd.tile.s32 @!p0 $0x1;
	_ =	shalt  }
.Lfunc_end2:
_tile_overlayer_lowered:
.L_overlay_start_2:
0xcb: {  	(tag) =	ssettag $0x2  }
0xcc: {  	s0 =	rddreg [dreg:$0x0];
	s2 =	stileid.u32  }
0xcd: {  	s1 =	rddreg [dreg:$0x1];
	p0 =	sne.s32 s2, $0x0  }
0xce: {  	s3 =	rddreg [dreg:$0x2];
	[bflag:$0x3] =	sbarrier.arrive $0xFFFF;
	s2 =	simm.s32 @!p0 $0x1C05  }
0xcf: {  	[timem:s3], [sflag:s2] =	dma.local @!p0 [hbm:s0], s1  }
0xd0: {  	s0 =	simm.s32 @!p0 $0x5  }
0xd1: {  	_ =	swait.ge @!p0 [sflag:s0], s1  }
0xd2: {  	s1 =	ssub.s32 @!p0 $0x0, s1;
	[sflag:s0] =	ssyncset.done @!p0 $0x0  }
0xd3: {  	[sflag:s0] =	ssyncadd.s32 @!p0 s1  }
0xd4: {  	[bflag:$0x3] =	sbarrier.arrive $0xFFFF  }
0xd5: {  	_ =	shalt  }

// kernel: kernel.20.cloned.1.call-start
scs
__scs_entry_jumppad:
0x0: {  	(pc) =	sbr.rel $0x88, $3  }
0x1: {  	(tag) =	ssettag $0x0;
	lr =	simm.s32 $0x1  }
0x2: {  	[smem:$0x3F99] =	sst lr;
	_ =	strace $0xD0000000  }
0x3: {  	_ = 	snop  }
0x4: {  	_ = 	snop  }
0x5: {  	_ = 	snop  }
0x6: {  	_ = 	snop  }
0x7: {  	_ = 	snop  }
__scs_overlays_trampoline_lowered:
0x8: {  	[smem:$0x3FA8] =	sst s0  }
0x9: {  	[smem:$0x3FA9] =	sst s1  }
0xa: {  	[smem:$0x3FAA] =	sst s2  }
0xb: {  	[smem:$0x3FAB] =	sst s3  }
0xc: {  	[smem:$0x3FAC] =	sst s4  }
0xd: {  	[smem:$0x3FAD] =	sst s5  }
0xe: {  	[smem:$0x3FAE] =	sst s6  }
0xf: {  	[smem:$0x3FAF] =	sst s7  }
0x10: {  	[smem:$0x3FB0] =	sst s8  }
0x11: {  	[smem:$0x3FB1] =	sst s9;
	s0 =	simm.s32 @!p0 $0x0  }
0x12: {  	s1 =	sld [smem:$0x3F97];
	s0 =	simm.s32 @p0 $0x1  }
0x13: {  	[smem:$0x3FB2] =	sst s0;
	s0 =	simm.s32 @!p1 $0x0  }
0x14: {  	s2 =	sld [smem:$0x3F96];
	s0 =	simm.s32 @p1 $0x1  }
0x15: {  	[smem:$0x3FB3] =	sst s0;
	s0 =	simm.s32 @!p2 $0x0  }
0x16: {  	s3 =	sld [smem:$0x3FDB];
	s0 =	simm.s32 @p2 $0x1  }
0x17: {  	s4 =	simm.s32 $0x1BF5;
	[smem:$0x3FB5] =	sst s0  }
0x18: {  	s0 =	sld [smem:$0x3F98];
	_ =	swait.ge [sflag:s4], $0x0  }
0x19: {  	s7 =	sld [smem:$0x3F99]  }
0x1a: {  	s8 =	sadd.s32 $0xFFFFE003, lr  }
0x1b: {  	s9 =	sadd.s32 $0xFFFFFEF7, lr;
	s5 =	simm.s32 $0xFFFFFFFF;
	p2 =	slt.u32 s8, $0xFFFFF086  }
0x1c: {  	p1 =	slt.u32 s9, $0xF7A;
	s5 =	simm.s32 @!p2 $0x0  }
0x1d: {  	s5 =	simm.s32 @p1 $0x1;
	p0 =	seq.s32 s7, s2  }
0x1e: {  	s7 =	smul.u32 @!p0 $0xF7A, s2;
	p2 =	seq.s32 @!p0 s5, $0x0  }
0x1f: {  	s9 =	smul.u32 $0xF7A, s1;
	s8 =	simm.s32 @!p0 $0x1BF5;
	p2 =	por !p2, p0  }
0x20: {  	[sflag:s8] =	ssyncset.s32 @!p0 $0xFFFFF086;
	s6 =	sadd.s32 @!p0 s3, s7;
	s7 =	simm.s32 @!p0 $0x108  }
0x21: {  	s3 =	sadd.s32 s3, s9;
	s6 =	sadd.s32 @!p0 $0x88, s6;
	s7 =	simm.s32 @p2 $0x1082  }
0x22: {  	[simem:s7], [sflag:s8] =	dma.local @!p0 [hbm:s6], $0xF7A  }
0x23: {  	s9 =	sor.u32 $0xD0000000, s2;
	s6 =	simm.s32 $0x108;
	_ =	swait.ge @!p0 [sflag:s8], $0x0  }
0x24: {  	s3 =	sadd.s32 $0x88, s3;
	s6 =	simm.s32 @!p1 $0x1082;
	[sflag:s4] =	ssyncset.s32 $0xFFFFF086  }
0x25: {  	[simem:s6], [sflag:s4] =	dma.local [hbm:s3], $0xF7A  }
0x26: {  	[smem:$0x3F99] =	sst s1;
	(tag) =	ssettag s2;
	_ =	strace s9  }
0x27: {  	s1 =	sld [smem:$0x3FA9]  }
0x28: {  	s2 =	sld [smem:$0x3FAA]  }
0x29: {  	s4 =	sld [smem:$0x3FAC]  }
0x2a: {  	p0 =	seq.s32 s5, $0x0;
	s5 =	sld [smem:$0x3FAD]  }
0x2b: {  	s6 =	sld [smem:$0x3FAE]  }
0x2c: {  	s7 =	sld [smem:$0x3FAF]  }
0x2d: {  	s3 =	simm.s32 $0x108;
	s8 =	sld [smem:$0x3FB0]  }
0x2e: {  	s3 =	simm.s32 @!p0 $0x1082;
	s9 =	sld [smem:$0x3FB1]  }
0x2f: {  	lr =	sadd.s32 s0, s3;
	s0 =	sld [smem:$0x3FA8]  }
0x30: {  	s3 =	sld [smem:$0x3FAB]  }
0x31: {  	[smem:$0x3FB4] =	sst s10  }
0x32: {  	s10 =	sld [smem:$0x3FB2];
	_ =	sdelay $0x3  }
0x33: {  	p0 =	seq.s32 s10, $0x1;
	s10 =	sld [smem:$0x3FB4];
	_ =	sdelay $0x3  }
0x34: {  	[smem:$0x3FB4] =	sst s10  }
0x35: {  	s10 =	sld [smem:$0x3FB3];
	_ =	sdelay $0x3  }
0x36: {  	p1 =	seq.s32 s10, $0x1;
	s10 =	sld [smem:$0x3FB4];
	_ =	sdelay $0x3  }
0x37: {  	[smem:$0x3FB4] =	sst s10  }
0x38: {  	s10 =	sld [smem:$0x3FB5]  }
0x39: {  	_ = 	snop;
	(pc) =	sbr.ind lr, $3  }
0x3a: {  	_ = 	snop  }
0x3b: {  	_ = 	snop  }
0x3c: {  	p2 =	seq.s32 s10, $0x1;
	s10 =	sld [smem:$0x3FB4]  }
0x3d: {  	_ =	shalt  }
0x3e: {  	_ =	shalt  }
0x3f: {  	_ =	shalt  }
0x40: {  	_ =	shalt  }
0x41: {  	_ =	shalt  }
0x42: {  	_ =	shalt  }
0x43: {  	_ =	shalt  }
0x44: {  	_ =	shalt  }
0x45: {  	_ =	shalt  }
0x46: {  	_ =	shalt  }
0x47: {  	_ =	shalt  }
0x48: {  	_ =	shalt  }
0x49: {  	_ =	shalt  }
0x4a: {  	_ =	shalt  }
0x4b: {  	_ =	shalt  }
0x4c: {  	_ =	shalt  }
0x4d: {  	_ =	shalt  }
0x4e: {  	_ =	shalt  }
0x4f: {  	_ =	shalt  }
0x50: {  	_ =	shalt  }
0x51: {  	_ =	shalt  }
0x52: {  	_ =	shalt  }
0x53: {  	_ =	shalt  }
0x54: {  	_ =	shalt  }
0x55: {  	_ =	shalt  }
0x56: {  	_ =	shalt  }
0x57: {  	_ =	shalt  }
0x58: {  	_ =	shalt  }
0x59: {  	_ =	shalt  }
0x5a: {  	_ =	shalt  }
0x5b: {  	_ =	shalt  }
0x5c: {  	_ =	shalt  }
0x5d: {  	_ =	shalt  }
0x5e: {  	_ =	shalt  }
0x5f: {  	_ =	shalt  }
0x60: {  	_ =	shalt  }
0x61: {  	_ =	shalt  }
0x62: {  	_ =	shalt  }
0x63: {  	_ =	shalt  }
0x64: {  	_ =	shalt  }
0x65: {  	_ =	shalt  }
0x66: {  	_ =	shalt  }
0x67: {  	_ =	shalt  }
0x68: {  	_ =	shalt  }
0x69: {  	_ =	shalt  }
0x6a: {  	_ =	shalt  }
0x6b: {  	_ =	shalt  }
0x6c: {  	_ =	shalt  }
0x6d: {  	_ =	shalt  }
0x6e: {  	_ =	shalt  }
0x6f: {  	_ =	shalt  }
0x70: {  	_ =	shalt  }
0x71: {  	_ =	shalt  }
0x72: {  	_ =	shalt  }
0x73: {  	_ =	shalt  }
0x74: {  	_ =	shalt  }
0x75: {  	_ =	shalt  }
0x76: {  	_ =	shalt  }
0x77: {  	_ =	shalt  }
0x78: {  	_ =	shalt  }
0x79: {  	_ =	shalt  }
0x7a: {  	_ =	shalt  }
0x7b: {  	_ =	shalt  }
0x7c: {  	_ =	shalt  }
0x7d: {  	_ =	shalt  }
0x7e: {  	_ =	shalt  }
0x7f: {  	_ =	shalt  }
0x80: {  	_ =	shalt  }
0x81: {  	_ =	shalt  }
0x82: {  	_ =	shalt  }
0x83: {  	_ =	shalt  }
0x84: {  	_ =	shalt  }
0x85: {  	_ =	shalt  }
0x86: {  	_ =	shalt  }
0x87: {  	_ =	shalt  }
.Lfunc_end0:
.L_simem_size_0:
called_computation.3_lowered:
.L_overlay_start_0:
0x88: {  	s2 =	sld [smem:$0x3FD9]  }
0x89: {  	s3 =	sld [smem:$0x3FFE];
	_ =	sdelay $0x1  }
0x8a: {  	s1 =	srdreg.scid  }
0x8b: {  	s0 =	sand.u32 $0x1, s1  }
0x8c: {  	s17 =	sshll.u32 s0, $0xA;
	s2 =	sadd.s32 s3, s2  }
0x8d: {  	s2 =	sadd.s32 s2, s17  }
0x8e: {  	[smem:$0x3FC0] =	sst s2  }
0x8f: {  	_ = 	snop  }
0x90: {  	(tm) =	ssettm $0x1  }
0x91: {  	s18 =	sld [smem:$0x3FFB];
	_ =	sdelay $0x3  }
0x92: {  	_ =	strace s18  }
0x93: {  	s2 =	sld [smem:$0x3FFC];
	_ =	sdelay $0x3  }
0x94: {  	_ =	strace s2  }
0x95: {  	s2 =	sld [smem:$0x3FFD];
	_ =	sdelay $0x3  }
0x96: {  	_ =	strace s2  }
0x97: {  	_ =	strace $0x8FFFFFFF  }
0x98: {  	s19 =	sld [smem:$0x3FDB];
	_ =	sdelay $0x1  }
0x99: {  	s20 =	simm.s32 $_scs_section_size  }
0x9a: {  	s4 =	simm.s32 $_size__tile_overlayer_lowered;
	s5 =	simm.s32 $_tile_overlayer_lowered  }
0x9b: {  	s6 =	simm.s32 $0x1BFF;
	s21 =	sshll.u32 s5, $0x1;
	s3 =	sadd.s32 s20, s19  }
0x9c: {  	s22 =	simm.s32 $0x0;
	s4 =	sshll.u32 s4, $0x1;
	s5 =	sadd.s32 s21, s3  }
0x9d: {  	[timem:s22], [sflag:s6] =	dma.local [hbm:s5], s4  }
0x9e: {  	_ =	swait.ge [sflag:s6], s4  }
0x9f: {  	s4 =	ssub.s32 $0x0, s4;
	[sflag:s6] =	ssyncset.done $0x0  }
0xa0: {  	[sflag:s6] =	ssyncadd.s32 s4;
	_ =	sdelay $0x1  }
0xa1: {  	s23 =	simm.s32 $0x1B8B  }
0xa2: {  	_ =	swait.ge [sflag:s23], $0x1  }
0xa3: {  	[sflag:s23] =	ssyncset.done $0x0  }
0xa4: {  	[sflag:s23] =	ssyncadd.s32 $0xFFFFFFFF  }
0xa5: {  	s4 =	sld [smem:$0x0]  }
0xa6: {  	s5 =	sand.u32 $0xFFFFFFFE, s1  }
0xa7: {  	p0 =	sne.s32 s1, s5  }
0xa8: {  	s5 =	sshll.u32 @p0 s5, $0xE  }
0xa9: {  	s5 =	sadd.s32 @p0 $0x11B8D, s5;
	s6 =	sshll.u32 @p0 s4, $0x11  }
0xaa: {  	s5 =	sor.u32 @p0 s6, s5  }
0xab: {  	[sflag:s5] =	ssyncadd.remote.s32 @p0 $0x1;
	_ =	sdelay $0x1  }
0xac: {  	s5 =	simm.s32 @p0 $0x1B8D  }
0xad: {  	_ =	swait.eq @p0 [sflag:s5], $0x1  }
0xae: {  	[sflag:s5] =	ssyncadd.s32 @p0 $0xFFFFFFFF  }
0xaf: {  	s6 =	sshll.u32 @!p0 s1, $0xE  }
0xb0: {  	s6 =	sor.u32 @!p0 $0x4000, s6;
	s5 =	simm.s32 @!p0 $0x1B8D  }
0xb1: {  	s4 =	sshll.u32 @!p0 s4, $0x11;
	s6 =	sadd.s32 @!p0 $0x11B8D, s6;
	_ =	swait.eq @!p0 [sflag:s5], $0x1  }
0xb2: {  	s4 =	sor.u32 @!p0 s4, s6;
	[sflag:s5] =	ssyncadd.s32 @!p0 $0xFFFFFFFF  }
0xb3: {  	s25 =	simm.s32 $0x1B8E;
	s24 =	sld [smem:$0x3FFE];
	[sflag:s4] =	ssyncadd.remote.s32 @!p0 $0x1  }
0xb4: {  	s26 =	simm.s32 $execute0_lowered;
	[smem:$0x3FD2] =	sst s25  }
0xb5: {  	s5 =	sshll.u32 s26, $0x1;
	_ =	strace $0x80000052;
	[dreg:$0x1] =	wrdreg $0xFFFFFFFF  }
0xb6: {  	s28 =	simm.s32 $_size_execute0_lowered;
	s3 =	sadd.s32 s3, s5;
	[dreg:$0x0] =	wrdreg $0x0  }
0xb7: {  	s5 =	sshll.u32 s28, $0x1;
	[dreg:$0x2] =	wrdreg s3  }
0xb8: {  	[dreg:$0x3] =	wrdreg s5  }
0xb9: {  	[dreg:$0x4] =	wrdreg $0xC0  }
0xba: {  	_ =	task [dreg:s22], $0x5FFFF  }
0xbb: {  	[dreg:$0x1] =	wrdreg $0xFFFFFFFF  }
0xbc: {  	[dreg:$0x0] =	wrdreg $0x60  }
0xbd: {  	[dreg:$0x2] =	wrdreg s24  }
0xbe: {  	[dreg:$0x3] =	wrdreg $0xC8000  }
0xbf: {  	[dreg:$0x4] =	wrdreg $0x9  }
0xc0: {  	_ =	task.clear_ibuf [dreg:s22], $0x5FFFF;
	_ =	strace $0x90000052  }
0xc1: {  	s29 =	simm.s32 $0x9;
	_ =	strace $0x80000054  }
0xc2: {  	_ =	swait.ge [sflag:s29], $0x1  }
0xc3: {  	[sflag:s29] =	ssyncadd.s32 $0xFFFFFFFF  }
0xc4: {  	_ =	strace $0x90000054  }
0xc5: {  	_ =	sfence  }
0xc6: {  	s30 =	sld [smem:$0x0];
	_ =	sdelay $0x2  }
0xc7: {  	s31 =	sshll.u32 s1, $0xD;
	s1 =	sshrl.u32 s1, $0x2  }
0xc8: {  	s4 =	sand.u32 $0x4000, s31;
	s1 =	sadd.s32 s1, s30  }
0xc9: {  	s0 =	sor.u32 s4, s0;
	s1 =	sshll.u32 s1, $0x11  }
0xca: {  	s0 =	sor.u32 s1, s0  }
0xcb: {  	s0 =	sadd.s32 $0x8F2B, s0  }
0xcc: {  	[sflag:s0] =	ssyncadd.remote.s32 $0x1  }
0xcd: {  	_ =	sfence.sel $0xFFFF  }
0xce: {  	[dreg:$0x0] =	wrdreg $0xFFFFFFFF;
	(pc) =	sbr.abs _section_cstart, $3  }
0xcf: {  	[dreg:$0x1] =	wrdreg $0xFFFFFFFF  }
0xd0: {  	_ =	task.clear_ibuf [dreg:s22], $0x2FFFF;
	_ =	strace $0x9FFFFFFF  }
0xd1: {  	(tm) =	ssettm $0x7FFFFFFF  }
tec
execute0_lowered:
.L_overlay_start_1:
0x0: {  	(tag) =	ssettag $0x1  }
0x1: {  	s1 =	rddreg [dreg:$0x0]  }
0x2: {  	s0 =	srdreg.scid;
	s2 =	rddreg [dreg:$0x1]  }
0x3: {  	s9 =	stileid.u32;
	s3 =	simm.s32 $0x0;
	s21 =	simm.s32 $0xA800  }
0x4: {  	s22 =	simm.s32 $0x80;
	s23 =	simm.s32 $0x2800;
	s24 =	simm.s32 $0x4800  }
0x5: {  	s29 =	simm.s32 $0x8800;
	s30 =	simm.s32 $0x1;
	s31 =	simm.s32 $0x2  }
0x6: {  	s25 =	simm.s32 $0x0;
	s0 =	sand.u32 $0x1, s0;
	[smem:$0x7FF] =	sst s3  }
0x7: {  	s26 =	sadd.s32 $0x7600, s1;
	s12 =	smul.u32 $0xA000, s9;
	s4 =	sshll.u32 s0, $0x4  }
0x8: {  	_ =	strace $0x80000053;
	[dreg:$0x3] =	wrdreg s26;
	s6 =	ssub.s32 $0x2, s0  }
0x9: {  	s0 =	smul.u32 $0xA0000, s0;
	s26 =	simm.s32 $0x6800;
	s4 =	sor.u32 s9, s4  }
0xa: {  	s8 =	sshrl.u32 s6, $0x1;
	s13 =	sadd.s32 $0x2000, s12;
	s15 =	sadd.s32 $0x4000, s12  }
0xb: {  	s16 =	sadd.s32 $0x6000, s12;
	s17 =	sadd.s32 $0x8000, s12;
	s5 =	smul.u32 $0x280, s4  }
0xc: {  	s4 =	sadd.s32 $0x2A800, s1;
	s18 =	ssub.s32 s6, s8;
	s8 =	sadd.s32 s12, s2  }
0xd: {  	s9 =	sadd.s32 s13, s2;
	s10 =	sadd.s32 s15, s2;
	s11 =	sadd.s32 s16, s2  }
0xe: {  	s14 =	sadd.s32 s12, s0;
	s19 =	sadd.s32 s0, s13;
	s12 =	sadd.s32 s17, s2  }
0xf: {  	s15 =	sadd.s32 s0, s15;
	s16 =	sadd.s32 s0, s16;
	s0 =	sadd.s32 s0, s17  }
0x10: {  	s14 =	sshrl.u32 s14, $0x3;
	s28 =	sshrl.u32 s19, $0x3;
	s15 =	sshrl.u32 s15, $0x3  }
0x11: {  	s16 =	sshrl.u32 s16, $0x3;
	s0 =	sshrl.u32 s0, $0x3;
	s18 =	smax.u32 s18, $0x1  }
0x12: {  	s19 =	simm.s32 $0x5;
	s7 =	sadd.s32 s5, s1;
	s1 =	sadd.s32 $0x3E800, s1  }
0x13: {  	s6 =	sadd.s32 $0x11800, s7;
	s7 =	sadd.s32 $0x2600, s7;
	s13 =	sadd.s32 s1, s14  }
0x14: {  	s14 =	sadd.s32 s1, s28;
	s15 =	sadd.s32 s1, s15;
	s16 =	sadd.s32 s1, s16  }
0x15: {  	s17 =	sadd.s32 s1, s0;
	s0 =	simm.s32 $0x3;
	s1 =	simm.s32 $0x4  }
.LBB2_1:
0x16: {  	[tilespmem:s3], [sflag:$0x5] =	stream.linear.gather [hbm4b:s6+s3], $0x1400, $0x38;
	[tilespmem:$0x16800] =	vst v63  }
0x17: {  	_ =	swait.ge [sflag:s19], $0x1400  }
0x18: {  	[sflag:s19] =	ssyncset.done $0x0  }
0x19: {  	s5 =	simm.s32 $0x1400;
	[sflag:s19] =	ssyncadd.s32 $0xFFFFEC00  }
0x1a: {  	[tilespmem:s5], [sflag:$0x5] =	stream.linear.gather [hbm4b:s7+s3], $0x1400, $0x38;
	[tilespmem:$0x16800] =	vst v63  }
0x1b: {  	_ =	swait.ge [sflag:s19], $0x1400  }
0x1c: {  	[sflag:s19] =	ssyncset.done $0x0  }
0x1d: {  	s20 =	rddreg [dreg:$0x3];
	[sflag:s19] =	ssyncadd.s32 $0xFFFFEC00  }
0x1e: {  	[tilespmem:s21], [sflag:$0x5] =	stream.linear.gather [hbm4b:s20+s3], $0x2000, $0x38;
	[tilespmem:$0x16800] =	vst v63  }
0x1f: {  	_ =	swait.ge [sflag:s19], $0x2000  }
0x20: {  	[sflag:s19] =	ssyncset.done $0x0  }
0x21: {  	[sflag:s19] =	ssyncadd.s32 $0xFFFFE000  }
0x22: {  	[spmem:s8] =	stream.linear.scatter [tilespmem:s21], [sflag:$0x5], $0x2000, $0x38;
	[tilespmem:$0x16800] =	vst v63  }
0x23: {  	_ =	swait.ge [sflag:s19], $0x2000  }
0x24: {  	[sflag:s19] =	ssyncset.done $0x0  }
0x25: {  	[sflag:s19] =	ssyncadd.s32 $0xFFFFE000  }
0x26: {  	[spmem:s9] =	stream.linear.scatter [tilespmem:s21], [sflag:$0x5], $0x2000, $0x38;
	[tilespmem:$0x16800] =	vst v63  }
0x27: {  	_ =	swait.ge [sflag:s19], $0x2000  }
0x28: {  	[sflag:s19] =	ssyncset.done $0x0  }
0x29: {  	[sflag:s19] =	ssyncadd.s32 $0xFFFFE000  }
0x2a: {  	[spmem:s10] =	stream.linear.scatter [tilespmem:s21], [sflag:$0x5], $0x2000, $0x38;
	[tilespmem:$0x16800] =	vst v63  }
0x2b: {  	_ =	swait.ge [sflag:s19], $0x2000  }
0x2c: {  	[sflag:s19] =	ssyncset.done $0x0  }
0x2d: {  	[sflag:s19] =	ssyncadd.s32 $0xFFFFE000  }
0x2e: {  	[spmem:s11] =	stream.linear.scatter [tilespmem:s21], [sflag:$0x5], $0x2000, $0x38;
	[tilespmem:$0x16800] =	vst v63  }
0x2f: {  	_ =	swait.ge [sflag:s19], $0x2000  }
0x30: {  	[sflag:s19] =	ssyncset.done $0x0  }
0x31: {  	[sflag:s19] =	ssyncadd.s32 $0xFFFFE000  }
0x32: {  	[spmem:s12] =	stream.linear.scatter [tilespmem:s21], [sflag:$0x5], $0x2000, $0x38;
	[tilespmem:$0x16800] =	vst v63  }
0x33: {  	_ =	swait.ge [sflag:s19], $0x2000  }
0x34: {  	[sflag:s19] =	ssyncset.done $0x0  }
0x35: {  	[sflag:s19] =	ssyncadd.s32 $0xFFFFE000  }
0x36: {  	[bflag:$0x0] =	sbarrier.arrive $0xFFFF  }
0x37: {  	[tilespmem:s23], [sflag:$0x1] =	stream.indirect.gather [hbm4b:s4+s22], $0x40, s3, s22, $0xb8;
	[tilespmem:$0x16800] =	vst v63  }
0x38: {  	_ = 	snop  }
0x39: {  	[tilespmem:s24], [sflag:$0x2] =	stream.indirect.gather [hbm4b:s4+s22], $0x40, s22, s22, $0xb8;
	[tilespmem:$0x16800] =	vst v63  }
0x3a: {  	s20 =	simm.s32 $0x100  }
0x3b: {  	[tilespmem:s26], [sflag:$0x3] =	stream.indirect.gather [hbm4b:s4+s22], $0x40, s20, s22, $0xb8;
	[tilespmem:$0x16800] =	vst v63  }
0x3c: {  	s20 =	simm.s32 $0x180  }
0x3d: {  	[tilespmem:s29], [sflag:$0x4] =	stream.indirect.gather [hbm4b:s4+s22], $0x40, s20, s22, $0xb8;
	[tilespmem:$0x16800] =	vst v63  }
0x3e: {  	_ =	swait.ge [sflag:s30], $0x2000  }
0x3f: {  	[sflag:s30] =	ssyncset.done $0x0  }
0x40: {  	s20 =	simm.s32 $0x1400;
	[sflag:s30] =	ssyncadd.s32 $0xFFFFE000  }
0x41: {  	[spmem:s2] =	stream.indirect.scatter.add.f32 [tilespmem:s23], [sflag:$0x5], $0x40, s20, s22, $0xb8;
	[tilespmem:$0x16800] =	vst v63  }
0x42: {  	_ =	swait.ge [sflag:s19], $0x2000  }
0x43: {  	[sflag:s19] =	ssyncset.done $0x0  }
0x44: {  	s5 =	simm.s32 $0x200;
	[sflag:s19] =	ssyncadd.s32 $0xFFFFE000  }
0x45: {  	[tilespmem:s23], [sflag:$0x1] =	stream.indirect.gather [hbm4b:s4+s22], $0x40, s5, s22, $0xb8;
	[tilespmem:$0x16800] =	vst v63  }
0x46: {  	_ =	swait.ge [sflag:s31], $0x2000  }
0x47: {  	[sflag:s31] =	ssyncset.done $0x0  }
0x48: {  	s5 =	simm.s32 $0x1480;
	[sflag:s31] =	ssyncadd.s32 $0xFFFFE000  }
0x49: {  	[spmem:s2] =	stream.indirect.scatter.add.f32 [tilespmem:s24], [sflag:$0x5], $0x40, s5, s22, $0xb8;
	[tilespmem:$0x16800] =	vst v63  }
0x4a: {  	_ =	swait.ge [sflag:s19], $0x2000  }
0x4b: {  	[sflag:s19] =	ssyncset.done $0x0  }
0x4c: {  	s5 =	simm.s32 $0x280;
	[sflag:s19] =	ssyncadd.s32 $0xFFFFE000  }
0x4d: {  	[tilespmem:s24], [sflag:$0x2] =	stream.indirect.gather [hbm4b:s4+s22], $0x40, s5, s22, $0xb8;
	[tilespmem:$0x16800] =	vst v63  }
0x4e: {  	_ =	swait.ge [sflag:s0], $0x2000  }
0x4f: {  	[sflag:s0] =	ssyncset.done $0x0  }
0x50: {  	s5 =	simm.s32 $0x1500;
	[sflag:s0] =	ssyncadd.s32 $0xFFFFE000  }
0x51: {  	[spmem:s2] =	stream.indirect.scatter.add.f32 [tilespmem:s26], [sflag:$0x5], $0x40, s5, s22, $0xb8;
	[tilespmem:$0x16800] =	vst v63  }
0x52: {  	_ =	swait.ge [sflag:s19], $0x2000  }
0x53: {  	[sflag:s19] =	ssyncset.done $0x0  }
0x54: {  	s5 =	simm.s32 $0x300;
	[sflag:s19] =	ssyncadd.s32 $0xFFFFE000  }
0x55: {  	[tilespmem:s26], [sflag:$0x3] =	stream.indirect.gather [hbm4b:s4+s22], $0x40, s5, s22, $0xb8;
	[tilespmem:$0x16800] =	vst v63  }
0x56: {  	_ =	swait.ge [sflag:s1], $0x2000  }
0x57: {  	[sflag:s1] =	ssyncset.done $0x0  }
0x58: {  	s5 =	simm.s32 $0x1580;
	[sflag:s1] =	ssyncadd.s32 $0xFFFFE000  }
0x59: {  	[spmem:s2] =	stream.indirect.scatter.add.f32 [tilespmem:s29], [sflag:$0x5], $0x40, s5, s22, $0xb8;
	[tilespmem:$0x16800] =	vst v63  }
0x5a: {  	_ =	swait.ge [sflag:s19], $0x2000  }
0x5b: {  	[sflag:s19] =	ssyncset.done $0x0  }
0x5c: {  	s28 =	simm.s32 $0x800;
	s20 =	simm.s32 $0x380;
	[sflag:s19] =	ssyncadd.s32 $0xFFFFE000  }
.LBB2_2:
0x5d: {  	[tilespmem:s29], [sflag:$0x4] =	stream.indirect.gather [hbm4b:s4+s22], $0x40, s20, s22, $0xb8;
	[tilespmem:$0x16800] =	vst v63  }
0x5e: {  	s20 =	smov.u32 s28  }
0x5f: {  	p0 =	sne.s32 s28, $0x4000;
	s28 =	sadd.s32 $0x800, s28;
	_ =	swait.ge [sflag:s30], $0x2000  }
0x60: {  	s20 =	sshra.s32 s20, $0x2;
	[sflag:s30] =	ssyncset.done $0x0  }
0x61: {  	s5 =	sadd.s32 $0x1400, s20;
	[sflag:s30] =	ssyncadd.s32 $0xFFFFE000  }
0x62: {  	[spmem:s2] =	stream.indirect.scatter.add.f32 [tilespmem:s23], [sflag:$0x5], $0x40, s5, s22, $0xb8;
	[tilespmem:$0x16800] =	vst v63  }
0x63: {  	_ =	swait.ge [sflag:s19], $0x2000  }
0x64: {  	[sflag:s19] =	ssyncset.done $0x0  }
0x65: {  	s5 =	sadd.s32 $0x200, s20;
	[sflag:s19] =	ssyncadd.s32 $0xFFFFE000  }
0x66: {  	[tilespmem:s23], [sflag:$0x1] =	stream.indirect.gather [hbm4b:s4+s22], $0x40, s5, s22, $0xb8;
	[tilespmem:$0x16800] =	vst v63  }
0x67: {  	_ =	swait.ge [sflag:s31], $0x2000  }
0x68: {  	[sflag:s31] =	ssyncset.done $0x0  }
0x69: {  	s5 =	sadd.s32 $0x1480, s20;
	[sflag:s31] =	ssyncadd.s32 $0xFFFFE000  }
0x6a: {  	[spmem:s2] =	stream.indirect.scatter.add.f32 [tilespmem:s24], [sflag:$0x5], $0x40, s5, s22, $0xb8;
	[tilespmem:$0x16800] =	vst v63  }
0x6b: {  	_ =	swait.ge [sflag:s19], $0x2000  }
0x6c: {  	[sflag:s19] =	ssyncset.done $0x0  }
0x6d: {  	s5 =	sadd.s32 $0x280, s20;
	[sflag:s19] =	ssyncadd.s32 $0xFFFFE000  }
0x6e: {  	[tilespmem:s24], [sflag:$0x2] =	stream.indirect.gather [hbm4b:s4+s22], $0x40, s5, s22, $0xb8;
	[tilespmem:$0x16800] =	vst v63  }
0x6f: {  	_ =	swait.ge [sflag:s0], $0x2000  }
0x70: {  	[sflag:s0] =	ssyncset.done $0x0  }
0x71: {  	s5 =	sadd.s32 $0x1500, s20;
	[sflag:s0] =	ssyncadd.s32 $0xFFFFE000  }
0x72: {  	[spmem:s2] =	stream.indirect.scatter.add.f32 [tilespmem:s26], [sflag:$0x5], $0x40, s5, s22, $0xb8;
	[tilespmem:$0x16800] =	vst v63  }
0x73: {  	_ =	swait.ge [sflag:s19], $0x2000  }
0x74: {  	[sflag:s19] =	ssyncset.done $0x0  }
0x75: {  	s5 =	sadd.s32 $0x300, s20;
	[sflag:s19] =	ssyncadd.s32 $0xFFFFE000  }
0x76: {  	[tilespmem:s26], [sflag:$0x3] =	stream.indirect.gather [hbm4b:s4+s22], $0x40, s5, s22, $0xb8;
	[tilespmem:$0x16800] =	vst v63  }
0x77: {  	_ =	swait.ge [sflag:s1], $0x2000  }
0x78: {  	[sflag:s1] =	ssyncset.done $0x0  }
.Ltmp0:
0x79: {  	s5 =	sadd.s32 $0x1580, s20;
	[sflag:s1] =	ssyncadd.s32 $0xFFFFE000;
	(pc) =	sbr.rel @p0 .LBB2_2-.Ltmp0, $4  }
0x7a: {  	[spmem:s2] =	stream.indirect.scatter.add.f32 [tilespmem:s29], [sflag:$0x5], $0x40, s5, s22, $0xb8;
	[tilespmem:$0x16800] =	vst v63  }
0x7b: {  	_ =	swait.ge [sflag:s19], $0x2000  }
0x7c: {  	[sflag:s19] =	ssyncset.done $0x0  }
0x7d: {  	s20 =	sadd.s32 $0x380, s20;
	[sflag:s19] =	ssyncadd.s32 $0xFFFFE000  }
0x7e: {  	[tilespmem:s29], [sflag:$0x4] =	stream.indirect.gather [hbm4b:s4+s22], $0x40, s20, s22, $0xb8;
	[tilespmem:$0x16800] =	vst v63  }
0x7f: {  	_ =	swait.ge [sflag:s30], $0x2000  }
0x80: {  	[sflag:s30] =	ssyncset.done $0x0  }
0x81: {  	s5 =	simm.s32 $0x2600;
	[sflag:s30] =	ssyncadd.s32 $0xFFFFE000  }
0x82: {  	[spmem:s2] =	stream.indirect.scatter.add.f32 [tilespmem:s23], [sflag:$0x5], $0x40, s5, s22, $0xb8;
	[tilespmem:$0x16800] =	vst v63  }
0x83: {  	_ =	swait.ge [sflag:s19], $0x2000  }
0x84: {  	[sflag:s19] =	ssyncset.done $0x0  }
0x85: {  	[sflag:s19] =	ssyncadd.s32 $0xFFFFE000  }
0x86: {  	_ =	swait.ge [sflag:s31], $0x2000  }
0x87: {  	[sflag:s31] =	ssyncset.done $0x0  }
0x88: {  	s28 =	simm.s32 $0x2680;
	[sflag:s31] =	ssyncadd.s32 $0xFFFFE000  }
0x89: {  	[spmem:s2] =	stream.indirect.scatter.add.f32 [tilespmem:s24], [sflag:$0x5], $0x40, s28, s22, $0xb8;
	[tilespmem:$0x16800] =	vst v63  }
0x8a: {  	_ =	swait.ge [sflag:s19], $0x2000  }
0x8b: {  	[sflag:s19] =	ssyncset.done $0x0  }
0x8c: {  	[sflag:s19] =	ssyncadd.s32 $0xFFFFE000  }
0x8d: {  	_ =	swait.ge [sflag:s0], $0x2000  }
0x8e: {  	[sflag:s0] =	ssyncset.done $0x0  }
0x8f: {  	s20 =	simm.s32 $0x2700;
	[sflag:s0] =	ssyncadd.s32 $0xFFFFE000  }
0x90: {  	[spmem:s2] =	stream.indirect.scatter.add.f32 [tilespmem:s26], [sflag:$0x5], $0x40, s20, s22, $0xb8;
	[tilespmem:$0x16800] =	vst v63  }
0x91: {  	_ =	swait.ge [sflag:s19], $0x2000  }
0x92: {  	[sflag:s19] =	ssyncset.done $0x0  }
0x93: {  	[sflag:s19] =	ssyncadd.s32 $0xFFFFE000  }
0x94: {  	_ =	swait.ge [sflag:s1], $0x2000  }
0x95: {  	[sflag:s1] =	ssyncset.done $0x0  }
0x96: {  	s28 =	simm.s32 $0x2780;
	[sflag:s1] =	ssyncadd.s32 $0xFFFFE000  }
0x97: {  	[spmem:s2] =	stream.indirect.scatter.add.f32 [tilespmem:s29], [sflag:$0x5], $0x40, s28, s22, $0xb8;
	[tilespmem:$0x16800] =	vst v63  }
0x98: {  	_ =	swait.ge [sflag:s19], $0x2000  }
0x99: {  	[sflag:s19] =	ssyncset.done $0x0  }
0x9a: {  	[sflag:s19] =	ssyncadd.s32 $0xFFFFE000  }
0x9b: {  	[bflag:$0x0] =	sbarrier.arrive $0xFFFF  }
0x9c: {  	[tilespmem:s21], [sflag:$0x5] =	stream.linear.gather [spmem:s8], $0x2000, $0x38;
	[tilespmem:$0x16800] =	vst v63  }
0x9d: {  	_ =	swait.ge [sflag:s19], $0x2000  }
0x9e: {  	[sflag:s19] =	ssyncset.done $0x0  }
0x9f: {  	[sflag:s19] =	ssyncadd.s32 $0xFFFFE000  }
0xa0: {  	[hbm4b:s13+s3] =	stream.linear.scatter [tilespmem:s21], [sflag:$0x5], $0x2000, $0x38;
	[tilespmem:$0x16800] =	vst v63  }
0xa1: {  	_ =	swait.ge [sflag:s19], $0x2000  }
0xa2: {  	[sflag:s19] =	ssyncset.done $0x0  }
0xa3: {  	[sflag:s19] =	ssyncadd.s32 $0xFFFFE000  }
0xa4: {  	[tilespmem:s21], [sflag:$0x5] =	stream.linear.gather [spmem:s9], $0x2000, $0x38;
	[tilespmem:$0x16800] =	vst v63  }
0xa5: {  	_ =	swait.ge [sflag:s19], $0x2000  }
0xa6: {  	[sflag:s19] =	ssyncset.done $0x0  }
0xa7: {  	[sflag:s19] =	ssyncadd.s32 $0xFFFFE000  }
0xa8: {  	[hbm4b:s14+s3] =	stream.linear.scatter [tilespmem:s21], [sflag:$0x5], $0x2000, $0x38;
	[tilespmem:$0x16800] =	vst v63  }
0xa9: {  	_ =	swait.ge [sflag:s19], $0x2000  }
0xaa: {  	[sflag:s19] =	ssyncset.done $0x0  }
0xab: {  	[sflag:s19] =	ssyncadd.s32 $0xFFFFE000  }
0xac: {  	[tilespmem:s21], [sflag:$0x5] =	stream.linear.gather [spmem:s10], $0x2000, $0x38;
	[tilespmem:$0x16800] =	vst v63  }
0xad: {  	_ =	swait.ge [sflag:s19], $0x2000  }
0xae: {  	[sflag:s19] =	ssyncset.done $0x0  }
0xaf: {  	[sflag:s19] =	ssyncadd.s32 $0xFFFFE000  }
0xb0: {  	[hbm4b:s15+s3] =	stream.linear.scatter [tilespmem:s21], [sflag:$0x5], $0x2000, $0x38;
	[tilespmem:$0x16800] =	vst v63  }
0xb1: {  	_ =	swait.ge [sflag:s19], $0x2000  }
0xb2: {  	[sflag:s19] =	ssyncset.done $0x0  }
0xb3: {  	[sflag:s19] =	ssyncadd.s32 $0xFFFFE000  }
0xb4: {  	[tilespmem:s21], [sflag:$0x5] =	stream.linear.gather [spmem:s11], $0x2000, $0x38;
	[tilespmem:$0x16800] =	vst v63  }
0xb5: {  	_ =	swait.ge [sflag:s19], $0x2000  }
0xb6: {  	[sflag:s19] =	ssyncset.done $0x0  }
0xb7: {  	[sflag:s19] =	ssyncadd.s32 $0xFFFFE000  }
0xb8: {  	[hbm4b:s16+s3] =	stream.linear.scatter [tilespmem:s21], [sflag:$0x5], $0x2000, $0x38;
	[tilespmem:$0x16800] =	vst v63  }
0xb9: {  	_ =	swait.ge [sflag:s19], $0x2000  }
0xba: {  	[sflag:s19] =	ssyncset.done $0x0  }
0xbb: {  	[sflag:s19] =	ssyncadd.s32 $0xFFFFE000  }
0xbc: {  	[tilespmem:s21], [sflag:$0x5] =	stream.linear.gather [spmem:s12], $0x2000, $0x38;
	[tilespmem:$0x16800] =	vst v63  }
0xbd: {  	s25 =	sadd.s32 $0x1, s25;
	_ =	swait.ge [sflag:s19], $0x2000  }
0xbe: {  	p0 =	sne.s32 s25, s18;
	[sflag:s19] =	ssyncset.done $0x0  }
.Ltmp1:
0xbf: {  	[sflag:s19] =	ssyncadd.s32 $0xFFFFE000;
	(pc) =	sbr.rel @p0 .LBB2_1-.Ltmp1, $4  }
0xc0: {  	[hbm4b:s17+s3] =	stream.linear.scatter [tilespmem:s21], [sflag:$0x5], $0x2000, $0x38;
	[tilespmem:$0x16800] =	vst v63  }
0xc1: {  	_ =	swait.ge [sflag:s19], $0x2000  }
0xc2: {  	[sflag:s19] =	ssyncset.done $0x0  }
0xc3: {  	[sflag:s19] =	ssyncadd.s32 $0xFFFFE000  }
0xc4: {  	_ =	sfence.sel $0x180000  }
0xc5: {  	[bflag:$0x0] =	sbarrier.arrive $0xFFFF  }
0xc6: {  	_ =	strace $0x90000053  }
0xc7: {  	s0 =	stileid.u32;
	[bflag:$0x2] =	sbarrier.arrive $0xFFFF  }
0xc8: {  	p0 =	sne.s32 s0, $0x0;
	s0 =	rddreg [dreg:$0x2]  }
0xc9: {  	s0 =	sadd.s32 @!p0 $0x100000, s0  }
0xca: {  	[sflag:s0] =	ssyncadd.tile.s32 @!p0 $0x1;
	_ =	shalt  }
.Lfunc_end2:
_tile_overlayer_lowered:
.L_overlay_start_2:
0xcb: {  	(tag) =	ssettag $0x2  }
0xcc: {  	s0 =	rddreg [dreg:$0x0];
	s2 =	stileid.u32  }
0xcd: {  	s1 =	rddreg [dreg:$0x1];
	p0 =	sne.s32 s2, $0x0  }
0xce: {  	s3 =	rddreg [dreg:$0x2];
	[bflag:$0x3] =	sbarrier.arrive $0xFFFF;
	s2 =	simm.s32 @!p0 $0x1C05  }
0xcf: {  	[timem:s3], [sflag:s2] =	dma.local @!p0 [hbm:s0], s1  }
0xd0: {  	s0 =	simm.s32 @!p0 $0x5  }
0xd1: {  	_ =	swait.ge @!p0 [sflag:s0], s1  }
0xd2: {  	s1 =	ssub.s32 @!p0 $0x0, s1;
	[sflag:s0] =	ssyncset.done @!p0 $0x0  }
0xd3: {  	[sflag:s0] =	ssyncadd.s32 @!p0 s1  }
0xd4: {  	[bflag:$0x3] =	sbarrier.arrive $0xFFFF  }
0xd5: {  	_ =	shalt  }

// kernel: kernel.23.cloned.1.call-start
scs
__scs_entry_jumppad:
0x0: {  	(pc) =	sbr.rel $0x88, $3  }
0x1: {  	(tag) =	ssettag $0x0;
	lr =	simm.s32 $0x1  }
0x2: {  	[smem:$0x3F99] =	sst lr;
	_ =	strace $0xD0000000  }
0x3: {  	_ = 	snop  }
0x4: {  	_ = 	snop  }
0x5: {  	_ = 	snop  }
0x6: {  	_ = 	snop  }
0x7: {  	_ = 	snop  }
__scs_overlays_trampoline_lowered:
0x8: {  	[smem:$0x3FA8] =	sst s0  }
0x9: {  	[smem:$0x3FA9] =	sst s1  }
0xa: {  	[smem:$0x3FAA] =	sst s2  }
0xb: {  	[smem:$0x3FAB] =	sst s3  }
0xc: {  	[smem:$0x3FAC] =	sst s4  }
0xd: {  	[smem:$0x3FAD] =	sst s5  }
0xe: {  	[smem:$0x3FAE] =	sst s6  }
0xf: {  	[smem:$0x3FAF] =	sst s7  }
0x10: {  	[smem:$0x3FB0] =	sst s8  }
0x11: {  	[smem:$0x3FB1] =	sst s9;
	s0 =	simm.s32 @!p0 $0x0  }
0x12: {  	s1 =	sld [smem:$0x3F97];
	s0 =	simm.s32 @p0 $0x1  }
0x13: {  	[smem:$0x3FB2] =	sst s0;
	s0 =	simm.s32 @!p1 $0x0  }
0x14: {  	s2 =	sld [smem:$0x3F96];
	s0 =	simm.s32 @p1 $0x1  }
0x15: {  	[smem:$0x3FB3] =	sst s0;
	s0 =	simm.s32 @!p2 $0x0  }
0x16: {  	s3 =	sld [smem:$0x3FDB];
	s0 =	simm.s32 @p2 $0x1  }
0x17: {  	s4 =	simm.s32 $0x1BF5;
	[smem:$0x3FB5] =	sst s0  }
0x18: {  	s0 =	sld [smem:$0x3F98];
	_ =	swait.ge [sflag:s4], $0x0  }
0x19: {  	s7 =	sld [smem:$0x3F99]  }
0x1a: {  	s8 =	sadd.s32 $0xFFFFE003, lr  }
0x1b: {  	s9 =	sadd.s32 $0xFFFFFEF7, lr;
	s5 =	simm.s32 $0xFFFFFFFF;
	p2 =	slt.u32 s8, $0xFFFFF086  }
0x1c: {  	p1 =	slt.u32 s9, $0xF7A;
	s5 =	simm.s32 @!p2 $0x0  }
0x1d: {  	s5 =	simm.s32 @p1 $0x1;
	p0 =	seq.s32 s7, s2  }
0x1e: {  	s7 =	smul.u32 @!p0 $0xF7A, s2;
	p2 =	seq.s32 @!p0 s5, $0x0  }
0x1f: {  	s9 =	smul.u32 $0xF7A, s1;
	s8 =	simm.s32 @!p0 $0x1BF5;
	p2 =	por !p2, p0  }
0x20: {  	[sflag:s8] =	ssyncset.s32 @!p0 $0xFFFFF086;
	s6 =	sadd.s32 @!p0 s3, s7;
	s7 =	simm.s32 @!p0 $0x108  }
0x21: {  	s3 =	sadd.s32 s3, s9;
	s6 =	sadd.s32 @!p0 $0x88, s6;
	s7 =	simm.s32 @p2 $0x1082  }
0x22: {  	[simem:s7], [sflag:s8] =	dma.local @!p0 [hbm:s6], $0xF7A  }
0x23: {  	s9 =	sor.u32 $0xD0000000, s2;
	s6 =	simm.s32 $0x108;
	_ =	swait.ge @!p0 [sflag:s8], $0x0  }
0x24: {  	s3 =	sadd.s32 $0x88, s3;
	s6 =	simm.s32 @!p1 $0x1082;
	[sflag:s4] =	ssyncset.s32 $0xFFFFF086  }
0x25: {  	[simem:s6], [sflag:s4] =	dma.local [hbm:s3], $0xF7A  }
0x26: {  	[smem:$0x3F99] =	sst s1;
	(tag) =	ssettag s2;
	_ =	strace s9  }
0x27: {  	s1 =	sld [smem:$0x3FA9]  }
0x28: {  	s2 =	sld [smem:$0x3FAA]  }
0x29: {  	s4 =	sld [smem:$0x3FAC]  }
0x2a: {  	p0 =	seq.s32 s5, $0x0;
	s5 =	sld [smem:$0x3FAD]  }
0x2b: {  	s6 =	sld [smem:$0x3FAE]  }
0x2c: {  	s7 =	sld [smem:$0x3FAF]  }
0x2d: {  	s3 =	simm.s32 $0x108;
	s8 =	sld [smem:$0x3FB0]  }
0x2e: {  	s3 =	simm.s32 @!p0 $0x1082;
	s9 =	sld [smem:$0x3FB1]  }
0x2f: {  	lr =	sadd.s32 s0, s3;
	s0 =	sld [smem:$0x3FA8]  }
0x30: {  	s3 =	sld [smem:$0x3FAB]  }
0x31: {  	[smem:$0x3FB4] =	sst s10  }
0x32: {  	s10 =	sld [smem:$0x3FB2];
	_ =	sdelay $0x3  }
0x33: {  	p0 =	seq.s32 s10, $0x1;
	s10 =	sld [smem:$0x3FB4];
	_ =	sdelay $0x3  }
0x34: {  	[smem:$0x3FB4] =	sst s10  }
0x35: {  	s10 =	sld [smem:$0x3FB3];
	_ =	sdelay $0x3  }
0x36: {  	p1 =	seq.s32 s10, $0x1;
	s10 =	sld [smem:$0x3FB4];
	_ =	sdelay $0x3  }
0x37: {  	[smem:$0x3FB4] =	sst s10  }
0x38: {  	s10 =	sld [smem:$0x3FB5]  }
0x39: {  	_ = 	snop;
	(pc) =	sbr.ind lr, $3  }
0x3a: {  	_ = 	snop  }
0x3b: {  	_ = 	snop  }
0x3c: {  	p2 =	seq.s32 s10, $0x1;
	s10 =	sld [smem:$0x3FB4]  }
0x3d: {  	_ =	shalt  }
0x3e: {  	_ =	shalt  }
0x3f: {  	_ =	shalt  }
0x40: {  	_ =	shalt  }
0x41: {  	_ =	shalt  }
0x42: {  	_ =	shalt  }
0x43: {  	_ =	shalt  }
0x44: {  	_ =	shalt  }
0x45: {  	_ =	shalt  }
0x46: {  	_ =	shalt  }
0x47: {  	_ =	shalt  }
0x48: {  	_ =	shalt  }
0x49: {  	_ =	shalt  }
0x4a: {  	_ =	shalt  }
0x4b: {  	_ =	shalt  }
0x4c: {  	_ =	shalt  }
0x4d: {  	_ =	shalt  }
0x4e: {  	_ =	shalt  }
0x4f: {  	_ =	shalt  }
0x50: {  	_ =	shalt  }
0x51: {  	_ =	shalt  }
0x52: {  	_ =	shalt  }
0x53: {  	_ =	shalt  }
0x54: {  	_ =	shalt  }
0x55: {  	_ =	shalt  }
0x56: {  	_ =	shalt  }
0x57: {  	_ =	shalt  }
0x58: {  	_ =	shalt  }
0x59: {  	_ =	shalt  }
0x5a: {  	_ =	shalt  }
0x5b: {  	_ =	shalt  }
0x5c: {  	_ =	shalt  }
0x5d: {  	_ =	shalt  }
0x5e: {  	_ =	shalt  }
0x5f: {  	_ =	shalt  }
0x60: {  	_ =	shalt  }
0x61: {  	_ =	shalt  }
0x62: {  	_ =	shalt  }
0x63: {  	_ =	shalt  }
0x64: {  	_ =	shalt  }
0x65: {  	_ =	shalt  }
0x66: {  	_ =	shalt  }
0x67: {  	_ =	shalt  }
0x68: {  	_ =	shalt  }
0x69: {  	_ =	shalt  }
0x6a: {  	_ =	shalt  }
0x6b: {  	_ =	shalt  }
0x6c: {  	_ =	shalt  }
0x6d: {  	_ =	shalt  }
0x6e: {  	_ =	shalt  }
0x6f: {  	_ =	shalt  }
0x70: {  	_ =	shalt  }
0x71: {  	_ =	shalt  }
0x72: {  	_ =	shalt  }
0x73: {  	_ =	shalt  }
0x74: {  	_ =	shalt  }
0x75: {  	_ =	shalt  }
0x76: {  	_ =	shalt  }
0x77: {  	_ =	shalt  }
0x78: {  	_ =	shalt  }
0x79: {  	_ =	shalt  }
0x7a: {  	_ =	shalt  }
0x7b: {  	_ =	shalt  }
0x7c: {  	_ =	shalt  }
0x7d: {  	_ =	shalt  }
0x7e: {  	_ =	shalt  }
0x7f: {  	_ =	shalt  }
0x80: {  	_ =	shalt  }
0x81: {  	_ =	shalt  }
0x82: {  	_ =	shalt  }
0x83: {  	_ =	shalt  }
0x84: {  	_ =	shalt  }
0x85: {  	_ =	shalt  }
0x86: {  	_ =	shalt  }
0x87: {  	_ =	shalt  }
.Lfunc_end0:
.L_simem_size_0:
called_computation.4_lowered:
.L_overlay_start_0:
0x88: {  	s2 =	sld [smem:$0x3FD9]  }
0x89: {  	s3 =	sld [smem:$0x3FFE];
	_ =	sdelay $0x1  }
0x8a: {  	s1 =	srdreg.scid  }
0x8b: {  	s0 =	sand.u32 $0x1, s1  }
0x8c: {  	s17 =	sshll.u32 s0, $0xA;
	s2 =	sadd.s32 s3, s2  }
0x8d: {  	s2 =	sadd.s32 s2, s17  }
0x8e: {  	[smem:$0x3FC0] =	sst s2  }
0x8f: {  	_ = 	snop  }
0x90: {  	s2 =	sld [smem:$0x3FD0];
	(tm) =	ssettm $0x1  }
0x91: {  	s18 =	sld [smem:$0x3FFB];
	_ =	sdelay $0x3  }
0x92: {  	_ =	strace s18  }
0x93: {  	s3 =	sld [smem:$0x3FFC];
	_ =	sdelay $0x3  }
0x94: {  	_ =	strace s3  }
0x95: {  	s3 =	sld [smem:$0x3FFD];
	_ =	sdelay $0x3  }
0x96: {  	_ =	strace s3  }
0x97: {  	_ =	strace $0x8FFFFFFF  }
0x98: {  	s19 =	sld [smem:$0x3FDB];
	_ =	sdelay $0x1  }
0x99: {  	s4 =	simm.s32 $_scs_section_size  }
0x9a: {  	s5 =	simm.s32 $_size__tile_overlayer_lowered;
	s6 =	simm.s32 $_tile_overlayer_lowered  }
0x9b: {  	s22 =	simm.s32 $0x1BFF;
	s21 =	sshll.u32 s6, $0x1;
	s3 =	sadd.s32 s4, s19  }
0x9c: {  	s7 =	simm.s32 $0x0;
	s20 =	sshll.u32 s5, $0x1;
	s5 =	sadd.s32 s21, s3  }
0x9d: {  	[timem:s7], [sflag:s22] =	dma.local [hbm:s5], s20  }
0x9e: {  	_ =	swait.ge [sflag:s22], s20  }
0x9f: {  	s4 =	ssub.s32 $0x0, s20;
	[sflag:s22] =	ssyncset.done $0x0  }
0xa0: {  	[sflag:s22] =	ssyncadd.s32 s4;
	_ =	sdelay $0x1  }
0xa1: {  	s23 =	simm.s32 $0x1B8B  }
0xa2: {  	_ =	swait.ge [sflag:s23], $0x1  }
0xa3: {  	[sflag:s23] =	ssyncset.done $0x0  }
0xa4: {  	s25 =	simm.s32 $0x1B8E;
	s24 =	sld [smem:$0x3FFE];
	[sflag:s23] =	ssyncadd.s32 $0xFFFFFFFF  }
0xa5: {  	s26 =	simm.s32 $execute0_lowered;
	[smem:$0x3FD2] =	sst s25  }
0xa6: {  	s5 =	sshll.u32 s26, $0x1;
	_ =	strace $0x8000004F;
	[dreg:$0x1] =	wrdreg $0xFFFFFFFF  }
0xa7: {  	s28 =	simm.s32 $_size_execute0_lowered;
	s3 =	sadd.s32 s3, s5;
	[dreg:$0x0] =	wrdreg $0x0  }
0xa8: {  	s5 =	sshll.u32 s28, $0x1;
	[dreg:$0x2] =	wrdreg s3  }
0xa9: {  	[dreg:$0x3] =	wrdreg s5  }
0xaa: {  	[dreg:$0x4] =	wrdreg $0xC0  }
0xab: {  	_ =	task [dreg:s7], $0x5FFFF  }
0xac: {  	[dreg:$0x1] =	wrdreg $0xFFFFFFFF  }
0xad: {  	[dreg:$0x0] =	wrdreg $0x60  }
0xae: {  	[dreg:$0x2] =	wrdreg s24  }
0xaf: {  	[dreg:$0x3] =	wrdreg s2  }
0xb0: {  	[dreg:$0x4] =	wrdreg $0xC8000  }
0xb1: {  	[dreg:$0x5] =	wrdreg $0xA  }
0xb2: {  	_ =	task.clear_ibuf [dreg:s7], $0x6FFFF;
	_ =	strace $0x9000004F  }
0xb3: {  	s29 =	simm.s32 $0xA;
	_ =	strace $0x80000051  }
0xb4: {  	_ =	swait.ge [sflag:s29], $0x1  }
0xb5: {  	[sflag:s29] =	ssyncadd.s32 $0xFFFFFFFF  }
0xb6: {  	_ =	strace $0x90000051  }
0xb7: {  	_ =	sfence  }
0xb8: {  	s30 =	sld [smem:$0x0];
	_ =	sdelay $0x2  }
0xb9: {  	s31 =	sshll.u32 s1, $0xD;
	s1 =	sshrl.u32 s1, $0x2  }
0xba: {  	s3 =	sand.u32 $0x4000, s31;
	s1 =	sadd.s32 s1, s30  }
0xbb: {  	s0 =	sor.u32 s3, s0;
	s1 =	sshll.u32 s1, $0x11  }
0xbc: {  	s0 =	sor.u32 s1, s0  }
0xbd: {  	s0 =	sadd.s32 $0x8F2B, s0  }
0xbe: {  	[sflag:s0] =	ssyncadd.remote.s32 $0x1  }
0xbf: {  	_ =	sfence.sel $0xFFFF  }
0xc0: {  	[dreg:$0x0] =	wrdreg $0xFFFFFFFF;
	(pc) =	sbr.abs _section_cstart, $3  }
0xc1: {  	[dreg:$0x1] =	wrdreg $0xFFFFFFFF  }
0xc2: {  	_ =	task.clear_ibuf [dreg:s7], $0x2FFFF;
	_ =	strace $0x9FFFFFFF  }
0xc3: {  	(tm) =	ssettm $0x7FFFFFFF  }
tec
execute0_lowered:
.L_overlay_start_1:
0x0: {  	(tag) =	ssettag $0x1  }
0x1: {  	s0 =	rddreg [dreg:$0x0]  }
0x2: {  	s1 =	srdreg.scid;
	s17 =	rddreg [dreg:$0x1]  }
0x3: {  	s2 =	rddreg [dreg:$0x2];
	s8 =	stileid.u32;
	s3 =	simm.s32 $0x0  }
0x4: {  	s21 =	simm.s32 $0xA800;
	s22 =	simm.s32 $0x80;
	s23 =	simm.s32 $0x2800  }
0x5: {  	s24 =	simm.s32 $0x4800;
	s29 =	simm.s32 $0x8800;
	s30 =	simm.s32 $0x1  }
0x6: {  	s31 =	simm.s32 $0x2;
	s25 =	simm.s32 $0x0;
	s1 =	sand.u32 $0x1, s1  }
0x7: {  	[smem:$0x7FF] =	sst s3;
	s12 =	smul.u32 $0xA000, s8;
	s4 =	sshll.u32 s1, $0x4  }
0x8: {  	_ =	strace $0x80000050;
	s6 =	ssub.s32 $0x2, s1;
	s1 =	smul.u32 $0xA0000, s1  }
0x9: {  	s4 =	sor.u32 s8, s4;
	s26 =	sshrl.u32 s6, $0x1;
	s8 =	sadd.s32 s12, s2  }
0xa: {  	s13 =	sadd.s32 $0x2000, s12;
	s15 =	sadd.s32 $0x4000, s12;
	s16 =	sadd.s32 $0x6000, s12  }
0xb: {  	s18 =	sadd.s32 $0x8000, s12;
	s5 =	smul.u32 $0x280, s4;
	s4 =	sadd.s32 $0x16800, s0  }
0xc: {  	s9 =	sadd.s32 s13, s2;
	s10 =	sadd.s32 s15, s2;
	s11 =	sadd.s32 s16, s2  }
0xd: {  	s14 =	sadd.s32 s12, s1;
	s19 =	sadd.s32 s1, s13;
	s12 =	sadd.s32 s18, s2  }
0xe: {  	s15 =	sadd.s32 s1, s15;
	s16 =	sadd.s32 s1, s16;
	s1 =	sadd.s32 s1, s18  }
0xf: {  	s14 =	sshrl.u32 s14, $0x3;
	s28 =	sshrl.u32 s19, $0x3;
	s15 =	sshrl.u32 s15, $0x3  }
0x10: {  	s16 =	sshrl.u32 s16, $0x3;
	s1 =	sshrl.u32 s1, $0x3;
	s19 =	simm.s32 $0x5  }
0x11: {  	s7 =	sadd.s32 s5, s0;
	s0 =	sadd.s32 $0x7600, s0;
	s13 =	sadd.s32 s17, s14  }
0x12: {  	s14 =	sadd.s32 s17, s28;
	s15 =	sadd.s32 s17, s15;
	s16 =	sadd.s32 s17, s16  }
0x13: {  	s17 =	sadd.s32 s17, s1;
	s1 =	simm.s32 $0x4;
	[dreg:$0x4] =	wrdreg s0  }
0x14: {  	s0 =	ssub.s32 s6, s26;
	s6 =	sadd.s32 $0x11800, s7;
	s7 =	sadd.s32 $0x2600, s7  }
0x15: {  	s26 =	simm.s32 $0x6800;
	s18 =	smax.u32 s0, $0x1;
	s0 =	simm.s32 $0x3  }
.LBB2_1:
0x16: {  	[tilespmem:s3], [sflag:$0x5] =	stream.linear.gather [hbm4b:s6+s3], $0x1400, $0x38;
	[tilespmem:$0x16800] =	vst v63  }
0x17: {  	_ =	swait.ge [sflag:s19], $0x1400  }
0x18: {  	[sflag:s19] =	ssyncset.done $0x0  }
0x19: {  	s5 =	simm.s32 $0x1400;
	[sflag:s19] =	ssyncadd.s32 $0xFFFFEC00  }
0x1a: {  	[tilespmem:s5], [sflag:$0x5] =	stream.linear.gather [hbm4b:s7+s3], $0x1400, $0x38;
	[tilespmem:$0x16800] =	vst v63  }
0x1b: {  	_ =	swait.ge [sflag:s19], $0x1400  }
0x1c: {  	[sflag:s19] =	ssyncset.done $0x0  }
0x1d: {  	s20 =	rddreg [dreg:$0x4];
	[sflag:s19] =	ssyncadd.s32 $0xFFFFEC00  }
0x1e: {  	[tilespmem:s21], [sflag:$0x5] =	stream.linear.gather [hbm4b:s20+s3], $0x2000, $0x38;
	[tilespmem:$0x16800] =	vst v63  }
0x1f: {  	_ =	swait.ge [sflag:s19], $0x2000  }
0x20: {  	[sflag:s19] =	ssyncset.done $0x0  }
0x21: {  	[sflag:s19] =	ssyncadd.s32 $0xFFFFE000  }
0x22: {  	[spmem:s8] =	stream.linear.scatter [tilespmem:s21], [sflag:$0x5], $0x2000, $0x38;
	[tilespmem:$0x16800] =	vst v63  }
0x23: {  	_ =	swait.ge [sflag:s19], $0x2000  }
0x24: {  	[sflag:s19] =	ssyncset.done $0x0  }
0x25: {  	[sflag:s19] =	ssyncadd.s32 $0xFFFFE000  }
0x26: {  	[spmem:s9] =	stream.linear.scatter [tilespmem:s21], [sflag:$0x5], $0x2000, $0x38;
	[tilespmem:$0x16800] =	vst v63  }
0x27: {  	_ =	swait.ge [sflag:s19], $0x2000  }
0x28: {  	[sflag:s19] =	ssyncset.done $0x0  }
0x29: {  	[sflag:s19] =	ssyncadd.s32 $0xFFFFE000  }
0x2a: {  	[spmem:s10] =	stream.linear.scatter [tilespmem:s21], [sflag:$0x5], $0x2000, $0x38;
	[tilespmem:$0x16800] =	vst v63  }
0x2b: {  	_ =	swait.ge [sflag:s19], $0x2000  }
0x2c: {  	[sflag:s19] =	ssyncset.done $0x0  }
0x2d: {  	[sflag:s19] =	ssyncadd.s32 $0xFFFFE000  }
0x2e: {  	[spmem:s11] =	stream.linear.scatter [tilespmem:s21], [sflag:$0x5], $0x2000, $0x38;
	[tilespmem:$0x16800] =	vst v63  }
0x2f: {  	_ =	swait.ge [sflag:s19], $0x2000  }
0x30: {  	[sflag:s19] =	ssyncset.done $0x0  }
0x31: {  	[sflag:s19] =	ssyncadd.s32 $0xFFFFE000  }
0x32: {  	[spmem:s12] =	stream.linear.scatter [tilespmem:s21], [sflag:$0x5], $0x2000, $0x38;
	[tilespmem:$0x16800] =	vst v63  }
0x33: {  	_ =	swait.ge [sflag:s19], $0x2000  }
0x34: {  	[sflag:s19] =	ssyncset.done $0x0  }
0x35: {  	[sflag:s19] =	ssyncadd.s32 $0xFFFFE000  }
0x36: {  	[bflag:$0x0] =	sbarrier.arrive $0xFFFF  }
0x37: {  	[tilespmem:s23], [sflag:$0x1] =	stream.indirect.gather [hbm4b:s4+s22], $0x40, s3, s22, $0xb8;
	[tilespmem:$0x16800] =	vst v63  }
0x38: {  	_ = 	snop  }
0x39: {  	[tilespmem:s24], [sflag:$0x2] =	stream.indirect.gather [hbm4b:s4+s22], $0x40, s22, s22, $0xb8;
	[tilespmem:$0x16800] =	vst v63  }
0x3a: {  	s20 =	simm.s32 $0x100  }
0x3b: {  	[tilespmem:s26], [sflag:$0x3] =	stream.indirect.gather [hbm4b:s4+s22], $0x40, s20, s22, $0xb8;
	[tilespmem:$0x16800] =	vst v63  }
0x3c: {  	s20 =	simm.s32 $0x180  }
0x3d: {  	[tilespmem:s29], [sflag:$0x4] =	stream.indirect.gather [hbm4b:s4+s22], $0x40, s20, s22, $0xb8;
	[tilespmem:$0x16800] =	vst v63  }
0x3e: {  	_ =	swait.ge [sflag:s30], $0x2000  }
0x3f: {  	[sflag:s30] =	ssyncset.done $0x0  }
0x40: {  	s20 =	simm.s32 $0x1400;
	[sflag:s30] =	ssyncadd.s32 $0xFFFFE000  }
0x41: {  	[spmem:s2] =	stream.indirect.scatter.add.f32 [tilespmem:s23], [sflag:$0x5], $0x40, s20, s22, $0xb8;
	[tilespmem:$0x16800] =	vst v63  }
0x42: {  	_ =	swait.ge [sflag:s19], $0x2000  }
0x43: {  	[sflag:s19] =	ssyncset.done $0x0  }
0x44: {  	s5 =	simm.s32 $0x200;
	[sflag:s19] =	ssyncadd.s32 $0xFFFFE000  }
0x45: {  	[tilespmem:s23], [sflag:$0x1] =	stream.indirect.gather [hbm4b:s4+s22], $0x40, s5, s22, $0xb8;
	[tilespmem:$0x16800] =	vst v63  }
0x46: {  	_ =	swait.ge [sflag:s31], $0x2000  }
0x47: {  	[sflag:s31] =	ssyncset.done $0x0  }
0x48: {  	s5 =	simm.s32 $0x1480;
	[sflag:s31] =	ssyncadd.s32 $0xFFFFE000  }
0x49: {  	[spmem:s2] =	stream.indirect.scatter.add.f32 [tilespmem:s24], [sflag:$0x5], $0x40, s5, s22, $0xb8;
	[tilespmem:$0x16800] =	vst v63  }
0x4a: {  	_ =	swait.ge [sflag:s19], $0x2000  }
0x4b: {  	[sflag:s19] =	ssyncset.done $0x0  }
0x4c: {  	s5 =	simm.s32 $0x280;
	[sflag:s19] =	ssyncadd.s32 $0xFFFFE000  }
0x4d: {  	[tilespmem:s24], [sflag:$0x2] =	stream.indirect.gather [hbm4b:s4+s22], $0x40, s5, s22, $0xb8;
	[tilespmem:$0x16800] =	vst v63  }
0x4e: {  	_ =	swait.ge [sflag:s0], $0x2000  }
0x4f: {  	[sflag:s0] =	ssyncset.done $0x0  }
0x50: {  	s5 =	simm.s32 $0x1500;
	[sflag:s0] =	ssyncadd.s32 $0xFFFFE000  }
0x51: {  	[spmem:s2] =	stream.indirect.scatter.add.f32 [tilespmem:s26], [sflag:$0x5], $0x40, s5, s22, $0xb8;
	[tilespmem:$0x16800] =	vst v63  }
0x52: {  	_ =	swait.ge [sflag:s19], $0x2000  }
0x53: {  	[sflag:s19] =	ssyncset.done $0x0  }
0x54: {  	s5 =	simm.s32 $0x300;
	[sflag:s19] =	ssyncadd.s32 $0xFFFFE000  }
0x55: {  	[tilespmem:s26], [sflag:$0x3] =	stream.indirect.gather [hbm4b:s4+s22], $0x40, s5, s22, $0xb8;
	[tilespmem:$0x16800] =	vst v63  }
0x56: {  	_ =	swait.ge [sflag:s1], $0x2000  }
0x57: {  	[sflag:s1] =	ssyncset.done $0x0  }
0x58: {  	s5 =	simm.s32 $0x1580;
	[sflag:s1] =	ssyncadd.s32 $0xFFFFE000  }
0x59: {  	[spmem:s2] =	stream.indirect.scatter.add.f32 [tilespmem:s29], [sflag:$0x5], $0x40, s5, s22, $0xb8;
	[tilespmem:$0x16800] =	vst v63  }
0x5a: {  	_ =	swait.ge [sflag:s19], $0x2000  }
0x5b: {  	[sflag:s19] =	ssyncset.done $0x0  }
0x5c: {  	s28 =	simm.s32 $0x800;
	s20 =	simm.s32 $0x380;
	[sflag:s19] =	ssyncadd.s32 $0xFFFFE000  }
.LBB2_2:
0x5d: {  	[tilespmem:s29], [sflag:$0x4] =	stream.indirect.gather [hbm4b:s4+s22], $0x40, s20, s22, $0xb8;
	[tilespmem:$0x16800] =	vst v63  }
0x5e: {  	s20 =	smov.u32 s28  }
0x5f: {  	p0 =	sne.s32 s28, $0x4000;
	s28 =	sadd.s32 $0x800, s28;
	_ =	swait.ge [sflag:s30], $0x2000  }
0x60: {  	s20 =	sshra.s32 s20, $0x2;
	[sflag:s30] =	ssyncset.done $0x0  }
0x61: {  	s5 =	sadd.s32 $0x1400, s20;
	[sflag:s30] =	ssyncadd.s32 $0xFFFFE000  }
0x62: {  	[spmem:s2] =	stream.indirect.scatter.add.f32 [tilespmem:s23], [sflag:$0x5], $0x40, s5, s22, $0xb8;
	[tilespmem:$0x16800] =	vst v63  }
0x63: {  	_ =	swait.ge [sflag:s19], $0x2000  }
0x64: {  	[sflag:s19] =	ssyncset.done $0x0  }
0x65: {  	s5 =	sadd.s32 $0x200, s20;
	[sflag:s19] =	ssyncadd.s32 $0xFFFFE000  }
0x66: {  	[tilespmem:s23], [sflag:$0x1] =	stream.indirect.gather [hbm4b:s4+s22], $0x40, s5, s22, $0xb8;
	[tilespmem:$0x16800] =	vst v63  }
0x67: {  	_ =	swait.ge [sflag:s31], $0x2000  }
0x68: {  	[sflag:s31] =	ssyncset.done $0x0  }
0x69: {  	s5 =	sadd.s32 $0x1480, s20;
	[sflag:s31] =	ssyncadd.s32 $0xFFFFE000  }
0x6a: {  	[spmem:s2] =	stream.indirect.scatter.add.f32 [tilespmem:s24], [sflag:$0x5], $0x40, s5, s22, $0xb8;
	[tilespmem:$0x16800] =	vst v63  }
0x6b: {  	_ =	swait.ge [sflag:s19], $0x2000  }
0x6c: {  	[sflag:s19] =	ssyncset.done $0x0  }
0x6d: {  	s5 =	sadd.s32 $0x280, s20;
	[sflag:s19] =	ssyncadd.s32 $0xFFFFE000  }
0x6e: {  	[tilespmem:s24], [sflag:$0x2] =	stream.indirect.gather [hbm4b:s4+s22], $0x40, s5, s22, $0xb8;
	[tilespmem:$0x16800] =	vst v63  }
0x6f: {  	_ =	swait.ge [sflag:s0], $0x2000  }
0x70: {  	[sflag:s0] =	ssyncset.done $0x0  }
0x71: {  	s5 =	sadd.s32 $0x1500, s20;
	[sflag:s0] =	ssyncadd.s32 $0xFFFFE000  }
0x72: {  	[spmem:s2] =	stream.indirect.scatter.add.f32 [tilespmem:s26], [sflag:$0x5], $0x40, s5, s22, $0xb8;
	[tilespmem:$0x16800] =	vst v63  }
0x73: {  	_ =	swait.ge [sflag:s19], $0x2000  }
0x74: {  	[sflag:s19] =	ssyncset.done $0x0  }
0x75: {  	s5 =	sadd.s32 $0x300, s20;
	[sflag:s19] =	ssyncadd.s32 $0xFFFFE000  }
0x76: {  	[tilespmem:s26], [sflag:$0x3] =	stream.indirect.gather [hbm4b:s4+s22], $0x40, s5, s22, $0xb8;
	[tilespmem:$0x16800] =	vst v63  }
0x77: {  	_ =	swait.ge [sflag:s1], $0x2000  }
0x78: {  	[sflag:s1] =	ssyncset.done $0x0  }
.Ltmp0:
0x79: {  	s5 =	sadd.s32 $0x1580, s20;
	[sflag:s1] =	ssyncadd.s32 $0xFFFFE000;
	(pc) =	sbr.rel @p0 .LBB2_2-.Ltmp0, $4  }
0x7a: {  	[spmem:s2] =	stream.indirect.scatter.add.f32 [tilespmem:s29], [sflag:$0x5], $0x40, s5, s22, $0xb8;
	[tilespmem:$0x16800] =	vst v63  }
0x7b: {  	_ =	swait.ge [sflag:s19], $0x2000  }
0x7c: {  	[sflag:s19] =	ssyncset.done $0x0  }
0x7d: {  	s20 =	sadd.s32 $0x380, s20;
	[sflag:s19] =	ssyncadd.s32 $0xFFFFE000  }
0x7e: {  	[tilespmem:s29], [sflag:$0x4] =	stream.indirect.gather [hbm4b:s4+s22], $0x40, s20, s22, $0xb8;
	[tilespmem:$0x16800] =	vst v63  }
0x7f: {  	_ =	swait.ge [sflag:s30], $0x2000  }
0x80: {  	[sflag:s30] =	ssyncset.done $0x0  }
0x81: {  	s5 =	simm.s32 $0x2600;
	[sflag:s30] =	ssyncadd.s32 $0xFFFFE000  }
0x82: {  	[spmem:s2] =	stream.indirect.scatter.add.f32 [tilespmem:s23], [sflag:$0x5], $0x40, s5, s22, $0xb8;
	[tilespmem:$0x16800] =	vst v63  }
0x83: {  	_ =	swait.ge [sflag:s19], $0x2000  }
0x84: {  	[sflag:s19] =	ssyncset.done $0x0  }
0x85: {  	[sflag:s19] =	ssyncadd.s32 $0xFFFFE000  }
0x86: {  	_ =	swait.ge [sflag:s31], $0x2000  }
0x87: {  	[sflag:s31] =	ssyncset.done $0x0  }
0x88: {  	s28 =	simm.s32 $0x2680;
	[sflag:s31] =	ssyncadd.s32 $0xFFFFE000  }
0x89: {  	[spmem:s2] =	stream.indirect.scatter.add.f32 [tilespmem:s24], [sflag:$0x5], $0x40, s28, s22, $0xb8;
	[tilespmem:$0x16800] =	vst v63  }
0x8a: {  	_ =	swait.ge [sflag:s19], $0x2000  }
0x8b: {  	[sflag:s19] =	ssyncset.done $0x0  }
0x8c: {  	[sflag:s19] =	ssyncadd.s32 $0xFFFFE000  }
0x8d: {  	_ =	swait.ge [sflag:s0], $0x2000  }
0x8e: {  	[sflag:s0] =	ssyncset.done $0x0  }
0x8f: {  	s20 =	simm.s32 $0x2700;
	[sflag:s0] =	ssyncadd.s32 $0xFFFFE000  }
0x90: {  	[spmem:s2] =	stream.indirect.scatter.add.f32 [tilespmem:s26], [sflag:$0x5], $0x40, s20, s22, $0xb8;
	[tilespmem:$0x16800] =	vst v63  }
0x91: {  	_ =	swait.ge [sflag:s19], $0x2000  }
0x92: {  	[sflag:s19] =	ssyncset.done $0x0  }
0x93: {  	[sflag:s19] =	ssyncadd.s32 $0xFFFFE000  }
0x94: {  	_ =	swait.ge [sflag:s1], $0x2000  }
0x95: {  	[sflag:s1] =	ssyncset.done $0x0  }
0x96: {  	s28 =	simm.s32 $0x2780;
	[sflag:s1] =	ssyncadd.s32 $0xFFFFE000  }
0x97: {  	[spmem:s2] =	stream.indirect.scatter.add.f32 [tilespmem:s29], [sflag:$0x5], $0x40, s28, s22, $0xb8;
	[tilespmem:$0x16800] =	vst v63  }
0x98: {  	_ =	swait.ge [sflag:s19], $0x2000  }
0x99: {  	[sflag:s19] =	ssyncset.done $0x0  }
0x9a: {  	[sflag:s19] =	ssyncadd.s32 $0xFFFFE000  }
0x9b: {  	[bflag:$0x0] =	sbarrier.arrive $0xFFFF  }
0x9c: {  	[tilespmem:s21], [sflag:$0x5] =	stream.linear.gather [spmem:s8], $0x2000, $0x38;
	[tilespmem:$0x16800] =	vst v63  }
0x9d: {  	_ =	swait.ge [sflag:s19], $0x2000  }
0x9e: {  	[sflag:s19] =	ssyncset.done $0x0  }
0x9f: {  	[sflag:s19] =	ssyncadd.s32 $0xFFFFE000  }
0xa0: {  	[hbm4b:s13+s3] =	stream.linear.scatter [tilespmem:s21], [sflag:$0x5], $0x2000, $0x38;
	[tilespmem:$0x16800] =	vst v63  }
0xa1: {  	_ =	swait.ge [sflag:s19], $0x2000  }
0xa2: {  	[sflag:s19] =	ssyncset.done $0x0  }
0xa3: {  	[sflag:s19] =	ssyncadd.s32 $0xFFFFE000  }
0xa4: {  	[tilespmem:s21], [sflag:$0x5] =	stream.linear.gather [spmem:s9], $0x2000, $0x38;
	[tilespmem:$0x16800] =	vst v63  }
0xa5: {  	_ =	swait.ge [sflag:s19], $0x2000  }
0xa6: {  	[sflag:s19] =	ssyncset.done $0x0  }
0xa7: {  	[sflag:s19] =	ssyncadd.s32 $0xFFFFE000  }
0xa8: {  	[hbm4b:s14+s3] =	stream.linear.scatter [tilespmem:s21], [sflag:$0x5], $0x2000, $0x38;
	[tilespmem:$0x16800] =	vst v63  }
0xa9: {  	_ =	swait.ge [sflag:s19], $0x2000  }
0xaa: {  	[sflag:s19] =	ssyncset.done $0x0  }
0xab: {  	[sflag:s19] =	ssyncadd.s32 $0xFFFFE000  }
0xac: {  	[tilespmem:s21], [sflag:$0x5] =	stream.linear.gather [spmem:s10], $0x2000, $0x38;
	[tilespmem:$0x16800] =	vst v63  }
0xad: {  	_ =	swait.ge [sflag:s19], $0x2000  }
0xae: {  	[sflag:s19] =	ssyncset.done $0x0  }
0xaf: {  	[sflag:s19] =	ssyncadd.s32 $0xFFFFE000  }
0xb0: {  	[hbm4b:s15+s3] =	stream.linear.scatter [tilespmem:s21], [sflag:$0x5], $0x2000, $0x38;
	[tilespmem:$0x16800] =	vst v63  }
0xb1: {  	_ =	swait.ge [sflag:s19], $0x2000  }
0xb2: {  	[sflag:s19] =	ssyncset.done $0x0  }
0xb3: {  	[sflag:s19] =	ssyncadd.s32 $0xFFFFE000  }
0xb4: {  	[tilespmem:s21], [sflag:$0x5] =	stream.linear.gather [spmem:s11], $0x2000, $0x38;
	[tilespmem:$0x16800] =	vst v63  }
0xb5: {  	_ =	swait.ge [sflag:s19], $0x2000  }
0xb6: {  	[sflag:s19] =	ssyncset.done $0x0  }
0xb7: {  	[sflag:s19] =	ssyncadd.s32 $0xFFFFE000  }
0xb8: {  	[hbm4b:s16+s3] =	stream.linear.scatter [tilespmem:s21], [sflag:$0x5], $0x2000, $0x38;
	[tilespmem:$0x16800] =	vst v63  }
0xb9: {  	_ =	swait.ge [sflag:s19], $0x2000  }
0xba: {  	[sflag:s19] =	ssyncset.done $0x0  }
0xbb: {  	[sflag:s19] =	ssyncadd.s32 $0xFFFFE000  }
0xbc: {  	[tilespmem:s21], [sflag:$0x5] =	stream.linear.gather [spmem:s12], $0x2000, $0x38;
	[tilespmem:$0x16800] =	vst v63  }
0xbd: {  	s25 =	sadd.s32 $0x1, s25;
	_ =	swait.ge [sflag:s19], $0x2000  }
0xbe: {  	p0 =	sne.s32 s25, s18;
	[sflag:s19] =	ssyncset.done $0x0  }
.Ltmp1:
0xbf: {  	[sflag:s19] =	ssyncadd.s32 $0xFFFFE000;
	(pc) =	sbr.rel @p0 .LBB2_1-.Ltmp1, $4  }
0xc0: {  	[hbm4b:s17+s3] =	stream.linear.scatter [tilespmem:s21], [sflag:$0x5], $0x2000, $0x38;
	[tilespmem:$0x16800] =	vst v63  }
0xc1: {  	_ =	swait.ge [sflag:s19], $0x2000  }
0xc2: {  	[sflag:s19] =	ssyncset.done $0x0  }
0xc3: {  	[sflag:s19] =	ssyncadd.s32 $0xFFFFE000  }
0xc4: {  	_ =	sfence.sel $0x180000  }
0xc5: {  	[bflag:$0x0] =	sbarrier.arrive $0xFFFF  }
0xc6: {  	_ =	strace $0x90000050  }
0xc7: {  	s0 =	stileid.u32;
	[bflag:$0x2] =	sbarrier.arrive $0xFFFF  }
0xc8: {  	p0 =	sne.s32 s0, $0x0;
	s0 =	rddreg [dreg:$0x3]  }
0xc9: {  	s0 =	sadd.s32 @!p0 $0x100000, s0  }
0xca: {  	[sflag:s0] =	ssyncadd.tile.s32 @!p0 $0x1;
	_ =	shalt  }
.Lfunc_end2:
_tile_overlayer_lowered:
.L_overlay_start_2:
0xcb: {  	(tag) =	ssettag $0x2  }
0xcc: {  	s0 =	rddreg [dreg:$0x0];
	s2 =	stileid.u32  }
0xcd: {  	s1 =	rddreg [dreg:$0x1];
	p0 =	sne.s32 s2, $0x0  }
0xce: {  	s3 =	rddreg [dreg:$0x2];
	[bflag:$0x3] =	sbarrier.arrive $0xFFFF;
	s2 =	simm.s32 @!p0 $0x1C05  }
0xcf: {  	[timem:s3], [sflag:s2] =	dma.local @!p0 [hbm:s0], s1  }
0xd0: {  	s0 =	simm.s32 @!p0 $0x5  }
0xd1: {  	_ =	swait.ge @!p0 [sflag:s0], s1  }
0xd2: {  	s1 =	ssub.s32 @!p0 $0x0, s1;
	[sflag:s0] =	ssyncset.done @!p0 $0x0  }
0xd3: {  	[sflag:s0] =	ssyncadd.s32 @!p0 s1  }
0xd4: {  	[bflag:$0x3] =	sbarrier.arrive $0xFFFF  }
0xd5: {  	_ =	shalt  }

</sc_bundles>
